<compile_context>
chip_gen: v7x
topology: tpu7x:2x2x1
jax: 0.10.2.dev20260603
libtpu: 0.0.44.dev20260713+nightly
codegen_flags: <defaults>
</compile_context>

<pallas_src>
import functools

import jax
import jax.numpy as jnp
from jax import lax
from jax.experimental import pallas as pl
from jax.experimental.pallas import tpu as pltpu
from jax.experimental.pallas import tpu_sc as plsc

L = 16


@functools.lru_cache(maxsize=None)
def _make_encoder(B, C, V, D):
    info = plsc.get_sparse_core_info()
    NC, NS = info.num_cores, info.num_subcores
    NW = NC * NS
    b_per_w = B // NW
    BC = 32
    NCH = b_per_w // BC
    ROWS = BC * C
    G = 104
    NG = ROWS // G
    KD = D // L

    mesh = plsc.VectorSubcoreMesh(core_axis_name="c", subcore_axis_name="s")

    @functools.partial(
        pl.kernel,
        mesh=mesh,
        compiler_params=pltpu.CompilerParams(
            use_tc_tiling_on_sc=False, needs_layout_passes=False),
        out_type=jax.ShapeDtypeStruct((B, D), jnp.float32),
        scratch_types=[
            pltpu.VMEM((ROWS,), jnp.int32),
            pltpu.VMEM((ROWS,), jnp.int32),
            pltpu.VMEM((ROWS, D), jnp.float32),
            pltpu.VMEM((ROWS, D), jnp.float32),
            pltpu.VMEM((1, D), jnp.float32),
            pltpu.VMEM((BC, D), jnp.float32),
            pltpu.SemaphoreType.DMA,
            pltpu.SemaphoreType.DMA,
            pltpu.SemaphoreType.DMA,
        ],
    )
    def enc(ids_hbm, tab_hbm, out_hbm, idx0, idx1, buf0, buf1, r0_v, out_v,
            g0sem, g1sem, isem):
        wid = lax.axis_index("s") * NC + lax.axis_index("c")
        row_base = wid * b_per_w
        pltpu.sync_copy(tab_hbm.at[pl.ds(0, 1)], r0_v)
        r0 = [r0_v[0, k * L:(k + 1) * L] for k in range(KD)]
        lanes = lax.iota(jnp.int32, L)
        ovw = jnp.minimum(jnp.maximum(lanes - (2 * L - C - 1), 0), 1)

        def start_gathers(idx_v, buf_v, sem):
            for g in range(NG):
                pltpu.async_copy(
                    tab_hbm.at[idx_v.at[pl.ds(g * G, G)]],
                    buf_v.at[pl.ds(g * G, G)], sem)

        def drain_gathers(buf_v, sem):
            pltpu.make_async_copy(tab_hbm.at[pl.ds(0, ROWS)], buf_v,
                                  sem).wait()

        def start_ids(ch, idx_v):
            pltpu.async_copy(
                ids_hbm.at[pl.ds((row_base + ch * BC) * C, ROWS)], idx_v,
                isem)

        def drain_ids(idx_v):
            pltpu.make_async_copy(ids_hbm.at[pl.ds(0, ROWS)], idx_v,
                                  isem).wait()

        def compute(ch, idx_v, buf_v):
            def b_body(b, carry2):
                r = b * C
                accs = [buf_v[r, k * L:(k + 1) * L] for k in range(KD)]
                accs2 = [buf_v[r + 1, k * L:(k + 1) * L] for k in range(KD)]
                for c in range(2, C):
                    t = accs if c % 2 == 0 else accs2
                    for k in range(KD):
                        t[k] = t[k] + buf_v[r + c, k * L:(k + 1) * L]
                accs = [accs[k] + accs2[k] for k in range(KD)]
                v0 = idx_v[pl.ds(r, L)]
                v1 = idx_v[pl.ds(r + C - L, L)]
                z0 = 1 - jnp.minimum(v0, 1)
                z1 = (1 - jnp.minimum(v1, 1)) * ovw
                n0 = jnp.sum(z0 + z1)
                n0v = jnp.full((L,), n0).astype(jnp.float32)
                inv = 1.0 / ((float(C) - n0v) + 1e-8)
                for k in range(KD):
                    out_v[b, k * L:(k + 1) * L] = (accs[k] - n0v * r0[k]) * inv
                return carry2

            lax.fori_loop(0, BC, b_body, 0)
            pltpu.sync_copy(out_v, out_hbm.at[pl.ds(row_base + ch * BC, BC)])

        pltpu.sync_copy(ids_hbm.at[pl.ds(row_base * C, ROWS)], idx0)
        start_gathers(idx0, buf0, g0sem)
        start_ids(1, idx1)

        def pair_body(h, carry):
            ch0 = 2 * h
            drain_ids(idx1)
            start_gathers(idx1, buf1, g1sem)
            drain_gathers(buf0, g0sem)
            compute(ch0, idx0, buf0)
            start_ids(ch0 + 2, idx0)
            drain_ids(idx0)
            start_gathers(idx0, buf0, g0sem)
            drain_gathers(buf1, g1sem)
            compute(ch0 + 1, idx1, buf1)
            start_ids(ch0 + 3, idx1)
            return carry

        lax.fori_loop(0, NCH // 2 - 1, pair_body, 0)

        drain_ids(idx1)
        start_gathers(idx1, buf1, g1sem)
        drain_gathers(buf0, g0sem)
        compute(NCH - 2, idx0, buf0)
        drain_gathers(buf1, g1sem)
        compute(NCH - 1, idx1, buf1)

    return enc


def kernel(category_ids, embedding_weight):
    B, C = category_ids.shape
    V, D = embedding_weight.shape
    ids_flat = category_ids.reshape(-1).astype(jnp.int32)
    return _make_encoder(B, C, V, D)(ids_flat, embedding_weight)

# --- scband reference (transcript-rebuilt; emitter-appended) ---
"""Pipeline reference for scband-category-encoder-45174466020050 (READ-ONLY COPY).

The authoritative reference and input builder live on the scoring server;
editing this copy changes nothing except your own understanding.
"""

import jax, jax.numpy as jnp
import numpy as np

NUM_CATEGORIES = 1000000
EMBEDDING_DIM = 64
BATCH = 16384
NUM_CATS = 26

def setup_inputs(seed: int = 0) -> dict:
    key = jax.random.key(seed)
    k1, k2 = jax.random.split(key)
    category_ids = jax.random.randint(k1, (BATCH, NUM_CATS), 0, NUM_CATEGORIES, dtype=jnp.int64 if jax.config.jax_enable_x64 else jnp.int32)
    # xavier_uniform for embedding weight: bound = sqrt(6/(fan_in+fan_out))
    bound = float(np.sqrt(6.0 / (NUM_CATEGORIES + EMBEDDING_DIM)))
    embedding_weight = jax.random.uniform(k2, (NUM_CATEGORIES, EMBEDDING_DIM), minval=-bound, maxval=bound, dtype=jnp.float32)
    return {"category_ids": category_ids, "embedding_weight": embedding_weight}

def reference(category_ids, embedding_weight):
    # multi-label path: category_ids is [B, num_cats]
    mask = (category_ids > 0).astype(jnp.float32)          # [B, C]
    emb = jnp.take(embedding_weight, category_ids, axis=0)  # [B, C, D] gather
    mask = mask[..., None]                                  # [B, C, 1]
    pooled = (emb * mask).sum(axis=1) / (mask.sum(axis=1) + 1e-08)  # [B, D]
    return pooled

if __name__ == "__main__":
    import jax
    _d = setup_inputs()
    print(jax.jit(kernel)(*tuple(_d.values())))

</pallas_src>

<mosaic_0001>
#map = affine_map<(d0, d1) -> (0)>
#map1 = affine_map<(d0, d1) -> (0, 0)>
module attributes {stable_mosaic.version = 14 : i64} {
  func.func @enc(%arg0: i32, %arg1: i32, %arg2: memref<425984xi32, #tpu.memory_space<hbm>>, %arg3: memref<1000000x64xf32, #tpu.memory_space<hbm>>, %arg4: memref<16384x64xf32, #tpu.memory_space<hbm>>, %arg5: memref<832xi32, #tpu.memory_space<vmem>>, %arg6: memref<832xi32, #tpu.memory_space<vmem>>, %arg7: memref<832x64xf32, #tpu.memory_space<vmem>>, %arg8: memref<832x64xf32, #tpu.memory_space<vmem>>, %arg9: memref<1x64xf32, #tpu.memory_space<vmem>>, %arg10: memref<32x64xf32, #tpu.memory_space<vmem>>, %arg11: memref<!tpu.dma_semaphore, #tpu.memory_space<semaphore_mem>>, %arg12: memref<!tpu.dma_semaphore, #tpu.memory_space<semaphore_mem>>, %arg13: memref<!tpu.dma_semaphore, #tpu.memory_space<semaphore_mem>>) attributes {dimension_semantics = [#tpu.dimension_semantics<core_parallel>, #tpu.dimension_semantics<subcore_parallel>], iteration_bounds = array<i64: 2, 16>, scalar_prefetch = 0 : i64, scratch_operands = 9 : i64, tpu.core_type = #tpu.core_type<sc_vector_subcore>, window_params = [{transform_indices = #map}, {transform_indices = #map1}, {transform_indices = #map1}]} {
    %mul3A = arith.constant 2 : i32
    %mul3A_0 = arith.muli %arg1, %mul3A : i32
    %add3A = arith.addi %mul3A_0, %arg0 : i32
    %mul3A_1 = arith.constant 512 : i32
    %mul3A_2 = arith.muli %add3A, %mul3A_1 : i32
    "tpu.region"() ({
      %run_scoped3A = tpu.sem_alloc : memref<!tpu.dma_semaphore, #tpu.memory_space<semaphore_mem>>
      %dma_start3A_195 = arith.constant 0 : i32
      %dma_start3A_196 = arith.constant 0 : i32
      %dma_start3A_197 = tpu.memref_slice %arg3[%dma_start3A_195, %dma_start3A_196] : memref<1000000x64xf32, #tpu.memory_space<hbm>> -> memref<1x64xf32, #tpu.memory_space<hbm>>
      %dma_start3A_198 = arith.constant 0 : i32
      %dma_start3A_199 = arith.constant 0 : i32
      %dma_start3A_200 = tpu.memref_slice %arg3[%dma_start3A_198, %dma_start3A_199] : memref<1000000x64xf32, #tpu.memory_space<hbm>> -> memref<1x64xf32, #tpu.memory_space<hbm>>
      tpu.enqueue_dma source(%dma_start3A_200 : memref<1x64xf32, #tpu.memory_space<hbm>>) target(%arg9 : memref<1x64xf32, #tpu.memory_space<vmem>>) target_semaphore(%run_scoped3A : memref<!tpu.dma_semaphore, #tpu.memory_space<semaphore_mem>>)
      %dma_wait3A_201 = arith.constant 0 : i32
      %dma_wait3A_202 = arith.constant 0 : i32
      %dma_wait3A_203 = tpu.memref_slice %arg3[%dma_wait3A_201, %dma_wait3A_202] : memref<1000000x64xf32, #tpu.memory_space<hbm>> -> memref<1x64xf32, #tpu.memory_space<hbm>>
      %dma_wait3A_204 = arith.constant 0 : i32
      %dma_wait3A_205 = arith.constant 0 : i32
      %dma_wait3A_206 = tpu.memref_slice %arg3[%dma_wait3A_204, %dma_wait3A_205] : memref<1000000x64xf32, #tpu.memory_space<hbm>> -> memref<1x64xf32, #tpu.memory_space<hbm>>
      tpu.wait_dma2 semaphore(%run_scoped3A : memref<!tpu.dma_semaphore, #tpu.memory_space<semaphore_mem>>) src(%dma_wait3A_206 : memref<1x64xf32, #tpu.memory_space<hbm>>) dst(%arg9 : memref<1x64xf32, #tpu.memory_space<vmem>>)
      tpu.yield
    }) : () -> ()
    %get3A = arith.constant 0 : i32
    %get3A_3 = arith.index_cast %get3A : i32 to index
    %get3A_4 = arith.constant 0 : index
    %get3A_5 = tpu.vector_load %arg9[%get3A_3, %get3A_4] {strides = array<i32>} : memref<1x64xf32, #tpu.memory_space<vmem>>, vector<16xf32>,
    %get3A_6 = arith.constant 0 : i32
    %get3A_7 = arith.index_cast %get3A_6 : i32 to index
    %get3A_8 = arith.constant 16 : index
    %get3A_9 = tpu.vector_load %arg9[%get3A_7, %get3A_8] {strides = array<i32>} : memref<1x64xf32, #tpu.memory_space<vmem>>, vector<16xf32>,
    %get3A_10 = arith.constant 0 : i32
    %get3A_11 = arith.index_cast %get3A_10 : i32 to index
    %get3A_12 = arith.constant 32 : index
    %get3A_13 = tpu.vector_load %arg9[%get3A_11, %get3A_12] {strides = array<i32>} : memref<1x64xf32, #tpu.memory_space<vmem>>, vector<16xf32>,
    %get3A_14 = arith.constant 0 : i32
    %get3A_15 = arith.index_cast %get3A_14 : i32 to index
    %get3A_16 = arith.constant 48 : index
    %get3A_17 = tpu.vector_load %arg9[%get3A_15, %get3A_16] {strides = array<i32>} : memref<1x64xf32, #tpu.memory_space<vmem>>, vector<16xf32>,
    %iota3A = tpu.iota {dimensions = array<i32: 0>} : vector<16xi32>
    %sub3A = arith.constant 5 : i32
    %sub3A_18 = vector.broadcast %sub3A : i32 to vector<16xi32>
    %sub3A_19 = arith.subi %iota3A, %sub3A_18 : vector<16xi32>
    %max3A = arith.constant 0 : i32
    %max3A_20 = vector.broadcast %max3A : i32 to vector<16xi32>
    %max3A_21 = arith.maxsi %sub3A_19, %max3A_20 : vector<16xi32>
    %min3A = arith.constant 1 : i32
    %min3A_22 = vector.broadcast %min3A : i32 to vector<16xi32>
    %min3A_23 = arith.minsi %max3A_21, %min3A_22 : vector<16xi32>
    %mul3A_24 = arith.constant 26 : i32
    %mul3A_25 = arith.muli %mul3A_2, %mul3A_24 : i32
    "tpu.region"() ({
      %run_scoped3A = tpu.sem_alloc : memref<!tpu.dma_semaphore, #tpu.memory_space<semaphore_mem>>
      %dma_start3A_195 = tpu.memref_slice %arg2[%mul3A_25] : memref<425984xi32, #tpu.memory_space<hbm>> -> memref<832xi32, #tpu.memory_space<hbm>>
      %dma_start3A_196 = tpu.memref_slice %arg2[%mul3A_25] : memref<425984xi32, #tpu.memory_space<hbm>> -> memref<832xi32, #tpu.memory_space<hbm>>
      tpu.enqueue_dma source(%dma_start3A_196 : memref<832xi32, #tpu.memory_space<hbm>>) target(%arg5 : memref<832xi32, #tpu.memory_space<vmem>>) target_semaphore(%run_scoped3A : memref<!tpu.dma_semaphore, #tpu.memory_space<semaphore_mem>>)
      %dma_wait3A_197 = tpu.memref_slice %arg2[%mul3A_25] : memref<425984xi32, #tpu.memory_space<hbm>> -> memref<832xi32, #tpu.memory_space<hbm>>
      %dma_wait3A_198 = tpu.memref_slice %arg2[%mul3A_25] : memref<425984xi32, #tpu.memory_space<hbm>> -> memref<832xi32, #tpu.memory_space<hbm>>
      tpu.wait_dma2 semaphore(%run_scoped3A : memref<!tpu.dma_semaphore, #tpu.memory_space<semaphore_mem>>) src(%dma_wait3A_198 : memref<832xi32, #tpu.memory_space<hbm>>) dst(%arg5 : memref<832xi32, #tpu.memory_space<vmem>>)
      tpu.yield
    }) : () -> ()
    %dma_start3A = arith.constant 0 : i32
    %dma_start3A_26 = arith.constant 0 : i32
    %dma_start3A_27 = tpu.memref_slice %arg7[%dma_start3A, %dma_start3A_26] : memref<832x64xf32, #tpu.memory_space<vmem>> -> memref<104x64xf32, #tpu.memory_space<vmem>>
    %dma_start3A_28 = arith.constant 0 : i32
    %dma_start3A_29 = tpu.memref_slice %arg5[%dma_start3A_28] : memref<832xi32, #tpu.memory_space<vmem>> -> memref<104xi32, #tpu.memory_space<vmem>>
    %dma_start3A_30 = arith.constant 0 : i32
    %dma_start3A_31 = arith.constant 0 : i32
    %dma_start3A_32 = tpu.memref_slice %arg3[%dma_start3A_30, %dma_start3A_31] : memref<1000000x64xf32, #tpu.memory_space<hbm>> -> memref<1000000x64xf32, #tpu.memory_space<hbm>>
    tpu.enqueue_indirect_dma source(%dma_start3A_32 : memref<1000000x64xf32, #tpu.memory_space<hbm>>) target(%dma_start3A_27 : memref<104x64xf32, #tpu.memory_space<vmem>>) offsets(%dma_start3A_29 : memref<104xi32, #tpu.memory_space<vmem>>) semaphore(%arg11 : memref<!tpu.dma_semaphore, #tpu.memory_space<semaphore_mem>>)
    %dma_start3A_33 = arith.constant 104 : i32
    %dma_start3A_34 = arith.constant 0 : i32
    %dma_start3A_35 = tpu.memref_slice %arg7[%dma_start3A_33, %dma_start3A_34] : memref<832x64xf32, #tpu.memory_space<vmem>> -> memref<104x64xf32, #tpu.memory_space<vmem>>
    %dma_start3A_36 = arith.constant 104 : i32
    %dma_start3A_37 = tpu.memref_slice %arg5[%dma_start3A_36] : memref<832xi32, #tpu.memory_space<vmem>> -> memref<104xi32, #tpu.memory_space<vmem>>
    %dma_start3A_38 = arith.constant 0 : i32
    %dma_start3A_39 = arith.constant 0 : i32
    %dma_start3A_40 = tpu.memref_slice %arg3[%dma_start3A_38, %dma_start3A_39] : memref<1000000x64xf32, #tpu.memory_space<hbm>> -> memref<1000000x64xf32, #tpu.memory_space<hbm>>
    tpu.enqueue_indirect_dma source(%dma_start3A_40 : memref<1000000x64xf32, #tpu.memory_space<hbm>>) target(%dma_start3A_35 : memref<104x64xf32, #tpu.memory_space<vmem>>) offsets(%dma_start3A_37 : memref<104xi32, #tpu.memory_space<vmem>>) semaphore(%arg11 : memref<!tpu.dma_semaphore, #tpu.memory_space<semaphore_mem>>)
    %dma_start3A_41 = arith.constant 208 : i32
    %dma_start3A_42 = arith.constant 0 : i32
    %dma_start3A_43 = tpu.memref_slice %arg7[%dma_start3A_41, %dma_start3A_42] : memref<832x64xf32, #tpu.memory_space<vmem>> -> memref<104x64xf32, #tpu.memory_space<vmem>>
    %dma_start3A_44 = arith.constant 208 : i32
    %dma_start3A_45 = tpu.memref_slice %arg5[%dma_start3A_44] : memref<832xi32, #tpu.memory_space<vmem>> -> memref<104xi32, #tpu.memory_space<vmem>>
    %dma_start3A_46 = arith.constant 0 : i32
    %dma_start3A_47 = arith.constant 0 : i32
    %dma_start3A_48 = tpu.memref_slice %arg3[%dma_start3A_46, %dma_start3A_47] : memref<1000000x64xf32, #tpu.memory_space<hbm>> -> memref<1000000x64xf32, #tpu.memory_space<hbm>>
    tpu.enqueue_indirect_dma source(%dma_start3A_48 : memref<1000000x64xf32, #tpu.memory_space<hbm>>) target(%dma_start3A_43 : memref<104x64xf32, #tpu.memory_space<vmem>>) offsets(%dma_start3A_45 : memref<104xi32, #tpu.memory_space<vmem>>) semaphore(%arg11 : memref<!tpu.dma_semaphore, #tpu.memory_space<semaphore_mem>>)
    %dma_start3A_49 = arith.constant 312 : i32
    %dma_start3A_50 = arith.constant 0 : i32
    %dma_start3A_51 = tpu.memref_slice %arg7[%dma_start3A_49, %dma_start3A_50] : memref<832x64xf32, #tpu.memory_space<vmem>> -> memref<104x64xf32, #tpu.memory_space<vmem>>
    %dma_start3A_52 = arith.constant 312 : i32
    %dma_start3A_53 = tpu.memref_slice %arg5[%dma_start3A_52] : memref<832xi32, #tpu.memory_space<vmem>> -> memref<104xi32, #tpu.memory_space<vmem>>
    %dma_start3A_54 = arith.constant 0 : i32
    %dma_start3A_55 = arith.constant 0 : i32
    %dma_start3A_56 = tpu.memref_slice %arg3[%dma_start3A_54, %dma_start3A_55] : memref<1000000x64xf32, #tpu.memory_space<hbm>> -> memref<1000000x64xf32, #tpu.memory_space<hbm>>
    tpu.enqueue_indirect_dma source(%dma_start3A_56 : memref<1000000x64xf32, #tpu.memory_space<hbm>>) target(%dma_start3A_51 : memref<104x64xf32, #tpu.memory_space<vmem>>) offsets(%dma_start3A_53 : memref<104xi32, #tpu.memory_space<vmem>>) semaphore(%arg11 : memref<!tpu.dma_semaphore, #tpu.memory_space<semaphore_mem>>)
    %dma_start3A_57 = arith.constant 416 : i32
    %dma_start3A_58 = arith.constant 0 : i32
    %dma_start3A_59 = tpu.memref_slice %arg7[%dma_start3A_57, %dma_start3A_58] : memref<832x64xf32, #tpu.memory_space<vmem>> -> memref<104x64xf32, #tpu.memory_space<vmem>>
    %dma_start3A_60 = arith.constant 416 : i32
    %dma_start3A_61 = tpu.memref_slice %arg5[%dma_start3A_60] : memref<832xi32, #tpu.memory_space<vmem>> -> memref<104xi32, #tpu.memory_space<vmem>>
    %dma_start3A_62 = arith.constant 0 : i32
    %dma_start3A_63 = arith.constant 0 : i32
    %dma_start3A_64 = tpu.memref_slice %arg3[%dma_start3A_62, %dma_start3A_63] : memref<1000000x64xf32, #tpu.memory_space<hbm>> -> memref<1000000x64xf32, #tpu.memory_space<hbm>>
    tpu.enqueue_indirect_dma source(%dma_start3A_64 : memref<1000000x64xf32, #tpu.memory_space<hbm>>) target(%dma_start3A_59 : memref<104x64xf32, #tpu.memory_space<vmem>>) offsets(%dma_start3A_61 : memref<104xi32, #tpu.memory_space<vmem>>) semaphore(%arg11 : memref<!tpu.dma_semaphore, #tpu.memory_space<semaphore_mem>>)
    %dma_start3A_65 = arith.constant 520 : i32
    %dma_start3A_66 = arith.constant 0 : i32
    %dma_start3A_67 = tpu.memref_slice %arg7[%dma_start3A_65, %dma_start3A_66] : memref<832x64xf32, #tpu.memory_space<vmem>> -> memref<104x64xf32, #tpu.memory_space<vmem>>
    %dma_start3A_68 = arith.constant 520 : i32
    %dma_start3A_69 = tpu.memref_slice %arg5[%dma_start3A_68] : memref<832xi32, #tpu.memory_space<vmem>> -> memref<104xi32, #tpu.memory_space<vmem>>
    %dma_start3A_70 = arith.constant 0 : i32
    %dma_start3A_71 = arith.constant 0 : i32
    %dma_start3A_72 = tpu.memref_slice %arg3[%dma_start3A_70, %dma_start3A_71] : memref<1000000x64xf32, #tpu.memory_space<hbm>> -> memref<1000000x64xf32, #tpu.memory_space<hbm>>
    tpu.enqueue_indirect_dma source(%dma_start3A_72 : memref<1000000x64xf32, #tpu.memory_space<hbm>>) target(%dma_start3A_67 : memref<104x64xf32, #tpu.memory_space<vmem>>) offsets(%dma_start3A_69 : memref<104xi32, #tpu.memory_space<vmem>>) semaphore(%arg11 : memref<!tpu.dma_semaphore, #tpu.memory_space<semaphore_mem>>)
    %dma_start3A_73 = arith.constant 624 : i32
    %dma_start3A_74 = arith.constant 0 : i32
    %dma_start3A_75 = tpu.memref_slice %arg7[%dma_start3A_73, %dma_start3A_74] : memref<832x64xf32, #tpu.memory_space<vmem>> -> memref<104x64xf32, #tpu.memory_space<vmem>>
    %dma_start3A_76 = arith.constant 624 : i32
    %dma_start3A_77 = tpu.memref_slice %arg5[%dma_start3A_76] : memref<832xi32, #tpu.memory_space<vmem>> -> memref<104xi32, #tpu.memory_space<vmem>>
    %dma_start3A_78 = arith.constant 0 : i32
    %dma_start3A_79 = arith.constant 0 : i32
    %dma_start3A_80 = tpu.memref_slice %arg3[%dma_start3A_78, %dma_start3A_79] : memref<1000000x64xf32, #tpu.memory_space<hbm>> -> memref<1000000x64xf32, #tpu.memory_space<hbm>>
    tpu.enqueue_indirect_dma source(%dma_start3A_80 : memref<1000000x64xf32, #tpu.memory_space<hbm>>) target(%dma_start3A_75 : memref<104x64xf32, #tpu.memory_space<vmem>>) offsets(%dma_start3A_77 : memref<104xi32, #tpu.memory_space<vmem>>) semaphore(%arg11 : memref<!tpu.dma_semaphore, #tpu.memory_space<semaphore_mem>>)
    %dma_start3A_81 = arith.constant 728 : i32
    %dma_start3A_82 = arith.constant 0 : i32
    %dma_start3A_83 = tpu.memref_slice %arg7[%dma_start3A_81, %dma_start3A_82] : memref<832x64xf32, #tpu.memory_space<vmem>> -> memref<104x64xf32, #tpu.memory_space<vmem>>
    %dma_start3A_84 = arith.constant 728 : i32
    %dma_start3A_85 = tpu.memref_slice %arg5[%dma_start3A_84] : memref<832xi32, #tpu.memory_space<vmem>> -> memref<104xi32, #tpu.memory_space<vmem>>
    %dma_start3A_86 = arith.constant 0 : i32
    %dma_start3A_87 = arith.constant 0 : i32
    %dma_start3A_88 = tpu.memref_slice %arg3[%dma_start3A_86, %dma_start3A_87] : memref<1000000x64xf32, #tpu.memory_space<hbm>> -> memref<1000000x64xf32, #tpu.memory_space<hbm>>
    tpu.enqueue_indirect_dma source(%dma_start3A_88 : memref<1000000x64xf32, #tpu.memory_space<hbm>>) target(%dma_start3A_83 : memref<104x64xf32, #tpu.memory_space<vmem>>) offsets(%dma_start3A_85 : memref<104xi32, #tpu.memory_space<vmem>>) semaphore(%arg11 : memref<!tpu.dma_semaphore, #tpu.memory_space<semaphore_mem>>)
    %add3A_89 = arith.constant 32 : i32
    %add3A_90 = arith.addi %mul3A_2, %add3A_89 : i32
    %mul3A_91 = arith.constant 26 : i32
    %mul3A_92 = arith.muli %add3A_90, %mul3A_91 : i32
    %dma_start3A_93 = tpu.memref_slice %arg2[%mul3A_92] : memref<425984xi32, #tpu.memory_space<hbm>> -> memref<832xi32, #tpu.memory_space<hbm>>
    %dma_start3A_94 = tpu.memref_slice %arg2[%mul3A_92] : memref<425984xi32, #tpu.memory_space<hbm>> -> memref<832xi32, #tpu.memory_space<hbm>>
    tpu.enqueue_dma source(%dma_start3A_94 : memref<832xi32, #tpu.memory_space<hbm>>) target(%arg6 : memref<832xi32, #tpu.memory_space<vmem>>) target_semaphore(%arg13 : memref<!tpu.dma_semaphore, #tpu.memory_space<semaphore_mem>>)
    %scan3A = arith.constant 0 : i32
    %scan3A_95 = arith.constant 0 : i32
    %scan3A_96 = arith.constant 7 : i32
    %scan3A_97 = arith.addi %scan3A_95, %scan3A_96 : i32
    %scan3A_98 = arith.constant 1 : i32
    scf.for %scan3A_195 = %scan3A_95 to %scan3A_97 step %scan3A_98  : i32 {
      %mul3A_196 = arith.constant 2 : i32
      %mul3A_197 = arith.muli %mul3A_196, %scan3A_195 : i32
      %dma_wait3A_198 = arith.constant 0 : i32
      %dma_wait3A_199 = tpu.memref_slice %arg2[%dma_wait3A_198] : memref<425984xi32, #tpu.memory_space<hbm>> -> memref<832xi32, #tpu.memory_space<hbm>>
      %dma_wait3A_200 = arith.constant 0 : i32
      %dma_wait3A_201 = tpu.memref_slice %arg2[%dma_wait3A_200] : memref<425984xi32, #tpu.memory_space<hbm>> -> memref<832xi32, #tpu.memory_space<hbm>>
      tpu.wait_dma2 semaphore(%arg13 : memref<!tpu.dma_semaphore, #tpu.memory_space<semaphore_mem>>) src(%dma_wait3A_201 : memref<832xi32, #tpu.memory_space<hbm>>) dst(%arg6 : memref<832xi32, #tpu.memory_space<vmem>>)
      %dma_start3A_202 = arith.constant 0 : i32
      %dma_start3A_203 = arith.constant 0 : i32
      %dma_start3A_204 = tpu.memref_slice %arg8[%dma_start3A_202, %dma_start3A_203] : memref<832x64xf32, #tpu.memory_space<vmem>> -> memref<104x64xf32, #tpu.memory_space<vmem>>
      %dma_start3A_205 = arith.constant 0 : i32
      %dma_start3A_206 = tpu.memref_slice %arg6[%dma_start3A_205] : memref<832xi32, #tpu.memory_space<vmem>> -> memref<104xi32, #tpu.memory_space<vmem>>
      %dma_start3A_207 = arith.constant 0 : i32
      %dma_start3A_208 = arith.constant 0 : i32
      %dma_start3A_209 = tpu.memref_slice %arg3[%dma_start3A_207, %dma_start3A_208] : memref<1000000x64xf32, #tpu.memory_space<hbm>> -> memref<1000000x64xf32, #tpu.memory_space<hbm>>
      tpu.enqueue_indirect_dma source(%dma_start3A_209 : memref<1000000x64xf32, #tpu.memory_space<hbm>>) target(%dma_start3A_204 : memref<104x64xf32, #tpu.memory_space<vmem>>) offsets(%dma_start3A_206 : memref<104xi32, #tpu.memory_space<vmem>>) semaphore(%arg12 : memref<!tpu.dma_semaphore, #tpu.memory_space<semaphore_mem>>)
      %dma_start3A_210 = arith.constant 104 : i32
      %dma_start3A_211 = arith.constant 0 : i32
      %dma_start3A_212 = tpu.memref_slice %arg8[%dma_start3A_210, %dma_start3A_211] : memref<832x64xf32, #tpu.memory_space<vmem>> -> memref<104x64xf32, #tpu.memory_space<vmem>>
      %dma_start3A_213 = arith.constant 104 : i32
      %dma_start3A_214 = tpu.memref_slice %arg6[%dma_start3A_213] : memref<832xi32, #tpu.memory_space<vmem>> -> memref<104xi32, #tpu.memory_space<vmem>>
      %dma_start3A_215 = arith.constant 0 : i32
      %dma_start3A_216 = arith.constant 0 : i32
      %dma_start3A_217 = tpu.memref_slice %arg3[%dma_start3A_215, %dma_start3A_216] : memref<1000000x64xf32, #tpu.memory_space<hbm>> -> memref<1000000x64xf32, #tpu.memory_space<hbm>>
      tpu.enqueue_indirect_dma source(%dma_start3A_217 : memref<1000000x64xf32, #tpu.memory_space<hbm>>) target(%dma_start3A_212 : memref<104x64xf32, #tpu.memory_space<vmem>>) offsets(%dma_start3A_214 : memref<104xi32, #tpu.memory_space<vmem>>) semaphore(%arg12 : memref<!tpu.dma_semaphore, #tpu.memory_space<semaphore_mem>>)
      %dma_start3A_218 = arith.constant 208 : i32
      %dma_start3A_219 = arith.constant 0 : i32
      %dma_start3A_220 = tpu.memref_slice %arg8[%dma_start3A_218, %dma_start3A_219] : memref<832x64xf32, #tpu.memory_space<vmem>> -> memref<104x64xf32, #tpu.memory_space<vmem>>
      %dma_start3A_221 = arith.constant 208 : i32
      %dma_start3A_222 = tpu.memref_slice %arg6[%dma_start3A_221] : memref<832xi32, #tpu.memory_space<vmem>> -> memref<104xi32, #tpu.memory_space<vmem>>
      %dma_start3A_223 = arith.constant 0 : i32
      %dma_start3A_224 = arith.constant 0 : i32
      %dma_start3A_225 = tpu.memref_slice %arg3[%dma_start3A_223, %dma_start3A_224] : memref<1000000x64xf32, #tpu.memory_space<hbm>> -> memref<1000000x64xf32, #tpu.memory_space<hbm>>
      tpu.enqueue_indirect_dma source(%dma_start3A_225 : memref<1000000x64xf32, #tpu.memory_space<hbm>>) target(%dma_start3A_220 : memref<104x64xf32, #tpu.memory_space<vmem>>) offsets(%dma_start3A_222 : memref<104xi32, #tpu.memory_space<vmem>>) semaphore(%arg12 : memref<!tpu.dma_semaphore, #tpu.memory_space<semaphore_mem>>)
      %dma_start3A_226 = arith.constant 312 : i32
      %dma_start3A_227 = arith.constant 0 : i32
      %dma_start3A_228 = tpu.memref_slice %arg8[%dma_start3A_226, %dma_start3A_227] : memref<832x64xf32, #tpu.memory_space<vmem>> -> memref<104x64xf32, #tpu.memory_space<vmem>>
      %dma_start3A_229 = arith.constant 312 : i32
      %dma_start3A_230 = tpu.memref_slice %arg6[%dma_start3A_229] : memref<832xi32, #tpu.memory_space<vmem>> -> memref<104xi32, #tpu.memory_space<vmem>>
      %dma_start3A_231 = arith.constant 0 : i32
      %dma_start3A_232 = arith.constant 0 : i32
      %dma_start3A_233 = tpu.memref_slice %arg3[%dma_start3A_231, %dma_start3A_232] : memref<1000000x64xf32, #tpu.memory_space<hbm>> -> memref<1000000x64xf32, #tpu.memory_space<hbm>>
      tpu.enqueue_indirect_dma source(%dma_start3A_233 : memref<1000000x64xf32, #tpu.memory_space<hbm>>) target(%dma_start3A_228 : memref<104x64xf32, #tpu.memory_space<vmem>>) offsets(%dma_start3A_230 : memref<104xi32, #tpu.memory_space<vmem>>) semaphore(%arg12 : memref<!tpu.dma_semaphore, #tpu.memory_space<semaphore_mem>>)
      %dma_start3A_234 = arith.constant 416 : i32
      %dma_start3A_235 = arith.constant 0 : i32
      %dma_start3A_236 = tpu.memref_slice %arg8[%dma_start3A_234, %dma_start3A_235] : memref<832x64xf32, #tpu.memory_space<vmem>> -> memref<104x64xf32, #tpu.memory_space<vmem>>
      %dma_start3A_237 = arith.constant 416 : i32
      %dma_start3A_238 = tpu.memref_slice %arg6[%dma_start3A_237] : memref<832xi32, #tpu.memory_space<vmem>> -> memref<104xi32, #tpu.memory_space<vmem>>
      %dma_start3A_239 = arith.constant 0 : i32
      %dma_start3A_240 = arith.constant 0 : i32
      %dma_start3A_241 = tpu.memref_slice %arg3[%dma_start3A_239, %dma_start3A_240] : memref<1000000x64xf32, #tpu.memory_space<hbm>> -> memref<1000000x64xf32, #tpu.memory_space<hbm>>
      tpu.enqueue_indirect_dma source(%dma_start3A_241 : memref<1000000x64xf32, #tpu.memory_space<hbm>>) target(%dma_start3A_236 : memref<104x64xf32, #tpu.memory_space<vmem>>) offsets(%dma_start3A_238 : memref<104xi32, #tpu.memory_space<vmem>>) semaphore(%arg12 : memref<!tpu.dma_semaphore, #tpu.memory_space<semaphore_mem>>)
      %dma_start3A_242 = arith.constant 520 : i32
      %dma_start3A_243 = arith.constant 0 : i32
      %dma_start3A_244 = tpu.memref_slice %arg8[%dma_start3A_242, %dma_start3A_243] : memref<832x64xf32, #tpu.memory_space<vmem>> -> memref<104x64xf32, #tpu.memory_space<vmem>>
      %dma_start3A_245 = arith.constant 520 : i32
      %dma_start3A_246 = tpu.memref_slice %arg6[%dma_start3A_245] : memref<832xi32, #tpu.memory_space<vmem>> -> memref<104xi32, #tpu.memory_space<vmem>>
      %dma_start3A_247 = arith.constant 0 : i32
      %dma_start3A_248 = arith.constant 0 : i32
      %dma_start3A_249 = tpu.memref_slice %arg3[%dma_start3A_247, %dma_start3A_248] : memref<1000000x64xf32, #tpu.memory_space<hbm>> -> memref<1000000x64xf32, #tpu.memory_space<hbm>>
      tpu.enqueue_indirect_dma source(%dma_start3A_249 : memref<1000000x64xf32, #tpu.memory_space<hbm>>) target(%dma_start3A_244 : memref<104x64xf32, #tpu.memory_space<vmem>>) offsets(%dma_start3A_246 : memref<104xi32, #tpu.memory_space<vmem>>) semaphore(%arg12 : memref<!tpu.dma_semaphore, #tpu.memory_space<semaphore_mem>>)
      %dma_start3A_250 = arith.constant 624 : i32
      %dma_start3A_251 = arith.constant 0 : i32
      %dma_start3A_252 = tpu.memref_slice %arg8[%dma_start3A_250, %dma_start3A_251] : memref<832x64xf32, #tpu.memory_space<vmem>> -> memref<104x64xf32, #tpu.memory_space<vmem>>
      %dma_start3A_253 = arith.constant 624 : i32
      %dma_start3A_254 = tpu.memref_slice %arg6[%dma_start3A_253] : memref<832xi32, #tpu.memory_space<vmem>> -> memref<104xi32, #tpu.memory_space<vmem>>
      %dma_start3A_255 = arith.constant 0 : i32
      %dma_start3A_256 = arith.constant 0 : i32
      %dma_start3A_257 = tpu.memref_slice %arg3[%dma_start3A_255, %dma_start3A_256] : memref<1000000x64xf32, #tpu.memory_space<hbm>> -> memref<1000000x64xf32, #tpu.memory_space<hbm>>
      tpu.enqueue_indirect_dma source(%dma_start3A_257 : memref<1000000x64xf32, #tpu.memory_space<hbm>>) target(%dma_start3A_252 : memref<104x64xf32, #tpu.memory_space<vmem>>) offsets(%dma_start3A_254 : memref<104xi32, #tpu.memory_space<vmem>>) semaphore(%arg12 : memref<!tpu.dma_semaphore, #tpu.memory_space<semaphore_mem>>)
      %dma_start3A_258 = arith.constant 728 : i32
      %dma_start3A_259 = arith.constant 0 : i32
      %dma_start3A_260 = tpu.memref_slice %arg8[%dma_start3A_258, %dma_start3A_259] : memref<832x64xf32, #tpu.memory_space<vmem>> -> memref<104x64xf32, #tpu.memory_space<vmem>>
      %dma_start3A_261 = arith.constant 728 : i32
      %dma_start3A_262 = tpu.memref_slice %arg6[%dma_start3A_261] : memref<832xi32, #tpu.memory_space<vmem>> -> memref<104xi32, #tpu.memory_space<vmem>>
      %dma_start3A_263 = arith.constant 0 : i32
      %dma_start3A_264 = arith.constant 0 : i32
      %dma_start3A_265 = tpu.memref_slice %arg3[%dma_start3A_263, %dma_start3A_264] : memref<1000000x64xf32, #tpu.memory_space<hbm>> -> memref<1000000x64xf32, #tpu.memory_space<hbm>>
      tpu.enqueue_indirect_dma source(%dma_start3A_265 : memref<1000000x64xf32, #tpu.memory_space<hbm>>) target(%dma_start3A_260 : memref<104x64xf32, #tpu.memory_space<vmem>>) offsets(%dma_start3A_262 : memref<104xi32, #tpu.memory_space<vmem>>) semaphore(%arg12 : memref<!tpu.dma_semaphore, #tpu.memory_space<semaphore_mem>>)
      %dma_wait3A_266 = arith.constant 0 : i32
      %dma_wait3A_267 = arith.constant 0 : i32
      %dma_wait3A_268 = tpu.memref_slice %arg3[%dma_wait3A_266, %dma_wait3A_267] : memref<1000000x64xf32, #tpu.memory_space<hbm>> -> memref<832x64xf32, #tpu.memory_space<hbm>>
      %dma_wait3A_269 = arith.constant 0 : i32
      %dma_wait3A_270 = arith.constant 0 : i32
      %dma_wait3A_271 = tpu.memref_slice %arg3[%dma_wait3A_269, %dma_wait3A_270] : memref<1000000x64xf32, #tpu.memory_space<hbm>> -> memref<832x64xf32, #tpu.memory_space<hbm>>
      tpu.wait_dma2 semaphore(%arg11 : memref<!tpu.dma_semaphore, #tpu.memory_space<semaphore_mem>>) src(%dma_wait3A_271 : memref<832x64xf32, #tpu.memory_space<hbm>>) dst(%arg7 : memref<832x64xf32, #tpu.memory_space<vmem>>)
      %scan3A_272 = arith.constant 0 : i32
      %scan3A_273 = arith.constant 0 : i32
      %scan3A_274 = arith.constant 32 : i32
      %scan3A_275 = arith.addi %scan3A_273, %scan3A_274 : i32
      %scan3A_276 = arith.constant 1 : i32
      scf.for %scan3A_384 = %scan3A_273 to %scan3A_275 step %scan3A_276  : i32 {
        %mul3A_385 = arith.constant 26 : i32
        %mul3A_386 = arith.muli %scan3A_384, %mul3A_385 : i32
        %get3A_387 = arith.index_cast %mul3A_386 : i32 to index
        %get3A_388 = arith.constant 0 : index
        %get3A_389 = tpu.vector_load %arg7[%get3A_387, %get3A_388] {strides = array<i32>} : memref<832x64xf32, #tpu.memory_space<vmem>>, vector<16xf32>,
        %get3A_390 = arith.index_cast %mul3A_386 : i32 to index
        %get3A_391 = arith.constant 16 : index
        %get3A_392 = tpu.vector_load %arg7[%get3A_390, %get3A_391] {strides = array<i32>} : memref<832x64xf32, #tpu.memory_space<vmem>>, vector<16xf32>,
        %get3A_393 = arith.index_cast %mul3A_386 : i32 to index
        %get3A_394 = arith.constant 32 : index
        %get3A_395 = tpu.vector_load %arg7[%get3A_393, %get3A_394] {strides = array<i32>} : memref<832x64xf32, #tpu.memory_space<vmem>>, vector<16xf32>,
        %get3A_396 = arith.index_cast %mul3A_386 : i32 to index
        %get3A_397 = arith.constant 48 : index
        %get3A_398 = tpu.vector_load %arg7[%get3A_396, %get3A_397] {strides = array<i32>} : memref<832x64xf32, #tpu.memory_space<vmem>>, vector<16xf32>,
        %add3A_399 = arith.constant 1 : i32
        %add3A_400 = arith.addi %mul3A_386, %add3A_399 : i32
        %get3A_401 = arith.index_cast %add3A_400 : i32 to index
        %get3A_402 = arith.constant 0 : index
        %get3A_403 = tpu.vector_load %arg7[%get3A_401, %get3A_402] {strides = array<i32>} : memref<832x64xf32, #tpu.memory_space<vmem>>, vector<16xf32>,
        %add3A_404 = arith.constant 1 : i32
        %add3A_405 = arith.addi %mul3A_386, %add3A_404 : i32
        %get3A_406 = arith.index_cast %add3A_405 : i32 to index
        %get3A_407 = arith.constant 16 : index
        %get3A_408 = tpu.vector_load %arg7[%get3A_406, %get3A_407] {strides = array<i32>} : memref<832x64xf32, #tpu.memory_space<vmem>>, vector<16xf32>,
        %add3A_409 = arith.constant 1 : i32
        %add3A_410 = arith.addi %mul3A_386, %add3A_409 : i32
        %get3A_411 = arith.index_cast %add3A_410 : i32 to index
        %get3A_412 = arith.constant 32 : index
        %get3A_413 = tpu.vector_load %arg7[%get3A_411, %get3A_412] {strides = array<i32>} : memref<832x64xf32, #tpu.memory_space<vmem>>, vector<16xf32>,
        %add3A_414 = arith.constant 1 : i32
        %add3A_415 = arith.addi %mul3A_386, %add3A_414 : i32
        %get3A_416 = arith.index_cast %add3A_415 : i32 to index
        %get3A_417 = arith.constant 48 : index
        %get3A_418 = tpu.vector_load %arg7[%get3A_416, %get3A_417] {strides = array<i32>} : memref<832x64xf32, #tpu.memory_space<vmem>>, vector<16xf32>,
        %add3A_419 = arith.constant 2 : i32
        %add3A_420 = arith.addi %mul3A_386, %add3A_419 : i32
        %get3A_421 = arith.index_cast %add3A_420 : i32 to index
        %get3A_422 = arith.constant 0 : index
        %get3A_423 = tpu.vector_load %arg7[%get3A_421, %get3A_422] {strides = array<i32>} : memref<832x64xf32, #tpu.memory_space<vmem>>, vector<16xf32>,
        %add3A_424 = arith.addf %get3A_389, %get3A_423 : vector<16xf32>
        %add3A_425 = arith.constant 2 : i32
        %add3A_426 = arith.addi %mul3A_386, %add3A_425 : i32
        %get3A_427 = arith.index_cast %add3A_426 : i32 to index
        %get3A_428 = arith.constant 16 : index
        %get3A_429 = tpu.vector_load %arg7[%get3A_427, %get3A_428] {strides = array<i32>} : memref<832x64xf32, #tpu.memory_space<vmem>>, vector<16xf32>,
        %add3A_430 = arith.addf %get3A_392, %get3A_429 : vector<16xf32>
        %add3A_431 = arith.constant 2 : i32
        %add3A_432 = arith.addi %mul3A_386, %add3A_431 : i32
        %get3A_433 = arith.index_cast %add3A_432 : i32 to index
        %get3A_434 = arith.constant 32 : index
        %get3A_435 = tpu.vector_load %arg7[%get3A_433, %get3A_434] {strides = array<i32>} : memref<832x64xf32, #tpu.memory_space<vmem>>, vector<16xf32>,
        %add3A_436 = arith.addf %get3A_395, %get3A_435 : vector<16xf32>
        %add3A_437 = arith.constant 2 : i32
        %add3A_438 = arith.addi %mul3A_386, %add3A_437 : i32
        %get3A_439 = arith.index_cast %add3A_438 : i32 to index
        %get3A_440 = arith.constant 48 : index
        %get3A_441 = tpu.vector_load %arg7[%get3A_439, %get3A_440] {strides = array<i32>} : memref<832x64xf32, #tpu.memory_space<vmem>>, vector<16xf32>,
        %add3A_442 = arith.addf %get3A_398, %get3A_441 : vector<16xf32>
        %add3A_443 = arith.constant 3 : i32
        %add3A_444 = arith.addi %mul3A_386, %add3A_443 : i32
        %get3A_445 = arith.index_cast %add3A_444 : i32 to index
        %get3A_446 = arith.constant 0 : index
        %get3A_447 = tpu.vector_load %arg7[%get3A_445, %get3A_446] {strides = array<i32>} : memref<832x64xf32, #tpu.memory_space<vmem>>, vector<16xf32>,
        %add3A_448 = arith.addf %get3A_403, %get3A_447 : vector<16xf32>
        %add3A_449 = arith.constant 3 : i32
        %add3A_450 = arith.addi %mul3A_386, %add3A_449 : i32
        %get3A_451 = arith.index_cast %add3A_450 : i32 to index
        %get3A_452 = arith.constant 16 : index
        %get3A_453 = tpu.vector_load %arg7[%get3A_451, %get3A_452] {strides = array<i32>} : memref<832x64xf32, #tpu.memory_space<vmem>>, vector<16xf32>,
        %add3A_454 = arith.addf %get3A_408, %get3A_453 : vector<16xf32>
        %add3A_455 = arith.constant 3 : i32
        %add3A_456 = arith.addi %mul3A_386, %add3A_455 : i32
        %get3A_457 = arith.index_cast %add3A_456 : i32 to index
        %get3A_458 = arith.constant 32 : index
        %get3A_459 = tpu.vector_load %arg7[%get3A_457, %get3A_458] {strides = array<i32>} : memref<832x64xf32, #tpu.memory_space<vmem>>, vector<16xf32>,
        %add3A_460 = arith.addf %get3A_413, %get3A_459 : vector<16xf32>
        %add3A_461 = arith.constant 3 : i32
        %add3A_462 = arith.addi %mul3A_386, %add3A_461 : i32
        %get3A_463 = arith.index_cast %add3A_462 : i32 to index
        %get3A_464 = arith.constant 48 : index
        %get3A_465 = tpu.vector_load %arg7[%get3A_463, %get3A_464] {strides = array<i32>} : memref<832x64xf32, #tpu.memory_space<vmem>>, vector<16xf32>,
        %add3A_466 = arith.addf %get3A_418, %get3A_465 : vector<16xf32>
        %add3A_467 = arith.constant 4 : i32
        %add3A_468 = arith.addi %mul3A_386, %add3A_467 : i32
        %get3A_469 = arith.index_cast %add3A_468 : i32 to index
        %get3A_470 = arith.constant 0 : index
        %get3A_471 = tpu.vector_load %arg7[%get3A_469, %get3A_470] {strides = array<i32>} : memref<832x64xf32, #tpu.memory_space<vmem>>, vector<16xf32>,
        %add3A_472 = arith.addf %add3A_424, %get3A_471 : vector<16xf32>
        %add3A_473 = arith.constant 4 : i32
        %add3A_474 = arith.addi %mul3A_386, %add3A_473 : i32
        %get3A_475 = arith.index_cast %add3A_474 : i32 to index
        %get3A_476 = arith.constant 16 : index
        %get3A_477 = tpu.vector_load %arg7[%get3A_475, %get3A_476] {strides = array<i32>} : memref<832x64xf32, #tpu.memory_space<vmem>>, vector<16xf32>,
        %add3A_478 = arith.addf %add3A_430, %get3A_477 : vector<16xf32>
        %add3A_479 = arith.constant 4 : i32
        %add3A_480 = arith.addi %mul3A_386, %add3A_479 : i32
        %get3A_481 = arith.index_cast %add3A_480 : i32 to index
        %get3A_482 = arith.constant 32 : index
        %get3A_483 = tpu.vector_load %arg7[%get3A_481, %get3A_482] {strides = array<i32>} : memref<832x64xf32, #tpu.memory_space<vmem>>, vector<16xf32>,
        %add3A_484 = arith.addf %add3A_436, %get3A_483 : vector<16xf32>
        %add3A_485 = arith.constant 4 : i32
        %add3A_486 = arith.addi %mul3A_386, %add3A_485 : i32
        %get3A_487 = arith.index_cast %add3A_486 : i32 to index
        %get3A_488 = arith.constant 48 : index
        %get3A_489 = tpu.vector_load %arg7[%get3A_487, %get3A_488] {strides = array<i32>} : memref<832x64xf32, #tpu.memory_space<vmem>>, vector<16xf32>,
        %add3A_490 = arith.addf %add3A_442, %get3A_489 : vector<16xf32>
        %add3A_491 = arith.constant 5 : i32
        %add3A_492 = arith.addi %mul3A_386, %add3A_491 : i32
        %get3A_493 = arith.index_cast %add3A_492 : i32 to index
        %get3A_494 = arith.constant 0 : index
        %get3A_495 = tpu.vector_load %arg7[%get3A_493, %get3A_494] {strides = array<i32>} : memref<832x64xf32, #tpu.memory_space<vmem>>, vector<16xf32>,
        %add3A_496 = arith.addf %add3A_448, %get3A_495 : vector<16xf32>
        %add3A_497 = arith.constant 5 : i32
        %add3A_498 = arith.addi %mul3A_386, %add3A_497 : i32
        %get3A_499 = arith.index_cast %add3A_498 : i32 to index
        %get3A_500 = arith.constant 16 : index
        %get3A_501 = tpu.vector_load %arg7[%get3A_499, %get3A_500] {strides = array<i32>} : memref<832x64xf32, #tpu.memory_space<vmem>>, vector<16xf32>,
        %add3A_502 = arith.addf %add3A_454, %get3A_501 : vector<16xf32>
        %add3A_503 = arith.constant 5 : i32
        %add3A_504 = arith.addi %mul3A_386, %add3A_503 : i32
        %get3A_505 = arith.index_cast %add3A_504 : i32 to index
        %get3A_506 = arith.constant 32 : index
        %get3A_507 = tpu.vector_load %arg7[%get3A_505, %get3A_506] {strides = array<i32>} : memref<832x64xf32, #tpu.memory_space<vmem>>, vector<16xf32>,
        %add3A_508 = arith.addf %add3A_460, %get3A_507 : vector<16xf32>
        %add3A_509 = arith.constant 5 : i32
        %add3A_510 = arith.addi %mul3A_386, %add3A_509 : i32
        %get3A_511 = arith.index_cast %add3A_510 : i32 to index
        %get3A_512 = arith.constant 48 : index
        %get3A_513 = tpu.vector_load %arg7[%get3A_511, %get3A_512] {strides = array<i32>} : memref<832x64xf32, #tpu.memory_space<vmem>>, vector<16xf32>,
        %add3A_514 = arith.addf %add3A_466, %get3A_513 : vector<16xf32>
        %add3A_515 = arith.constant 6 : i32
        %add3A_516 = arith.addi %mul3A_386, %add3A_515 : i32
        %get3A_517 = arith.index_cast %add3A_516 : i32 to index
        %get3A_518 = arith.constant 0 : index
        %get3A_519 = tpu.vector_load %arg7[%get3A_517, %get3A_518] {strides = array<i32>} : memref<832x64xf32, #tpu.memory_space<vmem>>, vector<16xf32>,
        %add3A_520 = arith.addf %add3A_472, %get3A_519 : vector<16xf32>
        %add3A_521 = arith.constant 6 : i32
        %add3A_522 = arith.addi %mul3A_386, %add3A_521 : i32
        %get3A_523 = arith.index_cast %add3A_522 : i32 to index
        %get3A_524 = arith.constant 16 : index
        %get3A_525 = tpu.vector_load %arg7[%get3A_523, %get3A_524] {strides = array<i32>} : memref<832x64xf32, #tpu.memory_space<vmem>>, vector<16xf32>,
        %add3A_526 = arith.addf %add3A_478, %get3A_525 : vector<16xf32>
        %add3A_527 = arith.constant 6 : i32
        %add3A_528 = arith.addi %mul3A_386, %add3A_527 : i32
        %get3A_529 = arith.index_cast %add3A_528 : i32 to index
        %get3A_530 = arith.constant 32 : index
        %get3A_531 = tpu.vector_load %arg7[%get3A_529, %get3A_530] {strides = array<i32>} : memref<832x64xf32, #tpu.memory_space<vmem>>, vector<16xf32>,
        %add3A_532 = arith.addf %add3A_484, %get3A_531 : vector<16xf32>
        %add3A_533 = arith.constant 6 : i32
        %add3A_534 = arith.addi %mul3A_386, %add3A_533 : i32
        %get3A_535 = arith.index_cast %add3A_534 : i32 to index
        %get3A_536 = arith.constant 48 : index
        %get3A_537 = tpu.vector_load %arg7[%get3A_535, %get3A_536] {strides = array<i32>} : memref<832x64xf32, #tpu.memory_space<vmem>>, vector<16xf32>,
        %add3A_538 = arith.addf %add3A_490, %get3A_537 : vector<16xf32>
        %add3A_539 = arith.constant 7 : i32
        %add3A_540 = arith.addi %mul3A_386, %add3A_539 : i32
        %get3A_541 = arith.index_cast %add3A_540 : i32 to index
        %get3A_542 = arith.constant 0 : index
        %get3A_543 = tpu.vector_load %arg7[%get3A_541, %get3A_542] {strides = array<i32>} : memref<832x64xf32, #tpu.memory_space<vmem>>, vector<16xf32>,
        %add3A_544 = arith.addf %add3A_496, %get3A_543 : vector<16xf32>
        %add3A_545 = arith.constant 7 : i32
        %add3A_546 = arith.addi %mul3A_386, %add3A_545 : i32
        %get3A_547 = arith.index_cast %add3A_546 : i32 to index
        %get3A_548 = arith.constant 16 : index
        %get3A_549 = tpu.vector_load %arg7[%get3A_547, %get3A_548] {strides = array<i32>} : memref<832x64xf32, #tpu.memory_space<vmem>>, vector<16xf32>,
        %add3A_550 = arith.addf %add3A_502, %get3A_549 : vector<16xf32>
        %add3A_551 = arith.constant 7 : i32
        %add3A_552 = arith.addi %mul3A_386, %add3A_551 : i32
        %get3A_553 = arith.index_cast %add3A_552 : i32 to index
        %get3A_554 = arith.constant 32 : index
        %get3A_555 = tpu.vector_load %arg7[%get3A_553, %get3A_554] {strides = array<i32>} : memref<832x64xf32, #tpu.memory_space<vmem>>, vector<16xf32>,
        %add3A_556 = arith.addf %add3A_508, %get3A_555 : vector<16xf32>
        %add3A_557 = arith.constant 7 : i32
        %add3A_558 = arith.addi %mul3A_386, %add3A_557 : i32
        %get3A_559 = arith.index_cast %add3A_558 : i32 to index
        %get3A_560 = arith.constant 48 : index
        %get3A_561 = tpu.vector_load %arg7[%get3A_559, %get3A_560] {strides = array<i32>} : memref<832x64xf32, #tpu.memory_space<vmem>>, vector<16xf32>,
        %add3A_562 = arith.addf %add3A_514, %get3A_561 : vector<16xf32>
        %add3A_563 = arith.constant 8 : i32
        %add3A_564 = arith.addi %mul3A_386, %add3A_563 : i32
        %get3A_565 = arith.index_cast %add3A_564 : i32 to index
        %get3A_566 = arith.constant 0 : index
        %get3A_567 = tpu.vector_load %arg7[%get3A_565, %get3A_566] {strides = array<i32>} : memref<832x64xf32, #tpu.memory_space<vmem>>, vector<16xf32>,
        %add3A_568 = arith.addf %add3A_520, %get3A_567 : vector<16xf32>
        %add3A_569 = arith.constant 8 : i32
        %add3A_570 = arith.addi %mul3A_386, %add3A_569 : i32
        %get3A_571 = arith.index_cast %add3A_570 : i32 to index
        %get3A_572 = arith.constant 16 : index
        %get3A_573 = tpu.vector_load %arg7[%get3A_571, %get3A_572] {strides = array<i32>} : memref<832x64xf32, #tpu.memory_space<vmem>>, vector<16xf32>,
        %add3A_574 = arith.addf %add3A_526, %get3A_573 : vector<16xf32>
        %add3A_575 = arith.constant 8 : i32
        %add3A_576 = arith.addi %mul3A_386, %add3A_575 : i32
        %get3A_577 = arith.index_cast %add3A_576 : i32 to index
        %get3A_578 = arith.constant 32 : index
        %get3A_579 = tpu.vector_load %arg7[%get3A_577, %get3A_578] {strides = array<i32>} : memref<832x64xf32, #tpu.memory_space<vmem>>, vector<16xf32>,
        %add3A_580 = arith.addf %add3A_532, %get3A_579 : vector<16xf32>
        %add3A_581 = arith.constant 8 : i32
        %add3A_582 = arith.addi %mul3A_386, %add3A_581 : i32
        %get3A_583 = arith.index_cast %add3A_582 : i32 to index
        %get3A_584 = arith.constant 48 : index
        %get3A_585 = tpu.vector_load %arg7[%get3A_583, %get3A_584] {strides = array<i32>} : memref<832x64xf32, #tpu.memory_space<vmem>>, vector<16xf32>,
        %add3A_586 = arith.addf %add3A_538, %get3A_585 : vector<16xf32>
        %add3A_587 = arith.constant 9 : i32
        %add3A_588 = arith.addi %mul3A_386, %add3A_587 : i32
        %get3A_589 = arith.index_cast %add3A_588 : i32 to index
        %get3A_590 = arith.constant 0 : index
        %get3A_591 = tpu.vector_load %arg7[%get3A_589, %get3A_590] {strides = array<i32>} : memref<832x64xf32, #tpu.memory_space<vmem>>, vector<16xf32>,
        %add3A_592 = arith.addf %add3A_544, %get3A_591 : vector<16xf32>
        %add3A_593 = arith.constant 9 : i32
        %add3A_594 = arith.addi %mul3A_386, %add3A_593 : i32
        %get3A_595 = arith.index_cast %add3A_594 : i32 to index
        %get3A_596 = arith.constant 16 : index
        %get3A_597 = tpu.vector_load %arg7[%get3A_595, %get3A_596] {strides = array<i32>} : memref<832x64xf32, #tpu.memory_space<vmem>>, vector<16xf32>,
        %add3A_598 = arith.addf %add3A_550, %get3A_597 : vector<16xf32>
        %add3A_599 = arith.constant 9 : i32
        %add3A_600 = arith.addi %mul3A_386, %add3A_599 : i32
        %get3A_601 = arith.index_cast %add3A_600 : i32 to index
        %get3A_602 = arith.constant 32 : index
        %get3A_603 = tpu.vector_load %arg7[%get3A_601, %get3A_602] {strides = array<i32>} : memref<832x64xf32, #tpu.memory_space<vmem>>, vector<16xf32>,
        %add3A_604 = arith.addf %add3A_556, %get3A_603 : vector<16xf32>
        %add3A_605 = arith.constant 9 : i32
        %add3A_606 = arith.addi %mul3A_386, %add3A_605 : i32
        %get3A_607 = arith.index_cast %add3A_606 : i32 to index
        %get3A_608 = arith.constant 48 : index
        %get3A_609 = tpu.vector_load %arg7[%get3A_607, %get3A_608] {strides = array<i32>} : memref<832x64xf32, #tpu.memory_space<vmem>>, vector<16xf32>,
        %add3A_610 = arith.addf %add3A_562, %get3A_609 : vector<16xf32>
        %add3A_611 = arith.constant 10 : i32
        %add3A_612 = arith.addi %mul3A_386, %add3A_611 : i32
        %get3A_613 = arith.index_cast %add3A_612 : i32 to index
        %get3A_614 = arith.constant 0 : index
        %get3A_615 = tpu.vector_load %arg7[%get3A_613, %get3A_614] {strides = array<i32>} : memref<832x64xf32, #tpu.memory_space<vmem>>, vector<16xf32>,
        %add3A_616 = arith.addf %add3A_568, %get3A_615 : vector<16xf32>
        %add3A_617 = arith.constant 10 : i32
        %add3A_618 = arith.addi %mul3A_386, %add3A_617 : i32
        %get3A_619 = arith.index_cast %add3A_618 : i32 to index
        %get3A_620 = arith.constant 16 : index
        %get3A_621 = tpu.vector_load %arg7[%get3A_619, %get3A_620] {strides = array<i32>} : memref<832x64xf32, #tpu.memory_space<vmem>>, vector<16xf32>,
        %add3A_622 = arith.addf %add3A_574, %get3A_621 : vector<16xf32>
        %add3A_623 = arith.constant 10 : i32
        %add3A_624 = arith.addi %mul3A_386, %add3A_623 : i32
        %get3A_625 = arith.index_cast %add3A_624 : i32 to index
        %get3A_626 = arith.constant 32 : index
        %get3A_627 = tpu.vector_load %arg7[%get3A_625, %get3A_626] {strides = array<i32>} : memref<832x64xf32, #tpu.memory_space<vmem>>, vector<16xf32>,
        %add3A_628 = arith.addf %add3A_580, %get3A_627 : vector<16xf32>
        %add3A_629 = arith.constant 10 : i32
        %add3A_630 = arith.addi %mul3A_386, %add3A_629 : i32
        %get3A_631 = arith.index_cast %add3A_630 : i32 to index
        %get3A_632 = arith.constant 48 : index
        %get3A_633 = tpu.vector_load %arg7[%get3A_631, %get3A_632] {strides = array<i32>} : memref<832x64xf32, #tpu.memory_space<vmem>>, vector<16xf32>,
        %add3A_634 = arith.addf %add3A_586, %get3A_633 : vector<16xf32>
        %add3A_635 = arith.constant 11 : i32
        %add3A_636 = arith.addi %mul3A_386, %add3A_635 : i32
        %get3A_637 = arith.index_cast %add3A_636 : i32 to index
        %get3A_638 = arith.constant 0 : index
        %get3A_639 = tpu.vector_load %arg7[%get3A_637, %get3A_638] {strides = array<i32>} : memref<832x64xf32, #tpu.memory_space<vmem>>, vector<16xf32>,
        %add3A_640 = arith.addf %add3A_592, %get3A_639 : vector<16xf32>
        %add3A_641 = arith.constant 11 : i32
        %add3A_642 = arith.addi %mul3A_386, %add3A_641 : i32
        %get3A_643 = arith.index_cast %add3A_642 : i32 to index
        %get3A_644 = arith.constant 16 : index
        %get3A_645 = tpu.vector_load %arg7[%get3A_643, %get3A_644] {strides = array<i32>} : memref<832x64xf32, #tpu.memory_space<vmem>>, vector<16xf32>,
        %add3A_646 = arith.addf %add3A_598, %get3A_645 : vector<16xf32>
        %add3A_647 = arith.constant 11 : i32
        %add3A_648 = arith.addi %mul3A_386, %add3A_647 : i32
        %get3A_649 = arith.index_cast %add3A_648 : i32 to index
        %get3A_650 = arith.constant 32 : index
        %get3A_651 = tpu.vector_load %arg7[%get3A_649, %get3A_650] {strides = array<i32>} : memref<832x64xf32, #tpu.memory_space<vmem>>, vector<16xf32>,
        %add3A_652 = arith.addf %add3A_604, %get3A_651 : vector<16xf32>
        %add3A_653 = arith.constant 11 : i32
        %add3A_654 = arith.addi %mul3A_386, %add3A_653 : i32
        %get3A_655 = arith.index_cast %add3A_654 : i32 to index
        %get3A_656 = arith.constant 48 : index
        %get3A_657 = tpu.vector_load %arg7[%get3A_655, %get3A_656] {strides = array<i32>} : memref<832x64xf32, #tpu.memory_space<vmem>>, vector<16xf32>,
        %add3A_658 = arith.addf %add3A_610, %get3A_657 : vector<16xf32>
        %add3A_659 = arith.constant 12 : i32
        %add3A_660 = arith.addi %mul3A_386, %add3A_659 : i32
        %get3A_661 = arith.index_cast %add3A_660 : i32 to index
        %get3A_662 = arith.constant 0 : index
        %get3A_663 = tpu.vector_load %arg7[%get3A_661, %get3A_662] {strides = array<i32>} : memref<832x64xf32, #tpu.memory_space<vmem>>, vector<16xf32>,
        %add3A_664 = arith.addf %add3A_616, %get3A_663 : vector<16xf32>
        %add3A_665 = arith.constant 12 : i32
        %add3A_666 = arith.addi %mul3A_386, %add3A_665 : i32
        %get3A_667 = arith.index_cast %add3A_666 : i32 to index
        %get3A_668 = arith.constant 16 : index
        %get3A_669 = tpu.vector_load %arg7[%get3A_667, %get3A_668] {strides = array<i32>} : memref<832x64xf32, #tpu.memory_space<vmem>>, vector<16xf32>,
        %add3A_670 = arith.addf %add3A_622, %get3A_669 : vector<16xf32>
        %add3A_671 = arith.constant 12 : i32
        %add3A_672 = arith.addi %mul3A_386, %add3A_671 : i32
        %get3A_673 = arith.index_cast %add3A_672 : i32 to index
        %get3A_674 = arith.constant 32 : index
        %get3A_675 = tpu.vector_load %arg7[%get3A_673, %get3A_674] {strides = array<i32>} : memref<832x64xf32, #tpu.memory_space<vmem>>, vector<16xf32>,
        %add3A_676 = arith.addf %add3A_628, %get3A_675 : vector<16xf32>
        %add3A_677 = arith.constant 12 : i32
        %add3A_678 = arith.addi %mul3A_386, %add3A_677 : i32
        %get3A_679 = arith.index_cast %add3A_678 : i32 to index
        %get3A_680 = arith.constant 48 : index
        %get3A_681 = tpu.vector_load %arg7[%get3A_679, %get3A_680] {strides = array<i32>} : memref<832x64xf32, #tpu.memory_space<vmem>>, vector<16xf32>,
        %add3A_682 = arith.addf %add3A_634, %get3A_681 : vector<16xf32>
        %add3A_683 = arith.constant 13 : i32
        %add3A_684 = arith.addi %mul3A_386, %add3A_683 : i32
        %get3A_685 = arith.index_cast %add3A_684 : i32 to index
        %get3A_686 = arith.constant 0 : index
        %get3A_687 = tpu.vector_load %arg7[%get3A_685, %get3A_686] {strides = array<i32>} : memref<832x64xf32, #tpu.memory_space<vmem>>, vector<16xf32>,
        %add3A_688 = arith.addf %add3A_640, %get3A_687 : vector<16xf32>
        %add3A_689 = arith.constant 13 : i32
        %add3A_690 = arith.addi %mul3A_386, %add3A_689 : i32
        %get3A_691 = arith.index_cast %add3A_690 : i32 to index
        %get3A_692 = arith.constant 16 : index
        %get3A_693 = tpu.vector_load %arg7[%get3A_691, %get3A_692] {strides = array<i32>} : memref<832x64xf32, #tpu.memory_space<vmem>>, vector<16xf32>,
        %add3A_694 = arith.addf %add3A_646, %get3A_693 : vector<16xf32>
        %add3A_695 = arith.constant 13 : i32
        %add3A_696 = arith.addi %mul3A_386, %add3A_695 : i32
        %get3A_697 = arith.index_cast %add3A_696 : i32 to index
        %get3A_698 = arith.constant 32 : index
        %get3A_699 = tpu.vector_load %arg7[%get3A_697, %get3A_698] {strides = array<i32>} : memref<832x64xf32, #tpu.memory_space<vmem>>, vector<16xf32>,
        %add3A_700 = arith.addf %add3A_652, %get3A_699 : vector<16xf32>
        %add3A_701 = arith.constant 13 : i32
        %add3A_702 = arith.addi %mul3A_386, %add3A_701 : i32
        %get3A_703 = arith.index_cast %add3A_702 : i32 to index
        %get3A_704 = arith.constant 48 : index
        %get3A_705 = tpu.vector_load %arg7[%get3A_703, %get3A_704] {strides = array<i32>} : memref<832x64xf32, #tpu.memory_space<vmem>>, vector<16xf32>,
        %add3A_706 = arith.addf %add3A_658, %get3A_705 : vector<16xf32>
        %add3A_707 = arith.constant 14 : i32
        %add3A_708 = arith.addi %mul3A_386, %add3A_707 : i32
        %get3A_709 = arith.index_cast %add3A_708 : i32 to index
        %get3A_710 = arith.constant 0 : index
        %get3A_711 = tpu.vector_load %arg7[%get3A_709, %get3A_710] {strides = array<i32>} : memref<832x64xf32, #tpu.memory_space<vmem>>, vector<16xf32>,
        %add3A_712 = arith.addf %add3A_664, %get3A_711 : vector<16xf32>
        %add3A_713 = arith.constant 14 : i32
        %add3A_714 = arith.addi %mul3A_386, %add3A_713 : i32
        %get3A_715 = arith.index_cast %add3A_714 : i32 to index
        %get3A_716 = arith.constant 16 : index
        %get3A_717 = tpu.vector_load %arg7[%get3A_715, %get3A_716] {strides = array<i32>} : memref<832x64xf32, #tpu.memory_space<vmem>>, vector<16xf32>,
        %add3A_718 = arith.addf %add3A_670, %get3A_717 : vector<16xf32>
        %add3A_719 = arith.constant 14 : i32
        %add3A_720 = arith.addi %mul3A_386, %add3A_719 : i32
        %get3A_721 = arith.index_cast %add3A_720 : i32 to index
        %get3A_722 = arith.constant 32 : index
        %get3A_723 = tpu.vector_load %arg7[%get3A_721, %get3A_722] {strides = array<i32>} : memref<832x64xf32, #tpu.memory_space<vmem>>, vector<16xf32>,
        %add3A_724 = arith.addf %add3A_676, %get3A_723 : vector<16xf32>
        %add3A_725 = arith.constant 14 : i32
        %add3A_726 = arith.addi %mul3A_386, %add3A_725 : i32
        %get3A_727 = arith.index_cast %add3A_726 : i32 to index
        %get3A_728 = arith.constant 48 : index
        %get3A_729 = tpu.vector_load %arg7[%get3A_727, %get3A_728] {strides = array<i32>} : memref<832x64xf32, #tpu.memory_space<vmem>>, vector<16xf32>,
        %add3A_730 = arith.addf %add3A_682, %get3A_729 : vector<16xf32>
        %add3A_731 = arith.constant 15 : i32
        %add3A_732 = arith.addi %mul3A_386, %add3A_731 : i32
        %get3A_733 = arith.index_cast %add3A_732 : i32 to index
        %get3A_734 = arith.constant 0 : index
        %get3A_735 = tpu.vector_load %arg7[%get3A_733, %get3A_734] {strides = array<i32>} : memref<832x64xf32, #tpu.memory_space<vmem>>, vector<16xf32>,
        %add3A_736 = arith.addf %add3A_688, %get3A_735 : vector<16xf32>
        %add3A_737 = arith.constant 15 : i32
        %add3A_738 = arith.addi %mul3A_386, %add3A_737 : i32
        %get3A_739 = arith.index_cast %add3A_738 : i32 to index
        %get3A_740 = arith.constant 16 : index
        %get3A_741 = tpu.vector_load %arg7[%get3A_739, %get3A_740] {strides = array<i32>} : memref<832x64xf32, #tpu.memory_space<vmem>>, vector<16xf32>,
        %add3A_742 = arith.addf %add3A_694, %get3A_741 : vector<16xf32>
        %add3A_743 = arith.constant 15 : i32
        %add3A_744 = arith.addi %mul3A_386, %add3A_743 : i32
        %get3A_745 = arith.index_cast %add3A_744 : i32 to index
        %get3A_746 = arith.constant 32 : index
        %get3A_747 = tpu.vector_load %arg7[%get3A_745, %get3A_746] {strides = array<i32>} : memref<832x64xf32, #tpu.memory_space<vmem>>, vector<16xf32>,
        %add3A_748 = arith.addf %add3A_700, %get3A_747 : vector<16xf32>
        %add3A_749 = arith.constant 15 : i32
        %add3A_750 = arith.addi %mul3A_386, %add3A_749 : i32
        %get3A_751 = arith.index_cast %add3A_750 : i32 to index
        %get3A_752 = arith.constant 48 : index
        %get3A_753 = tpu.vector_load %arg7[%get3A_751, %get3A_752] {strides = array<i32>} : memref<832x64xf32, #tpu.memory_space<vmem>>, vector<16xf32>,
        %add3A_754 = arith.addf %add3A_706, %get3A_753 : vector<16xf32>
        %add3A_755 = arith.constant 16 : i32
        %add3A_756 = arith.addi %mul3A_386, %add3A_755 : i32
        %get3A_757 = arith.index_cast %add3A_756 : i32 to index
        %get3A_758 = arith.constant 0 : index
        %get3A_759 = tpu.vector_load %arg7[%get3A_757, %get3A_758] {strides = array<i32>} : memref<832x64xf32, #tpu.memory_space<vmem>>, vector<16xf32>,
        %add3A_760 = arith.addf %add3A_712, %get3A_759 : vector<16xf32>
        %add3A_761 = arith.constant 16 : i32
        %add3A_762 = arith.addi %mul3A_386, %add3A_761 : i32
        %get3A_763 = arith.index_cast %add3A_762 : i32 to index
        %get3A_764 = arith.constant 16 : index
        %get3A_765 = tpu.vector_load %arg7[%get3A_763, %get3A_764] {strides = array<i32>} : memref<832x64xf32, #tpu.memory_space<vmem>>, vector<16xf32>,
        %add3A_766 = arith.addf %add3A_718, %get3A_765 : vector<16xf32>
        %add3A_767 = arith.constant 16 : i32
        %add3A_768 = arith.addi %mul3A_386, %add3A_767 : i32
        %get3A_769 = arith.index_cast %add3A_768 : i32 to index
        %get3A_770 = arith.constant 32 : index
        %get3A_771 = tpu.vector_load %arg7[%get3A_769, %get3A_770] {strides = array<i32>} : memref<832x64xf32, #tpu.memory_space<vmem>>, vector<16xf32>,
        %add3A_772 = arith.addf %add3A_724, %get3A_771 : vector<16xf32>
        %add3A_773 = arith.constant 16 : i32
        %add3A_774 = arith.addi %mul3A_386, %add3A_773 : i32
        %get3A_775 = arith.index_cast %add3A_774 : i32 to index
        %get3A_776 = arith.constant 48 : index
        %get3A_777 = tpu.vector_load %arg7[%get3A_775, %get3A_776] {strides = array<i32>} : memref<832x64xf32, #tpu.memory_space<vmem>>, vector<16xf32>,
        %add3A_778 = arith.addf %add3A_730, %get3A_777 : vector<16xf32>
        %add3A_779 = arith.constant 17 : i32
        %add3A_780 = arith.addi %mul3A_386, %add3A_779 : i32
        %get3A_781 = arith.index_cast %add3A_780 : i32 to index
        %get3A_782 = arith.constant 0 : index
        %get3A_783 = tpu.vector_load %arg7[%get3A_781, %get3A_782] {strides = array<i32>} : memref<832x64xf32, #tpu.memory_space<vmem>>, vector<16xf32>,
        %add3A_784 = arith.addf %add3A_736, %get3A_783 : vector<16xf32>
        %add3A_785 = arith.constant 17 : i32
        %add3A_786 = arith.addi %mul3A_386, %add3A_785 : i32
        %get3A_787 = arith.index_cast %add3A_786 : i32 to index
        %get3A_788 = arith.constant 16 : index
        %get3A_789 = tpu.vector_load %arg7[%get3A_787, %get3A_788] {strides = array<i32>} : memref<832x64xf32, #tpu.memory_space<vmem>>, vector<16xf32>,
        %add3A_790 = arith.addf %add3A_742, %get3A_789 : vector<16xf32>
        %add3A_791 = arith.constant 17 : i32
        %add3A_792 = arith.addi %mul3A_386, %add3A_791 : i32
        %get3A_793 = arith.index_cast %add3A_792 : i32 to index
        %get3A_794 = arith.constant 32 : index
        %get3A_795 = tpu.vector_load %arg7[%get3A_793, %get3A_794] {strides = array<i32>} : memref<832x64xf32, #tpu.memory_space<vmem>>, vector<16xf32>,
        %add3A_796 = arith.addf %add3A_748, %get3A_795 : vector<16xf32>
        %add3A_797 = arith.constant 17 : i32
        %add3A_798 = arith.addi %mul3A_386, %add3A_797 : i32
        %get3A_799 = arith.index_cast %add3A_798 : i32 to index
        %get3A_800 = arith.constant 48 : index
        %get3A_801 = tpu.vector_load %arg7[%get3A_799, %get3A_800] {strides = array<i32>} : memref<832x64xf32, #tpu.memory_space<vmem>>, vector<16xf32>,
        %add3A_802 = arith.addf %add3A_754, %get3A_801 : vector<16xf32>
        %add3A_803 = arith.constant 18 : i32
        %add3A_804 = arith.addi %mul3A_386, %add3A_803 : i32
        %get3A_805 = arith.index_cast %add3A_804 : i32 to index
        %get3A_806 = arith.constant 0 : index
        %get3A_807 = tpu.vector_load %arg7[%get3A_805, %get3A_806] {strides = array<i32>} : memref<832x64xf32, #tpu.memory_space<vmem>>, vector<16xf32>,
        %add3A_808 = arith.addf %add3A_760, %get3A_807 : vector<16xf32>
        %add3A_809 = arith.constant 18 : i32
        %add3A_810 = arith.addi %mul3A_386, %add3A_809 : i32
        %get3A_811 = arith.index_cast %add3A_810 : i32 to index
        %get3A_812 = arith.constant 16 : index
        %get3A_813 = tpu.vector_load %arg7[%get3A_811, %get3A_812] {strides = array<i32>} : memref<832x64xf32, #tpu.memory_space<vmem>>, vector<16xf32>,
        %add3A_814 = arith.addf %add3A_766, %get3A_813 : vector<16xf32>
        %add3A_815 = arith.constant 18 : i32
        %add3A_816 = arith.addi %mul3A_386, %add3A_815 : i32
        %get3A_817 = arith.index_cast %add3A_816 : i32 to index
        %get3A_818 = arith.constant 32 : index
        %get3A_819 = tpu.vector_load %arg7[%get3A_817, %get3A_818] {strides = array<i32>} : memref<832x64xf32, #tpu.memory_space<vmem>>, vector<16xf32>,
        %add3A_820 = arith.addf %add3A_772, %get3A_819 : vector<16xf32>
        %add3A_821 = arith.constant 18 : i32
        %add3A_822 = arith.addi %mul3A_386, %add3A_821 : i32
        %get3A_823 = arith.index_cast %add3A_822 : i32 to index
        %get3A_824 = arith.constant 48 : index
        %get3A_825 = tpu.vector_load %arg7[%get3A_823, %get3A_824] {strides = array<i32>} : memref<832x64xf32, #tpu.memory_space<vmem>>, vector<16xf32>,
        %add3A_826 = arith.addf %add3A_778, %get3A_825 : vector<16xf32>
        %add3A_827 = arith.constant 19 : i32
        %add3A_828 = arith.addi %mul3A_386, %add3A_827 : i32
        %get3A_829 = arith.index_cast %add3A_828 : i32 to index
        %get3A_830 = arith.constant 0 : index
        %get3A_831 = tpu.vector_load %arg7[%get3A_829, %get3A_830] {strides = array<i32>} : memref<832x64xf32, #tpu.memory_space<vmem>>, vector<16xf32>,
        %add3A_832 = arith.addf %add3A_784, %get3A_831 : vector<16xf32>
        %add3A_833 = arith.constant 19 : i32
        %add3A_834 = arith.addi %mul3A_386, %add3A_833 : i32
        %get3A_835 = arith.index_cast %add3A_834 : i32 to index
        %get3A_836 = arith.constant 16 : index
        %get3A_837 = tpu.vector_load %arg7[%get3A_835, %get3A_836] {strides = array<i32>} : memref<832x64xf32, #tpu.memory_space<vmem>>, vector<16xf32>,
        %add3A_838 = arith.addf %add3A_790, %get3A_837 : vector<16xf32>
        %add3A_839 = arith.constant 19 : i32
        %add3A_840 = arith.addi %mul3A_386, %add3A_839 : i32
        %get3A_841 = arith.index_cast %add3A_840 : i32 to index
        %get3A_842 = arith.constant 32 : index
        %get3A_843 = tpu.vector_load %arg7[%get3A_841, %get3A_842] {strides = array<i32>} : memref<832x64xf32, #tpu.memory_space<vmem>>, vector<16xf32>,
        %add3A_844 = arith.addf %add3A_796, %get3A_843 : vector<16xf32>
        %add3A_845 = arith.constant 19 : i32
        %add3A_846 = arith.addi %mul3A_386, %add3A_845 : i32
        %get3A_847 = arith.index_cast %add3A_846 : i32 to index
        %get3A_848 = arith.constant 48 : index
        %get3A_849 = tpu.vector_load %arg7[%get3A_847, %get3A_848] {strides = array<i32>} : memref<832x64xf32, #tpu.memory_space<vmem>>, vector<16xf32>,
        %add3A_850 = arith.addf %add3A_802, %get3A_849 : vector<16xf32>
        %add3A_851 = arith.constant 20 : i32
        %add3A_852 = arith.addi %mul3A_386, %add3A_851 : i32
        %get3A_853 = arith.index_cast %add3A_852 : i32 to index
        %get3A_854 = arith.constant 0 : index
        %get3A_855 = tpu.vector_load %arg7[%get3A_853, %get3A_854] {strides = array<i32>} : memref<832x64xf32, #tpu.memory_space<vmem>>, vector<16xf32>,
        %add3A_856 = arith.addf %add3A_808, %get3A_855 : vector<16xf32>
        %add3A_857 = arith.constant 20 : i32
        %add3A_858 = arith.addi %mul3A_386, %add3A_857 : i32
        %get3A_859 = arith.index_cast %add3A_858 : i32 to index
        %get3A_860 = arith.constant 16 : index
        %get3A_861 = tpu.vector_load %arg7[%get3A_859, %get3A_860] {strides = array<i32>} : memref<832x64xf32, #tpu.memory_space<vmem>>, vector<16xf32>,
        %add3A_862 = arith.addf %add3A_814, %get3A_861 : vector<16xf32>
        %add3A_863 = arith.constant 20 : i32
        %add3A_864 = arith.addi %mul3A_386, %add3A_863 : i32
        %get3A_865 = arith.index_cast %add3A_864 : i32 to index
        %get3A_866 = arith.constant 32 : index
        %get3A_867 = tpu.vector_load %arg7[%get3A_865, %get3A_866] {strides = array<i32>} : memref<832x64xf32, #tpu.memory_space<vmem>>, vector<16xf32>,
        %add3A_868 = arith.addf %add3A_820, %get3A_867 : vector<16xf32>
        %add3A_869 = arith.constant 20 : i32
        %add3A_870 = arith.addi %mul3A_386, %add3A_869 : i32
        %get3A_871 = arith.index_cast %add3A_870 : i32 to index
        %get3A_872 = arith.constant 48 : index
        %get3A_873 = tpu.vector_load %arg7[%get3A_871, %get3A_872] {strides = array<i32>} : memref<832x64xf32, #tpu.memory_space<vmem>>, vector<16xf32>,
        %add3A_874 = arith.addf %add3A_826, %get3A_873 : vector<16xf32>
        %add3A_875 = arith.constant 21 : i32
        %add3A_876 = arith.addi %mul3A_386, %add3A_875 : i32
        %get3A_877 = arith.index_cast %add3A_876 : i32 to index
        %get3A_878 = arith.constant 0 : index
        %get3A_879 = tpu.vector_load %arg7[%get3A_877, %get3A_878] {strides = array<i32>} : memref<832x64xf32, #tpu.memory_space<vmem>>, vector<16xf32>,
        %add3A_880 = arith.addf %add3A_832, %get3A_879 : vector<16xf32>
        %add3A_881 = arith.constant 21 : i32
        %add3A_882 = arith.addi %mul3A_386, %add3A_881 : i32
        %get3A_883 = arith.index_cast %add3A_882 : i32 to index
        %get3A_884 = arith.constant 16 : index
        %get3A_885 = tpu.vector_load %arg7[%get3A_883, %get3A_884] {strides = array<i32>} : memref<832x64xf32, #tpu.memory_space<vmem>>, vector<16xf32>,
        %add3A_886 = arith.addf %add3A_838, %get3A_885 : vector<16xf32>
        %add3A_887 = arith.constant 21 : i32
        %add3A_888 = arith.addi %mul3A_386, %add3A_887 : i32
        %get3A_889 = arith.index_cast %add3A_888 : i32 to index
        %get3A_890 = arith.constant 32 : index
        %get3A_891 = tpu.vector_load %arg7[%get3A_889, %get3A_890] {strides = array<i32>} : memref<832x64xf32, #tpu.memory_space<vmem>>, vector<16xf32>,
        %add3A_892 = arith.addf %add3A_844, %get3A_891 : vector<16xf32>
        %add3A_893 = arith.constant 21 : i32
        %add3A_894 = arith.addi %mul3A_386, %add3A_893 : i32
        %get3A_895 = arith.index_cast %add3A_894 : i32 to index
        %get3A_896 = arith.constant 48 : index
        %get3A_897 = tpu.vector_load %arg7[%get3A_895, %get3A_896] {strides = array<i32>} : memref<832x64xf32, #tpu.memory_space<vmem>>, vector<16xf32>,
        %add3A_898 = arith.addf %add3A_850, %get3A_897 : vector<16xf32>
        %add3A_899 = arith.constant 22 : i32
        %add3A_900 = arith.addi %mul3A_386, %add3A_899 : i32
        %get3A_901 = arith.index_cast %add3A_900 : i32 to index
        %get3A_902 = arith.constant 0 : index
        %get3A_903 = tpu.vector_load %arg7[%get3A_901, %get3A_902] {strides = array<i32>} : memref<832x64xf32, #tpu.memory_space<vmem>>, vector<16xf32>,
        %add3A_904 = arith.addf %add3A_856, %get3A_903 : vector<16xf32>
        %add3A_905 = arith.constant 22 : i32
        %add3A_906 = arith.addi %mul3A_386, %add3A_905 : i32
        %get3A_907 = arith.index_cast %add3A_906 : i32 to index
        %get3A_908 = arith.constant 16 : index
        %get3A_909 = tpu.vector_load %arg7[%get3A_907, %get3A_908] {strides = array<i32>} : memref<832x64xf32, #tpu.memory_space<vmem>>, vector<16xf32>,
        %add3A_910 = arith.addf %add3A_862, %get3A_909 : vector<16xf32>
        %add3A_911 = arith.constant 22 : i32
        %add3A_912 = arith.addi %mul3A_386, %add3A_911 : i32
        %get3A_913 = arith.index_cast %add3A_912 : i32 to index
        %get3A_914 = arith.constant 32 : index
        %get3A_915 = tpu.vector_load %arg7[%get3A_913, %get3A_914] {strides = array<i32>} : memref<832x64xf32, #tpu.memory_space<vmem>>, vector<16xf32>,
        %add3A_916 = arith.addf %add3A_868, %get3A_915 : vector<16xf32>
        %add3A_917 = arith.constant 22 : i32
        %add3A_918 = arith.addi %mul3A_386, %add3A_917 : i32
        %get3A_919 = arith.index_cast %add3A_918 : i32 to index
        %get3A_920 = arith.constant 48 : index
        %get3A_921 = tpu.vector_load %arg7[%get3A_919, %get3A_920] {strides = array<i32>} : memref<832x64xf32, #tpu.memory_space<vmem>>, vector<16xf32>,
        %add3A_922 = arith.addf %add3A_874, %get3A_921 : vector<16xf32>
        %add3A_923 = arith.constant 23 : i32
        %add3A_924 = arith.addi %mul3A_386, %add3A_923 : i32
        %get3A_925 = arith.index_cast %add3A_924 : i32 to index
        %get3A_926 = arith.constant 0 : index
        %get3A_927 = tpu.vector_load %arg7[%get3A_925, %get3A_926] {strides = array<i32>} : memref<832x64xf32, #tpu.memory_space<vmem>>, vector<16xf32>,
        %add3A_928 = arith.addf %add3A_880, %get3A_927 : vector<16xf32>
        %add3A_929 = arith.constant 23 : i32
        %add3A_930 = arith.addi %mul3A_386, %add3A_929 : i32
        %get3A_931 = arith.index_cast %add3A_930 : i32 to index
        %get3A_932 = arith.constant 16 : index
        %get3A_933 = tpu.vector_load %arg7[%get3A_931, %get3A_932] {strides = array<i32>} : memref<832x64xf32, #tpu.memory_space<vmem>>, vector<16xf32>,
        %add3A_934 = arith.addf %add3A_886, %get3A_933 : vector<16xf32>
        %add3A_935 = arith.constant 23 : i32
        %add3A_936 = arith.addi %mul3A_386, %add3A_935 : i32
        %get3A_937 = arith.index_cast %add3A_936 : i32 to index
        %get3A_938 = arith.constant 32 : index
        %get3A_939 = tpu.vector_load %arg7[%get3A_937, %get3A_938] {strides = array<i32>} : memref<832x64xf32, #tpu.memory_space<vmem>>, vector<16xf32>,
        %add3A_940 = arith.addf %add3A_892, %get3A_939 : vector<16xf32>
        %add3A_941 = arith.constant 23 : i32
        %add3A_942 = arith.addi %mul3A_386, %add3A_941 : i32
        %get3A_943 = arith.index_cast %add3A_942 : i32 to index
        %get3A_944 = arith.constant 48 : index
        %get3A_945 = tpu.vector_load %arg7[%get3A_943, %get3A_944] {strides = array<i32>} : memref<832x64xf32, #tpu.memory_space<vmem>>, vector<16xf32>,
        %add3A_946 = arith.addf %add3A_898, %get3A_945 : vector<16xf32>
        %add3A_947 = arith.constant 24 : i32
        %add3A_948 = arith.addi %mul3A_386, %add3A_947 : i32
        %get3A_949 = arith.index_cast %add3A_948 : i32 to index
        %get3A_950 = arith.constant 0 : index
        %get3A_951 = tpu.vector_load %arg7[%get3A_949, %get3A_950] {strides = array<i32>} : memref<832x64xf32, #tpu.memory_space<vmem>>, vector<16xf32>,
        %add3A_952 = arith.addf %add3A_904, %get3A_951 : vector<16xf32>
        %add3A_953 = arith.constant 24 : i32
        %add3A_954 = arith.addi %mul3A_386, %add3A_953 : i32
        %get3A_955 = arith.index_cast %add3A_954 : i32 to index
        %get3A_956 = arith.constant 16 : index
        %get3A_957 = tpu.vector_load %arg7[%get3A_955, %get3A_956] {strides = array<i32>} : memref<832x64xf32, #tpu.memory_space<vmem>>, vector<16xf32>,
        %add3A_958 = arith.addf %add3A_910, %get3A_957 : vector<16xf32>
        %add3A_959 = arith.constant 24 : i32
        %add3A_960 = arith.addi %mul3A_386, %add3A_959 : i32
        %get3A_961 = arith.index_cast %add3A_960 : i32 to index
        %get3A_962 = arith.constant 32 : index
        %get3A_963 = tpu.vector_load %arg7[%get3A_961, %get3A_962] {strides = array<i32>} : memref<832x64xf32, #tpu.memory_space<vmem>>, vector<16xf32>,
        %add3A_964 = arith.addf %add3A_916, %get3A_963 : vector<16xf32>
        %add3A_965 = arith.constant 24 : i32
        %add3A_966 = arith.addi %mul3A_386, %add3A_965 : i32
        %get3A_967 = arith.index_cast %add3A_966 : i32 to index
        %get3A_968 = arith.constant 48 : index
        %get3A_969 = tpu.vector_load %arg7[%get3A_967, %get3A_968] {strides = array<i32>} : memref<832x64xf32, #tpu.memory_space<vmem>>, vector<16xf32>,
        %add3A_970 = arith.addf %add3A_922, %get3A_969 : vector<16xf32>
        %add3A_971 = arith.constant 25 : i32
        %add3A_972 = arith.addi %mul3A_386, %add3A_971 : i32
        %get3A_973 = arith.index_cast %add3A_972 : i32 to index
        %get3A_974 = arith.constant 0 : index
        %get3A_975 = tpu.vector_load %arg7[%get3A_973, %get3A_974] {strides = array<i32>} : memref<832x64xf32, #tpu.memory_space<vmem>>, vector<16xf32>,
        %add3A_976 = arith.addf %add3A_928, %get3A_975 : vector<16xf32>
        %add3A_977 = arith.constant 25 : i32
        %add3A_978 = arith.addi %mul3A_386, %add3A_977 : i32
        %get3A_979 = arith.index_cast %add3A_978 : i32 to index
        %get3A_980 = arith.constant 16 : index
        %get3A_981 = tpu.vector_load %arg7[%get3A_979, %get3A_980] {strides = array<i32>} : memref<832x64xf32, #tpu.memory_space<vmem>>, vector<16xf32>,
        %add3A_982 = arith.addf %add3A_934, %get3A_981 : vector<16xf32>
        %add3A_983 = arith.constant 25 : i32
        %add3A_984 = arith.addi %mul3A_386, %add3A_983 : i32
        %get3A_985 = arith.index_cast %add3A_984 : i32 to index
        %get3A_986 = arith.constant 32 : index
        %get3A_987 = tpu.vector_load %arg7[%get3A_985, %get3A_986] {strides = array<i32>} : memref<832x64xf32, #tpu.memory_space<vmem>>, vector<16xf32>,
        %add3A_988 = arith.addf %add3A_940, %get3A_987 : vector<16xf32>
        %add3A_989 = arith.constant 25 : i32
        %add3A_990 = arith.addi %mul3A_386, %add3A_989 : i32
        %get3A_991 = arith.index_cast %add3A_990 : i32 to index
        %get3A_992 = arith.constant 48 : index
        %get3A_993 = tpu.vector_load %arg7[%get3A_991, %get3A_992] {strides = array<i32>} : memref<832x64xf32, #tpu.memory_space<vmem>>, vector<16xf32>,
        %add3A_994 = arith.addf %add3A_946, %get3A_993 : vector<16xf32>
        %add3A_995 = arith.addf %add3A_952, %add3A_976 : vector<16xf32>
        %add3A_996 = arith.addf %add3A_958, %add3A_982 : vector<16xf32>
        %add3A_997 = arith.addf %add3A_964, %add3A_988 : vector<16xf32>
        %add3A_998 = arith.addf %add3A_970, %add3A_994 : vector<16xf32>
        %get3A_999 = arith.index_cast %mul3A_386 : i32 to index
        %get3A_1000 = tpu.vector_load %arg5[%get3A_999] {strides = array<i32>} : memref<832xi32, #tpu.memory_space<vmem>>, vector<16xi32>,
        %add3A_1001 = arith.constant 26 : i32
        %add3A_1002 = arith.addi %mul3A_386, %add3A_1001 : i32
        %sub3A_1003 = arith.constant 16 : i32
        %sub3A_1004 = arith.subi %add3A_1002, %sub3A_1003 : i32
        %get3A_1005 = arith.index_cast %sub3A_1004 : i32 to index
        %get3A_1006 = tpu.vector_load %arg5[%get3A_1005] {strides = array<i32>} : memref<832xi32, #tpu.memory_space<vmem>>, vector<16xi32>,
        %min3A_1007 = arith.constant 1 : i32
        %min3A_1008 = vector.broadcast %min3A_1007 : i32 to vector<16xi32>
        %min3A_1009 = arith.minsi %get3A_1000, %min3A_1008 : vector<16xi32>
        %sub3A_1010 = arith.constant 1 : i32
        %sub3A_1011 = vector.broadcast %sub3A_1010 : i32 to vector<16xi32>
        %sub3A_1012 = arith.subi %sub3A_1011, %min3A_1009 : vector<16xi32>
        %min3A_1013 = arith.constant 1 : i32
        %min3A_1014 = vector.broadcast %min3A_1013 : i32 to vector<16xi32>
        %min3A_1015 = arith.minsi %get3A_1006, %min3A_1014 : vector<16xi32>
        %sub3A_1016 = arith.constant 1 : i32
        %sub3A_1017 = vector.broadcast %sub3A_1016 : i32 to vector<16xi32>
        %sub3A_1018 = arith.subi %sub3A_1017, %min3A_1015 : vector<16xi32>
        %mul3A_1019 = arith.muli %sub3A_1018, %min3A_23 : vector<16xi32>
        %add3A_1020 = arith.addi %sub3A_1012, %mul3A_1019 : vector<16xi32>
        %reduce_sum3A = arith.constant true
        %reduce_sum3A_1021 = vector.broadcast %reduce_sum3A : i1 to vector<16xi1>
        %reduce_sum3A_1022 = tpu.scan <sum>, %add3A_1020 masked %reduce_sum3A_1021 : vector<16xi32>, vector<16xi1> -> vector<16xi32>
        %reduce_sum3A_1023 = vector.extract %reduce_sum3A_1022[15] : i32 from vector<16xi32>
        %broadcast_in_dim3A = vector.broadcast %reduce_sum3A_1023 : i32 to vector<16xi32>
        %convert_element_type3A = arith.sitofp %broadcast_in_dim3A : vector<16xi32> to vector<16xf32>
        %sub3A_1024 = arith.constant 2.600000e+01 : f32
        %sub3A_1025 = vector.broadcast %sub3A_1024 : f32 to vector<16xf32>
        %sub3A_1026 = arith.subf %sub3A_1025, %convert_element_type3A : vector<16xf32>
        %add3A_1027 = arith.constant 9.99999993E-9 : f32
        %add3A_1028 = vector.broadcast %add3A_1027 : f32 to vector<16xf32>
        %add3A_1029 = arith.addf %sub3A_1026, %add3A_1028 : vector<16xf32>
        %div3A = arith.constant 1.000000e+00 : f32
        %div3A_1030 = vector.broadcast %div3A : f32 to vector<16xf32>
        %div3A_1031 = arith.divf %div3A_1030, %add3A_1029 : vector<16xf32>
        %mul3A_1032 = arith.mulf %convert_element_type3A, %get3A_5 : vector<16xf32>
        %sub3A_1033 = arith.subf %add3A_995, %mul3A_1032 : vector<16xf32>
        %mul3A_1034 = arith.mulf %sub3A_1033, %div3A_1031 : vector<16xf32>
        %swap3A = arith.index_cast %scan3A_384 : i32 to index
        %swap3A_1035 = arith.constant 0 : index
        %swap3A_1036 = tpu.vector_load %arg10[%swap3A, %swap3A_1035] {strides = array<i32>} : memref<32x64xf32, #tpu.memory_space<vmem>>, vector<16xf32>,
        tpu.vector_store %arg10[%swap3A, %swap3A_1035], %mul3A_1034 {strides = array<i32>} : memref<32x64xf32, #tpu.memory_space<vmem>>, vector<16xf32>,
        %mul3A_1037 = arith.mulf %convert_element_type3A, %get3A_9 : vector<16xf32>
        %sub3A_1038 = arith.subf %add3A_996, %mul3A_1037 : vector<16xf32>
        %mul3A_1039 = arith.mulf %sub3A_1038, %div3A_1031 : vector<16xf32>
        %swap3A_1040 = arith.index_cast %scan3A_384 : i32 to index
        %swap3A_1041 = arith.constant 16 : index
        %swap3A_1042 = tpu.vector_load %arg10[%swap3A_1040, %swap3A_1041] {strides = array<i32>} : memref<32x64xf32, #tpu.memory_space<vmem>>, vector<16xf32>,
        tpu.vector_store %arg10[%swap3A_1040, %swap3A_1041], %mul3A_1039 {strides = array<i32>} : memref<32x64xf32, #tpu.memory_space<vmem>>, vector<16xf32>,
        %mul3A_1043 = arith.mulf %convert_element_type3A, %get3A_13 : vector<16xf32>
        %sub3A_1044 = arith.subf %add3A_997, %mul3A_1043 : vector<16xf32>
        %mul3A_1045 = arith.mulf %sub3A_1044, %div3A_1031 : vector<16xf32>
        %swap3A_1046 = arith.index_cast %scan3A_384 : i32 to index
        %swap3A_1047 = arith.constant 32 : index
        %swap3A_1048 = tpu.vector_load %arg10[%swap3A_1046, %swap3A_1047] {strides = array<i32>} : memref<32x64xf32, #tpu.memory_space<vmem>>, vector<16xf32>,
        tpu.vector_store %arg10[%swap3A_1046, %swap3A_1047], %mul3A_1045 {strides = array<i32>} : memref<32x64xf32, #tpu.memory_space<vmem>>, vector<16xf32>,
        %mul3A_1049 = arith.mulf %convert_element_type3A, %get3A_17 : vector<16xf32>
        %sub3A_1050 = arith.subf %add3A_998, %mul3A_1049 : vector<16xf32>
        %mul3A_1051 = arith.mulf %sub3A_1050, %div3A_1031 : vector<16xf32>
        %swap3A_1052 = arith.index_cast %scan3A_384 : i32 to index
        %swap3A_1053 = arith.constant 48 : index
        %swap3A_1054 = tpu.vector_load %arg10[%swap3A_1052, %swap3A_1053] {strides = array<i32>} : memref<32x64xf32, #tpu.memory_space<vmem>>, vector<16xf32>,
        tpu.vector_store %arg10[%swap3A_1052, %swap3A_1053], %mul3A_1051 {strides = array<i32>} : memref<32x64xf32, #tpu.memory_space<vmem>>, vector<16xf32>,
      }
      %scan3A_277 = arith.constant 32 : i32
      %mul3A_278 = arith.constant 32 : i32
      %mul3A_279 = arith.muli %mul3A_197, %mul3A_278 : i32
      %add3A_280 = arith.addi %mul3A_2, %mul3A_279 : i32
      "tpu.region"() ({
        %run_scoped3A = tpu.sem_alloc : memref<!tpu.dma_semaphore, #tpu.memory_space<semaphore_mem>>
        %dma_start3A_384 = arith.constant 0 : i32
        %dma_start3A_385 = tpu.memref_slice %arg4[%add3A_280, %dma_start3A_384] : memref<16384x64xf32, #tpu.memory_space<hbm>> -> memref<32x64xf32, #tpu.memory_space<hbm>>
        %dma_start3A_386 = arith.constant 0 : i32
        %dma_start3A_387 = tpu.memref_slice %arg4[%add3A_280, %dma_start3A_386] : memref<16384x64xf32, #tpu.memory_space<hbm>> -> memref<32x64xf32, #tpu.memory_space<hbm>>
        tpu.enqueue_dma source(%arg10 : memref<32x64xf32, #tpu.memory_space<vmem>>) target(%dma_start3A_387 : memref<32x64xf32, #tpu.memory_space<hbm>>) target_semaphore(%run_scoped3A : memref<!tpu.dma_semaphore, #tpu.memory_space<semaphore_mem>>)
        %dma_wait3A_388 = arith.constant 0 : i32
        %dma_wait3A_389 = tpu.memref_slice %arg4[%add3A_280, %dma_wait3A_388] : memref<16384x64xf32, #tpu.memory_space<hbm>> -> memref<32x64xf32, #tpu.memory_space<hbm>>
        %dma_wait3A_390 = arith.constant 0 : i32
        %dma_wait3A_391 = tpu.memref_slice %arg4[%add3A_280, %dma_wait3A_390] : memref<16384x64xf32, #tpu.memory_space<hbm>> -> memref<32x64xf32, #tpu.memory_space<hbm>>
        tpu.wait_dma2 semaphore(%run_scoped3A : memref<!tpu.dma_semaphore, #tpu.memory_space<semaphore_mem>>) src(%arg10 : memref<32x64xf32, #tpu.memory_space<vmem>>) dst(%dma_wait3A_391 : memref<32x64xf32, #tpu.memory_space<hbm>>)
        tpu.yield
      }) : () -> ()
      %add3A_281 = arith.constant 2 : i32
      %add3A_282 = arith.addi %mul3A_197, %add3A_281 : i32
      %mul3A_283 = arith.constant 32 : i32
      %mul3A_284 = arith.muli %add3A_282, %mul3A_283 : i32
      %add3A_285 = arith.addi %mul3A_2, %mul3A_284 : i32
      %mul3A_286 = arith.constant 26 : i32
      %mul3A_287 = arith.muli %add3A_285, %mul3A_286 : i32
      %dma_start3A_288 = tpu.memref_slice %arg2[%mul3A_287] : memref<425984xi32, #tpu.memory_space<hbm>> -> memref<832xi32, #tpu.memory_space<hbm>>
      %dma_start3A_289 = tpu.memref_slice %arg2[%mul3A_287] : memref<425984xi32, #tpu.memory_space<hbm>> -> memref<832xi32, #tpu.memory_space<hbm>>
      tpu.enqueue_dma source(%dma_start3A_289 : memref<832xi32, #tpu.memory_space<hbm>>) target(%arg5 : memref<832xi32, #tpu.memory_space<vmem>>) target_semaphore(%arg13 : memref<!tpu.dma_semaphore, #tpu.memory_space<semaphore_mem>>)
      %dma_wait3A_290 = arith.constant 0 : i32
      %dma_wait3A_291 = tpu.memref_slice %arg2[%dma_wait3A_290] : memref<425984xi32, #tpu.memory_space<hbm>> -> memref<832xi32, #tpu.memory_space<hbm>>
      %dma_wait3A_292 = arith.constant 0 : i32
      %dma_wait3A_293 = tpu.memref_slice %arg2[%dma_wait3A_292] : memref<425984xi32, #tpu.memory_space<hbm>> -> memref<832xi32, #tpu.memory_space<hbm>>
      tpu.wait_dma2 semaphore(%arg13 : memref<!tpu.dma_semaphore, #tpu.memory_space<semaphore_mem>>) src(%dma_wait3A_293 : memref<832xi32, #tpu.memory_space<hbm>>) dst(%arg5 : memref<832xi32, #tpu.memory_space<vmem>>)
      %dma_start3A_294 = arith.constant 0 : i32
      %dma_start3A_295 = arith.constant 0 : i32
      %dma_start3A_296 = tpu.memref_slice %arg7[%dma_start3A_294, %dma_start3A_295] : memref<832x64xf32, #tpu.memory_space<vmem>> -> memref<104x64xf32, #tpu.memory_space<vmem>>
      %dma_start3A_297 = arith.constant 0 : i32
      %dma_start3A_298 = tpu.memref_slice %arg5[%dma_start3A_297] : memref<832xi32, #tpu.memory_space<vmem>> -> memref<104xi32, #tpu.memory_space<vmem>>
      %dma_start3A_299 = arith.constant 0 : i32
      %dma_start3A_300 = arith.constant 0 : i32
      %dma_start3A_301 = tpu.memref_slice %arg3[%dma_start3A_299, %dma_start3A_300] : memref<1000000x64xf32, #tpu.memory_space<hbm>> -> memref<1000000x64xf32, #tpu.memory_space<hbm>>
      tpu.enqueue_indirect_dma source(%dma_start3A_301 : memref<1000000x64xf32, #tpu.memory_space<hbm>>) target(%dma_start3A_296 : memref<104x64xf32, #tpu.memory_space<vmem>>) offsets(%dma_start3A_298 : memref<104xi32, #tpu.memory_space<vmem>>) semaphore(%arg11 : memref<!tpu.dma_semaphore, #tpu.memory_space<semaphore_mem>>)
      %dma_start3A_302 = arith.constant 104 : i32
      %dma_start3A_303 = arith.constant 0 : i32
      %dma_start3A_304 = tpu.memref_slice %arg7[%dma_start3A_302, %dma_start3A_303] : memref<832x64xf32, #tpu.memory_space<vmem>> -> memref<104x64xf32, #tpu.memory_space<vmem>>
      %dma_start3A_305 = arith.constant 104 : i32
      %dma_start3A_306 = tpu.memref_slice %arg5[%dma_start3A_305] : memref<832xi32, #tpu.memory_space<vmem>> -> memref<104xi32, #tpu.memory_space<vmem>>
      %dma_start3A_307 = arith.constant 0 : i32
      %dma_start3A_308 = arith.constant 0 : i32
      %dma_start3A_309 = tpu.memref_slice %arg3[%dma_start3A_307, %dma_start3A_308] : memref<1000000x64xf32, #tpu.memory_space<hbm>> -> memref<1000000x64xf32, #tpu.memory_space<hbm>>
      tpu.enqueue_indirect_dma source(%dma_start3A_309 : memref<1000000x64xf32, #tpu.memory_space<hbm>>) target(%dma_start3A_304 : memref<104x64xf32, #tpu.memory_space<vmem>>) offsets(%dma_start3A_306 : memref<104xi32, #tpu.memory_space<vmem>>) semaphore(%arg11 : memref<!tpu.dma_semaphore, #tpu.memory_space<semaphore_mem>>)
      %dma_start3A_310 = arith.constant 208 : i32
      %dma_start3A_311 = arith.constant 0 : i32
      %dma_start3A_312 = tpu.memref_slice %arg7[%dma_start3A_310, %dma_start3A_311] : memref<832x64xf32, #tpu.memory_space<vmem>> -> memref<104x64xf32, #tpu.memory_space<vmem>>
      %dma_start3A_313 = arith.constant 208 : i32
      %dma_start3A_314 = tpu.memref_slice %arg5[%dma_start3A_313] : memref<832xi32, #tpu.memory_space<vmem>> -> memref<104xi32, #tpu.memory_space<vmem>>
      %dma_start3A_315 = arith.constant 0 : i32
      %dma_start3A_316 = arith.constant 0 : i32
      %dma_start3A_317 = tpu.memref_slice %arg3[%dma_start3A_315, %dma_start3A_316] : memref<1000000x64xf32, #tpu.memory_space<hbm>> -> memref<1000000x64xf32, #tpu.memory_space<hbm>>
      tpu.enqueue_indirect_dma source(%dma_start3A_317 : memref<1000000x64xf32, #tpu.memory_space<hbm>>) target(%dma_start3A_312 : memref<104x64xf32, #tpu.memory_space<vmem>>) offsets(%dma_start3A_314 : memref<104xi32, #tpu.memory_space<vmem>>) semaphore(%arg11 : memref<!tpu.dma_semaphore, #tpu.memory_space<semaphore_mem>>)
      %dma_start3A_318 = arith.constant 312 : i32
      %dma_start3A_319 = arith.constant 0 : i32
      %dma_start3A_320 = tpu.memref_slice %arg7[%dma_start3A_318, %dma_start3A_319] : memref<832x64xf32, #tpu.memory_space<vmem>> -> memref<104x64xf32, #tpu.memory_space<vmem>>
      %dma_start3A_321 = arith.constant 312 : i32
      %dma_start3A_322 = tpu.memref_slice %arg5[%dma_start3A_321] : memref<832xi32, #tpu.memory_space<vmem>> -> memref<104xi32, #tpu.memory_space<vmem>>
      %dma_start3A_323 = arith.constant 0 : i32
      %dma_start3A_324 = arith.constant 0 : i32
      %dma_start3A_325 = tpu.memref_slice %arg3[%dma_start3A_323, %dma_start3A_324] : memref<1000000x64xf32, #tpu.memory_space<hbm>> -> memref<1000000x64xf32, #tpu.memory_space<hbm>>
      tpu.enqueue_indirect_dma source(%dma_start3A_325 : memref<1000000x64xf32, #tpu.memory_space<hbm>>) target(%dma_start3A_320 : memref<104x64xf32, #tpu.memory_space<vmem>>) offsets(%dma_start3A_322 : memref<104xi32, #tpu.memory_space<vmem>>) semaphore(%arg11 : memref<!tpu.dma_semaphore, #tpu.memory_space<semaphore_mem>>)
      %dma_start3A_326 = arith.constant 416 : i32
      %dma_start3A_327 = arith.constant 0 : i32
      %dma_start3A_328 = tpu.memref_slice %arg7[%dma_start3A_326, %dma_start3A_327] : memref<832x64xf32, #tpu.memory_space<vmem>> -> memref<104x64xf32, #tpu.memory_space<vmem>>
      %dma_start3A_329 = arith.constant 416 : i32
      %dma_start3A_330 = tpu.memref_slice %arg5[%dma_start3A_329] : memref<832xi32, #tpu.memory_space<vmem>> -> memref<104xi32, #tpu.memory_space<vmem>>
      %dma_start3A_331 = arith.constant 0 : i32
      %dma_start3A_332 = arith.constant 0 : i32
      %dma_start3A_333 = tpu.memref_slice %arg3[%dma_start3A_331, %dma_start3A_332] : memref<1000000x64xf32, #tpu.memory_space<hbm>> -> memref<1000000x64xf32, #tpu.memory_space<hbm>>
      tpu.enqueue_indirect_dma source(%dma_start3A_333 : memref<1000000x64xf32, #tpu.memory_space<hbm>>) target(%dma_start3A_328 : memref<104x64xf32, #tpu.memory_space<vmem>>) offsets(%dma_start3A_330 : memref<104xi32, #tpu.memory_space<vmem>>) semaphore(%arg11 : memref<!tpu.dma_semaphore, #tpu.memory_space<semaphore_mem>>)
      %dma_start3A_334 = arith.constant 520 : i32
      %dma_start3A_335 = arith.constant 0 : i32
      %dma_start3A_336 = tpu.memref_slice %arg7[%dma_start3A_334, %dma_start3A_335] : memref<832x64xf32, #tpu.memory_space<vmem>> -> memref<104x64xf32, #tpu.memory_space<vmem>>
      %dma_start3A_337 = arith.constant 520 : i32
      %dma_start3A_338 = tpu.memref_slice %arg5[%dma_start3A_337] : memref<832xi32, #tpu.memory_space<vmem>> -> memref<104xi32, #tpu.memory_space<vmem>>
      %dma_start3A_339 = arith.constant 0 : i32
      %dma_start3A_340 = arith.constant 0 : i32
      %dma_start3A_341 = tpu.memref_slice %arg3[%dma_start3A_339, %dma_start3A_340] : memref<1000000x64xf32, #tpu.memory_space<hbm>> -> memref<1000000x64xf32, #tpu.memory_space<hbm>>
      tpu.enqueue_indirect_dma source(%dma_start3A_341 : memref<1000000x64xf32, #tpu.memory_space<hbm>>) target(%dma_start3A_336 : memref<104x64xf32, #tpu.memory_space<vmem>>) offsets(%dma_start3A_338 : memref<104xi32, #tpu.memory_space<vmem>>) semaphore(%arg11 : memref<!tpu.dma_semaphore, #tpu.memory_space<semaphore_mem>>)
      %dma_start3A_342 = arith.constant 624 : i32
      %dma_start3A_343 = arith.constant 0 : i32
      %dma_start3A_344 = tpu.memref_slice %arg7[%dma_start3A_342, %dma_start3A_343] : memref<832x64xf32, #tpu.memory_space<vmem>> -> memref<104x64xf32, #tpu.memory_space<vmem>>
      %dma_start3A_345 = arith.constant 624 : i32
      %dma_start3A_346 = tpu.memref_slice %arg5[%dma_start3A_345] : memref<832xi32, #tpu.memory_space<vmem>> -> memref<104xi32, #tpu.memory_space<vmem>>
      %dma_start3A_347 = arith.constant 0 : i32
      %dma_start3A_348 = arith.constant 0 : i32
      %dma_start3A_349 = tpu.memref_slice %arg3[%dma_start3A_347, %dma_start3A_348] : memref<1000000x64xf32, #tpu.memory_space<hbm>> -> memref<1000000x64xf32, #tpu.memory_space<hbm>>
      tpu.enqueue_indirect_dma source(%dma_start3A_349 : memref<1000000x64xf32, #tpu.memory_space<hbm>>) target(%dma_start3A_344 : memref<104x64xf32, #tpu.memory_space<vmem>>) offsets(%dma_start3A_346 : memref<104xi32, #tpu.memory_space<vmem>>) semaphore(%arg11 : memref<!tpu.dma_semaphore, #tpu.memory_space<semaphore_mem>>)
      %dma_start3A_350 = arith.constant 728 : i32
      %dma_start3A_351 = arith.constant 0 : i32
      %dma_start3A_352 = tpu.memref_slice %arg7[%dma_start3A_350, %dma_start3A_351] : memref<832x64xf32, #tpu.memory_space<vmem>> -> memref<104x64xf32, #tpu.memory_space<vmem>>
      %dma_start3A_353 = arith.constant 728 : i32
      %dma_start3A_354 = tpu.memref_slice %arg5[%dma_start3A_353] : memref<832xi32, #tpu.memory_space<vmem>> -> memref<104xi32, #tpu.memory_space<vmem>>
      %dma_start3A_355 = arith.constant 0 : i32
      %dma_start3A_356 = arith.constant 0 : i32
      %dma_start3A_357 = tpu.memref_slice %arg3[%dma_start3A_355, %dma_start3A_356] : memref<1000000x64xf32, #tpu.memory_space<hbm>> -> memref<1000000x64xf32, #tpu.memory_space<hbm>>
      tpu.enqueue_indirect_dma source(%dma_start3A_357 : memref<1000000x64xf32, #tpu.memory_space<hbm>>) target(%dma_start3A_352 : memref<104x64xf32, #tpu.memory_space<vmem>>) offsets(%dma_start3A_354 : memref<104xi32, #tpu.memory_space<vmem>>) semaphore(%arg11 : memref<!tpu.dma_semaphore, #tpu.memory_space<semaphore_mem>>)
      %dma_wait3A_358 = arith.constant 0 : i32
      %dma_wait3A_359 = arith.constant 0 : i32
      %dma_wait3A_360 = tpu.memref_slice %arg3[%dma_wait3A_358, %dma_wait3A_359] : memref<1000000x64xf32, #tpu.memory_space<hbm>> -> memref<832x64xf32, #tpu.memory_space<hbm>>
      %dma_wait3A_361 = arith.constant 0 : i32
      %dma_wait3A_362 = arith.constant 0 : i32
      %dma_wait3A_363 = tpu.memref_slice %arg3[%dma_wait3A_361, %dma_wait3A_362] : memref<1000000x64xf32, #tpu.memory_space<hbm>> -> memref<832x64xf32, #tpu.memory_space<hbm>>
      tpu.wait_dma2 semaphore(%arg12 : memref<!tpu.dma_semaphore, #tpu.memory_space<semaphore_mem>>) src(%dma_wait3A_363 : memref<832x64xf32, #tpu.memory_space<hbm>>) dst(%arg8 : memref<832x64xf32, #tpu.memory_space<vmem>>)
      %add3A_364 = arith.constant 1 : i32
      %add3A_365 = arith.addi %mul3A_197, %add3A_364 : i32
      %scan3A_366 = arith.constant 0 : i32
      %scan3A_367 = arith.constant 0 : i32
      %scan3A_368 = arith.constant 32 : i32
      %scan3A_369 = arith.addi %scan3A_367, %scan3A_368 : i32
      %scan3A_370 = arith.constant 1 : i32
      scf.for %scan3A_384 = %scan3A_367 to %scan3A_369 step %scan3A_370  : i32 {
        %mul3A_385 = arith.constant 26 : i32
        %mul3A_386 = arith.muli %scan3A_384, %mul3A_385 : i32
        %get3A_387 = arith.index_cast %mul3A_386 : i32 to index
        %get3A_388 = arith.constant 0 : index
        %get3A_389 = tpu.vector_load %arg8[%get3A_387, %get3A_388] {strides = array<i32>} : memref<832x64xf32, #tpu.memory_space<vmem>>, vector<16xf32>,
        %get3A_390 = arith.index_cast %mul3A_386 : i32 to index
        %get3A_391 = arith.constant 16 : index
        %get3A_392 = tpu.vector_load %arg8[%get3A_390, %get3A_391] {strides = array<i32>} : memref<832x64xf32, #tpu.memory_space<vmem>>, vector<16xf32>,
        %get3A_393 = arith.index_cast %mul3A_386 : i32 to index
        %get3A_394 = arith.constant 32 : index
        %get3A_395 = tpu.vector_load %arg8[%get3A_393, %get3A_394] {strides = array<i32>} : memref<832x64xf32, #tpu.memory_space<vmem>>, vector<16xf32>,
        %get3A_396 = arith.index_cast %mul3A_386 : i32 to index
        %get3A_397 = arith.constant 48 : index
        %get3A_398 = tpu.vector_load %arg8[%get3A_396, %get3A_397] {strides = array<i32>} : memref<832x64xf32, #tpu.memory_space<vmem>>, vector<16xf32>,
        %add3A_399 = arith.constant 1 : i32
        %add3A_400 = arith.addi %mul3A_386, %add3A_399 : i32
        %get3A_401 = arith.index_cast %add3A_400 : i32 to index
        %get3A_402 = arith.constant 0 : index
        %get3A_403 = tpu.vector_load %arg8[%get3A_401, %get3A_402] {strides = array<i32>} : memref<832x64xf32, #tpu.memory_space<vmem>>, vector<16xf32>,
        %add3A_404 = arith.constant 1 : i32
        %add3A_405 = arith.addi %mul3A_386, %add3A_404 : i32
        %get3A_406 = arith.index_cast %add3A_405 : i32 to index
        %get3A_407 = arith.constant 16 : index
        %get3A_408 = tpu.vector_load %arg8[%get3A_406, %get3A_407] {strides = array<i32>} : memref<832x64xf32, #tpu.memory_space<vmem>>, vector<16xf32>,
        %add3A_409 = arith.constant 1 : i32
        %add3A_410 = arith.addi %mul3A_386, %add3A_409 : i32
        %get3A_411 = arith.index_cast %add3A_410 : i32 to index
        %get3A_412 = arith.constant 32 : index
        %get3A_413 = tpu.vector_load %arg8[%get3A_411, %get3A_412] {strides = array<i32>} : memref<832x64xf32, #tpu.memory_space<vmem>>, vector<16xf32>,
        %add3A_414 = arith.constant 1 : i32
        %add3A_415 = arith.addi %mul3A_386, %add3A_414 : i32
        %get3A_416 = arith.index_cast %add3A_415 : i32 to index
        %get3A_417 = arith.constant 48 : index
        %get3A_418 = tpu.vector_load %arg8[%get3A_416, %get3A_417] {strides = array<i32>} : memref<832x64xf32, #tpu.memory_space<vmem>>, vector<16xf32>,
        %add3A_419 = arith.constant 2 : i32
        %add3A_420 = arith.addi %mul3A_386, %add3A_419 : i32
        %get3A_421 = arith.index_cast %add3A_420 : i32 to index
        %get3A_422 = arith.constant 0 : index
        %get3A_423 = tpu.vector_load %arg8[%get3A_421, %get3A_422] {strides = array<i32>} : memref<832x64xf32, #tpu.memory_space<vmem>>, vector<16xf32>,
        %add3A_424 = arith.addf %get3A_389, %get3A_423 : vector<16xf32>
        %add3A_425 = arith.constant 2 : i32
        %add3A_426 = arith.addi %mul3A_386, %add3A_425 : i32
        %get3A_427 = arith.index_cast %add3A_426 : i32 to index
        %get3A_428 = arith.constant 16 : index
        %get3A_429 = tpu.vector_load %arg8[%get3A_427, %get3A_428] {strides = array<i32>} : memref<832x64xf32, #tpu.memory_space<vmem>>, vector<16xf32>,
        %add3A_430 = arith.addf %get3A_392, %get3A_429 : vector<16xf32>
        %add3A_431 = arith.constant 2 : i32
        %add3A_432 = arith.addi %mul3A_386, %add3A_431 : i32
        %get3A_433 = arith.index_cast %add3A_432 : i32 to index
        %get3A_434 = arith.constant 32 : index
        %get3A_435 = tpu.vector_load %arg8[%get3A_433, %get3A_434] {strides = array<i32>} : memref<832x64xf32, #tpu.memory_space<vmem>>, vector<16xf32>,
        %add3A_436 = arith.addf %get3A_395, %get3A_435 : vector<16xf32>
        %add3A_437 = arith.constant 2 : i32
        %add3A_438 = arith.addi %mul3A_386, %add3A_437 : i32
        %get3A_439 = arith.index_cast %add3A_438 : i32 to index
        %get3A_440 = arith.constant 48 : index
        %get3A_441 = tpu.vector_load %arg8[%get3A_439, %get3A_440] {strides = array<i32>} : memref<832x64xf32, #tpu.memory_space<vmem>>, vector<16xf32>,
        %add3A_442 = arith.addf %get3A_398, %get3A_441 : vector<16xf32>
        %add3A_443 = arith.constant 3 : i32
        %add3A_444 = arith.addi %mul3A_386, %add3A_443 : i32
        %get3A_445 = arith.index_cast %add3A_444 : i32 to index
        %get3A_446 = arith.constant 0 : index
        %get3A_447 = tpu.vector_load %arg8[%get3A_445, %get3A_446] {strides = array<i32>} : memref<832x64xf32, #tpu.memory_space<vmem>>, vector<16xf32>,
        %add3A_448 = arith.addf %get3A_403, %get3A_447 : vector<16xf32>
        %add3A_449 = arith.constant 3 : i32
        %add3A_450 = arith.addi %mul3A_386, %add3A_449 : i32
        %get3A_451 = arith.index_cast %add3A_450 : i32 to index
        %get3A_452 = arith.constant 16 : index
        %get3A_453 = tpu.vector_load %arg8[%get3A_451, %get3A_452] {strides = array<i32>} : memref<832x64xf32, #tpu.memory_space<vmem>>, vector<16xf32>,
        %add3A_454 = arith.addf %get3A_408, %get3A_453 : vector<16xf32>
        %add3A_455 = arith.constant 3 : i32
        %add3A_456 = arith.addi %mul3A_386, %add3A_455 : i32
        %get3A_457 = arith.index_cast %add3A_456 : i32 to index
        %get3A_458 = arith.constant 32 : index
        %get3A_459 = tpu.vector_load %arg8[%get3A_457, %get3A_458] {strides = array<i32>} : memref<832x64xf32, #tpu.memory_space<vmem>>, vector<16xf32>,
        %add3A_460 = arith.addf %get3A_413, %get3A_459 : vector<16xf32>
        %add3A_461 = arith.constant 3 : i32
        %add3A_462 = arith.addi %mul3A_386, %add3A_461 : i32
        %get3A_463 = arith.index_cast %add3A_462 : i32 to index
        %get3A_464 = arith.constant 48 : index
        %get3A_465 = tpu.vector_load %arg8[%get3A_463, %get3A_464] {strides = array<i32>} : memref<832x64xf32, #tpu.memory_space<vmem>>, vector<16xf32>,
        %add3A_466 = arith.addf %get3A_418, %get3A_465 : vector<16xf32>
        %add3A_467 = arith.constant 4 : i32
        %add3A_468 = arith.addi %mul3A_386, %add3A_467 : i32
        %get3A_469 = arith.index_cast %add3A_468 : i32 to index
        %get3A_470 = arith.constant 0 : index
        %get3A_471 = tpu.vector_load %arg8[%get3A_469, %get3A_470] {strides = array<i32>} : memref<832x64xf32, #tpu.memory_space<vmem>>, vector<16xf32>,
        %add3A_472 = arith.addf %add3A_424, %get3A_471 : vector<16xf32>
        %add3A_473 = arith.constant 4 : i32
        %add3A_474 = arith.addi %mul3A_386, %add3A_473 : i32
        %get3A_475 = arith.index_cast %add3A_474 : i32 to index
        %get3A_476 = arith.constant 16 : index
        %get3A_477 = tpu.vector_load %arg8[%get3A_475, %get3A_476] {strides = array<i32>} : memref<832x64xf32, #tpu.memory_space<vmem>>, vector<16xf32>,
        %add3A_478 = arith.addf %add3A_430, %get3A_477 : vector<16xf32>
        %add3A_479 = arith.constant 4 : i32
        %add3A_480 = arith.addi %mul3A_386, %add3A_479 : i32
        %get3A_481 = arith.index_cast %add3A_480 : i32 to index
        %get3A_482 = arith.constant 32 : index
        %get3A_483 = tpu.vector_load %arg8[%get3A_481, %get3A_482] {strides = array<i32>} : memref<832x64xf32, #tpu.memory_space<vmem>>, vector<16xf32>,
        %add3A_484 = arith.addf %add3A_436, %get3A_483 : vector<16xf32>
        %add3A_485 = arith.constant 4 : i32
        %add3A_486 = arith.addi %mul3A_386, %add3A_485 : i32
        %get3A_487 = arith.index_cast %add3A_486 : i32 to index
        %get3A_488 = arith.constant 48 : index
        %get3A_489 = tpu.vector_load %arg8[%get3A_487, %get3A_488] {strides = array<i32>} : memref<832x64xf32, #tpu.memory_space<vmem>>, vector<16xf32>,
        %add3A_490 = arith.addf %add3A_442, %get3A_489 : vector<16xf32>
        %add3A_491 = arith.constant 5 : i32
        %add3A_492 = arith.addi %mul3A_386, %add3A_491 : i32
        %get3A_493 = arith.index_cast %add3A_492 : i32 to index
        %get3A_494 = arith.constant 0 : index
        %get3A_495 = tpu.vector_load %arg8[%get3A_493, %get3A_494] {strides = array<i32>} : memref<832x64xf32, #tpu.memory_space<vmem>>, vector<16xf32>,
        %add3A_496 = arith.addf %add3A_448, %get3A_495 : vector<16xf32>
        %add3A_497 = arith.constant 5 : i32
        %add3A_498 = arith.addi %mul3A_386, %add3A_497 : i32
        %get3A_499 = arith.index_cast %add3A_498 : i32 to index
        %get3A_500 = arith.constant 16 : index
        %get3A_501 = tpu.vector_load %arg8[%get3A_499, %get3A_500] {strides = array<i32>} : memref<832x64xf32, #tpu.memory_space<vmem>>, vector<16xf32>,
        %add3A_502 = arith.addf %add3A_454, %get3A_501 : vector<16xf32>
        %add3A_503 = arith.constant 5 : i32
        %add3A_504 = arith.addi %mul3A_386, %add3A_503 : i32
        %get3A_505 = arith.index_cast %add3A_504 : i32 to index
        %get3A_506 = arith.constant 32 : index
        %get3A_507 = tpu.vector_load %arg8[%get3A_505, %get3A_506] {strides = array<i32>} : memref<832x64xf32, #tpu.memory_space<vmem>>, vector<16xf32>,
        %add3A_508 = arith.addf %add3A_460, %get3A_507 : vector<16xf32>
        %add3A_509 = arith.constant 5 : i32
        %add3A_510 = arith.addi %mul3A_386, %add3A_509 : i32
        %get3A_511 = arith.index_cast %add3A_510 : i32 to index
        %get3A_512 = arith.constant 48 : index
        %get3A_513 = tpu.vector_load %arg8[%get3A_511, %get3A_512] {strides = array<i32>} : memref<832x64xf32, #tpu.memory_space<vmem>>, vector<16xf32>,
        %add3A_514 = arith.addf %add3A_466, %get3A_513 : vector<16xf32>
        %add3A_515 = arith.constant 6 : i32
        %add3A_516 = arith.addi %mul3A_386, %add3A_515 : i32
        %get3A_517 = arith.index_cast %add3A_516 : i32 to index
        %get3A_518 = arith.constant 0 : index
        %get3A_519 = tpu.vector_load %arg8[%get3A_517, %get3A_518] {strides = array<i32>} : memref<832x64xf32, #tpu.memory_space<vmem>>, vector<16xf32>,
        %add3A_520 = arith.addf %add3A_472, %get3A_519 : vector<16xf32>
        %add3A_521 = arith.constant 6 : i32
        %add3A_522 = arith.addi %mul3A_386, %add3A_521 : i32
        %get3A_523 = arith.index_cast %add3A_522 : i32 to index
        %get3A_524 = arith.constant 16 : index
        %get3A_525 = tpu.vector_load %arg8[%get3A_523, %get3A_524] {strides = array<i32>} : memref<832x64xf32, #tpu.memory_space<vmem>>, vector<16xf32>,
        %add3A_526 = arith.addf %add3A_478, %get3A_525 : vector<16xf32>
        %add3A_527 = arith.constant 6 : i32
        %add3A_528 = arith.addi %mul3A_386, %add3A_527 : i32
        %get3A_529 = arith.index_cast %add3A_528 : i32 to index
        %get3A_530 = arith.constant 32 : index
        %get3A_531 = tpu.vector_load %arg8[%get3A_529, %get3A_530] {strides = array<i32>} : memref<832x64xf32, #tpu.memory_space<vmem>>, vector<16xf32>,
        %add3A_532 = arith.addf %add3A_484, %get3A_531 : vector<16xf32>
        %add3A_533 = arith.constant 6 : i32
        %add3A_534 = arith.addi %mul3A_386, %add3A_533 : i32
        %get3A_535 = arith.index_cast %add3A_534 : i32 to index
        %get3A_536 = arith.constant 48 : index
        %get3A_537 = tpu.vector_load %arg8[%get3A_535, %get3A_536] {strides = array<i32>} : memref<832x64xf32, #tpu.memory_space<vmem>>, vector<16xf32>,
        %add3A_538 = arith.addf %add3A_490, %get3A_537 : vector<16xf32>
        %add3A_539 = arith.constant 7 : i32
        %add3A_540 = arith.addi %mul3A_386, %add3A_539 : i32
        %get3A_541 = arith.index_cast %add3A_540 : i32 to index
        %get3A_542 = arith.constant 0 : index
        %get3A_543 = tpu.vector_load %arg8[%get3A_541, %get3A_542] {strides = array<i32>} : memref<832x64xf32, #tpu.memory_space<vmem>>, vector<16xf32>,
        %add3A_544 = arith.addf %add3A_496, %get3A_543 : vector<16xf32>
        %add3A_545 = arith.constant 7 : i32
        %add3A_546 = arith.addi %mul3A_386, %add3A_545 : i32
        %get3A_547 = arith.index_cast %add3A_546 : i32 to index
        %get3A_548 = arith.constant 16 : index
        %get3A_549 = tpu.vector_load %arg8[%get3A_547, %get3A_548] {strides = array<i32>} : memref<832x64xf32, #tpu.memory_space<vmem>>, vector<16xf32>,
        %add3A_550 = arith.addf %add3A_502, %get3A_549 : vector<16xf32>
        %add3A_551 = arith.constant 7 : i32
        %add3A_552 = arith.addi %mul3A_386, %add3A_551 : i32
        %get3A_553 = arith.index_cast %add3A_552 : i32 to index
        %get3A_554 = arith.constant 32 : index
        %get3A_555 = tpu.vector_load %arg8[%get3A_553, %get3A_554] {strides = array<i32>} : memref<832x64xf32, #tpu.memory_space<vmem>>, vector<16xf32>,
        %add3A_556 = arith.addf %add3A_508, %get3A_555 : vector<16xf32>
        %add3A_557 = arith.constant 7 : i32
        %add3A_558 = arith.addi %mul3A_386, %add3A_557 : i32
        %get3A_559 = arith.index_cast %add3A_558 : i32 to index
        %get3A_560 = arith.constant 48 : index
        %get3A_561 = tpu.vector_load %arg8[%get3A_559, %get3A_560] {strides = array<i32>} : memref<832x64xf32, #tpu.memory_space<vmem>>, vector<16xf32>,
        %add3A_562 = arith.addf %add3A_514, %get3A_561 : vector<16xf32>
        %add3A_563 = arith.constant 8 : i32
        %add3A_564 = arith.addi %mul3A_386, %add3A_563 : i32
        %get3A_565 = arith.index_cast %add3A_564 : i32 to index
        %get3A_566 = arith.constant 0 : index
        %get3A_567 = tpu.vector_load %arg8[%get3A_565, %get3A_566] {strides = array<i32>} : memref<832x64xf32, #tpu.memory_space<vmem>>, vector<16xf32>,
        %add3A_568 = arith.addf %add3A_520, %get3A_567 : vector<16xf32>
        %add3A_569 = arith.constant 8 : i32
        %add3A_570 = arith.addi %mul3A_386, %add3A_569 : i32
        %get3A_571 = arith.index_cast %add3A_570 : i32 to index
        %get3A_572 = arith.constant 16 : index
        %get3A_573 = tpu.vector_load %arg8[%get3A_571, %get3A_572] {strides = array<i32>} : memref<832x64xf32, #tpu.memory_space<vmem>>, vector<16xf32>,
        %add3A_574 = arith.addf %add3A_526, %get3A_573 : vector<16xf32>
        %add3A_575 = arith.constant 8 : i32
        %add3A_576 = arith.addi %mul3A_386, %add3A_575 : i32
        %get3A_577 = arith.index_cast %add3A_576 : i32 to index
        %get3A_578 = arith.constant 32 : index
        %get3A_579 = tpu.vector_load %arg8[%get3A_577, %get3A_578] {strides = array<i32>} : memref<832x64xf32, #tpu.memory_space<vmem>>, vector<16xf32>,
        %add3A_580 = arith.addf %add3A_532, %get3A_579 : vector<16xf32>
        %add3A_581 = arith.constant 8 : i32
        %add3A_582 = arith.addi %mul3A_386, %add3A_581 : i32
        %get3A_583 = arith.index_cast %add3A_582 : i32 to index
        %get3A_584 = arith.constant 48 : index
        %get3A_585 = tpu.vector_load %arg8[%get3A_583, %get3A_584] {strides = array<i32>} : memref<832x64xf32, #tpu.memory_space<vmem>>, vector<16xf32>,
        %add3A_586 = arith.addf %add3A_538, %get3A_585 : vector<16xf32>
        %add3A_587 = arith.constant 9 : i32
        %add3A_588 = arith.addi %mul3A_386, %add3A_587 : i32
        %get3A_589 = arith.index_cast %add3A_588 : i32 to index
        %get3A_590 = arith.constant 0 : index
        %get3A_591 = tpu.vector_load %arg8[%get3A_589, %get3A_590] {strides = array<i32>} : memref<832x64xf32, #tpu.memory_space<vmem>>, vector<16xf32>,
        %add3A_592 = arith.addf %add3A_544, %get3A_591 : vector<16xf32>
        %add3A_593 = arith.constant 9 : i32
        %add3A_594 = arith.addi %mul3A_386, %add3A_593 : i32
        %get3A_595 = arith.index_cast %add3A_594 : i32 to index
        %get3A_596 = arith.constant 16 : index
        %get3A_597 = tpu.vector_load %arg8[%get3A_595, %get3A_596] {strides = array<i32>} : memref<832x64xf32, #tpu.memory_space<vmem>>, vector<16xf32>,
        %add3A_598 = arith.addf %add3A_550, %get3A_597 : vector<16xf32>
        %add3A_599 = arith.constant 9 : i32
        %add3A_600 = arith.addi %mul3A_386, %add3A_599 : i32
        %get3A_601 = arith.index_cast %add3A_600 : i32 to index
        %get3A_602 = arith.constant 32 : index
        %get3A_603 = tpu.vector_load %arg8[%get3A_601, %get3A_602] {strides = array<i32>} : memref<832x64xf32, #tpu.memory_space<vmem>>, vector<16xf32>,
        %add3A_604 = arith.addf %add3A_556, %get3A_603 : vector<16xf32>
        %add3A_605 = arith.constant 9 : i32
        %add3A_606 = arith.addi %mul3A_386, %add3A_605 : i32
        %get3A_607 = arith.index_cast %add3A_606 : i32 to index
        %get3A_608 = arith.constant 48 : index
        %get3A_609 = tpu.vector_load %arg8[%get3A_607, %get3A_608] {strides = array<i32>} : memref<832x64xf32, #tpu.memory_space<vmem>>, vector<16xf32>,
        %add3A_610 = arith.addf %add3A_562, %get3A_609 : vector<16xf32>
        %add3A_611 = arith.constant 10 : i32
        %add3A_612 = arith.addi %mul3A_386, %add3A_611 : i32
        %get3A_613 = arith.index_cast %add3A_612 : i32 to index
        %get3A_614 = arith.constant 0 : index
        %get3A_615 = tpu.vector_load %arg8[%get3A_613, %get3A_614] {strides = array<i32>} : memref<832x64xf32, #tpu.memory_space<vmem>>, vector<16xf32>,
        %add3A_616 = arith.addf %add3A_568, %get3A_615 : vector<16xf32>
        %add3A_617 = arith.constant 10 : i32
        %add3A_618 = arith.addi %mul3A_386, %add3A_617 : i32
        %get3A_619 = arith.index_cast %add3A_618 : i32 to index
        %get3A_620 = arith.constant 16 : index
        %get3A_621 = tpu.vector_load %arg8[%get3A_619, %get3A_620] {strides = array<i32>} : memref<832x64xf32, #tpu.memory_space<vmem>>, vector<16xf32>,
        %add3A_622 = arith.addf %add3A_574, %get3A_621 : vector<16xf32>
        %add3A_623 = arith.constant 10 : i32
        %add3A_624 = arith.addi %mul3A_386, %add3A_623 : i32
        %get3A_625 = arith.index_cast %add3A_624 : i32 to index
        %get3A_626 = arith.constant 32 : index
        %get3A_627 = tpu.vector_load %arg8[%get3A_625, %get3A_626] {strides = array<i32>} : memref<832x64xf32, #tpu.memory_space<vmem>>, vector<16xf32>,
        %add3A_628 = arith.addf %add3A_580, %get3A_627 : vector<16xf32>
        %add3A_629 = arith.constant 10 : i32
        %add3A_630 = arith.addi %mul3A_386, %add3A_629 : i32
        %get3A_631 = arith.index_cast %add3A_630 : i32 to index
        %get3A_632 = arith.constant 48 : index
        %get3A_633 = tpu.vector_load %arg8[%get3A_631, %get3A_632] {strides = array<i32>} : memref<832x64xf32, #tpu.memory_space<vmem>>, vector<16xf32>,
        %add3A_634 = arith.addf %add3A_586, %get3A_633 : vector<16xf32>
        %add3A_635 = arith.constant 11 : i32
        %add3A_636 = arith.addi %mul3A_386, %add3A_635 : i32
        %get3A_637 = arith.index_cast %add3A_636 : i32 to index
        %get3A_638 = arith.constant 0 : index
        %get3A_639 = tpu.vector_load %arg8[%get3A_637, %get3A_638] {strides = array<i32>} : memref<832x64xf32, #tpu.memory_space<vmem>>, vector<16xf32>,
        %add3A_640 = arith.addf %add3A_592, %get3A_639 : vector<16xf32>
        %add3A_641 = arith.constant 11 : i32
        %add3A_642 = arith.addi %mul3A_386, %add3A_641 : i32
        %get3A_643 = arith.index_cast %add3A_642 : i32 to index
        %get3A_644 = arith.constant 16 : index
        %get3A_645 = tpu.vector_load %arg8[%get3A_643, %get3A_644] {strides = array<i32>} : memref<832x64xf32, #tpu.memory_space<vmem>>, vector<16xf32>,
        %add3A_646 = arith.addf %add3A_598, %get3A_645 : vector<16xf32>
        %add3A_647 = arith.constant 11 : i32
        %add3A_648 = arith.addi %mul3A_386, %add3A_647 : i32
        %get3A_649 = arith.index_cast %add3A_648 : i32 to index
        %get3A_650 = arith.constant 32 : index
        %get3A_651 = tpu.vector_load %arg8[%get3A_649, %get3A_650] {strides = array<i32>} : memref<832x64xf32, #tpu.memory_space<vmem>>, vector<16xf32>,
        %add3A_652 = arith.addf %add3A_604, %get3A_651 : vector<16xf32>
        %add3A_653 = arith.constant 11 : i32
        %add3A_654 = arith.addi %mul3A_386, %add3A_653 : i32
        %get3A_655 = arith.index_cast %add3A_654 : i32 to index
        %get3A_656 = arith.constant 48 : index
        %get3A_657 = tpu.vector_load %arg8[%get3A_655, %get3A_656] {strides = array<i32>} : memref<832x64xf32, #tpu.memory_space<vmem>>, vector<16xf32>,
        %add3A_658 = arith.addf %add3A_610, %get3A_657 : vector<16xf32>
        %add3A_659 = arith.constant 12 : i32
        %add3A_660 = arith.addi %mul3A_386, %add3A_659 : i32
        %get3A_661 = arith.index_cast %add3A_660 : i32 to index
        %get3A_662 = arith.constant 0 : index
        %get3A_663 = tpu.vector_load %arg8[%get3A_661, %get3A_662] {strides = array<i32>} : memref<832x64xf32, #tpu.memory_space<vmem>>, vector<16xf32>,
        %add3A_664 = arith.addf %add3A_616, %get3A_663 : vector<16xf32>
        %add3A_665 = arith.constant 12 : i32
        %add3A_666 = arith.addi %mul3A_386, %add3A_665 : i32
        %get3A_667 = arith.index_cast %add3A_666 : i32 to index
        %get3A_668 = arith.constant 16 : index
        %get3A_669 = tpu.vector_load %arg8[%get3A_667, %get3A_668] {strides = array<i32>} : memref<832x64xf32, #tpu.memory_space<vmem>>, vector<16xf32>,
        %add3A_670 = arith.addf %add3A_622, %get3A_669 : vector<16xf32>
        %add3A_671 = arith.constant 12 : i32
        %add3A_672 = arith.addi %mul3A_386, %add3A_671 : i32
        %get3A_673 = arith.index_cast %add3A_672 : i32 to index
        %get3A_674 = arith.constant 32 : index
        %get3A_675 = tpu.vector_load %arg8[%get3A_673, %get3A_674] {strides = array<i32>} : memref<832x64xf32, #tpu.memory_space<vmem>>, vector<16xf32>,
        %add3A_676 = arith.addf %add3A_628, %get3A_675 : vector<16xf32>
        %add3A_677 = arith.constant 12 : i32
        %add3A_678 = arith.addi %mul3A_386, %add3A_677 : i32
        %get3A_679 = arith.index_cast %add3A_678 : i32 to index
        %get3A_680 = arith.constant 48 : index
        %get3A_681 = tpu.vector_load %arg8[%get3A_679, %get3A_680] {strides = array<i32>} : memref<832x64xf32, #tpu.memory_space<vmem>>, vector<16xf32>,
        %add3A_682 = arith.addf %add3A_634, %get3A_681 : vector<16xf32>
        %add3A_683 = arith.constant 13 : i32
        %add3A_684 = arith.addi %mul3A_386, %add3A_683 : i32
        %get3A_685 = arith.index_cast %add3A_684 : i32 to index
        %get3A_686 = arith.constant 0 : index
        %get3A_687 = tpu.vector_load %arg8[%get3A_685, %get3A_686] {strides = array<i32>} : memref<832x64xf32, #tpu.memory_space<vmem>>, vector<16xf32>,
        %add3A_688 = arith.addf %add3A_640, %get3A_687 : vector<16xf32>
        %add3A_689 = arith.constant 13 : i32
        %add3A_690 = arith.addi %mul3A_386, %add3A_689 : i32
        %get3A_691 = arith.index_cast %add3A_690 : i32 to index
        %get3A_692 = arith.constant 16 : index
        %get3A_693 = tpu.vector_load %arg8[%get3A_691, %get3A_692] {strides = array<i32>} : memref<832x64xf32, #tpu.memory_space<vmem>>, vector<16xf32>,
        %add3A_694 = arith.addf %add3A_646, %get3A_693 : vector<16xf32>
        %add3A_695 = arith.constant 13 : i32
        %add3A_696 = arith.addi %mul3A_386, %add3A_695 : i32
        %get3A_697 = arith.index_cast %add3A_696 : i32 to index
        %get3A_698 = arith.constant 32 : index
        %get3A_699 = tpu.vector_load %arg8[%get3A_697, %get3A_698] {strides = array<i32>} : memref<832x64xf32, #tpu.memory_space<vmem>>, vector<16xf32>,
        %add3A_700 = arith.addf %add3A_652, %get3A_699 : vector<16xf32>
        %add3A_701 = arith.constant 13 : i32
        %add3A_702 = arith.addi %mul3A_386, %add3A_701 : i32
        %get3A_703 = arith.index_cast %add3A_702 : i32 to index
        %get3A_704 = arith.constant 48 : index
        %get3A_705 = tpu.vector_load %arg8[%get3A_703, %get3A_704] {strides = array<i32>} : memref<832x64xf32, #tpu.memory_space<vmem>>, vector<16xf32>,
        %add3A_706 = arith.addf %add3A_658, %get3A_705 : vector<16xf32>
        %add3A_707 = arith.constant 14 : i32
        %add3A_708 = arith.addi %mul3A_386, %add3A_707 : i32
        %get3A_709 = arith.index_cast %add3A_708 : i32 to index
        %get3A_710 = arith.constant 0 : index
        %get3A_711 = tpu.vector_load %arg8[%get3A_709, %get3A_710] {strides = array<i32>} : memref<832x64xf32, #tpu.memory_space<vmem>>, vector<16xf32>,
        %add3A_712 = arith.addf %add3A_664, %get3A_711 : vector<16xf32>
        %add3A_713 = arith.constant 14 : i32
        %add3A_714 = arith.addi %mul3A_386, %add3A_713 : i32
        %get3A_715 = arith.index_cast %add3A_714 : i32 to index
        %get3A_716 = arith.constant 16 : index
        %get3A_717 = tpu.vector_load %arg8[%get3A_715, %get3A_716] {strides = array<i32>} : memref<832x64xf32, #tpu.memory_space<vmem>>, vector<16xf32>,
        %add3A_718 = arith.addf %add3A_670, %get3A_717 : vector<16xf32>
        %add3A_719 = arith.constant 14 : i32
        %add3A_720 = arith.addi %mul3A_386, %add3A_719 : i32
        %get3A_721 = arith.index_cast %add3A_720 : i32 to index
        %get3A_722 = arith.constant 32 : index
        %get3A_723 = tpu.vector_load %arg8[%get3A_721, %get3A_722] {strides = array<i32>} : memref<832x64xf32, #tpu.memory_space<vmem>>, vector<16xf32>,
        %add3A_724 = arith.addf %add3A_676, %get3A_723 : vector<16xf32>
        %add3A_725 = arith.constant 14 : i32
        %add3A_726 = arith.addi %mul3A_386, %add3A_725 : i32
        %get3A_727 = arith.index_cast %add3A_726 : i32 to index
        %get3A_728 = arith.constant 48 : index
        %get3A_729 = tpu.vector_load %arg8[%get3A_727, %get3A_728] {strides = array<i32>} : memref<832x64xf32, #tpu.memory_space<vmem>>, vector<16xf32>,
        %add3A_730 = arith.addf %add3A_682, %get3A_729 : vector<16xf32>
        %add3A_731 = arith.constant 15 : i32
        %add3A_732 = arith.addi %mul3A_386, %add3A_731 : i32
        %get3A_733 = arith.index_cast %add3A_732 : i32 to index
        %get3A_734 = arith.constant 0 : index
        %get3A_735 = tpu.vector_load %arg8[%get3A_733, %get3A_734] {strides = array<i32>} : memref<832x64xf32, #tpu.memory_space<vmem>>, vector<16xf32>,
        %add3A_736 = arith.addf %add3A_688, %get3A_735 : vector<16xf32>
        %add3A_737 = arith.constant 15 : i32
        %add3A_738 = arith.addi %mul3A_386, %add3A_737 : i32
        %get3A_739 = arith.index_cast %add3A_738 : i32 to index
        %get3A_740 = arith.constant 16 : index
        %get3A_741 = tpu.vector_load %arg8[%get3A_739, %get3A_740] {strides = array<i32>} : memref<832x64xf32, #tpu.memory_space<vmem>>, vector<16xf32>,
        %add3A_742 = arith.addf %add3A_694, %get3A_741 : vector<16xf32>
        %add3A_743 = arith.constant 15 : i32
        %add3A_744 = arith.addi %mul3A_386, %add3A_743 : i32
        %get3A_745 = arith.index_cast %add3A_744 : i32 to index
        %get3A_746 = arith.constant 32 : index
        %get3A_747 = tpu.vector_load %arg8[%get3A_745, %get3A_746] {strides = array<i32>} : memref<832x64xf32, #tpu.memory_space<vmem>>, vector<16xf32>,
        %add3A_748 = arith.addf %add3A_700, %get3A_747 : vector<16xf32>
        %add3A_749 = arith.constant 15 : i32
        %add3A_750 = arith.addi %mul3A_386, %add3A_749 : i32
        %get3A_751 = arith.index_cast %add3A_750 : i32 to index
        %get3A_752 = arith.constant 48 : index
        %get3A_753 = tpu.vector_load %arg8[%get3A_751, %get3A_752] {strides = array<i32>} : memref<832x64xf32, #tpu.memory_space<vmem>>, vector<16xf32>,
        %add3A_754 = arith.addf %add3A_706, %get3A_753 : vector<16xf32>
        %add3A_755 = arith.constant 16 : i32
        %add3A_756 = arith.addi %mul3A_386, %add3A_755 : i32
        %get3A_757 = arith.index_cast %add3A_756 : i32 to index
        %get3A_758 = arith.constant 0 : index
        %get3A_759 = tpu.vector_load %arg8[%get3A_757, %get3A_758] {strides = array<i32>} : memref<832x64xf32, #tpu.memory_space<vmem>>, vector<16xf32>,
        %add3A_760 = arith.addf %add3A_712, %get3A_759 : vector<16xf32>
        %add3A_761 = arith.constant 16 : i32
        %add3A_762 = arith.addi %mul3A_386, %add3A_761 : i32
        %get3A_763 = arith.index_cast %add3A_762 : i32 to index
        %get3A_764 = arith.constant 16 : index
        %get3A_765 = tpu.vector_load %arg8[%get3A_763, %get3A_764] {strides = array<i32>} : memref<832x64xf32, #tpu.memory_space<vmem>>, vector<16xf32>,
        %add3A_766 = arith.addf %add3A_718, %get3A_765 : vector<16xf32>
        %add3A_767 = arith.constant 16 : i32
        %add3A_768 = arith.addi %mul3A_386, %add3A_767 : i32
        %get3A_769 = arith.index_cast %add3A_768 : i32 to index
        %get3A_770 = arith.constant 32 : index
        %get3A_771 = tpu.vector_load %arg8[%get3A_769, %get3A_770] {strides = array<i32>} : memref<832x64xf32, #tpu.memory_space<vmem>>, vector<16xf32>,
        %add3A_772 = arith.addf %add3A_724, %get3A_771 : vector<16xf32>
        %add3A_773 = arith.constant 16 : i32
        %add3A_774 = arith.addi %mul3A_386, %add3A_773 : i32
        %get3A_775 = arith.index_cast %add3A_774 : i32 to index
        %get3A_776 = arith.constant 48 : index
        %get3A_777 = tpu.vector_load %arg8[%get3A_775, %get3A_776] {strides = array<i32>} : memref<832x64xf32, #tpu.memory_space<vmem>>, vector<16xf32>,
        %add3A_778 = arith.addf %add3A_730, %get3A_777 : vector<16xf32>
        %add3A_779 = arith.constant 17 : i32
        %add3A_780 = arith.addi %mul3A_386, %add3A_779 : i32
        %get3A_781 = arith.index_cast %add3A_780 : i32 to index
        %get3A_782 = arith.constant 0 : index
        %get3A_783 = tpu.vector_load %arg8[%get3A_781, %get3A_782] {strides = array<i32>} : memref<832x64xf32, #tpu.memory_space<vmem>>, vector<16xf32>,
        %add3A_784 = arith.addf %add3A_736, %get3A_783 : vector<16xf32>
        %add3A_785 = arith.constant 17 : i32
        %add3A_786 = arith.addi %mul3A_386, %add3A_785 : i32
        %get3A_787 = arith.index_cast %add3A_786 : i32 to index
        %get3A_788 = arith.constant 16 : index
        %get3A_789 = tpu.vector_load %arg8[%get3A_787, %get3A_788] {strides = array<i32>} : memref<832x64xf32, #tpu.memory_space<vmem>>, vector<16xf32>,
        %add3A_790 = arith.addf %add3A_742, %get3A_789 : vector<16xf32>
        %add3A_791 = arith.constant 17 : i32
        %add3A_792 = arith.addi %mul3A_386, %add3A_791 : i32
        %get3A_793 = arith.index_cast %add3A_792 : i32 to index
        %get3A_794 = arith.constant 32 : index
        %get3A_795 = tpu.vector_load %arg8[%get3A_793, %get3A_794] {strides = array<i32>} : memref<832x64xf32, #tpu.memory_space<vmem>>, vector<16xf32>,
        %add3A_796 = arith.addf %add3A_748, %get3A_795 : vector<16xf32>
        %add3A_797 = arith.constant 17 : i32
        %add3A_798 = arith.addi %mul3A_386, %add3A_797 : i32
        %get3A_799 = arith.index_cast %add3A_798 : i32 to index
        %get3A_800 = arith.constant 48 : index
        %get3A_801 = tpu.vector_load %arg8[%get3A_799, %get3A_800] {strides = array<i32>} : memref<832x64xf32, #tpu.memory_space<vmem>>, vector<16xf32>,
        %add3A_802 = arith.addf %add3A_754, %get3A_801 : vector<16xf32>
        %add3A_803 = arith.constant 18 : i32
        %add3A_804 = arith.addi %mul3A_386, %add3A_803 : i32
        %get3A_805 = arith.index_cast %add3A_804 : i32 to index
        %get3A_806 = arith.constant 0 : index
        %get3A_807 = tpu.vector_load %arg8[%get3A_805, %get3A_806] {strides = array<i32>} : memref<832x64xf32, #tpu.memory_space<vmem>>, vector<16xf32>,
        %add3A_808 = arith.addf %add3A_760, %get3A_807 : vector<16xf32>
        %add3A_809 = arith.constant 18 : i32
        %add3A_810 = arith.addi %mul3A_386, %add3A_809 : i32
        %get3A_811 = arith.index_cast %add3A_810 : i32 to index
        %get3A_812 = arith.constant 16 : index
        %get3A_813 = tpu.vector_load %arg8[%get3A_811, %get3A_812] {strides = array<i32>} : memref<832x64xf32, #tpu.memory_space<vmem>>, vector<16xf32>,
        %add3A_814 = arith.addf %add3A_766, %get3A_813 : vector<16xf32>
        %add3A_815 = arith.constant 18 : i32
        %add3A_816 = arith.addi %mul3A_386, %add3A_815 : i32
        %get3A_817 = arith.index_cast %add3A_816 : i32 to index
        %get3A_818 = arith.constant 32 : index
        %get3A_819 = tpu.vector_load %arg8[%get3A_817, %get3A_818] {strides = array<i32>} : memref<832x64xf32, #tpu.memory_space<vmem>>, vector<16xf32>,
        %add3A_820 = arith.addf %add3A_772, %get3A_819 : vector<16xf32>
        %add3A_821 = arith.constant 18 : i32
        %add3A_822 = arith.addi %mul3A_386, %add3A_821 : i32
        %get3A_823 = arith.index_cast %add3A_822 : i32 to index
        %get3A_824 = arith.constant 48 : index
        %get3A_825 = tpu.vector_load %arg8[%get3A_823, %get3A_824] {strides = array<i32>} : memref<832x64xf32, #tpu.memory_space<vmem>>, vector<16xf32>,
        %add3A_826 = arith.addf %add3A_778, %get3A_825 : vector<16xf32>
        %add3A_827 = arith.constant 19 : i32
        %add3A_828 = arith.addi %mul3A_386, %add3A_827 : i32
        %get3A_829 = arith.index_cast %add3A_828 : i32 to index
        %get3A_830 = arith.constant 0 : index
        %get3A_831 = tpu.vector_load %arg8[%get3A_829, %get3A_830] {strides = array<i32>} : memref<832x64xf32, #tpu.memory_space<vmem>>, vector<16xf32>,
        %add3A_832 = arith.addf %add3A_784, %get3A_831 : vector<16xf32>
        %add3A_833 = arith.constant 19 : i32
        %add3A_834 = arith.addi %mul3A_386, %add3A_833 : i32
        %get3A_835 = arith.index_cast %add3A_834 : i32 to index
        %get3A_836 = arith.constant 16 : index
        %get3A_837 = tpu.vector_load %arg8[%get3A_835, %get3A_836] {strides = array<i32>} : memref<832x64xf32, #tpu.memory_space<vmem>>, vector<16xf32>,
        %add3A_838 = arith.addf %add3A_790, %get3A_837 : vector<16xf32>
        %add3A_839 = arith.constant 19 : i32
        %add3A_840 = arith.addi %mul3A_386, %add3A_839 : i32
        %get3A_841 = arith.index_cast %add3A_840 : i32 to index
        %get3A_842 = arith.constant 32 : index
        %get3A_843 = tpu.vector_load %arg8[%get3A_841, %get3A_842] {strides = array<i32>} : memref<832x64xf32, #tpu.memory_space<vmem>>, vector<16xf32>,
        %add3A_844 = arith.addf %add3A_796, %get3A_843 : vector<16xf32>
        %add3A_845 = arith.constant 19 : i32
        %add3A_846 = arith.addi %mul3A_386, %add3A_845 : i32
        %get3A_847 = arith.index_cast %add3A_846 : i32 to index
        %get3A_848 = arith.constant 48 : index
        %get3A_849 = tpu.vector_load %arg8[%get3A_847, %get3A_848] {strides = array<i32>} : memref<832x64xf32, #tpu.memory_space<vmem>>, vector<16xf32>,
        %add3A_850 = arith.addf %add3A_802, %get3A_849 : vector<16xf32>
        %add3A_851 = arith.constant 20 : i32
        %add3A_852 = arith.addi %mul3A_386, %add3A_851 : i32
        %get3A_853 = arith.index_cast %add3A_852 : i32 to index
        %get3A_854 = arith.constant 0 : index
        %get3A_855 = tpu.vector_load %arg8[%get3A_853, %get3A_854] {strides = array<i32>} : memref<832x64xf32, #tpu.memory_space<vmem>>, vector<16xf32>,
        %add3A_856 = arith.addf %add3A_808, %get3A_855 : vector<16xf32>
        %add3A_857 = arith.constant 20 : i32
        %add3A_858 = arith.addi %mul3A_386, %add3A_857 : i32
        %get3A_859 = arith.index_cast %add3A_858 : i32 to index
        %get3A_860 = arith.constant 16 : index
        %get3A_861 = tpu.vector_load %arg8[%get3A_859, %get3A_860] {strides = array<i32>} : memref<832x64xf32, #tpu.memory_space<vmem>>, vector<16xf32>,
        %add3A_862 = arith.addf %add3A_814, %get3A_861 : vector<16xf32>
        %add3A_863 = arith.constant 20 : i32
        %add3A_864 = arith.addi %mul3A_386, %add3A_863 : i32
        %get3A_865 = arith.index_cast %add3A_864 : i32 to index
        %get3A_866 = arith.constant 32 : index
        %get3A_867 = tpu.vector_load %arg8[%get3A_865, %get3A_866] {strides = array<i32>} : memref<832x64xf32, #tpu.memory_space<vmem>>, vector<16xf32>,
        %add3A_868 = arith.addf %add3A_820, %get3A_867 : vector<16xf32>
        %add3A_869 = arith.constant 20 : i32
        %add3A_870 = arith.addi %mul3A_386, %add3A_869 : i32
        %get3A_871 = arith.index_cast %add3A_870 : i32 to index
        %get3A_872 = arith.constant 48 : index
        %get3A_873 = tpu.vector_load %arg8[%get3A_871, %get3A_872] {strides = array<i32>} : memref<832x64xf32, #tpu.memory_space<vmem>>, vector<16xf32>,
        %add3A_874 = arith.addf %add3A_826, %get3A_873 : vector<16xf32>
        %add3A_875 = arith.constant 21 : i32
        %add3A_876 = arith.addi %mul3A_386, %add3A_875 : i32
        %get3A_877 = arith.index_cast %add3A_876 : i32 to index
        %get3A_878 = arith.constant 0 : index
        %get3A_879 = tpu.vector_load %arg8[%get3A_877, %get3A_878] {strides = array<i32>} : memref<832x64xf32, #tpu.memory_space<vmem>>, vector<16xf32>,
        %add3A_880 = arith.addf %add3A_832, %get3A_879 : vector<16xf32>
        %add3A_881 = arith.constant 21 : i32
        %add3A_882 = arith.addi %mul3A_386, %add3A_881 : i32
        %get3A_883 = arith.index_cast %add3A_882 : i32 to index
        %get3A_884 = arith.constant 16 : index
        %get3A_885 = tpu.vector_load %arg8[%get3A_883, %get3A_884] {strides = array<i32>} : memref<832x64xf32, #tpu.memory_space<vmem>>, vector<16xf32>,
        %add3A_886 = arith.addf %add3A_838, %get3A_885 : vector<16xf32>
        %add3A_887 = arith.constant 21 : i32
        %add3A_888 = arith.addi %mul3A_386, %add3A_887 : i32
        %get3A_889 = arith.index_cast %add3A_888 : i32 to index
        %get3A_890 = arith.constant 32 : index
        %get3A_891 = tpu.vector_load %arg8[%get3A_889, %get3A_890] {strides = array<i32>} : memref<832x64xf32, #tpu.memory_space<vmem>>, vector<16xf32>,
        %add3A_892 = arith.addf %add3A_844, %get3A_891 : vector<16xf32>
        %add3A_893 = arith.constant 21 : i32
        %add3A_894 = arith.addi %mul3A_386, %add3A_893 : i32
        %get3A_895 = arith.index_cast %add3A_894 : i32 to index
        %get3A_896 = arith.constant 48 : index
        %get3A_897 = tpu.vector_load %arg8[%get3A_895, %get3A_896] {strides = array<i32>} : memref<832x64xf32, #tpu.memory_space<vmem>>, vector<16xf32>,
        %add3A_898 = arith.addf %add3A_850, %get3A_897 : vector<16xf32>
        %add3A_899 = arith.constant 22 : i32
        %add3A_900 = arith.addi %mul3A_386, %add3A_899 : i32
        %get3A_901 = arith.index_cast %add3A_900 : i32 to index
        %get3A_902 = arith.constant 0 : index
        %get3A_903 = tpu.vector_load %arg8[%get3A_901, %get3A_902] {strides = array<i32>} : memref<832x64xf32, #tpu.memory_space<vmem>>, vector<16xf32>,
        %add3A_904 = arith.addf %add3A_856, %get3A_903 : vector<16xf32>
        %add3A_905 = arith.constant 22 : i32
        %add3A_906 = arith.addi %mul3A_386, %add3A_905 : i32
        %get3A_907 = arith.index_cast %add3A_906 : i32 to index
        %get3A_908 = arith.constant 16 : index
        %get3A_909 = tpu.vector_load %arg8[%get3A_907, %get3A_908] {strides = array<i32>} : memref<832x64xf32, #tpu.memory_space<vmem>>, vector<16xf32>,
        %add3A_910 = arith.addf %add3A_862, %get3A_909 : vector<16xf32>
        %add3A_911 = arith.constant 22 : i32
        %add3A_912 = arith.addi %mul3A_386, %add3A_911 : i32
        %get3A_913 = arith.index_cast %add3A_912 : i32 to index
        %get3A_914 = arith.constant 32 : index
        %get3A_915 = tpu.vector_load %arg8[%get3A_913, %get3A_914] {strides = array<i32>} : memref<832x64xf32, #tpu.memory_space<vmem>>, vector<16xf32>,
        %add3A_916 = arith.addf %add3A_868, %get3A_915 : vector<16xf32>
        %add3A_917 = arith.constant 22 : i32
        %add3A_918 = arith.addi %mul3A_386, %add3A_917 : i32
        %get3A_919 = arith.index_cast %add3A_918 : i32 to index
        %get3A_920 = arith.constant 48 : index
        %get3A_921 = tpu.vector_load %arg8[%get3A_919, %get3A_920] {strides = array<i32>} : memref<832x64xf32, #tpu.memory_space<vmem>>, vector<16xf32>,
        %add3A_922 = arith.addf %add3A_874, %get3A_921 : vector<16xf32>
        %add3A_923 = arith.constant 23 : i32
        %add3A_924 = arith.addi %mul3A_386, %add3A_923 : i32
        %get3A_925 = arith.index_cast %add3A_924 : i32 to index
        %get3A_926 = arith.constant 0 : index
        %get3A_927 = tpu.vector_load %arg8[%get3A_925, %get3A_926] {strides = array<i32>} : memref<832x64xf32, #tpu.memory_space<vmem>>, vector<16xf32>,
        %add3A_928 = arith.addf %add3A_880, %get3A_927 : vector<16xf32>
        %add3A_929 = arith.constant 23 : i32
        %add3A_930 = arith.addi %mul3A_386, %add3A_929 : i32
        %get3A_931 = arith.index_cast %add3A_930 : i32 to index
        %get3A_932 = arith.constant 16 : index
        %get3A_933 = tpu.vector_load %arg8[%get3A_931, %get3A_932] {strides = array<i32>} : memref<832x64xf32, #tpu.memory_space<vmem>>, vector<16xf32>,
        %add3A_934 = arith.addf %add3A_886, %get3A_933 : vector<16xf32>
        %add3A_935 = arith.constant 23 : i32
        %add3A_936 = arith.addi %mul3A_386, %add3A_935 : i32
        %get3A_937 = arith.index_cast %add3A_936 : i32 to index
        %get3A_938 = arith.constant 32 : index
        %get3A_939 = tpu.vector_load %arg8[%get3A_937, %get3A_938] {strides = array<i32>} : memref<832x64xf32, #tpu.memory_space<vmem>>, vector<16xf32>,
        %add3A_940 = arith.addf %add3A_892, %get3A_939 : vector<16xf32>
        %add3A_941 = arith.constant 23 : i32
        %add3A_942 = arith.addi %mul3A_386, %add3A_941 : i32
        %get3A_943 = arith.index_cast %add3A_942 : i32 to index
        %get3A_944 = arith.constant 48 : index
        %get3A_945 = tpu.vector_load %arg8[%get3A_943, %get3A_944] {strides = array<i32>} : memref<832x64xf32, #tpu.memory_space<vmem>>, vector<16xf32>,
        %add3A_946 = arith.addf %add3A_898, %get3A_945 : vector<16xf32>
        %add3A_947 = arith.constant 24 : i32
        %add3A_948 = arith.addi %mul3A_386, %add3A_947 : i32
        %get3A_949 = arith.index_cast %add3A_948 : i32 to index
        %get3A_950 = arith.constant 0 : index
        %get3A_951 = tpu.vector_load %arg8[%get3A_949, %get3A_950] {strides = array<i32>} : memref<832x64xf32, #tpu.memory_space<vmem>>, vector<16xf32>,
        %add3A_952 = arith.addf %add3A_904, %get3A_951 : vector<16xf32>
        %add3A_953 = arith.constant 24 : i32
        %add3A_954 = arith.addi %mul3A_386, %add3A_953 : i32
        %get3A_955 = arith.index_cast %add3A_954 : i32 to index
        %get3A_956 = arith.constant 16 : index
        %get3A_957 = tpu.vector_load %arg8[%get3A_955, %get3A_956] {strides = array<i32>} : memref<832x64xf32, #tpu.memory_space<vmem>>, vector<16xf32>,
        %add3A_958 = arith.addf %add3A_910, %get3A_957 : vector<16xf32>
        %add3A_959 = arith.constant 24 : i32
        %add3A_960 = arith.addi %mul3A_386, %add3A_959 : i32
        %get3A_961 = arith.index_cast %add3A_960 : i32 to index
        %get3A_962 = arith.constant 32 : index
        %get3A_963 = tpu.vector_load %arg8[%get3A_961, %get3A_962] {strides = array<i32>} : memref<832x64xf32, #tpu.memory_space<vmem>>, vector<16xf32>,
        %add3A_964 = arith.addf %add3A_916, %get3A_963 : vector<16xf32>
        %add3A_965 = arith.constant 24 : i32
        %add3A_966 = arith.addi %mul3A_386, %add3A_965 : i32
        %get3A_967 = arith.index_cast %add3A_966 : i32 to index
        %get3A_968 = arith.constant 48 : index
        %get3A_969 = tpu.vector_load %arg8[%get3A_967, %get3A_968] {strides = array<i32>} : memref<832x64xf32, #tpu.memory_space<vmem>>, vector<16xf32>,
        %add3A_970 = arith.addf %add3A_922, %get3A_969 : vector<16xf32>
        %add3A_971 = arith.constant 25 : i32
        %add3A_972 = arith.addi %mul3A_386, %add3A_971 : i32
        %get3A_973 = arith.index_cast %add3A_972 : i32 to index
        %get3A_974 = arith.constant 0 : index
        %get3A_975 = tpu.vector_load %arg8[%get3A_973, %get3A_974] {strides = array<i32>} : memref<832x64xf32, #tpu.memory_space<vmem>>, vector<16xf32>,
        %add3A_976 = arith.addf %add3A_928, %get3A_975 : vector<16xf32>
        %add3A_977 = arith.constant 25 : i32
        %add3A_978 = arith.addi %mul3A_386, %add3A_977 : i32
        %get3A_979 = arith.index_cast %add3A_978 : i32 to index
        %get3A_980 = arith.constant 16 : index
        %get3A_981 = tpu.vector_load %arg8[%get3A_979, %get3A_980] {strides = array<i32>} : memref<832x64xf32, #tpu.memory_space<vmem>>, vector<16xf32>,
        %add3A_982 = arith.addf %add3A_934, %get3A_981 : vector<16xf32>
        %add3A_983 = arith.constant 25 : i32
        %add3A_984 = arith.addi %mul3A_386, %add3A_983 : i32
        %get3A_985 = arith.index_cast %add3A_984 : i32 to index
        %get3A_986 = arith.constant 32 : index
        %get3A_987 = tpu.vector_load %arg8[%get3A_985, %get3A_986] {strides = array<i32>} : memref<832x64xf32, #tpu.memory_space<vmem>>, vector<16xf32>,
        %add3A_988 = arith.addf %add3A_940, %get3A_987 : vector<16xf32>
        %add3A_989 = arith.constant 25 : i32
        %add3A_990 = arith.addi %mul3A_386, %add3A_989 : i32
        %get3A_991 = arith.index_cast %add3A_990 : i32 to index
        %get3A_992 = arith.constant 48 : index
        %get3A_993 = tpu.vector_load %arg8[%get3A_991, %get3A_992] {strides = array<i32>} : memref<832x64xf32, #tpu.memory_space<vmem>>, vector<16xf32>,
        %add3A_994 = arith.addf %add3A_946, %get3A_993 : vector<16xf32>
        %add3A_995 = arith.addf %add3A_952, %add3A_976 : vector<16xf32>
        %add3A_996 = arith.addf %add3A_958, %add3A_982 : vector<16xf32>
        %add3A_997 = arith.addf %add3A_964, %add3A_988 : vector<16xf32>
        %add3A_998 = arith.addf %add3A_970, %add3A_994 : vector<16xf32>
        %get3A_999 = arith.index_cast %mul3A_386 : i32 to index
        %get3A_1000 = tpu.vector_load %arg6[%get3A_999] {strides = array<i32>} : memref<832xi32, #tpu.memory_space<vmem>>, vector<16xi32>,
        %add3A_1001 = arith.constant 26 : i32
        %add3A_1002 = arith.addi %mul3A_386, %add3A_1001 : i32
        %sub3A_1003 = arith.constant 16 : i32
        %sub3A_1004 = arith.subi %add3A_1002, %sub3A_1003 : i32
        %get3A_1005 = arith.index_cast %sub3A_1004 : i32 to index
        %get3A_1006 = tpu.vector_load %arg6[%get3A_1005] {strides = array<i32>} : memref<832xi32, #tpu.memory_space<vmem>>, vector<16xi32>,
        %min3A_1007 = arith.constant 1 : i32
        %min3A_1008 = vector.broadcast %min3A_1007 : i32 to vector<16xi32>
        %min3A_1009 = arith.minsi %get3A_1000, %min3A_1008 : vector<16xi32>
        %sub3A_1010 = arith.constant 1 : i32
        %sub3A_1011 = vector.broadcast %sub3A_1010 : i32 to vector<16xi32>
        %sub3A_1012 = arith.subi %sub3A_1011, %min3A_1009 : vector<16xi32>
        %min3A_1013 = arith.constant 1 : i32
        %min3A_1014 = vector.broadcast %min3A_1013 : i32 to vector<16xi32>
        %min3A_1015 = arith.minsi %get3A_1006, %min3A_1014 : vector<16xi32>
        %sub3A_1016 = arith.constant 1 : i32
        %sub3A_1017 = vector.broadcast %sub3A_1016 : i32 to vector<16xi32>
        %sub3A_1018 = arith.subi %sub3A_1017, %min3A_1015 : vector<16xi32>
        %mul3A_1019 = arith.muli %sub3A_1018, %min3A_23 : vector<16xi32>
        %add3A_1020 = arith.addi %sub3A_1012, %mul3A_1019 : vector<16xi32>
        %reduce_sum3A = arith.constant true
        %reduce_sum3A_1021 = vector.broadcast %reduce_sum3A : i1 to vector<16xi1>
        %reduce_sum3A_1022 = tpu.scan <sum>, %add3A_1020 masked %reduce_sum3A_1021 : vector<16xi32>, vector<16xi1> -> vector<16xi32>
        %reduce_sum3A_1023 = vector.extract %reduce_sum3A_1022[15] : i32 from vector<16xi32>
        %broadcast_in_dim3A = vector.broadcast %reduce_sum3A_1023 : i32 to vector<16xi32>
        %convert_element_type3A = arith.sitofp %broadcast_in_dim3A : vector<16xi32> to vector<16xf32>
        %sub3A_1024 = arith.constant 2.600000e+01 : f32
        %sub3A_1025 = vector.broadcast %sub3A_1024 : f32 to vector<16xf32>
        %sub3A_1026 = arith.subf %sub3A_1025, %convert_element_type3A : vector<16xf32>
        %add3A_1027 = arith.constant 9.99999993E-9 : f32
        %add3A_1028 = vector.broadcast %add3A_1027 : f32 to vector<16xf32>
        %add3A_1029 = arith.addf %sub3A_1026, %add3A_1028 : vector<16xf32>
        %div3A = arith.constant 1.000000e+00 : f32
        %div3A_1030 = vector.broadcast %div3A : f32 to vector<16xf32>
        %div3A_1031 = arith.divf %div3A_1030, %add3A_1029 : vector<16xf32>
        %mul3A_1032 = arith.mulf %convert_element_type3A, %get3A_5 : vector<16xf32>
        %sub3A_1033 = arith.subf %add3A_995, %mul3A_1032 : vector<16xf32>
        %mul3A_1034 = arith.mulf %sub3A_1033, %div3A_1031 : vector<16xf32>
        %swap3A = arith.index_cast %scan3A_384 : i32 to index
        %swap3A_1035 = arith.constant 0 : index
        %swap3A_1036 = tpu.vector_load %arg10[%swap3A, %swap3A_1035] {strides = array<i32>} : memref<32x64xf32, #tpu.memory_space<vmem>>, vector<16xf32>,
        tpu.vector_store %arg10[%swap3A, %swap3A_1035], %mul3A_1034 {strides = array<i32>} : memref<32x64xf32, #tpu.memory_space<vmem>>, vector<16xf32>,
        %mul3A_1037 = arith.mulf %convert_element_type3A, %get3A_9 : vector<16xf32>
        %sub3A_1038 = arith.subf %add3A_996, %mul3A_1037 : vector<16xf32>
        %mul3A_1039 = arith.mulf %sub3A_1038, %div3A_1031 : vector<16xf32>
        %swap3A_1040 = arith.index_cast %scan3A_384 : i32 to index
        %swap3A_1041 = arith.constant 16 : index
        %swap3A_1042 = tpu.vector_load %arg10[%swap3A_1040, %swap3A_1041] {strides = array<i32>} : memref<32x64xf32, #tpu.memory_space<vmem>>, vector<16xf32>,
        tpu.vector_store %arg10[%swap3A_1040, %swap3A_1041], %mul3A_1039 {strides = array<i32>} : memref<32x64xf32, #tpu.memory_space<vmem>>, vector<16xf32>,
        %mul3A_1043 = arith.mulf %convert_element_type3A, %get3A_13 : vector<16xf32>
        %sub3A_1044 = arith.subf %add3A_997, %mul3A_1043 : vector<16xf32>
        %mul3A_1045 = arith.mulf %sub3A_1044, %div3A_1031 : vector<16xf32>
        %swap3A_1046 = arith.index_cast %scan3A_384 : i32 to index
        %swap3A_1047 = arith.constant 32 : index
        %swap3A_1048 = tpu.vector_load %arg10[%swap3A_1046, %swap3A_1047] {strides = array<i32>} : memref<32x64xf32, #tpu.memory_space<vmem>>, vector<16xf32>,
        tpu.vector_store %arg10[%swap3A_1046, %swap3A_1047], %mul3A_1045 {strides = array<i32>} : memref<32x64xf32, #tpu.memory_space<vmem>>, vector<16xf32>,
        %mul3A_1049 = arith.mulf %convert_element_type3A, %get3A_17 : vector<16xf32>
        %sub3A_1050 = arith.subf %add3A_998, %mul3A_1049 : vector<16xf32>
        %mul3A_1051 = arith.mulf %sub3A_1050, %div3A_1031 : vector<16xf32>
        %swap3A_1052 = arith.index_cast %scan3A_384 : i32 to index
        %swap3A_1053 = arith.constant 48 : index
        %swap3A_1054 = tpu.vector_load %arg10[%swap3A_1052, %swap3A_1053] {strides = array<i32>} : memref<32x64xf32, #tpu.memory_space<vmem>>, vector<16xf32>,
        tpu.vector_store %arg10[%swap3A_1052, %swap3A_1053], %mul3A_1051 {strides = array<i32>} : memref<32x64xf32, #tpu.memory_space<vmem>>, vector<16xf32>,
      }
      %scan3A_371 = arith.constant 32 : i32
      %mul3A_372 = arith.constant 32 : i32
      %mul3A_373 = arith.muli %add3A_365, %mul3A_372 : i32
      %add3A_374 = arith.addi %mul3A_2, %mul3A_373 : i32
      "tpu.region"() ({
        %run_scoped3A = tpu.sem_alloc : memref<!tpu.dma_semaphore, #tpu.memory_space<semaphore_mem>>
        %dma_start3A_384 = arith.constant 0 : i32
        %dma_start3A_385 = tpu.memref_slice %arg4[%add3A_374, %dma_start3A_384] : memref<16384x64xf32, #tpu.memory_space<hbm>> -> memref<32x64xf32, #tpu.memory_space<hbm>>
        %dma_start3A_386 = arith.constant 0 : i32
        %dma_start3A_387 = tpu.memref_slice %arg4[%add3A_374, %dma_start3A_386] : memref<16384x64xf32, #tpu.memory_space<hbm>> -> memref<32x64xf32, #tpu.memory_space<hbm>>
        tpu.enqueue_dma source(%arg10 : memref<32x64xf32, #tpu.memory_space<vmem>>) target(%dma_start3A_387 : memref<32x64xf32, #tpu.memory_space<hbm>>) target_semaphore(%run_scoped3A : memref<!tpu.dma_semaphore, #tpu.memory_space<semaphore_mem>>)
        %dma_wait3A_388 = arith.constant 0 : i32
        %dma_wait3A_389 = tpu.memref_slice %arg4[%add3A_374, %dma_wait3A_388] : memref<16384x64xf32, #tpu.memory_space<hbm>> -> memref<32x64xf32, #tpu.memory_space<hbm>>
        %dma_wait3A_390 = arith.constant 0 : i32
        %dma_wait3A_391 = tpu.memref_slice %arg4[%add3A_374, %dma_wait3A_390] : memref<16384x64xf32, #tpu.memory_space<hbm>> -> memref<32x64xf32, #tpu.memory_space<hbm>>
        tpu.wait_dma2 semaphore(%run_scoped3A : memref<!tpu.dma_semaphore, #tpu.memory_space<semaphore_mem>>) src(%arg10 : memref<32x64xf32, #tpu.memory_space<vmem>>) dst(%dma_wait3A_391 : memref<32x64xf32, #tpu.memory_space<hbm>>)
        tpu.yield
      }) : () -> ()
      %add3A_375 = arith.constant 3 : i32
      %add3A_376 = arith.addi %mul3A_197, %add3A_375 : i32
      %mul3A_377 = arith.constant 32 : i32
      %mul3A_378 = arith.muli %add3A_376, %mul3A_377 : i32
      %add3A_379 = arith.addi %mul3A_2, %mul3A_378 : i32
      %mul3A_380 = arith.constant 26 : i32
      %mul3A_381 = arith.muli %add3A_379, %mul3A_380 : i32
      %dma_start3A_382 = tpu.memref_slice %arg2[%mul3A_381] : memref<425984xi32, #tpu.memory_space<hbm>> -> memref<832xi32, #tpu.memory_space<hbm>>
      %dma_start3A_383 = tpu.memref_slice %arg2[%mul3A_381] : memref<425984xi32, #tpu.memory_space<hbm>> -> memref<832xi32, #tpu.memory_space<hbm>>
      tpu.enqueue_dma source(%dma_start3A_383 : memref<832xi32, #tpu.memory_space<hbm>>) target(%arg6 : memref<832xi32, #tpu.memory_space<vmem>>) target_semaphore(%arg13 : memref<!tpu.dma_semaphore, #tpu.memory_space<semaphore_mem>>)
    }
    %scan3A_99 = arith.constant 7 : i32
    %dma_wait3A = arith.constant 0 : i32
    %dma_wait3A_100 = tpu.memref_slice %arg2[%dma_wait3A] : memref<425984xi32, #tpu.memory_space<hbm>> -> memref<832xi32, #tpu.memory_space<hbm>>
    %dma_wait3A_101 = arith.constant 0 : i32
    %dma_wait3A_102 = tpu.memref_slice %arg2[%dma_wait3A_101] : memref<425984xi32, #tpu.memory_space<hbm>> -> memref<832xi32, #tpu.memory_space<hbm>>
    tpu.wait_dma2 semaphore(%arg13 : memref<!tpu.dma_semaphore, #tpu.memory_space<semaphore_mem>>) src(%dma_wait3A_102 : memref<832xi32, #tpu.memory_space<hbm>>) dst(%arg6 : memref<832xi32, #tpu.memory_space<vmem>>)
    %dma_start3A_103 = arith.constant 0 : i32
    %dma_start3A_104 = arith.constant 0 : i32
    %dma_start3A_105 = tpu.memref_slice %arg8[%dma_start3A_103, %dma_start3A_104] : memref<832x64xf32, #tpu.memory_space<vmem>> -> memref<104x64xf32, #tpu.memory_space<vmem>>
    %dma_start3A_106 = arith.constant 0 : i32
    %dma_start3A_107 = tpu.memref_slice %arg6[%dma_start3A_106] : memref<832xi32, #tpu.memory_space<vmem>> -> memref<104xi32, #tpu.memory_space<vmem>>
    %dma_start3A_108 = arith.constant 0 : i32
    %dma_start3A_109 = arith.constant 0 : i32
    %dma_start3A_110 = tpu.memref_slice %arg3[%dma_start3A_108, %dma_start3A_109] : memref<1000000x64xf32, #tpu.memory_space<hbm>> -> memref<1000000x64xf32, #tpu.memory_space<hbm>>
    tpu.enqueue_indirect_dma source(%dma_start3A_110 : memref<1000000x64xf32, #tpu.memory_space<hbm>>) target(%dma_start3A_105 : memref<104x64xf32, #tpu.memory_space<vmem>>) offsets(%dma_start3A_107 : memref<104xi32, #tpu.memory_space<vmem>>) semaphore(%arg12 : memref<!tpu.dma_semaphore, #tpu.memory_space<semaphore_mem>>)
    %dma_start3A_111 = arith.constant 104 : i32
    %dma_start3A_112 = arith.constant 0 : i32
    %dma_start3A_113 = tpu.memref_slice %arg8[%dma_start3A_111, %dma_start3A_112] : memref<832x64xf32, #tpu.memory_space<vmem>> -> memref<104x64xf32, #tpu.memory_space<vmem>>
    %dma_start3A_114 = arith.constant 104 : i32
    %dma_start3A_115 = tpu.memref_slice %arg6[%dma_start3A_114] : memref<832xi32, #tpu.memory_space<vmem>> -> memref<104xi32, #tpu.memory_space<vmem>>
    %dma_start3A_116 = arith.constant 0 : i32
    %dma_start3A_117 = arith.constant 0 : i32
    %dma_start3A_118 = tpu.memref_slice %arg3[%dma_start3A_116, %dma_start3A_117] : memref<1000000x64xf32, #tpu.memory_space<hbm>> -> memref<1000000x64xf32, #tpu.memory_space<hbm>>
    tpu.enqueue_indirect_dma source(%dma_start3A_118 : memref<1000000x64xf32, #tpu.memory_space<hbm>>) target(%dma_start3A_113 : memref<104x64xf32, #tpu.memory_space<vmem>>) offsets(%dma_start3A_115 : memref<104xi32, #tpu.memory_space<vmem>>) semaphore(%arg12 : memref<!tpu.dma_semaphore, #tpu.memory_space<semaphore_mem>>)
    %dma_start3A_119 = arith.constant 208 : i32
    %dma_start3A_120 = arith.constant 0 : i32
    %dma_start3A_121 = tpu.memref_slice %arg8[%dma_start3A_119, %dma_start3A_120] : memref<832x64xf32, #tpu.memory_space<vmem>> -> memref<104x64xf32, #tpu.memory_space<vmem>>
    %dma_start3A_122 = arith.constant 208 : i32
    %dma_start3A_123 = tpu.memref_slice %arg6[%dma_start3A_122] : memref<832xi32, #tpu.memory_space<vmem>> -> memref<104xi32, #tpu.memory_space<vmem>>
    %dma_start3A_124 = arith.constant 0 : i32
    %dma_start3A_125 = arith.constant 0 : i32
    %dma_start3A_126 = tpu.memref_slice %arg3[%dma_start3A_124, %dma_start3A_125] : memref<1000000x64xf32, #tpu.memory_space<hbm>> -> memref<1000000x64xf32, #tpu.memory_space<hbm>>
    tpu.enqueue_indirect_dma source(%dma_start3A_126 : memref<1000000x64xf32, #tpu.memory_space<hbm>>) target(%dma_start3A_121 : memref<104x64xf32, #tpu.memory_space<vmem>>) offsets(%dma_start3A_123 : memref<104xi32, #tpu.memory_space<vmem>>) semaphore(%arg12 : memref<!tpu.dma_semaphore, #tpu.memory_space<semaphore_mem>>)
    %dma_start3A_127 = arith.constant 312 : i32
    %dma_start3A_128 = arith.constant 0 : i32
    %dma_start3A_129 = tpu.memref_slice %arg8[%dma_start3A_127, %dma_start3A_128] : memref<832x64xf32, #tpu.memory_space<vmem>> -> memref<104x64xf32, #tpu.memory_space<vmem>>
    %dma_start3A_130 = arith.constant 312 : i32
    %dma_start3A_131 = tpu.memref_slice %arg6[%dma_start3A_130] : memref<832xi32, #tpu.memory_space<vmem>> -> memref<104xi32, #tpu.memory_space<vmem>>
    %dma_start3A_132 = arith.constant 0 : i32
    %dma_start3A_133 = arith.constant 0 : i32
    %dma_start3A_134 = tpu.memref_slice %arg3[%dma_start3A_132, %dma_start3A_133] : memref<1000000x64xf32, #tpu.memory_space<hbm>> -> memref<1000000x64xf32, #tpu.memory_space<hbm>>
    tpu.enqueue_indirect_dma source(%dma_start3A_134 : memref<1000000x64xf32, #tpu.memory_space<hbm>>) target(%dma_start3A_129 : memref<104x64xf32, #tpu.memory_space<vmem>>) offsets(%dma_start3A_131 : memref<104xi32, #tpu.memory_space<vmem>>) semaphore(%arg12 : memref<!tpu.dma_semaphore, #tpu.memory_space<semaphore_mem>>)
    %dma_start3A_135 = arith.constant 416 : i32
    %dma_start3A_136 = arith.constant 0 : i32
    %dma_start3A_137 = tpu.memref_slice %arg8[%dma_start3A_135, %dma_start3A_136] : memref<832x64xf32, #tpu.memory_space<vmem>> -> memref<104x64xf32, #tpu.memory_space<vmem>>
    %dma_start3A_138 = arith.constant 416 : i32
    %dma_start3A_139 = tpu.memref_slice %arg6[%dma_start3A_138] : memref<832xi32, #tpu.memory_space<vmem>> -> memref<104xi32, #tpu.memory_space<vmem>>
    %dma_start3A_140 = arith.constant 0 : i32
    %dma_start3A_141 = arith.constant 0 : i32
    %dma_start3A_142 = tpu.memref_slice %arg3[%dma_start3A_140, %dma_start3A_141] : memref<1000000x64xf32, #tpu.memory_space<hbm>> -> memref<1000000x64xf32, #tpu.memory_space<hbm>>
    tpu.enqueue_indirect_dma source(%dma_start3A_142 : memref<1000000x64xf32, #tpu.memory_space<hbm>>) target(%dma_start3A_137 : memref<104x64xf32, #tpu.memory_space<vmem>>) offsets(%dma_start3A_139 : memref<104xi32, #tpu.memory_space<vmem>>) semaphore(%arg12 : memref<!tpu.dma_semaphore, #tpu.memory_space<semaphore_mem>>)
    %dma_start3A_143 = arith.constant 520 : i32
    %dma_start3A_144 = arith.constant 0 : i32
    %dma_start3A_145 = tpu.memref_slice %arg8[%dma_start3A_143, %dma_start3A_144] : memref<832x64xf32, #tpu.memory_space<vmem>> -> memref<104x64xf32, #tpu.memory_space<vmem>>
    %dma_start3A_146 = arith.constant 520 : i32
    %dma_start3A_147 = tpu.memref_slice %arg6[%dma_start3A_146] : memref<832xi32, #tpu.memory_space<vmem>> -> memref<104xi32, #tpu.memory_space<vmem>>
    %dma_start3A_148 = arith.constant 0 : i32
    %dma_start3A_149 = arith.constant 0 : i32
    %dma_start3A_150 = tpu.memref_slice %arg3[%dma_start3A_148, %dma_start3A_149] : memref<1000000x64xf32, #tpu.memory_space<hbm>> -> memref<1000000x64xf32, #tpu.memory_space<hbm>>
    tpu.enqueue_indirect_dma source(%dma_start3A_150 : memref<1000000x64xf32, #tpu.memory_space<hbm>>) target(%dma_start3A_145 : memref<104x64xf32, #tpu.memory_space<vmem>>) offsets(%dma_start3A_147 : memref<104xi32, #tpu.memory_space<vmem>>) semaphore(%arg12 : memref<!tpu.dma_semaphore, #tpu.memory_space<semaphore_mem>>)
    %dma_start3A_151 = arith.constant 624 : i32
    %dma_start3A_152 = arith.constant 0 : i32
    %dma_start3A_153 = tpu.memref_slice %arg8[%dma_start3A_151, %dma_start3A_152] : memref<832x64xf32, #tpu.memory_space<vmem>> -> memref<104x64xf32, #tpu.memory_space<vmem>>
    %dma_start3A_154 = arith.constant 624 : i32
    %dma_start3A_155 = tpu.memref_slice %arg6[%dma_start3A_154] : memref<832xi32, #tpu.memory_space<vmem>> -> memref<104xi32, #tpu.memory_space<vmem>>
    %dma_start3A_156 = arith.constant 0 : i32
    %dma_start3A_157 = arith.constant 0 : i32
    %dma_start3A_158 = tpu.memref_slice %arg3[%dma_start3A_156, %dma_start3A_157] : memref<1000000x64xf32, #tpu.memory_space<hbm>> -> memref<1000000x64xf32, #tpu.memory_space<hbm>>
    tpu.enqueue_indirect_dma source(%dma_start3A_158 : memref<1000000x64xf32, #tpu.memory_space<hbm>>) target(%dma_start3A_153 : memref<104x64xf32, #tpu.memory_space<vmem>>) offsets(%dma_start3A_155 : memref<104xi32, #tpu.memory_space<vmem>>) semaphore(%arg12 : memref<!tpu.dma_semaphore, #tpu.memory_space<semaphore_mem>>)
    %dma_start3A_159 = arith.constant 728 : i32
    %dma_start3A_160 = arith.constant 0 : i32
    %dma_start3A_161 = tpu.memref_slice %arg8[%dma_start3A_159, %dma_start3A_160] : memref<832x64xf32, #tpu.memory_space<vmem>> -> memref<104x64xf32, #tpu.memory_space<vmem>>
    %dma_start3A_162 = arith.constant 728 : i32
    %dma_start3A_163 = tpu.memref_slice %arg6[%dma_start3A_162] : memref<832xi32, #tpu.memory_space<vmem>> -> memref<104xi32, #tpu.memory_space<vmem>>
    %dma_start3A_164 = arith.constant 0 : i32
    %dma_start3A_165 = arith.constant 0 : i32
    %dma_start3A_166 = tpu.memref_slice %arg3[%dma_start3A_164, %dma_start3A_165] : memref<1000000x64xf32, #tpu.memory_space<hbm>> -> memref<1000000x64xf32, #tpu.memory_space<hbm>>
    tpu.enqueue_indirect_dma source(%dma_start3A_166 : memref<1000000x64xf32, #tpu.memory_space<hbm>>) target(%dma_start3A_161 : memref<104x64xf32, #tpu.memory_space<vmem>>) offsets(%dma_start3A_163 : memref<104xi32, #tpu.memory_space<vmem>>) semaphore(%arg12 : memref<!tpu.dma_semaphore, #tpu.memory_space<semaphore_mem>>)
    %dma_wait3A_167 = arith.constant 0 : i32
    %dma_wait3A_168 = arith.constant 0 : i32
    %dma_wait3A_169 = tpu.memref_slice %arg3[%dma_wait3A_167, %dma_wait3A_168] : memref<1000000x64xf32, #tpu.memory_space<hbm>> -> memref<832x64xf32, #tpu.memory_space<hbm>>
    %dma_wait3A_170 = arith.constant 0 : i32
    %dma_wait3A_171 = arith.constant 0 : i32
    %dma_wait3A_172 = tpu.memref_slice %arg3[%dma_wait3A_170, %dma_wait3A_171] : memref<1000000x64xf32, #tpu.memory_space<hbm>> -> memref<832x64xf32, #tpu.memory_space<hbm>>
    tpu.wait_dma2 semaphore(%arg11 : memref<!tpu.dma_semaphore, #tpu.memory_space<semaphore_mem>>) src(%dma_wait3A_172 : memref<832x64xf32, #tpu.memory_space<hbm>>) dst(%arg7 : memref<832x64xf32, #tpu.memory_space<vmem>>)
    %scan3A_173 = arith.constant 0 : i32
    %scan3A_174 = arith.constant 0 : i32
    %scan3A_175 = arith.constant 32 : i32
    %scan3A_176 = arith.addi %scan3A_174, %scan3A_175 : i32
    %scan3A_177 = arith.constant 1 : i32
    scf.for %scan3A_195 = %scan3A_174 to %scan3A_176 step %scan3A_177  : i32 {
      %mul3A_196 = arith.constant 26 : i32
      %mul3A_197 = arith.muli %scan3A_195, %mul3A_196 : i32
      %get3A_198 = arith.index_cast %mul3A_197 : i32 to index
      %get3A_199 = arith.constant 0 : index
      %get3A_200 = tpu.vector_load %arg7[%get3A_198, %get3A_199] {strides = array<i32>} : memref<832x64xf32, #tpu.memory_space<vmem>>, vector<16xf32>,
      %get3A_201 = arith.index_cast %mul3A_197 : i32 to index
      %get3A_202 = arith.constant 16 : index
      %get3A_203 = tpu.vector_load %arg7[%get3A_201, %get3A_202] {strides = array<i32>} : memref<832x64xf32, #tpu.memory_space<vmem>>, vector<16xf32>,
      %get3A_204 = arith.index_cast %mul3A_197 : i32 to index
      %get3A_205 = arith.constant 32 : index
      %get3A_206 = tpu.vector_load %arg7[%get3A_204, %get3A_205] {strides = array<i32>} : memref<832x64xf32, #tpu.memory_space<vmem>>, vector<16xf32>,
      %get3A_207 = arith.index_cast %mul3A_197 : i32 to index
      %get3A_208 = arith.constant 48 : index
      %get3A_209 = tpu.vector_load %arg7[%get3A_207, %get3A_208] {strides = array<i32>} : memref<832x64xf32, #tpu.memory_space<vmem>>, vector<16xf32>,
      %add3A_210 = arith.constant 1 : i32
      %add3A_211 = arith.addi %mul3A_197, %add3A_210 : i32
      %get3A_212 = arith.index_cast %add3A_211 : i32 to index
      %get3A_213 = arith.constant 0 : index
      %get3A_214 = tpu.vector_load %arg7[%get3A_212, %get3A_213] {strides = array<i32>} : memref<832x64xf32, #tpu.memory_space<vmem>>, vector<16xf32>,
      %add3A_215 = arith.constant 1 : i32
      %add3A_216 = arith.addi %mul3A_197, %add3A_215 : i32
      %get3A_217 = arith.index_cast %add3A_216 : i32 to index
      %get3A_218 = arith.constant 16 : index
      %get3A_219 = tpu.vector_load %arg7[%get3A_217, %get3A_218] {strides = array<i32>} : memref<832x64xf32, #tpu.memory_space<vmem>>, vector<16xf32>,
      %add3A_220 = arith.constant 1 : i32
      %add3A_221 = arith.addi %mul3A_197, %add3A_220 : i32
      %get3A_222 = arith.index_cast %add3A_221 : i32 to index
      %get3A_223 = arith.constant 32 : index
      %get3A_224 = tpu.vector_load %arg7[%get3A_222, %get3A_223] {strides = array<i32>} : memref<832x64xf32, #tpu.memory_space<vmem>>, vector<16xf32>,
      %add3A_225 = arith.constant 1 : i32
      %add3A_226 = arith.addi %mul3A_197, %add3A_225 : i32
      %get3A_227 = arith.index_cast %add3A_226 : i32 to index
      %get3A_228 = arith.constant 48 : index
      %get3A_229 = tpu.vector_load %arg7[%get3A_227, %get3A_228] {strides = array<i32>} : memref<832x64xf32, #tpu.memory_space<vmem>>, vector<16xf32>,
      %add3A_230 = arith.constant 2 : i32
      %add3A_231 = arith.addi %mul3A_197, %add3A_230 : i32
      %get3A_232 = arith.index_cast %add3A_231 : i32 to index
      %get3A_233 = arith.constant 0 : index
      %get3A_234 = tpu.vector_load %arg7[%get3A_232, %get3A_233] {strides = array<i32>} : memref<832x64xf32, #tpu.memory_space<vmem>>, vector<16xf32>,
      %add3A_235 = arith.addf %get3A_200, %get3A_234 : vector<16xf32>
      %add3A_236 = arith.constant 2 : i32
      %add3A_237 = arith.addi %mul3A_197, %add3A_236 : i32
      %get3A_238 = arith.index_cast %add3A_237 : i32 to index
      %get3A_239 = arith.constant 16 : index
      %get3A_240 = tpu.vector_load %arg7[%get3A_238, %get3A_239] {strides = array<i32>} : memref<832x64xf32, #tpu.memory_space<vmem>>, vector<16xf32>,
      %add3A_241 = arith.addf %get3A_203, %get3A_240 : vector<16xf32>
      %add3A_242 = arith.constant 2 : i32
      %add3A_243 = arith.addi %mul3A_197, %add3A_242 : i32
      %get3A_244 = arith.index_cast %add3A_243 : i32 to index
      %get3A_245 = arith.constant 32 : index
      %get3A_246 = tpu.vector_load %arg7[%get3A_244, %get3A_245] {strides = array<i32>} : memref<832x64xf32, #tpu.memory_space<vmem>>, vector<16xf32>,
      %add3A_247 = arith.addf %get3A_206, %get3A_246 : vector<16xf32>
      %add3A_248 = arith.constant 2 : i32
      %add3A_249 = arith.addi %mul3A_197, %add3A_248 : i32
      %get3A_250 = arith.index_cast %add3A_249 : i32 to index
      %get3A_251 = arith.constant 48 : index
      %get3A_252 = tpu.vector_load %arg7[%get3A_250, %get3A_251] {strides = array<i32>} : memref<832x64xf32, #tpu.memory_space<vmem>>, vector<16xf32>,
      %add3A_253 = arith.addf %get3A_209, %get3A_252 : vector<16xf32>
      %add3A_254 = arith.constant 3 : i32
      %add3A_255 = arith.addi %mul3A_197, %add3A_254 : i32
      %get3A_256 = arith.index_cast %add3A_255 : i32 to index
      %get3A_257 = arith.constant 0 : index
      %get3A_258 = tpu.vector_load %arg7[%get3A_256, %get3A_257] {strides = array<i32>} : memref<832x64xf32, #tpu.memory_space<vmem>>, vector<16xf32>,
      %add3A_259 = arith.addf %get3A_214, %get3A_258 : vector<16xf32>
      %add3A_260 = arith.constant 3 : i32
      %add3A_261 = arith.addi %mul3A_197, %add3A_260 : i32
      %get3A_262 = arith.index_cast %add3A_261 : i32 to index
      %get3A_263 = arith.constant 16 : index
      %get3A_264 = tpu.vector_load %arg7[%get3A_262, %get3A_263] {strides = array<i32>} : memref<832x64xf32, #tpu.memory_space<vmem>>, vector<16xf32>,
      %add3A_265 = arith.addf %get3A_219, %get3A_264 : vector<16xf32>
      %add3A_266 = arith.constant 3 : i32
      %add3A_267 = arith.addi %mul3A_197, %add3A_266 : i32
      %get3A_268 = arith.index_cast %add3A_267 : i32 to index
      %get3A_269 = arith.constant 32 : index
      %get3A_270 = tpu.vector_load %arg7[%get3A_268, %get3A_269] {strides = array<i32>} : memref<832x64xf32, #tpu.memory_space<vmem>>, vector<16xf32>,
      %add3A_271 = arith.addf %get3A_224, %get3A_270 : vector<16xf32>
      %add3A_272 = arith.constant 3 : i32
      %add3A_273 = arith.addi %mul3A_197, %add3A_272 : i32
      %get3A_274 = arith.index_cast %add3A_273 : i32 to index
      %get3A_275 = arith.constant 48 : index
      %get3A_276 = tpu.vector_load %arg7[%get3A_274, %get3A_275] {strides = array<i32>} : memref<832x64xf32, #tpu.memory_space<vmem>>, vector<16xf32>,
      %add3A_277 = arith.addf %get3A_229, %get3A_276 : vector<16xf32>
      %add3A_278 = arith.constant 4 : i32
      %add3A_279 = arith.addi %mul3A_197, %add3A_278 : i32
      %get3A_280 = arith.index_cast %add3A_279 : i32 to index
      %get3A_281 = arith.constant 0 : index
      %get3A_282 = tpu.vector_load %arg7[%get3A_280, %get3A_281] {strides = array<i32>} : memref<832x64xf32, #tpu.memory_space<vmem>>, vector<16xf32>,
      %add3A_283 = arith.addf %add3A_235, %get3A_282 : vector<16xf32>
      %add3A_284 = arith.constant 4 : i32
      %add3A_285 = arith.addi %mul3A_197, %add3A_284 : i32
      %get3A_286 = arith.index_cast %add3A_285 : i32 to index
      %get3A_287 = arith.constant 16 : index
      %get3A_288 = tpu.vector_load %arg7[%get3A_286, %get3A_287] {strides = array<i32>} : memref<832x64xf32, #tpu.memory_space<vmem>>, vector<16xf32>,
      %add3A_289 = arith.addf %add3A_241, %get3A_288 : vector<16xf32>
      %add3A_290 = arith.constant 4 : i32
      %add3A_291 = arith.addi %mul3A_197, %add3A_290 : i32
      %get3A_292 = arith.index_cast %add3A_291 : i32 to index
      %get3A_293 = arith.constant 32 : index
      %get3A_294 = tpu.vector_load %arg7[%get3A_292, %get3A_293] {strides = array<i32>} : memref<832x64xf32, #tpu.memory_space<vmem>>, vector<16xf32>,
      %add3A_295 = arith.addf %add3A_247, %get3A_294 : vector<16xf32>
      %add3A_296 = arith.constant 4 : i32
      %add3A_297 = arith.addi %mul3A_197, %add3A_296 : i32
      %get3A_298 = arith.index_cast %add3A_297 : i32 to index
      %get3A_299 = arith.constant 48 : index
      %get3A_300 = tpu.vector_load %arg7[%get3A_298, %get3A_299] {strides = array<i32>} : memref<832x64xf32, #tpu.memory_space<vmem>>, vector<16xf32>,
      %add3A_301 = arith.addf %add3A_253, %get3A_300 : vector<16xf32>
      %add3A_302 = arith.constant 5 : i32
      %add3A_303 = arith.addi %mul3A_197, %add3A_302 : i32
      %get3A_304 = arith.index_cast %add3A_303 : i32 to index
      %get3A_305 = arith.constant 0 : index
      %get3A_306 = tpu.vector_load %arg7[%get3A_304, %get3A_305] {strides = array<i32>} : memref<832x64xf32, #tpu.memory_space<vmem>>, vector<16xf32>,
      %add3A_307 = arith.addf %add3A_259, %get3A_306 : vector<16xf32>
      %add3A_308 = arith.constant 5 : i32
      %add3A_309 = arith.addi %mul3A_197, %add3A_308 : i32
      %get3A_310 = arith.index_cast %add3A_309 : i32 to index
      %get3A_311 = arith.constant 16 : index
      %get3A_312 = tpu.vector_load %arg7[%get3A_310, %get3A_311] {strides = array<i32>} : memref<832x64xf32, #tpu.memory_space<vmem>>, vector<16xf32>,
      %add3A_313 = arith.addf %add3A_265, %get3A_312 : vector<16xf32>
      %add3A_314 = arith.constant 5 : i32
      %add3A_315 = arith.addi %mul3A_197, %add3A_314 : i32
      %get3A_316 = arith.index_cast %add3A_315 : i32 to index
      %get3A_317 = arith.constant 32 : index
      %get3A_318 = tpu.vector_load %arg7[%get3A_316, %get3A_317] {strides = array<i32>} : memref<832x64xf32, #tpu.memory_space<vmem>>, vector<16xf32>,
      %add3A_319 = arith.addf %add3A_271, %get3A_318 : vector<16xf32>
      %add3A_320 = arith.constant 5 : i32
      %add3A_321 = arith.addi %mul3A_197, %add3A_320 : i32
      %get3A_322 = arith.index_cast %add3A_321 : i32 to index
      %get3A_323 = arith.constant 48 : index
      %get3A_324 = tpu.vector_load %arg7[%get3A_322, %get3A_323] {strides = array<i32>} : memref<832x64xf32, #tpu.memory_space<vmem>>, vector<16xf32>,
      %add3A_325 = arith.addf %add3A_277, %get3A_324 : vector<16xf32>
      %add3A_326 = arith.constant 6 : i32
      %add3A_327 = arith.addi %mul3A_197, %add3A_326 : i32
      %get3A_328 = arith.index_cast %add3A_327 : i32 to index
      %get3A_329 = arith.constant 0 : index
      %get3A_330 = tpu.vector_load %arg7[%get3A_328, %get3A_329] {strides = array<i32>} : memref<832x64xf32, #tpu.memory_space<vmem>>, vector<16xf32>,
      %add3A_331 = arith.addf %add3A_283, %get3A_330 : vector<16xf32>
      %add3A_332 = arith.constant 6 : i32
      %add3A_333 = arith.addi %mul3A_197, %add3A_332 : i32
      %get3A_334 = arith.index_cast %add3A_333 : i32 to index
      %get3A_335 = arith.constant 16 : index
      %get3A_336 = tpu.vector_load %arg7[%get3A_334, %get3A_335] {strides = array<i32>} : memref<832x64xf32, #tpu.memory_space<vmem>>, vector<16xf32>,
      %add3A_337 = arith.addf %add3A_289, %get3A_336 : vector<16xf32>
      %add3A_338 = arith.constant 6 : i32
      %add3A_339 = arith.addi %mul3A_197, %add3A_338 : i32
      %get3A_340 = arith.index_cast %add3A_339 : i32 to index
      %get3A_341 = arith.constant 32 : index
      %get3A_342 = tpu.vector_load %arg7[%get3A_340, %get3A_341] {strides = array<i32>} : memref<832x64xf32, #tpu.memory_space<vmem>>, vector<16xf32>,
      %add3A_343 = arith.addf %add3A_295, %get3A_342 : vector<16xf32>
      %add3A_344 = arith.constant 6 : i32
      %add3A_345 = arith.addi %mul3A_197, %add3A_344 : i32
      %get3A_346 = arith.index_cast %add3A_345 : i32 to index
      %get3A_347 = arith.constant 48 : index
      %get3A_348 = tpu.vector_load %arg7[%get3A_346, %get3A_347] {strides = array<i32>} : memref<832x64xf32, #tpu.memory_space<vmem>>, vector<16xf32>,
      %add3A_349 = arith.addf %add3A_301, %get3A_348 : vector<16xf32>
      %add3A_350 = arith.constant 7 : i32
      %add3A_351 = arith.addi %mul3A_197, %add3A_350 : i32
      %get3A_352 = arith.index_cast %add3A_351 : i32 to index
      %get3A_353 = arith.constant 0 : index
      %get3A_354 = tpu.vector_load %arg7[%get3A_352, %get3A_353] {strides = array<i32>} : memref<832x64xf32, #tpu.memory_space<vmem>>, vector<16xf32>,
      %add3A_355 = arith.addf %add3A_307, %get3A_354 : vector<16xf32>
      %add3A_356 = arith.constant 7 : i32
      %add3A_357 = arith.addi %mul3A_197, %add3A_356 : i32
      %get3A_358 = arith.index_cast %add3A_357 : i32 to index
      %get3A_359 = arith.constant 16 : index
      %get3A_360 = tpu.vector_load %arg7[%get3A_358, %get3A_359] {strides = array<i32>} : memref<832x64xf32, #tpu.memory_space<vmem>>, vector<16xf32>,
      %add3A_361 = arith.addf %add3A_313, %get3A_360 : vector<16xf32>
      %add3A_362 = arith.constant 7 : i32
      %add3A_363 = arith.addi %mul3A_197, %add3A_362 : i32
      %get3A_364 = arith.index_cast %add3A_363 : i32 to index
      %get3A_365 = arith.constant 32 : index
      %get3A_366 = tpu.vector_load %arg7[%get3A_364, %get3A_365] {strides = array<i32>} : memref<832x64xf32, #tpu.memory_space<vmem>>, vector<16xf32>,
      %add3A_367 = arith.addf %add3A_319, %get3A_366 : vector<16xf32>
      %add3A_368 = arith.constant 7 : i32
      %add3A_369 = arith.addi %mul3A_197, %add3A_368 : i32
      %get3A_370 = arith.index_cast %add3A_369 : i32 to index
      %get3A_371 = arith.constant 48 : index
      %get3A_372 = tpu.vector_load %arg7[%get3A_370, %get3A_371] {strides = array<i32>} : memref<832x64xf32, #tpu.memory_space<vmem>>, vector<16xf32>,
      %add3A_373 = arith.addf %add3A_325, %get3A_372 : vector<16xf32>
      %add3A_374 = arith.constant 8 : i32
      %add3A_375 = arith.addi %mul3A_197, %add3A_374 : i32
      %get3A_376 = arith.index_cast %add3A_375 : i32 to index
      %get3A_377 = arith.constant 0 : index
      %get3A_378 = tpu.vector_load %arg7[%get3A_376, %get3A_377] {strides = array<i32>} : memref<832x64xf32, #tpu.memory_space<vmem>>, vector<16xf32>,
      %add3A_379 = arith.addf %add3A_331, %get3A_378 : vector<16xf32>
      %add3A_380 = arith.constant 8 : i32
      %add3A_381 = arith.addi %mul3A_197, %add3A_380 : i32
      %get3A_382 = arith.index_cast %add3A_381 : i32 to index
      %get3A_383 = arith.constant 16 : index
      %get3A_384 = tpu.vector_load %arg7[%get3A_382, %get3A_383] {strides = array<i32>} : memref<832x64xf32, #tpu.memory_space<vmem>>, vector<16xf32>,
      %add3A_385 = arith.addf %add3A_337, %get3A_384 : vector<16xf32>
      %add3A_386 = arith.constant 8 : i32
      %add3A_387 = arith.addi %mul3A_197, %add3A_386 : i32
      %get3A_388 = arith.index_cast %add3A_387 : i32 to index
      %get3A_389 = arith.constant 32 : index
      %get3A_390 = tpu.vector_load %arg7[%get3A_388, %get3A_389] {strides = array<i32>} : memref<832x64xf32, #tpu.memory_space<vmem>>, vector<16xf32>,
      %add3A_391 = arith.addf %add3A_343, %get3A_390 : vector<16xf32>
      %add3A_392 = arith.constant 8 : i32
      %add3A_393 = arith.addi %mul3A_197, %add3A_392 : i32
      %get3A_394 = arith.index_cast %add3A_393 : i32 to index
      %get3A_395 = arith.constant 48 : index
      %get3A_396 = tpu.vector_load %arg7[%get3A_394, %get3A_395] {strides = array<i32>} : memref<832x64xf32, #tpu.memory_space<vmem>>, vector<16xf32>,
      %add3A_397 = arith.addf %add3A_349, %get3A_396 : vector<16xf32>
      %add3A_398 = arith.constant 9 : i32
      %add3A_399 = arith.addi %mul3A_197, %add3A_398 : i32
      %get3A_400 = arith.index_cast %add3A_399 : i32 to index
      %get3A_401 = arith.constant 0 : index
      %get3A_402 = tpu.vector_load %arg7[%get3A_400, %get3A_401] {strides = array<i32>} : memref<832x64xf32, #tpu.memory_space<vmem>>, vector<16xf32>,
      %add3A_403 = arith.addf %add3A_355, %get3A_402 : vector<16xf32>
      %add3A_404 = arith.constant 9 : i32
      %add3A_405 = arith.addi %mul3A_197, %add3A_404 : i32
      %get3A_406 = arith.index_cast %add3A_405 : i32 to index
      %get3A_407 = arith.constant 16 : index
      %get3A_408 = tpu.vector_load %arg7[%get3A_406, %get3A_407] {strides = array<i32>} : memref<832x64xf32, #tpu.memory_space<vmem>>, vector<16xf32>,
      %add3A_409 = arith.addf %add3A_361, %get3A_408 : vector<16xf32>
      %add3A_410 = arith.constant 9 : i32
      %add3A_411 = arith.addi %mul3A_197, %add3A_410 : i32
      %get3A_412 = arith.index_cast %add3A_411 : i32 to index
      %get3A_413 = arith.constant 32 : index
      %get3A_414 = tpu.vector_load %arg7[%get3A_412, %get3A_413] {strides = array<i32>} : memref<832x64xf32, #tpu.memory_space<vmem>>, vector<16xf32>,
      %add3A_415 = arith.addf %add3A_367, %get3A_414 : vector<16xf32>
      %add3A_416 = arith.constant 9 : i32
      %add3A_417 = arith.addi %mul3A_197, %add3A_416 : i32
      %get3A_418 = arith.index_cast %add3A_417 : i32 to index
      %get3A_419 = arith.constant 48 : index
      %get3A_420 = tpu.vector_load %arg7[%get3A_418, %get3A_419] {strides = array<i32>} : memref<832x64xf32, #tpu.memory_space<vmem>>, vector<16xf32>,
      %add3A_421 = arith.addf %add3A_373, %get3A_420 : vector<16xf32>
      %add3A_422 = arith.constant 10 : i32
      %add3A_423 = arith.addi %mul3A_197, %add3A_422 : i32
      %get3A_424 = arith.index_cast %add3A_423 : i32 to index
      %get3A_425 = arith.constant 0 : index
      %get3A_426 = tpu.vector_load %arg7[%get3A_424, %get3A_425] {strides = array<i32>} : memref<832x64xf32, #tpu.memory_space<vmem>>, vector<16xf32>,
      %add3A_427 = arith.addf %add3A_379, %get3A_426 : vector<16xf32>
      %add3A_428 = arith.constant 10 : i32
      %add3A_429 = arith.addi %mul3A_197, %add3A_428 : i32
      %get3A_430 = arith.index_cast %add3A_429 : i32 to index
      %get3A_431 = arith.constant 16 : index
      %get3A_432 = tpu.vector_load %arg7[%get3A_430, %get3A_431] {strides = array<i32>} : memref<832x64xf32, #tpu.memory_space<vmem>>, vector<16xf32>,
      %add3A_433 = arith.addf %add3A_385, %get3A_432 : vector<16xf32>
      %add3A_434 = arith.constant 10 : i32
      %add3A_435 = arith.addi %mul3A_197, %add3A_434 : i32
      %get3A_436 = arith.index_cast %add3A_435 : i32 to index
      %get3A_437 = arith.constant 32 : index
      %get3A_438 = tpu.vector_load %arg7[%get3A_436, %get3A_437] {strides = array<i32>} : memref<832x64xf32, #tpu.memory_space<vmem>>, vector<16xf32>,
      %add3A_439 = arith.addf %add3A_391, %get3A_438 : vector<16xf32>
      %add3A_440 = arith.constant 10 : i32
      %add3A_441 = arith.addi %mul3A_197, %add3A_440 : i32
      %get3A_442 = arith.index_cast %add3A_441 : i32 to index
      %get3A_443 = arith.constant 48 : index
      %get3A_444 = tpu.vector_load %arg7[%get3A_442, %get3A_443] {strides = array<i32>} : memref<832x64xf32, #tpu.memory_space<vmem>>, vector<16xf32>,
      %add3A_445 = arith.addf %add3A_397, %get3A_444 : vector<16xf32>
      %add3A_446 = arith.constant 11 : i32
      %add3A_447 = arith.addi %mul3A_197, %add3A_446 : i32
      %get3A_448 = arith.index_cast %add3A_447 : i32 to index
      %get3A_449 = arith.constant 0 : index
      %get3A_450 = tpu.vector_load %arg7[%get3A_448, %get3A_449] {strides = array<i32>} : memref<832x64xf32, #tpu.memory_space<vmem>>, vector<16xf32>,
      %add3A_451 = arith.addf %add3A_403, %get3A_450 : vector<16xf32>
      %add3A_452 = arith.constant 11 : i32
      %add3A_453 = arith.addi %mul3A_197, %add3A_452 : i32
      %get3A_454 = arith.index_cast %add3A_453 : i32 to index
      %get3A_455 = arith.constant 16 : index
      %get3A_456 = tpu.vector_load %arg7[%get3A_454, %get3A_455] {strides = array<i32>} : memref<832x64xf32, #tpu.memory_space<vmem>>, vector<16xf32>,
      %add3A_457 = arith.addf %add3A_409, %get3A_456 : vector<16xf32>
      %add3A_458 = arith.constant 11 : i32
      %add3A_459 = arith.addi %mul3A_197, %add3A_458 : i32
      %get3A_460 = arith.index_cast %add3A_459 : i32 to index
      %get3A_461 = arith.constant 32 : index
      %get3A_462 = tpu.vector_load %arg7[%get3A_460, %get3A_461] {strides = array<i32>} : memref<832x64xf32, #tpu.memory_space<vmem>>, vector<16xf32>,
      %add3A_463 = arith.addf %add3A_415, %get3A_462 : vector<16xf32>
      %add3A_464 = arith.constant 11 : i32
      %add3A_465 = arith.addi %mul3A_197, %add3A_464 : i32
      %get3A_466 = arith.index_cast %add3A_465 : i32 to index
      %get3A_467 = arith.constant 48 : index
      %get3A_468 = tpu.vector_load %arg7[%get3A_466, %get3A_467] {strides = array<i32>} : memref<832x64xf32, #tpu.memory_space<vmem>>, vector<16xf32>,
      %add3A_469 = arith.addf %add3A_421, %get3A_468 : vector<16xf32>
      %add3A_470 = arith.constant 12 : i32
      %add3A_471 = arith.addi %mul3A_197, %add3A_470 : i32
      %get3A_472 = arith.index_cast %add3A_471 : i32 to index
      %get3A_473 = arith.constant 0 : index
      %get3A_474 = tpu.vector_load %arg7[%get3A_472, %get3A_473] {strides = array<i32>} : memref<832x64xf32, #tpu.memory_space<vmem>>, vector<16xf32>,
      %add3A_475 = arith.addf %add3A_427, %get3A_474 : vector<16xf32>
      %add3A_476 = arith.constant 12 : i32
      %add3A_477 = arith.addi %mul3A_197, %add3A_476 : i32
      %get3A_478 = arith.index_cast %add3A_477 : i32 to index
      %get3A_479 = arith.constant 16 : index
      %get3A_480 = tpu.vector_load %arg7[%get3A_478, %get3A_479] {strides = array<i32>} : memref<832x64xf32, #tpu.memory_space<vmem>>, vector<16xf32>,
      %add3A_481 = arith.addf %add3A_433, %get3A_480 : vector<16xf32>
      %add3A_482 = arith.constant 12 : i32
      %add3A_483 = arith.addi %mul3A_197, %add3A_482 : i32
      %get3A_484 = arith.index_cast %add3A_483 : i32 to index
      %get3A_485 = arith.constant 32 : index
      %get3A_486 = tpu.vector_load %arg7[%get3A_484, %get3A_485] {strides = array<i32>} : memref<832x64xf32, #tpu.memory_space<vmem>>, vector<16xf32>,
      %add3A_487 = arith.addf %add3A_439, %get3A_486 : vector<16xf32>
      %add3A_488 = arith.constant 12 : i32
      %add3A_489 = arith.addi %mul3A_197, %add3A_488 : i32
      %get3A_490 = arith.index_cast %add3A_489 : i32 to index
      %get3A_491 = arith.constant 48 : index
      %get3A_492 = tpu.vector_load %arg7[%get3A_490, %get3A_491] {strides = array<i32>} : memref<832x64xf32, #tpu.memory_space<vmem>>, vector<16xf32>,
      %add3A_493 = arith.addf %add3A_445, %get3A_492 : vector<16xf32>
      %add3A_494 = arith.constant 13 : i32
      %add3A_495 = arith.addi %mul3A_197, %add3A_494 : i32
      %get3A_496 = arith.index_cast %add3A_495 : i32 to index
      %get3A_497 = arith.constant 0 : index
      %get3A_498 = tpu.vector_load %arg7[%get3A_496, %get3A_497] {strides = array<i32>} : memref<832x64xf32, #tpu.memory_space<vmem>>, vector<16xf32>,
      %add3A_499 = arith.addf %add3A_451, %get3A_498 : vector<16xf32>
      %add3A_500 = arith.constant 13 : i32
      %add3A_501 = arith.addi %mul3A_197, %add3A_500 : i32
      %get3A_502 = arith.index_cast %add3A_501 : i32 to index
      %get3A_503 = arith.constant 16 : index
      %get3A_504 = tpu.vector_load %arg7[%get3A_502, %get3A_503] {strides = array<i32>} : memref<832x64xf32, #tpu.memory_space<vmem>>, vector<16xf32>,
      %add3A_505 = arith.addf %add3A_457, %get3A_504 : vector<16xf32>
      %add3A_506 = arith.constant 13 : i32
      %add3A_507 = arith.addi %mul3A_197, %add3A_506 : i32
      %get3A_508 = arith.index_cast %add3A_507 : i32 to index
      %get3A_509 = arith.constant 32 : index
      %get3A_510 = tpu.vector_load %arg7[%get3A_508, %get3A_509] {strides = array<i32>} : memref<832x64xf32, #tpu.memory_space<vmem>>, vector<16xf32>,
      %add3A_511 = arith.addf %add3A_463, %get3A_510 : vector<16xf32>
      %add3A_512 = arith.constant 13 : i32
      %add3A_513 = arith.addi %mul3A_197, %add3A_512 : i32
      %get3A_514 = arith.index_cast %add3A_513 : i32 to index
      %get3A_515 = arith.constant 48 : index
      %get3A_516 = tpu.vector_load %arg7[%get3A_514, %get3A_515] {strides = array<i32>} : memref<832x64xf32, #tpu.memory_space<vmem>>, vector<16xf32>,
      %add3A_517 = arith.addf %add3A_469, %get3A_516 : vector<16xf32>
      %add3A_518 = arith.constant 14 : i32
      %add3A_519 = arith.addi %mul3A_197, %add3A_518 : i32
      %get3A_520 = arith.index_cast %add3A_519 : i32 to index
      %get3A_521 = arith.constant 0 : index
      %get3A_522 = tpu.vector_load %arg7[%get3A_520, %get3A_521] {strides = array<i32>} : memref<832x64xf32, #tpu.memory_space<vmem>>, vector<16xf32>,
      %add3A_523 = arith.addf %add3A_475, %get3A_522 : vector<16xf32>
      %add3A_524 = arith.constant 14 : i32
      %add3A_525 = arith.addi %mul3A_197, %add3A_524 : i32
      %get3A_526 = arith.index_cast %add3A_525 : i32 to index
      %get3A_527 = arith.constant 16 : index
      %get3A_528 = tpu.vector_load %arg7[%get3A_526, %get3A_527] {strides = array<i32>} : memref<832x64xf32, #tpu.memory_space<vmem>>, vector<16xf32>,
      %add3A_529 = arith.addf %add3A_481, %get3A_528 : vector<16xf32>
      %add3A_530 = arith.constant 14 : i32
      %add3A_531 = arith.addi %mul3A_197, %add3A_530 : i32
      %get3A_532 = arith.index_cast %add3A_531 : i32 to index
      %get3A_533 = arith.constant 32 : index
      %get3A_534 = tpu.vector_load %arg7[%get3A_532, %get3A_533] {strides = array<i32>} : memref<832x64xf32, #tpu.memory_space<vmem>>, vector<16xf32>,
      %add3A_535 = arith.addf %add3A_487, %get3A_534 : vector<16xf32>
      %add3A_536 = arith.constant 14 : i32
      %add3A_537 = arith.addi %mul3A_197, %add3A_536 : i32
      %get3A_538 = arith.index_cast %add3A_537 : i32 to index
      %get3A_539 = arith.constant 48 : index
      %get3A_540 = tpu.vector_load %arg7[%get3A_538, %get3A_539] {strides = array<i32>} : memref<832x64xf32, #tpu.memory_space<vmem>>, vector<16xf32>,
      %add3A_541 = arith.addf %add3A_493, %get3A_540 : vector<16xf32>
      %add3A_542 = arith.constant 15 : i32
      %add3A_543 = arith.addi %mul3A_197, %add3A_542 : i32
      %get3A_544 = arith.index_cast %add3A_543 : i32 to index
      %get3A_545 = arith.constant 0 : index
      %get3A_546 = tpu.vector_load %arg7[%get3A_544, %get3A_545] {strides = array<i32>} : memref<832x64xf32, #tpu.memory_space<vmem>>, vector<16xf32>,
      %add3A_547 = arith.addf %add3A_499, %get3A_546 : vector<16xf32>
      %add3A_548 = arith.constant 15 : i32
      %add3A_549 = arith.addi %mul3A_197, %add3A_548 : i32
      %get3A_550 = arith.index_cast %add3A_549 : i32 to index
      %get3A_551 = arith.constant 16 : index
      %get3A_552 = tpu.vector_load %arg7[%get3A_550, %get3A_551] {strides = array<i32>} : memref<832x64xf32, #tpu.memory_space<vmem>>, vector<16xf32>,
      %add3A_553 = arith.addf %add3A_505, %get3A_552 : vector<16xf32>
      %add3A_554 = arith.constant 15 : i32
      %add3A_555 = arith.addi %mul3A_197, %add3A_554 : i32
      %get3A_556 = arith.index_cast %add3A_555 : i32 to index
      %get3A_557 = arith.constant 32 : index
      %get3A_558 = tpu.vector_load %arg7[%get3A_556, %get3A_557] {strides = array<i32>} : memref<832x64xf32, #tpu.memory_space<vmem>>, vector<16xf32>,
      %add3A_559 = arith.addf %add3A_511, %get3A_558 : vector<16xf32>
      %add3A_560 = arith.constant 15 : i32
      %add3A_561 = arith.addi %mul3A_197, %add3A_560 : i32
      %get3A_562 = arith.index_cast %add3A_561 : i32 to index
      %get3A_563 = arith.constant 48 : index
      %get3A_564 = tpu.vector_load %arg7[%get3A_562, %get3A_563] {strides = array<i32>} : memref<832x64xf32, #tpu.memory_space<vmem>>, vector<16xf32>,
      %add3A_565 = arith.addf %add3A_517, %get3A_564 : vector<16xf32>
      %add3A_566 = arith.constant 16 : i32
      %add3A_567 = arith.addi %mul3A_197, %add3A_566 : i32
      %get3A_568 = arith.index_cast %add3A_567 : i32 to index
      %get3A_569 = arith.constant 0 : index
      %get3A_570 = tpu.vector_load %arg7[%get3A_568, %get3A_569] {strides = array<i32>} : memref<832x64xf32, #tpu.memory_space<vmem>>, vector<16xf32>,
      %add3A_571 = arith.addf %add3A_523, %get3A_570 : vector<16xf32>
      %add3A_572 = arith.constant 16 : i32
      %add3A_573 = arith.addi %mul3A_197, %add3A_572 : i32
      %get3A_574 = arith.index_cast %add3A_573 : i32 to index
      %get3A_575 = arith.constant 16 : index
      %get3A_576 = tpu.vector_load %arg7[%get3A_574, %get3A_575] {strides = array<i32>} : memref<832x64xf32, #tpu.memory_space<vmem>>, vector<16xf32>,
      %add3A_577 = arith.addf %add3A_529, %get3A_576 : vector<16xf32>
      %add3A_578 = arith.constant 16 : i32
      %add3A_579 = arith.addi %mul3A_197, %add3A_578 : i32
      %get3A_580 = arith.index_cast %add3A_579 : i32 to index
      %get3A_581 = arith.constant 32 : index
      %get3A_582 = tpu.vector_load %arg7[%get3A_580, %get3A_581] {strides = array<i32>} : memref<832x64xf32, #tpu.memory_space<vmem>>, vector<16xf32>,
      %add3A_583 = arith.addf %add3A_535, %get3A_582 : vector<16xf32>
      %add3A_584 = arith.constant 16 : i32
      %add3A_585 = arith.addi %mul3A_197, %add3A_584 : i32
      %get3A_586 = arith.index_cast %add3A_585 : i32 to index
      %get3A_587 = arith.constant 48 : index
      %get3A_588 = tpu.vector_load %arg7[%get3A_586, %get3A_587] {strides = array<i32>} : memref<832x64xf32, #tpu.memory_space<vmem>>, vector<16xf32>,
      %add3A_589 = arith.addf %add3A_541, %get3A_588 : vector<16xf32>
      %add3A_590 = arith.constant 17 : i32
      %add3A_591 = arith.addi %mul3A_197, %add3A_590 : i32
      %get3A_592 = arith.index_cast %add3A_591 : i32 to index
      %get3A_593 = arith.constant 0 : index
      %get3A_594 = tpu.vector_load %arg7[%get3A_592, %get3A_593] {strides = array<i32>} : memref<832x64xf32, #tpu.memory_space<vmem>>, vector<16xf32>,
      %add3A_595 = arith.addf %add3A_547, %get3A_594 : vector<16xf32>
      %add3A_596 = arith.constant 17 : i32
      %add3A_597 = arith.addi %mul3A_197, %add3A_596 : i32
      %get3A_598 = arith.index_cast %add3A_597 : i32 to index
      %get3A_599 = arith.constant 16 : index
      %get3A_600 = tpu.vector_load %arg7[%get3A_598, %get3A_599] {strides = array<i32>} : memref<832x64xf32, #tpu.memory_space<vmem>>, vector<16xf32>,
      %add3A_601 = arith.addf %add3A_553, %get3A_600 : vector<16xf32>
      %add3A_602 = arith.constant 17 : i32
      %add3A_603 = arith.addi %mul3A_197, %add3A_602 : i32
      %get3A_604 = arith.index_cast %add3A_603 : i32 to index
      %get3A_605 = arith.constant 32 : index
      %get3A_606 = tpu.vector_load %arg7[%get3A_604, %get3A_605] {strides = array<i32>} : memref<832x64xf32, #tpu.memory_space<vmem>>, vector<16xf32>,
      %add3A_607 = arith.addf %add3A_559, %get3A_606 : vector<16xf32>
      %add3A_608 = arith.constant 17 : i32
      %add3A_609 = arith.addi %mul3A_197, %add3A_608 : i32
      %get3A_610 = arith.index_cast %add3A_609 : i32 to index
      %get3A_611 = arith.constant 48 : index
      %get3A_612 = tpu.vector_load %arg7[%get3A_610, %get3A_611] {strides = array<i32>} : memref<832x64xf32, #tpu.memory_space<vmem>>, vector<16xf32>,
      %add3A_613 = arith.addf %add3A_565, %get3A_612 : vector<16xf32>
      %add3A_614 = arith.constant 18 : i32
      %add3A_615 = arith.addi %mul3A_197, %add3A_614 : i32
      %get3A_616 = arith.index_cast %add3A_615 : i32 to index
      %get3A_617 = arith.constant 0 : index
      %get3A_618 = tpu.vector_load %arg7[%get3A_616, %get3A_617] {strides = array<i32>} : memref<832x64xf32, #tpu.memory_space<vmem>>, vector<16xf32>,
      %add3A_619 = arith.addf %add3A_571, %get3A_618 : vector<16xf32>
      %add3A_620 = arith.constant 18 : i32
      %add3A_621 = arith.addi %mul3A_197, %add3A_620 : i32
      %get3A_622 = arith.index_cast %add3A_621 : i32 to index
      %get3A_623 = arith.constant 16 : index
      %get3A_624 = tpu.vector_load %arg7[%get3A_622, %get3A_623] {strides = array<i32>} : memref<832x64xf32, #tpu.memory_space<vmem>>, vector<16xf32>,
      %add3A_625 = arith.addf %add3A_577, %get3A_624 : vector<16xf32>
      %add3A_626 = arith.constant 18 : i32
      %add3A_627 = arith.addi %mul3A_197, %add3A_626 : i32
      %get3A_628 = arith.index_cast %add3A_627 : i32 to index
      %get3A_629 = arith.constant 32 : index
      %get3A_630 = tpu.vector_load %arg7[%get3A_628, %get3A_629] {strides = array<i32>} : memref<832x64xf32, #tpu.memory_space<vmem>>, vector<16xf32>,
      %add3A_631 = arith.addf %add3A_583, %get3A_630 : vector<16xf32>
      %add3A_632 = arith.constant 18 : i32
      %add3A_633 = arith.addi %mul3A_197, %add3A_632 : i32
      %get3A_634 = arith.index_cast %add3A_633 : i32 to index
      %get3A_635 = arith.constant 48 : index
      %get3A_636 = tpu.vector_load %arg7[%get3A_634, %get3A_635] {strides = array<i32>} : memref<832x64xf32, #tpu.memory_space<vmem>>, vector<16xf32>,
      %add3A_637 = arith.addf %add3A_589, %get3A_636 : vector<16xf32>
      %add3A_638 = arith.constant 19 : i32
      %add3A_639 = arith.addi %mul3A_197, %add3A_638 : i32
      %get3A_640 = arith.index_cast %add3A_639 : i32 to index
      %get3A_641 = arith.constant 0 : index
      %get3A_642 = tpu.vector_load %arg7[%get3A_640, %get3A_641] {strides = array<i32>} : memref<832x64xf32, #tpu.memory_space<vmem>>, vector<16xf32>,
      %add3A_643 = arith.addf %add3A_595, %get3A_642 : vector<16xf32>
      %add3A_644 = arith.constant 19 : i32
      %add3A_645 = arith.addi %mul3A_197, %add3A_644 : i32
      %get3A_646 = arith.index_cast %add3A_645 : i32 to index
      %get3A_647 = arith.constant 16 : index
      %get3A_648 = tpu.vector_load %arg7[%get3A_646, %get3A_647] {strides = array<i32>} : memref<832x64xf32, #tpu.memory_space<vmem>>, vector<16xf32>,
      %add3A_649 = arith.addf %add3A_601, %get3A_648 : vector<16xf32>
      %add3A_650 = arith.constant 19 : i32
      %add3A_651 = arith.addi %mul3A_197, %add3A_650 : i32
      %get3A_652 = arith.index_cast %add3A_651 : i32 to index
      %get3A_653 = arith.constant 32 : index
      %get3A_654 = tpu.vector_load %arg7[%get3A_652, %get3A_653] {strides = array<i32>} : memref<832x64xf32, #tpu.memory_space<vmem>>, vector<16xf32>,
      %add3A_655 = arith.addf %add3A_607, %get3A_654 : vector<16xf32>
      %add3A_656 = arith.constant 19 : i32
      %add3A_657 = arith.addi %mul3A_197, %add3A_656 : i32
      %get3A_658 = arith.index_cast %add3A_657 : i32 to index
      %get3A_659 = arith.constant 48 : index
      %get3A_660 = tpu.vector_load %arg7[%get3A_658, %get3A_659] {strides = array<i32>} : memref<832x64xf32, #tpu.memory_space<vmem>>, vector<16xf32>,
      %add3A_661 = arith.addf %add3A_613, %get3A_660 : vector<16xf32>
      %add3A_662 = arith.constant 20 : i32
      %add3A_663 = arith.addi %mul3A_197, %add3A_662 : i32
      %get3A_664 = arith.index_cast %add3A_663 : i32 to index
      %get3A_665 = arith.constant 0 : index
      %get3A_666 = tpu.vector_load %arg7[%get3A_664, %get3A_665] {strides = array<i32>} : memref<832x64xf32, #tpu.memory_space<vmem>>, vector<16xf32>,
      %add3A_667 = arith.addf %add3A_619, %get3A_666 : vector<16xf32>
      %add3A_668 = arith.constant 20 : i32
      %add3A_669 = arith.addi %mul3A_197, %add3A_668 : i32
      %get3A_670 = arith.index_cast %add3A_669 : i32 to index
      %get3A_671 = arith.constant 16 : index
      %get3A_672 = tpu.vector_load %arg7[%get3A_670, %get3A_671] {strides = array<i32>} : memref<832x64xf32, #tpu.memory_space<vmem>>, vector<16xf32>,
      %add3A_673 = arith.addf %add3A_625, %get3A_672 : vector<16xf32>
      %add3A_674 = arith.constant 20 : i32
      %add3A_675 = arith.addi %mul3A_197, %add3A_674 : i32
      %get3A_676 = arith.index_cast %add3A_675 : i32 to index
      %get3A_677 = arith.constant 32 : index
      %get3A_678 = tpu.vector_load %arg7[%get3A_676, %get3A_677] {strides = array<i32>} : memref<832x64xf32, #tpu.memory_space<vmem>>, vector<16xf32>,
      %add3A_679 = arith.addf %add3A_631, %get3A_678 : vector<16xf32>
      %add3A_680 = arith.constant 20 : i32
      %add3A_681 = arith.addi %mul3A_197, %add3A_680 : i32
      %get3A_682 = arith.index_cast %add3A_681 : i32 to index
      %get3A_683 = arith.constant 48 : index
      %get3A_684 = tpu.vector_load %arg7[%get3A_682, %get3A_683] {strides = array<i32>} : memref<832x64xf32, #tpu.memory_space<vmem>>, vector<16xf32>,
      %add3A_685 = arith.addf %add3A_637, %get3A_684 : vector<16xf32>
      %add3A_686 = arith.constant 21 : i32
      %add3A_687 = arith.addi %mul3A_197, %add3A_686 : i32
      %get3A_688 = arith.index_cast %add3A_687 : i32 to index
      %get3A_689 = arith.constant 0 : index
      %get3A_690 = tpu.vector_load %arg7[%get3A_688, %get3A_689] {strides = array<i32>} : memref<832x64xf32, #tpu.memory_space<vmem>>, vector<16xf32>,
      %add3A_691 = arith.addf %add3A_643, %get3A_690 : vector<16xf32>
      %add3A_692 = arith.constant 21 : i32
      %add3A_693 = arith.addi %mul3A_197, %add3A_692 : i32
      %get3A_694 = arith.index_cast %add3A_693 : i32 to index
      %get3A_695 = arith.constant 16 : index
      %get3A_696 = tpu.vector_load %arg7[%get3A_694, %get3A_695] {strides = array<i32>} : memref<832x64xf32, #tpu.memory_space<vmem>>, vector<16xf32>,
      %add3A_697 = arith.addf %add3A_649, %get3A_696 : vector<16xf32>
      %add3A_698 = arith.constant 21 : i32
      %add3A_699 = arith.addi %mul3A_197, %add3A_698 : i32
      %get3A_700 = arith.index_cast %add3A_699 : i32 to index
      %get3A_701 = arith.constant 32 : index
      %get3A_702 = tpu.vector_load %arg7[%get3A_700, %get3A_701] {strides = array<i32>} : memref<832x64xf32, #tpu.memory_space<vmem>>, vector<16xf32>,
      %add3A_703 = arith.addf %add3A_655, %get3A_702 : vector<16xf32>
      %add3A_704 = arith.constant 21 : i32
      %add3A_705 = arith.addi %mul3A_197, %add3A_704 : i32
      %get3A_706 = arith.index_cast %add3A_705 : i32 to index
      %get3A_707 = arith.constant 48 : index
      %get3A_708 = tpu.vector_load %arg7[%get3A_706, %get3A_707] {strides = array<i32>} : memref<832x64xf32, #tpu.memory_space<vmem>>, vector<16xf32>,
      %add3A_709 = arith.addf %add3A_661, %get3A_708 : vector<16xf32>
      %add3A_710 = arith.constant 22 : i32
      %add3A_711 = arith.addi %mul3A_197, %add3A_710 : i32
      %get3A_712 = arith.index_cast %add3A_711 : i32 to index
      %get3A_713 = arith.constant 0 : index
      %get3A_714 = tpu.vector_load %arg7[%get3A_712, %get3A_713] {strides = array<i32>} : memref<832x64xf32, #tpu.memory_space<vmem>>, vector<16xf32>,
      %add3A_715 = arith.addf %add3A_667, %get3A_714 : vector<16xf32>
      %add3A_716 = arith.constant 22 : i32
      %add3A_717 = arith.addi %mul3A_197, %add3A_716 : i32
      %get3A_718 = arith.index_cast %add3A_717 : i32 to index
      %get3A_719 = arith.constant 16 : index
      %get3A_720 = tpu.vector_load %arg7[%get3A_718, %get3A_719] {strides = array<i32>} : memref<832x64xf32, #tpu.memory_space<vmem>>, vector<16xf32>,
      %add3A_721 = arith.addf %add3A_673, %get3A_720 : vector<16xf32>
      %add3A_722 = arith.constant 22 : i32
      %add3A_723 = arith.addi %mul3A_197, %add3A_722 : i32
      %get3A_724 = arith.index_cast %add3A_723 : i32 to index
      %get3A_725 = arith.constant 32 : index
      %get3A_726 = tpu.vector_load %arg7[%get3A_724, %get3A_725] {strides = array<i32>} : memref<832x64xf32, #tpu.memory_space<vmem>>, vector<16xf32>,
      %add3A_727 = arith.addf %add3A_679, %get3A_726 : vector<16xf32>
      %add3A_728 = arith.constant 22 : i32
      %add3A_729 = arith.addi %mul3A_197, %add3A_728 : i32
      %get3A_730 = arith.index_cast %add3A_729 : i32 to index
      %get3A_731 = arith.constant 48 : index
      %get3A_732 = tpu.vector_load %arg7[%get3A_730, %get3A_731] {strides = array<i32>} : memref<832x64xf32, #tpu.memory_space<vmem>>, vector<16xf32>,
      %add3A_733 = arith.addf %add3A_685, %get3A_732 : vector<16xf32>
      %add3A_734 = arith.constant 23 : i32
      %add3A_735 = arith.addi %mul3A_197, %add3A_734 : i32
      %get3A_736 = arith.index_cast %add3A_735 : i32 to index
      %get3A_737 = arith.constant 0 : index
      %get3A_738 = tpu.vector_load %arg7[%get3A_736, %get3A_737] {strides = array<i32>} : memref<832x64xf32, #tpu.memory_space<vmem>>, vector<16xf32>,
      %add3A_739 = arith.addf %add3A_691, %get3A_738 : vector<16xf32>
      %add3A_740 = arith.constant 23 : i32
      %add3A_741 = arith.addi %mul3A_197, %add3A_740 : i32
      %get3A_742 = arith.index_cast %add3A_741 : i32 to index
      %get3A_743 = arith.constant 16 : index
      %get3A_744 = tpu.vector_load %arg7[%get3A_742, %get3A_743] {strides = array<i32>} : memref<832x64xf32, #tpu.memory_space<vmem>>, vector<16xf32>,
      %add3A_745 = arith.addf %add3A_697, %get3A_744 : vector<16xf32>
      %add3A_746 = arith.constant 23 : i32
      %add3A_747 = arith.addi %mul3A_197, %add3A_746 : i32
      %get3A_748 = arith.index_cast %add3A_747 : i32 to index
      %get3A_749 = arith.constant 32 : index
      %get3A_750 = tpu.vector_load %arg7[%get3A_748, %get3A_749] {strides = array<i32>} : memref<832x64xf32, #tpu.memory_space<vmem>>, vector<16xf32>,
      %add3A_751 = arith.addf %add3A_703, %get3A_750 : vector<16xf32>
      %add3A_752 = arith.constant 23 : i32
      %add3A_753 = arith.addi %mul3A_197, %add3A_752 : i32
      %get3A_754 = arith.index_cast %add3A_753 : i32 to index
      %get3A_755 = arith.constant 48 : index
      %get3A_756 = tpu.vector_load %arg7[%get3A_754, %get3A_755] {strides = array<i32>} : memref<832x64xf32, #tpu.memory_space<vmem>>, vector<16xf32>,
      %add3A_757 = arith.addf %add3A_709, %get3A_756 : vector<16xf32>
      %add3A_758 = arith.constant 24 : i32
      %add3A_759 = arith.addi %mul3A_197, %add3A_758 : i32
      %get3A_760 = arith.index_cast %add3A_759 : i32 to index
      %get3A_761 = arith.constant 0 : index
      %get3A_762 = tpu.vector_load %arg7[%get3A_760, %get3A_761] {strides = array<i32>} : memref<832x64xf32, #tpu.memory_space<vmem>>, vector<16xf32>,
      %add3A_763 = arith.addf %add3A_715, %get3A_762 : vector<16xf32>
      %add3A_764 = arith.constant 24 : i32
      %add3A_765 = arith.addi %mul3A_197, %add3A_764 : i32
      %get3A_766 = arith.index_cast %add3A_765 : i32 to index
      %get3A_767 = arith.constant 16 : index
      %get3A_768 = tpu.vector_load %arg7[%get3A_766, %get3A_767] {strides = array<i32>} : memref<832x64xf32, #tpu.memory_space<vmem>>, vector<16xf32>,
      %add3A_769 = arith.addf %add3A_721, %get3A_768 : vector<16xf32>
      %add3A_770 = arith.constant 24 : i32
      %add3A_771 = arith.addi %mul3A_197, %add3A_770 : i32
      %get3A_772 = arith.index_cast %add3A_771 : i32 to index
      %get3A_773 = arith.constant 32 : index
      %get3A_774 = tpu.vector_load %arg7[%get3A_772, %get3A_773] {strides = array<i32>} : memref<832x64xf32, #tpu.memory_space<vmem>>, vector<16xf32>,
      %add3A_775 = arith.addf %add3A_727, %get3A_774 : vector<16xf32>
      %add3A_776 = arith.constant 24 : i32
      %add3A_777 = arith.addi %mul3A_197, %add3A_776 : i32
      %get3A_778 = arith.index_cast %add3A_777 : i32 to index
      %get3A_779 = arith.constant 48 : index
      %get3A_780 = tpu.vector_load %arg7[%get3A_778, %get3A_779] {strides = array<i32>} : memref<832x64xf32, #tpu.memory_space<vmem>>, vector<16xf32>,
      %add3A_781 = arith.addf %add3A_733, %get3A_780 : vector<16xf32>
      %add3A_782 = arith.constant 25 : i32
      %add3A_783 = arith.addi %mul3A_197, %add3A_782 : i32
      %get3A_784 = arith.index_cast %add3A_783 : i32 to index
      %get3A_785 = arith.constant 0 : index
      %get3A_786 = tpu.vector_load %arg7[%get3A_784, %get3A_785] {strides = array<i32>} : memref<832x64xf32, #tpu.memory_space<vmem>>, vector<16xf32>,
      %add3A_787 = arith.addf %add3A_739, %get3A_786 : vector<16xf32>
      %add3A_788 = arith.constant 25 : i32
      %add3A_789 = arith.addi %mul3A_197, %add3A_788 : i32
      %get3A_790 = arith.index_cast %add3A_789 : i32 to index
      %get3A_791 = arith.constant 16 : index
      %get3A_792 = tpu.vector_load %arg7[%get3A_790, %get3A_791] {strides = array<i32>} : memref<832x64xf32, #tpu.memory_space<vmem>>, vector<16xf32>,
      %add3A_793 = arith.addf %add3A_745, %get3A_792 : vector<16xf32>
      %add3A_794 = arith.constant 25 : i32
      %add3A_795 = arith.addi %mul3A_197, %add3A_794 : i32
      %get3A_796 = arith.index_cast %add3A_795 : i32 to index
      %get3A_797 = arith.constant 32 : index
      %get3A_798 = tpu.vector_load %arg7[%get3A_796, %get3A_797] {strides = array<i32>} : memref<832x64xf32, #tpu.memory_space<vmem>>, vector<16xf32>,
      %add3A_799 = arith.addf %add3A_751, %get3A_798 : vector<16xf32>
      %add3A_800 = arith.constant 25 : i32
      %add3A_801 = arith.addi %mul3A_197, %add3A_800 : i32
      %get3A_802 = arith.index_cast %add3A_801 : i32 to index
      %get3A_803 = arith.constant 48 : index
      %get3A_804 = tpu.vector_load %arg7[%get3A_802, %get3A_803] {strides = array<i32>} : memref<832x64xf32, #tpu.memory_space<vmem>>, vector<16xf32>,
      %add3A_805 = arith.addf %add3A_757, %get3A_804 : vector<16xf32>
      %add3A_806 = arith.addf %add3A_763, %add3A_787 : vector<16xf32>
      %add3A_807 = arith.addf %add3A_769, %add3A_793 : vector<16xf32>
      %add3A_808 = arith.addf %add3A_775, %add3A_799 : vector<16xf32>
      %add3A_809 = arith.addf %add3A_781, %add3A_805 : vector<16xf32>
      %get3A_810 = arith.index_cast %mul3A_197 : i32 to index
      %get3A_811 = tpu.vector_load %arg5[%get3A_810] {strides = array<i32>} : memref<832xi32, #tpu.memory_space<vmem>>, vector<16xi32>,
      %add3A_812 = arith.constant 26 : i32
      %add3A_813 = arith.addi %mul3A_197, %add3A_812 : i32
      %sub3A_814 = arith.constant 16 : i32
      %sub3A_815 = arith.subi %add3A_813, %sub3A_814 : i32
      %get3A_816 = arith.index_cast %sub3A_815 : i32 to index
      %get3A_817 = tpu.vector_load %arg5[%get3A_816] {strides = array<i32>} : memref<832xi32, #tpu.memory_space<vmem>>, vector<16xi32>,
      %min3A_818 = arith.constant 1 : i32
      %min3A_819 = vector.broadcast %min3A_818 : i32 to vector<16xi32>
      %min3A_820 = arith.minsi %get3A_811, %min3A_819 : vector<16xi32>
      %sub3A_821 = arith.constant 1 : i32
      %sub3A_822 = vector.broadcast %sub3A_821 : i32 to vector<16xi32>
      %sub3A_823 = arith.subi %sub3A_822, %min3A_820 : vector<16xi32>
      %min3A_824 = arith.constant 1 : i32
      %min3A_825 = vector.broadcast %min3A_824 : i32 to vector<16xi32>
      %min3A_826 = arith.minsi %get3A_817, %min3A_825 : vector<16xi32>
      %sub3A_827 = arith.constant 1 : i32
      %sub3A_828 = vector.broadcast %sub3A_827 : i32 to vector<16xi32>
      %sub3A_829 = arith.subi %sub3A_828, %min3A_826 : vector<16xi32>
      %mul3A_830 = arith.muli %sub3A_829, %min3A_23 : vector<16xi32>
      %add3A_831 = arith.addi %sub3A_823, %mul3A_830 : vector<16xi32>
      %reduce_sum3A = arith.constant true
      %reduce_sum3A_832 = vector.broadcast %reduce_sum3A : i1 to vector<16xi1>
      %reduce_sum3A_833 = tpu.scan <sum>, %add3A_831 masked %reduce_sum3A_832 : vector<16xi32>, vector<16xi1> -> vector<16xi32>
      %reduce_sum3A_834 = vector.extract %reduce_sum3A_833[15] : i32 from vector<16xi32>
      %broadcast_in_dim3A = vector.broadcast %reduce_sum3A_834 : i32 to vector<16xi32>
      %convert_element_type3A = arith.sitofp %broadcast_in_dim3A : vector<16xi32> to vector<16xf32>
      %sub3A_835 = arith.constant 2.600000e+01 : f32
      %sub3A_836 = vector.broadcast %sub3A_835 : f32 to vector<16xf32>
      %sub3A_837 = arith.subf %sub3A_836, %convert_element_type3A : vector<16xf32>
      %add3A_838 = arith.constant 9.99999993E-9 : f32
      %add3A_839 = vector.broadcast %add3A_838 : f32 to vector<16xf32>
      %add3A_840 = arith.addf %sub3A_837, %add3A_839 : vector<16xf32>
      %div3A = arith.constant 1.000000e+00 : f32
      %div3A_841 = vector.broadcast %div3A : f32 to vector<16xf32>
      %div3A_842 = arith.divf %div3A_841, %add3A_840 : vector<16xf32>
      %mul3A_843 = arith.mulf %convert_element_type3A, %get3A_5 : vector<16xf32>
      %sub3A_844 = arith.subf %add3A_806, %mul3A_843 : vector<16xf32>
      %mul3A_845 = arith.mulf %sub3A_844, %div3A_842 : vector<16xf32>
      %swap3A = arith.index_cast %scan3A_195 : i32 to index
      %swap3A_846 = arith.constant 0 : index
      %swap3A_847 = tpu.vector_load %arg10[%swap3A, %swap3A_846] {strides = array<i32>} : memref<32x64xf32, #tpu.memory_space<vmem>>, vector<16xf32>,
      tpu.vector_store %arg10[%swap3A, %swap3A_846], %mul3A_845 {strides = array<i32>} : memref<32x64xf32, #tpu.memory_space<vmem>>, vector<16xf32>,
      %mul3A_848 = arith.mulf %convert_element_type3A, %get3A_9 : vector<16xf32>
      %sub3A_849 = arith.subf %add3A_807, %mul3A_848 : vector<16xf32>
      %mul3A_850 = arith.mulf %sub3A_849, %div3A_842 : vector<16xf32>
      %swap3A_851 = arith.index_cast %scan3A_195 : i32 to index
      %swap3A_852 = arith.constant 16 : index
      %swap3A_853 = tpu.vector_load %arg10[%swap3A_851, %swap3A_852] {strides = array<i32>} : memref<32x64xf32, #tpu.memory_space<vmem>>, vector<16xf32>,
      tpu.vector_store %arg10[%swap3A_851, %swap3A_852], %mul3A_850 {strides = array<i32>} : memref<32x64xf32, #tpu.memory_space<vmem>>, vector<16xf32>,
      %mul3A_854 = arith.mulf %convert_element_type3A, %get3A_13 : vector<16xf32>
      %sub3A_855 = arith.subf %add3A_808, %mul3A_854 : vector<16xf32>
      %mul3A_856 = arith.mulf %sub3A_855, %div3A_842 : vector<16xf32>
      %swap3A_857 = arith.index_cast %scan3A_195 : i32 to index
      %swap3A_858 = arith.constant 32 : index
      %swap3A_859 = tpu.vector_load %arg10[%swap3A_857, %swap3A_858] {strides = array<i32>} : memref<32x64xf32, #tpu.memory_space<vmem>>, vector<16xf32>,
      tpu.vector_store %arg10[%swap3A_857, %swap3A_858], %mul3A_856 {strides = array<i32>} : memref<32x64xf32, #tpu.memory_space<vmem>>, vector<16xf32>,
      %mul3A_860 = arith.mulf %convert_element_type3A, %get3A_17 : vector<16xf32>
      %sub3A_861 = arith.subf %add3A_809, %mul3A_860 : vector<16xf32>
      %mul3A_862 = arith.mulf %sub3A_861, %div3A_842 : vector<16xf32>
      %swap3A_863 = arith.index_cast %scan3A_195 : i32 to index
      %swap3A_864 = arith.constant 48 : index
      %swap3A_865 = tpu.vector_load %arg10[%swap3A_863, %swap3A_864] {strides = array<i32>} : memref<32x64xf32, #tpu.memory_space<vmem>>, vector<16xf32>,
      tpu.vector_store %arg10[%swap3A_863, %swap3A_864], %mul3A_862 {strides = array<i32>} : memref<32x64xf32, #tpu.memory_space<vmem>>, vector<16xf32>,
    }
    %scan3A_178 = arith.constant 32 : i32
    %add3A_179 = arith.constant 448 : i32
    %add3A_180 = arith.addi %mul3A_2, %add3A_179 : i32
    "tpu.region"() ({
      %run_scoped3A = tpu.sem_alloc : memref<!tpu.dma_semaphore, #tpu.memory_space<semaphore_mem>>
      %dma_start3A_195 = arith.constant 0 : i32
      %dma_start3A_196 = tpu.memref_slice %arg4[%add3A_180, %dma_start3A_195] : memref<16384x64xf32, #tpu.memory_space<hbm>> -> memref<32x64xf32, #tpu.memory_space<hbm>>
      %dma_start3A_197 = arith.constant 0 : i32
      %dma_start3A_198 = tpu.memref_slice %arg4[%add3A_180, %dma_start3A_197] : memref<16384x64xf32, #tpu.memory_space<hbm>> -> memref<32x64xf32, #tpu.memory_space<hbm>>
      tpu.enqueue_dma source(%arg10 : memref<32x64xf32, #tpu.memory_space<vmem>>) target(%dma_start3A_198 : memref<32x64xf32, #tpu.memory_space<hbm>>) target_semaphore(%run_scoped3A : memref<!tpu.dma_semaphore, #tpu.memory_space<semaphore_mem>>)
      %dma_wait3A_199 = arith.constant 0 : i32
      %dma_wait3A_200 = tpu.memref_slice %arg4[%add3A_180, %dma_wait3A_199] : memref<16384x64xf32, #tpu.memory_space<hbm>> -> memref<32x64xf32, #tpu.memory_space<hbm>>
      %dma_wait3A_201 = arith.constant 0 : i32
      %dma_wait3A_202 = tpu.memref_slice %arg4[%add3A_180, %dma_wait3A_201] : memref<16384x64xf32, #tpu.memory_space<hbm>> -> memref<32x64xf32, #tpu.memory_space<hbm>>
      tpu.wait_dma2 semaphore(%run_scoped3A : memref<!tpu.dma_semaphore, #tpu.memory_space<semaphore_mem>>) src(%arg10 : memref<32x64xf32, #tpu.memory_space<vmem>>) dst(%dma_wait3A_202 : memref<32x64xf32, #tpu.memory_space<hbm>>)
      tpu.yield
    }) : () -> ()
    %dma_wait3A_181 = arith.constant 0 : i32
    %dma_wait3A_182 = arith.constant 0 : i32
    %dma_wait3A_183 = tpu.memref_slice %arg3[%dma_wait3A_181, %dma_wait3A_182] : memref<1000000x64xf32, #tpu.memory_space<hbm>> -> memref<832x64xf32, #tpu.memory_space<hbm>>
    %dma_wait3A_184 = arith.constant 0 : i32
    %dma_wait3A_185 = arith.constant 0 : i32
    %dma_wait3A_186 = tpu.memref_slice %arg3[%dma_wait3A_184, %dma_wait3A_185] : memref<1000000x64xf32, #tpu.memory_space<hbm>> -> memref<832x64xf32, #tpu.memory_space<hbm>>
    tpu.wait_dma2 semaphore(%arg12 : memref<!tpu.dma_semaphore, #tpu.memory_space<semaphore_mem>>) src(%dma_wait3A_186 : memref<832x64xf32, #tpu.memory_space<hbm>>) dst(%arg8 : memref<832x64xf32, #tpu.memory_space<vmem>>)
    %scan3A_187 = arith.constant 0 : i32
    %scan3A_188 = arith.constant 0 : i32
    %scan3A_189 = arith.constant 32 : i32
    %scan3A_190 = arith.addi %scan3A_188, %scan3A_189 : i32
    %scan3A_191 = arith.constant 1 : i32
    scf.for %scan3A_195 = %scan3A_188 to %scan3A_190 step %scan3A_191  : i32 {
      %mul3A_196 = arith.constant 26 : i32
      %mul3A_197 = arith.muli %scan3A_195, %mul3A_196 : i32
      %get3A_198 = arith.index_cast %mul3A_197 : i32 to index
      %get3A_199 = arith.constant 0 : index
      %get3A_200 = tpu.vector_load %arg8[%get3A_198, %get3A_199] {strides = array<i32>} : memref<832x64xf32, #tpu.memory_space<vmem>>, vector<16xf32>,
      %get3A_201 = arith.index_cast %mul3A_197 : i32 to index
      %get3A_202 = arith.constant 16 : index
      %get3A_203 = tpu.vector_load %arg8[%get3A_201, %get3A_202] {strides = array<i32>} : memref<832x64xf32, #tpu.memory_space<vmem>>, vector<16xf32>,
      %get3A_204 = arith.index_cast %mul3A_197 : i32 to index
      %get3A_205 = arith.constant 32 : index
      %get3A_206 = tpu.vector_load %arg8[%get3A_204, %get3A_205] {strides = array<i32>} : memref<832x64xf32, #tpu.memory_space<vmem>>, vector<16xf32>,
      %get3A_207 = arith.index_cast %mul3A_197 : i32 to index
      %get3A_208 = arith.constant 48 : index
      %get3A_209 = tpu.vector_load %arg8[%get3A_207, %get3A_208] {strides = array<i32>} : memref<832x64xf32, #tpu.memory_space<vmem>>, vector<16xf32>,
      %add3A_210 = arith.constant 1 : i32
      %add3A_211 = arith.addi %mul3A_197, %add3A_210 : i32
      %get3A_212 = arith.index_cast %add3A_211 : i32 to index
      %get3A_213 = arith.constant 0 : index
      %get3A_214 = tpu.vector_load %arg8[%get3A_212, %get3A_213] {strides = array<i32>} : memref<832x64xf32, #tpu.memory_space<vmem>>, vector<16xf32>,
      %add3A_215 = arith.constant 1 : i32
      %add3A_216 = arith.addi %mul3A_197, %add3A_215 : i32
      %get3A_217 = arith.index_cast %add3A_216 : i32 to index
      %get3A_218 = arith.constant 16 : index
      %get3A_219 = tpu.vector_load %arg8[%get3A_217, %get3A_218] {strides = array<i32>} : memref<832x64xf32, #tpu.memory_space<vmem>>, vector<16xf32>,
      %add3A_220 = arith.constant 1 : i32
      %add3A_221 = arith.addi %mul3A_197, %add3A_220 : i32
      %get3A_222 = arith.index_cast %add3A_221 : i32 to index
      %get3A_223 = arith.constant 32 : index
      %get3A_224 = tpu.vector_load %arg8[%get3A_222, %get3A_223] {strides = array<i32>} : memref<832x64xf32, #tpu.memory_space<vmem>>, vector<16xf32>,
      %add3A_225 = arith.constant 1 : i32
      %add3A_226 = arith.addi %mul3A_197, %add3A_225 : i32
      %get3A_227 = arith.index_cast %add3A_226 : i32 to index
      %get3A_228 = arith.constant 48 : index
      %get3A_229 = tpu.vector_load %arg8[%get3A_227, %get3A_228] {strides = array<i32>} : memref<832x64xf32, #tpu.memory_space<vmem>>, vector<16xf32>,
      %add3A_230 = arith.constant 2 : i32
      %add3A_231 = arith.addi %mul3A_197, %add3A_230 : i32
      %get3A_232 = arith.index_cast %add3A_231 : i32 to index
      %get3A_233 = arith.constant 0 : index
      %get3A_234 = tpu.vector_load %arg8[%get3A_232, %get3A_233] {strides = array<i32>} : memref<832x64xf32, #tpu.memory_space<vmem>>, vector<16xf32>,
      %add3A_235 = arith.addf %get3A_200, %get3A_234 : vector<16xf32>
      %add3A_236 = arith.constant 2 : i32
      %add3A_237 = arith.addi %mul3A_197, %add3A_236 : i32
      %get3A_238 = arith.index_cast %add3A_237 : i32 to index
      %get3A_239 = arith.constant 16 : index
      %get3A_240 = tpu.vector_load %arg8[%get3A_238, %get3A_239] {strides = array<i32>} : memref<832x64xf32, #tpu.memory_space<vmem>>, vector<16xf32>,
      %add3A_241 = arith.addf %get3A_203, %get3A_240 : vector<16xf32>
      %add3A_242 = arith.constant 2 : i32
      %add3A_243 = arith.addi %mul3A_197, %add3A_242 : i32
      %get3A_244 = arith.index_cast %add3A_243 : i32 to index
      %get3A_245 = arith.constant 32 : index
      %get3A_246 = tpu.vector_load %arg8[%get3A_244, %get3A_245] {strides = array<i32>} : memref<832x64xf32, #tpu.memory_space<vmem>>, vector<16xf32>,
      %add3A_247 = arith.addf %get3A_206, %get3A_246 : vector<16xf32>
      %add3A_248 = arith.constant 2 : i32
      %add3A_249 = arith.addi %mul3A_197, %add3A_248 : i32
      %get3A_250 = arith.index_cast %add3A_249 : i32 to index
      %get3A_251 = arith.constant 48 : index
      %get3A_252 = tpu.vector_load %arg8[%get3A_250, %get3A_251] {strides = array<i32>} : memref<832x64xf32, #tpu.memory_space<vmem>>, vector<16xf32>,
      %add3A_253 = arith.addf %get3A_209, %get3A_252 : vector<16xf32>
      %add3A_254 = arith.constant 3 : i32
      %add3A_255 = arith.addi %mul3A_197, %add3A_254 : i32
      %get3A_256 = arith.index_cast %add3A_255 : i32 to index
      %get3A_257 = arith.constant 0 : index
      %get3A_258 = tpu.vector_load %arg8[%get3A_256, %get3A_257] {strides = array<i32>} : memref<832x64xf32, #tpu.memory_space<vmem>>, vector<16xf32>,
      %add3A_259 = arith.addf %get3A_214, %get3A_258 : vector<16xf32>
      %add3A_260 = arith.constant 3 : i32
      %add3A_261 = arith.addi %mul3A_197, %add3A_260 : i32
      %get3A_262 = arith.index_cast %add3A_261 : i32 to index
      %get3A_263 = arith.constant 16 : index
      %get3A_264 = tpu.vector_load %arg8[%get3A_262, %get3A_263] {strides = array<i32>} : memref<832x64xf32, #tpu.memory_space<vmem>>, vector<16xf32>,
      %add3A_265 = arith.addf %get3A_219, %get3A_264 : vector<16xf32>
      %add3A_266 = arith.constant 3 : i32
      %add3A_267 = arith.addi %mul3A_197, %add3A_266 : i32
      %get3A_268 = arith.index_cast %add3A_267 : i32 to index
      %get3A_269 = arith.constant 32 : index
      %get3A_270 = tpu.vector_load %arg8[%get3A_268, %get3A_269] {strides = array<i32>} : memref<832x64xf32, #tpu.memory_space<vmem>>, vector<16xf32>,
      %add3A_271 = arith.addf %get3A_224, %get3A_270 : vector<16xf32>
      %add3A_272 = arith.constant 3 : i32
      %add3A_273 = arith.addi %mul3A_197, %add3A_272 : i32
      %get3A_274 = arith.index_cast %add3A_273 : i32 to index
      %get3A_275 = arith.constant 48 : index
      %get3A_276 = tpu.vector_load %arg8[%get3A_274, %get3A_275] {strides = array<i32>} : memref<832x64xf32, #tpu.memory_space<vmem>>, vector<16xf32>,
      %add3A_277 = arith.addf %get3A_229, %get3A_276 : vector<16xf32>
      %add3A_278 = arith.constant 4 : i32
      %add3A_279 = arith.addi %mul3A_197, %add3A_278 : i32
      %get3A_280 = arith.index_cast %add3A_279 : i32 to index
      %get3A_281 = arith.constant 0 : index
      %get3A_282 = tpu.vector_load %arg8[%get3A_280, %get3A_281] {strides = array<i32>} : memref<832x64xf32, #tpu.memory_space<vmem>>, vector<16xf32>,
      %add3A_283 = arith.addf %add3A_235, %get3A_282 : vector<16xf32>
      %add3A_284 = arith.constant 4 : i32
      %add3A_285 = arith.addi %mul3A_197, %add3A_284 : i32
      %get3A_286 = arith.index_cast %add3A_285 : i32 to index
      %get3A_287 = arith.constant 16 : index
      %get3A_288 = tpu.vector_load %arg8[%get3A_286, %get3A_287] {strides = array<i32>} : memref<832x64xf32, #tpu.memory_space<vmem>>, vector<16xf32>,
      %add3A_289 = arith.addf %add3A_241, %get3A_288 : vector<16xf32>
      %add3A_290 = arith.constant 4 : i32
      %add3A_291 = arith.addi %mul3A_197, %add3A_290 : i32
      %get3A_292 = arith.index_cast %add3A_291 : i32 to index
      %get3A_293 = arith.constant 32 : index
      %get3A_294 = tpu.vector_load %arg8[%get3A_292, %get3A_293] {strides = array<i32>} : memref<832x64xf32, #tpu.memory_space<vmem>>, vector<16xf32>,
      %add3A_295 = arith.addf %add3A_247, %get3A_294 : vector<16xf32>
      %add3A_296 = arith.constant 4 : i32
      %add3A_297 = arith.addi %mul3A_197, %add3A_296 : i32
      %get3A_298 = arith.index_cast %add3A_297 : i32 to index
      %get3A_299 = arith.constant 48 : index
      %get3A_300 = tpu.vector_load %arg8[%get3A_298, %get3A_299] {strides = array<i32>} : memref<832x64xf32, #tpu.memory_space<vmem>>, vector<16xf32>,
      %add3A_301 = arith.addf %add3A_253, %get3A_300 : vector<16xf32>
      %add3A_302 = arith.constant 5 : i32
      %add3A_303 = arith.addi %mul3A_197, %add3A_302 : i32
      %get3A_304 = arith.index_cast %add3A_303 : i32 to index
      %get3A_305 = arith.constant 0 : index
      %get3A_306 = tpu.vector_load %arg8[%get3A_304, %get3A_305] {strides = array<i32>} : memref<832x64xf32, #tpu.memory_space<vmem>>, vector<16xf32>,
      %add3A_307 = arith.addf %add3A_259, %get3A_306 : vector<16xf32>
      %add3A_308 = arith.constant 5 : i32
      %add3A_309 = arith.addi %mul3A_197, %add3A_308 : i32
      %get3A_310 = arith.index_cast %add3A_309 : i32 to index
      %get3A_311 = arith.constant 16 : index
      %get3A_312 = tpu.vector_load %arg8[%get3A_310, %get3A_311] {strides = array<i32>} : memref<832x64xf32, #tpu.memory_space<vmem>>, vector<16xf32>,
      %add3A_313 = arith.addf %add3A_265, %get3A_312 : vector<16xf32>
      %add3A_314 = arith.constant 5 : i32
      %add3A_315 = arith.addi %mul3A_197, %add3A_314 : i32
      %get3A_316 = arith.index_cast %add3A_315 : i32 to index
      %get3A_317 = arith.constant 32 : index
      %get3A_318 = tpu.vector_load %arg8[%get3A_316, %get3A_317] {strides = array<i32>} : memref<832x64xf32, #tpu.memory_space<vmem>>, vector<16xf32>,
      %add3A_319 = arith.addf %add3A_271, %get3A_318 : vector<16xf32>
      %add3A_320 = arith.constant 5 : i32
      %add3A_321 = arith.addi %mul3A_197, %add3A_320 : i32
      %get3A_322 = arith.index_cast %add3A_321 : i32 to index
      %get3A_323 = arith.constant 48 : index
      %get3A_324 = tpu.vector_load %arg8[%get3A_322, %get3A_323] {strides = array<i32>} : memref<832x64xf32, #tpu.memory_space<vmem>>, vector<16xf32>,
      %add3A_325 = arith.addf %add3A_277, %get3A_324 : vector<16xf32>
      %add3A_326 = arith.constant 6 : i32
      %add3A_327 = arith.addi %mul3A_197, %add3A_326 : i32
      %get3A_328 = arith.index_cast %add3A_327 : i32 to index
      %get3A_329 = arith.constant 0 : index
      %get3A_330 = tpu.vector_load %arg8[%get3A_328, %get3A_329] {strides = array<i32>} : memref<832x64xf32, #tpu.memory_space<vmem>>, vector<16xf32>,
      %add3A_331 = arith.addf %add3A_283, %get3A_330 : vector<16xf32>
      %add3A_332 = arith.constant 6 : i32
      %add3A_333 = arith.addi %mul3A_197, %add3A_332 : i32
      %get3A_334 = arith.index_cast %add3A_333 : i32 to index
      %get3A_335 = arith.constant 16 : index
      %get3A_336 = tpu.vector_load %arg8[%get3A_334, %get3A_335] {strides = array<i32>} : memref<832x64xf32, #tpu.memory_space<vmem>>, vector<16xf32>,
      %add3A_337 = arith.addf %add3A_289, %get3A_336 : vector<16xf32>
      %add3A_338 = arith.constant 6 : i32
      %add3A_339 = arith.addi %mul3A_197, %add3A_338 : i32
      %get3A_340 = arith.index_cast %add3A_339 : i32 to index
      %get3A_341 = arith.constant 32 : index
      %get3A_342 = tpu.vector_load %arg8[%get3A_340, %get3A_341] {strides = array<i32>} : memref<832x64xf32, #tpu.memory_space<vmem>>, vector<16xf32>,
      %add3A_343 = arith.addf %add3A_295, %get3A_342 : vector<16xf32>
      %add3A_344 = arith.constant 6 : i32
      %add3A_345 = arith.addi %mul3A_197, %add3A_344 : i32
      %get3A_346 = arith.index_cast %add3A_345 : i32 to index
      %get3A_347 = arith.constant 48 : index
      %get3A_348 = tpu.vector_load %arg8[%get3A_346, %get3A_347] {strides = array<i32>} : memref<832x64xf32, #tpu.memory_space<vmem>>, vector<16xf32>,
      %add3A_349 = arith.addf %add3A_301, %get3A_348 : vector<16xf32>
      %add3A_350 = arith.constant 7 : i32
      %add3A_351 = arith.addi %mul3A_197, %add3A_350 : i32
      %get3A_352 = arith.index_cast %add3A_351 : i32 to index
      %get3A_353 = arith.constant 0 : index
      %get3A_354 = tpu.vector_load %arg8[%get3A_352, %get3A_353] {strides = array<i32>} : memref<832x64xf32, #tpu.memory_space<vmem>>, vector<16xf32>,
      %add3A_355 = arith.addf %add3A_307, %get3A_354 : vector<16xf32>
      %add3A_356 = arith.constant 7 : i32
      %add3A_357 = arith.addi %mul3A_197, %add3A_356 : i32
      %get3A_358 = arith.index_cast %add3A_357 : i32 to index
      %get3A_359 = arith.constant 16 : index
      %get3A_360 = tpu.vector_load %arg8[%get3A_358, %get3A_359] {strides = array<i32>} : memref<832x64xf32, #tpu.memory_space<vmem>>, vector<16xf32>,
      %add3A_361 = arith.addf %add3A_313, %get3A_360 : vector<16xf32>
      %add3A_362 = arith.constant 7 : i32
      %add3A_363 = arith.addi %mul3A_197, %add3A_362 : i32
      %get3A_364 = arith.index_cast %add3A_363 : i32 to index
      %get3A_365 = arith.constant 32 : index
      %get3A_366 = tpu.vector_load %arg8[%get3A_364, %get3A_365] {strides = array<i32>} : memref<832x64xf32, #tpu.memory_space<vmem>>, vector<16xf32>,
      %add3A_367 = arith.addf %add3A_319, %get3A_366 : vector<16xf32>
      %add3A_368 = arith.constant 7 : i32
      %add3A_369 = arith.addi %mul3A_197, %add3A_368 : i32
      %get3A_370 = arith.index_cast %add3A_369 : i32 to index
      %get3A_371 = arith.constant 48 : index
      %get3A_372 = tpu.vector_load %arg8[%get3A_370, %get3A_371] {strides = array<i32>} : memref<832x64xf32, #tpu.memory_space<vmem>>, vector<16xf32>,
      %add3A_373 = arith.addf %add3A_325, %get3A_372 : vector<16xf32>
      %add3A_374 = arith.constant 8 : i32
      %add3A_375 = arith.addi %mul3A_197, %add3A_374 : i32
      %get3A_376 = arith.index_cast %add3A_375 : i32 to index
      %get3A_377 = arith.constant 0 : index
      %get3A_378 = tpu.vector_load %arg8[%get3A_376, %get3A_377] {strides = array<i32>} : memref<832x64xf32, #tpu.memory_space<vmem>>, vector<16xf32>,
      %add3A_379 = arith.addf %add3A_331, %get3A_378 : vector<16xf32>
      %add3A_380 = arith.constant 8 : i32
      %add3A_381 = arith.addi %mul3A_197, %add3A_380 : i32
      %get3A_382 = arith.index_cast %add3A_381 : i32 to index
      %get3A_383 = arith.constant 16 : index
      %get3A_384 = tpu.vector_load %arg8[%get3A_382, %get3A_383] {strides = array<i32>} : memref<832x64xf32, #tpu.memory_space<vmem>>, vector<16xf32>,
      %add3A_385 = arith.addf %add3A_337, %get3A_384 : vector<16xf32>
      %add3A_386 = arith.constant 8 : i32
      %add3A_387 = arith.addi %mul3A_197, %add3A_386 : i32
      %get3A_388 = arith.index_cast %add3A_387 : i32 to index
      %get3A_389 = arith.constant 32 : index
      %get3A_390 = tpu.vector_load %arg8[%get3A_388, %get3A_389] {strides = array<i32>} : memref<832x64xf32, #tpu.memory_space<vmem>>, vector<16xf32>,
      %add3A_391 = arith.addf %add3A_343, %get3A_390 : vector<16xf32>
      %add3A_392 = arith.constant 8 : i32
      %add3A_393 = arith.addi %mul3A_197, %add3A_392 : i32
      %get3A_394 = arith.index_cast %add3A_393 : i32 to index
      %get3A_395 = arith.constant 48 : index
      %get3A_396 = tpu.vector_load %arg8[%get3A_394, %get3A_395] {strides = array<i32>} : memref<832x64xf32, #tpu.memory_space<vmem>>, vector<16xf32>,
      %add3A_397 = arith.addf %add3A_349, %get3A_396 : vector<16xf32>
      %add3A_398 = arith.constant 9 : i32
      %add3A_399 = arith.addi %mul3A_197, %add3A_398 : i32
      %get3A_400 = arith.index_cast %add3A_399 : i32 to index
      %get3A_401 = arith.constant 0 : index
      %get3A_402 = tpu.vector_load %arg8[%get3A_400, %get3A_401] {strides = array<i32>} : memref<832x64xf32, #tpu.memory_space<vmem>>, vector<16xf32>,
      %add3A_403 = arith.addf %add3A_355, %get3A_402 : vector<16xf32>
      %add3A_404 = arith.constant 9 : i32
      %add3A_405 = arith.addi %mul3A_197, %add3A_404 : i32
      %get3A_406 = arith.index_cast %add3A_405 : i32 to index
      %get3A_407 = arith.constant 16 : index
      %get3A_408 = tpu.vector_load %arg8[%get3A_406, %get3A_407] {strides = array<i32>} : memref<832x64xf32, #tpu.memory_space<vmem>>, vector<16xf32>,
      %add3A_409 = arith.addf %add3A_361, %get3A_408 : vector<16xf32>
      %add3A_410 = arith.constant 9 : i32
      %add3A_411 = arith.addi %mul3A_197, %add3A_410 : i32
      %get3A_412 = arith.index_cast %add3A_411 : i32 to index
      %get3A_413 = arith.constant 32 : index
      %get3A_414 = tpu.vector_load %arg8[%get3A_412, %get3A_413] {strides = array<i32>} : memref<832x64xf32, #tpu.memory_space<vmem>>, vector<16xf32>,
      %add3A_415 = arith.addf %add3A_367, %get3A_414 : vector<16xf32>
      %add3A_416 = arith.constant 9 : i32
      %add3A_417 = arith.addi %mul3A_197, %add3A_416 : i32
      %get3A_418 = arith.index_cast %add3A_417 : i32 to index
      %get3A_419 = arith.constant 48 : index
      %get3A_420 = tpu.vector_load %arg8[%get3A_418, %get3A_419] {strides = array<i32>} : memref<832x64xf32, #tpu.memory_space<vmem>>, vector<16xf32>,
      %add3A_421 = arith.addf %add3A_373, %get3A_420 : vector<16xf32>
      %add3A_422 = arith.constant 10 : i32
      %add3A_423 = arith.addi %mul3A_197, %add3A_422 : i32
      %get3A_424 = arith.index_cast %add3A_423 : i32 to index
      %get3A_425 = arith.constant 0 : index
      %get3A_426 = tpu.vector_load %arg8[%get3A_424, %get3A_425] {strides = array<i32>} : memref<832x64xf32, #tpu.memory_space<vmem>>, vector<16xf32>,
      %add3A_427 = arith.addf %add3A_379, %get3A_426 : vector<16xf32>
      %add3A_428 = arith.constant 10 : i32
      %add3A_429 = arith.addi %mul3A_197, %add3A_428 : i32
      %get3A_430 = arith.index_cast %add3A_429 : i32 to index
      %get3A_431 = arith.constant 16 : index
      %get3A_432 = tpu.vector_load %arg8[%get3A_430, %get3A_431] {strides = array<i32>} : memref<832x64xf32, #tpu.memory_space<vmem>>, vector<16xf32>,
      %add3A_433 = arith.addf %add3A_385, %get3A_432 : vector<16xf32>
      %add3A_434 = arith.constant 10 : i32
      %add3A_435 = arith.addi %mul3A_197, %add3A_434 : i32
      %get3A_436 = arith.index_cast %add3A_435 : i32 to index
      %get3A_437 = arith.constant 32 : index
      %get3A_438 = tpu.vector_load %arg8[%get3A_436, %get3A_437] {strides = array<i32>} : memref<832x64xf32, #tpu.memory_space<vmem>>, vector<16xf32>,
      %add3A_439 = arith.addf %add3A_391, %get3A_438 : vector<16xf32>
      %add3A_440 = arith.constant 10 : i32
      %add3A_441 = arith.addi %mul3A_197, %add3A_440 : i32
      %get3A_442 = arith.index_cast %add3A_441 : i32 to index
      %get3A_443 = arith.constant 48 : index
      %get3A_444 = tpu.vector_load %arg8[%get3A_442, %get3A_443] {strides = array<i32>} : memref<832x64xf32, #tpu.memory_space<vmem>>, vector<16xf32>,
      %add3A_445 = arith.addf %add3A_397, %get3A_444 : vector<16xf32>
      %add3A_446 = arith.constant 11 : i32
      %add3A_447 = arith.addi %mul3A_197, %add3A_446 : i32
      %get3A_448 = arith.index_cast %add3A_447 : i32 to index
      %get3A_449 = arith.constant 0 : index
      %get3A_450 = tpu.vector_load %arg8[%get3A_448, %get3A_449] {strides = array<i32>} : memref<832x64xf32, #tpu.memory_space<vmem>>, vector<16xf32>,
      %add3A_451 = arith.addf %add3A_403, %get3A_450 : vector<16xf32>
      %add3A_452 = arith.constant 11 : i32
      %add3A_453 = arith.addi %mul3A_197, %add3A_452 : i32
      %get3A_454 = arith.index_cast %add3A_453 : i32 to index
      %get3A_455 = arith.constant 16 : index
      %get3A_456 = tpu.vector_load %arg8[%get3A_454, %get3A_455] {strides = array<i32>} : memref<832x64xf32, #tpu.memory_space<vmem>>, vector<16xf32>,
      %add3A_457 = arith.addf %add3A_409, %get3A_456 : vector<16xf32>
      %add3A_458 = arith.constant 11 : i32
      %add3A_459 = arith.addi %mul3A_197, %add3A_458 : i32
      %get3A_460 = arith.index_cast %add3A_459 : i32 to index
      %get3A_461 = arith.constant 32 : index
      %get3A_462 = tpu.vector_load %arg8[%get3A_460, %get3A_461] {strides = array<i32>} : memref<832x64xf32, #tpu.memory_space<vmem>>, vector<16xf32>,
      %add3A_463 = arith.addf %add3A_415, %get3A_462 : vector<16xf32>
      %add3A_464 = arith.constant 11 : i32
      %add3A_465 = arith.addi %mul3A_197, %add3A_464 : i32
      %get3A_466 = arith.index_cast %add3A_465 : i32 to index
      %get3A_467 = arith.constant 48 : index
      %get3A_468 = tpu.vector_load %arg8[%get3A_466, %get3A_467] {strides = array<i32>} : memref<832x64xf32, #tpu.memory_space<vmem>>, vector<16xf32>,
      %add3A_469 = arith.addf %add3A_421, %get3A_468 : vector<16xf32>
      %add3A_470 = arith.constant 12 : i32
      %add3A_471 = arith.addi %mul3A_197, %add3A_470 : i32
      %get3A_472 = arith.index_cast %add3A_471 : i32 to index
      %get3A_473 = arith.constant 0 : index
      %get3A_474 = tpu.vector_load %arg8[%get3A_472, %get3A_473] {strides = array<i32>} : memref<832x64xf32, #tpu.memory_space<vmem>>, vector<16xf32>,
      %add3A_475 = arith.addf %add3A_427, %get3A_474 : vector<16xf32>
      %add3A_476 = arith.constant 12 : i32
      %add3A_477 = arith.addi %mul3A_197, %add3A_476 : i32
      %get3A_478 = arith.index_cast %add3A_477 : i32 to index
      %get3A_479 = arith.constant 16 : index
      %get3A_480 = tpu.vector_load %arg8[%get3A_478, %get3A_479] {strides = array<i32>} : memref<832x64xf32, #tpu.memory_space<vmem>>, vector<16xf32>,
      %add3A_481 = arith.addf %add3A_433, %get3A_480 : vector<16xf32>
      %add3A_482 = arith.constant 12 : i32
      %add3A_483 = arith.addi %mul3A_197, %add3A_482 : i32
      %get3A_484 = arith.index_cast %add3A_483 : i32 to index
      %get3A_485 = arith.constant 32 : index
      %get3A_486 = tpu.vector_load %arg8[%get3A_484, %get3A_485] {strides = array<i32>} : memref<832x64xf32, #tpu.memory_space<vmem>>, vector<16xf32>,
      %add3A_487 = arith.addf %add3A_439, %get3A_486 : vector<16xf32>
      %add3A_488 = arith.constant 12 : i32
      %add3A_489 = arith.addi %mul3A_197, %add3A_488 : i32
      %get3A_490 = arith.index_cast %add3A_489 : i32 to index
      %get3A_491 = arith.constant 48 : index
      %get3A_492 = tpu.vector_load %arg8[%get3A_490, %get3A_491] {strides = array<i32>} : memref<832x64xf32, #tpu.memory_space<vmem>>, vector<16xf32>,
      %add3A_493 = arith.addf %add3A_445, %get3A_492 : vector<16xf32>
      %add3A_494 = arith.constant 13 : i32
      %add3A_495 = arith.addi %mul3A_197, %add3A_494 : i32
      %get3A_496 = arith.index_cast %add3A_495 : i32 to index
      %get3A_497 = arith.constant 0 : index
      %get3A_498 = tpu.vector_load %arg8[%get3A_496, %get3A_497] {strides = array<i32>} : memref<832x64xf32, #tpu.memory_space<vmem>>, vector<16xf32>,
      %add3A_499 = arith.addf %add3A_451, %get3A_498 : vector<16xf32>
      %add3A_500 = arith.constant 13 : i32
      %add3A_501 = arith.addi %mul3A_197, %add3A_500 : i32
      %get3A_502 = arith.index_cast %add3A_501 : i32 to index
      %get3A_503 = arith.constant 16 : index
      %get3A_504 = tpu.vector_load %arg8[%get3A_502, %get3A_503] {strides = array<i32>} : memref<832x64xf32, #tpu.memory_space<vmem>>, vector<16xf32>,
      %add3A_505 = arith.addf %add3A_457, %get3A_504 : vector<16xf32>
      %add3A_506 = arith.constant 13 : i32
      %add3A_507 = arith.addi %mul3A_197, %add3A_506 : i32
      %get3A_508 = arith.index_cast %add3A_507 : i32 to index
      %get3A_509 = arith.constant 32 : index
      %get3A_510 = tpu.vector_load %arg8[%get3A_508, %get3A_509] {strides = array<i32>} : memref<832x64xf32, #tpu.memory_space<vmem>>, vector<16xf32>,
      %add3A_511 = arith.addf %add3A_463, %get3A_510 : vector<16xf32>
      %add3A_512 = arith.constant 13 : i32
      %add3A_513 = arith.addi %mul3A_197, %add3A_512 : i32
      %get3A_514 = arith.index_cast %add3A_513 : i32 to index
      %get3A_515 = arith.constant 48 : index
      %get3A_516 = tpu.vector_load %arg8[%get3A_514, %get3A_515] {strides = array<i32>} : memref<832x64xf32, #tpu.memory_space<vmem>>, vector<16xf32>,
      %add3A_517 = arith.addf %add3A_469, %get3A_516 : vector<16xf32>
      %add3A_518 = arith.constant 14 : i32
      %add3A_519 = arith.addi %mul3A_197, %add3A_518 : i32
      %get3A_520 = arith.index_cast %add3A_519 : i32 to index
      %get3A_521 = arith.constant 0 : index
      %get3A_522 = tpu.vector_load %arg8[%get3A_520, %get3A_521] {strides = array<i32>} : memref<832x64xf32, #tpu.memory_space<vmem>>, vector<16xf32>,
      %add3A_523 = arith.addf %add3A_475, %get3A_522 : vector<16xf32>
      %add3A_524 = arith.constant 14 : i32
      %add3A_525 = arith.addi %mul3A_197, %add3A_524 : i32
      %get3A_526 = arith.index_cast %add3A_525 : i32 to index
      %get3A_527 = arith.constant 16 : index
      %get3A_528 = tpu.vector_load %arg8[%get3A_526, %get3A_527] {strides = array<i32>} : memref<832x64xf32, #tpu.memory_space<vmem>>, vector<16xf32>,
      %add3A_529 = arith.addf %add3A_481, %get3A_528 : vector<16xf32>
      %add3A_530 = arith.constant 14 : i32
      %add3A_531 = arith.addi %mul3A_197, %add3A_530 : i32
      %get3A_532 = arith.index_cast %add3A_531 : i32 to index
      %get3A_533 = arith.constant 32 : index
      %get3A_534 = tpu.vector_load %arg8[%get3A_532, %get3A_533] {strides = array<i32>} : memref<832x64xf32, #tpu.memory_space<vmem>>, vector<16xf32>,
      %add3A_535 = arith.addf %add3A_487, %get3A_534 : vector<16xf32>
      %add3A_536 = arith.constant 14 : i32
      %add3A_537 = arith.addi %mul3A_197, %add3A_536 : i32
      %get3A_538 = arith.index_cast %add3A_537 : i32 to index
      %get3A_539 = arith.constant 48 : index
      %get3A_540 = tpu.vector_load %arg8[%get3A_538, %get3A_539] {strides = array<i32>} : memref<832x64xf32, #tpu.memory_space<vmem>>, vector<16xf32>,
      %add3A_541 = arith.addf %add3A_493, %get3A_540 : vector<16xf32>
      %add3A_542 = arith.constant 15 : i32
      %add3A_543 = arith.addi %mul3A_197, %add3A_542 : i32
      %get3A_544 = arith.index_cast %add3A_543 : i32 to index
      %get3A_545 = arith.constant 0 : index
      %get3A_546 = tpu.vector_load %arg8[%get3A_544, %get3A_545] {strides = array<i32>} : memref<832x64xf32, #tpu.memory_space<vmem>>, vector<16xf32>,
      %add3A_547 = arith.addf %add3A_499, %get3A_546 : vector<16xf32>
      %add3A_548 = arith.constant 15 : i32
      %add3A_549 = arith.addi %mul3A_197, %add3A_548 : i32
      %get3A_550 = arith.index_cast %add3A_549 : i32 to index
      %get3A_551 = arith.constant 16 : index
      %get3A_552 = tpu.vector_load %arg8[%get3A_550, %get3A_551] {strides = array<i32>} : memref<832x64xf32, #tpu.memory_space<vmem>>, vector<16xf32>,
      %add3A_553 = arith.addf %add3A_505, %get3A_552 : vector<16xf32>
      %add3A_554 = arith.constant 15 : i32
      %add3A_555 = arith.addi %mul3A_197, %add3A_554 : i32
      %get3A_556 = arith.index_cast %add3A_555 : i32 to index
      %get3A_557 = arith.constant 32 : index
      %get3A_558 = tpu.vector_load %arg8[%get3A_556, %get3A_557] {strides = array<i32>} : memref<832x64xf32, #tpu.memory_space<vmem>>, vector<16xf32>,
      %add3A_559 = arith.addf %add3A_511, %get3A_558 : vector<16xf32>
      %add3A_560 = arith.constant 15 : i32
      %add3A_561 = arith.addi %mul3A_197, %add3A_560 : i32
      %get3A_562 = arith.index_cast %add3A_561 : i32 to index
      %get3A_563 = arith.constant 48 : index
      %get3A_564 = tpu.vector_load %arg8[%get3A_562, %get3A_563] {strides = array<i32>} : memref<832x64xf32, #tpu.memory_space<vmem>>, vector<16xf32>,
      %add3A_565 = arith.addf %add3A_517, %get3A_564 : vector<16xf32>
      %add3A_566 = arith.constant 16 : i32
      %add3A_567 = arith.addi %mul3A_197, %add3A_566 : i32
      %get3A_568 = arith.index_cast %add3A_567 : i32 to index
      %get3A_569 = arith.constant 0 : index
      %get3A_570 = tpu.vector_load %arg8[%get3A_568, %get3A_569] {strides = array<i32>} : memref<832x64xf32, #tpu.memory_space<vmem>>, vector<16xf32>,
      %add3A_571 = arith.addf %add3A_523, %get3A_570 : vector<16xf32>
      %add3A_572 = arith.constant 16 : i32
      %add3A_573 = arith.addi %mul3A_197, %add3A_572 : i32
      %get3A_574 = arith.index_cast %add3A_573 : i32 to index
      %get3A_575 = arith.constant 16 : index
      %get3A_576 = tpu.vector_load %arg8[%get3A_574, %get3A_575] {strides = array<i32>} : memref<832x64xf32, #tpu.memory_space<vmem>>, vector<16xf32>,
      %add3A_577 = arith.addf %add3A_529, %get3A_576 : vector<16xf32>
      %add3A_578 = arith.constant 16 : i32
      %add3A_579 = arith.addi %mul3A_197, %add3A_578 : i32
      %get3A_580 = arith.index_cast %add3A_579 : i32 to index
      %get3A_581 = arith.constant 32 : index
      %get3A_582 = tpu.vector_load %arg8[%get3A_580, %get3A_581] {strides = array<i32>} : memref<832x64xf32, #tpu.memory_space<vmem>>, vector<16xf32>,
      %add3A_583 = arith.addf %add3A_535, %get3A_582 : vector<16xf32>
      %add3A_584 = arith.constant 16 : i32
      %add3A_585 = arith.addi %mul3A_197, %add3A_584 : i32
      %get3A_586 = arith.index_cast %add3A_585 : i32 to index
      %get3A_587 = arith.constant 48 : index
      %get3A_588 = tpu.vector_load %arg8[%get3A_586, %get3A_587] {strides = array<i32>} : memref<832x64xf32, #tpu.memory_space<vmem>>, vector<16xf32>,
      %add3A_589 = arith.addf %add3A_541, %get3A_588 : vector<16xf32>
      %add3A_590 = arith.constant 17 : i32
      %add3A_591 = arith.addi %mul3A_197, %add3A_590 : i32
      %get3A_592 = arith.index_cast %add3A_591 : i32 to index
      %get3A_593 = arith.constant 0 : index
      %get3A_594 = tpu.vector_load %arg8[%get3A_592, %get3A_593] {strides = array<i32>} : memref<832x64xf32, #tpu.memory_space<vmem>>, vector<16xf32>,
      %add3A_595 = arith.addf %add3A_547, %get3A_594 : vector<16xf32>
      %add3A_596 = arith.constant 17 : i32
      %add3A_597 = arith.addi %mul3A_197, %add3A_596 : i32
      %get3A_598 = arith.index_cast %add3A_597 : i32 to index
      %get3A_599 = arith.constant 16 : index
      %get3A_600 = tpu.vector_load %arg8[%get3A_598, %get3A_599] {strides = array<i32>} : memref<832x64xf32, #tpu.memory_space<vmem>>, vector<16xf32>,
      %add3A_601 = arith.addf %add3A_553, %get3A_600 : vector<16xf32>
      %add3A_602 = arith.constant 17 : i32
      %add3A_603 = arith.addi %mul3A_197, %add3A_602 : i32
      %get3A_604 = arith.index_cast %add3A_603 : i32 to index
      %get3A_605 = arith.constant 32 : index
      %get3A_606 = tpu.vector_load %arg8[%get3A_604, %get3A_605] {strides = array<i32>} : memref<832x64xf32, #tpu.memory_space<vmem>>, vector<16xf32>,
      %add3A_607 = arith.addf %add3A_559, %get3A_606 : vector<16xf32>
      %add3A_608 = arith.constant 17 : i32
      %add3A_609 = arith.addi %mul3A_197, %add3A_608 : i32
      %get3A_610 = arith.index_cast %add3A_609 : i32 to index
      %get3A_611 = arith.constant 48 : index
      %get3A_612 = tpu.vector_load %arg8[%get3A_610, %get3A_611] {strides = array<i32>} : memref<832x64xf32, #tpu.memory_space<vmem>>, vector<16xf32>,
      %add3A_613 = arith.addf %add3A_565, %get3A_612 : vector<16xf32>
      %add3A_614 = arith.constant 18 : i32
      %add3A_615 = arith.addi %mul3A_197, %add3A_614 : i32
      %get3A_616 = arith.index_cast %add3A_615 : i32 to index
      %get3A_617 = arith.constant 0 : index
      %get3A_618 = tpu.vector_load %arg8[%get3A_616, %get3A_617] {strides = array<i32>} : memref<832x64xf32, #tpu.memory_space<vmem>>, vector<16xf32>,
      %add3A_619 = arith.addf %add3A_571, %get3A_618 : vector<16xf32>
      %add3A_620 = arith.constant 18 : i32
      %add3A_621 = arith.addi %mul3A_197, %add3A_620 : i32
      %get3A_622 = arith.index_cast %add3A_621 : i32 to index
      %get3A_623 = arith.constant 16 : index
      %get3A_624 = tpu.vector_load %arg8[%get3A_622, %get3A_623] {strides = array<i32>} : memref<832x64xf32, #tpu.memory_space<vmem>>, vector<16xf32>,
      %add3A_625 = arith.addf %add3A_577, %get3A_624 : vector<16xf32>
      %add3A_626 = arith.constant 18 : i32
      %add3A_627 = arith.addi %mul3A_197, %add3A_626 : i32
      %get3A_628 = arith.index_cast %add3A_627 : i32 to index
      %get3A_629 = arith.constant 32 : index
      %get3A_630 = tpu.vector_load %arg8[%get3A_628, %get3A_629] {strides = array<i32>} : memref<832x64xf32, #tpu.memory_space<vmem>>, vector<16xf32>,
      %add3A_631 = arith.addf %add3A_583, %get3A_630 : vector<16xf32>
      %add3A_632 = arith.constant 18 : i32
      %add3A_633 = arith.addi %mul3A_197, %add3A_632 : i32
      %get3A_634 = arith.index_cast %add3A_633 : i32 to index
      %get3A_635 = arith.constant 48 : index
      %get3A_636 = tpu.vector_load %arg8[%get3A_634, %get3A_635] {strides = array<i32>} : memref<832x64xf32, #tpu.memory_space<vmem>>, vector<16xf32>,
      %add3A_637 = arith.addf %add3A_589, %get3A_636 : vector<16xf32>
      %add3A_638 = arith.constant 19 : i32
      %add3A_639 = arith.addi %mul3A_197, %add3A_638 : i32
      %get3A_640 = arith.index_cast %add3A_639 : i32 to index
      %get3A_641 = arith.constant 0 : index
      %get3A_642 = tpu.vector_load %arg8[%get3A_640, %get3A_641] {strides = array<i32>} : memref<832x64xf32, #tpu.memory_space<vmem>>, vector<16xf32>,
      %add3A_643 = arith.addf %add3A_595, %get3A_642 : vector<16xf32>
      %add3A_644 = arith.constant 19 : i32
      %add3A_645 = arith.addi %mul3A_197, %add3A_644 : i32
      %get3A_646 = arith.index_cast %add3A_645 : i32 to index
      %get3A_647 = arith.constant 16 : index
      %get3A_648 = tpu.vector_load %arg8[%get3A_646, %get3A_647] {strides = array<i32>} : memref<832x64xf32, #tpu.memory_space<vmem>>, vector<16xf32>,
      %add3A_649 = arith.addf %add3A_601, %get3A_648 : vector<16xf32>
      %add3A_650 = arith.constant 19 : i32
      %add3A_651 = arith.addi %mul3A_197, %add3A_650 : i32
      %get3A_652 = arith.index_cast %add3A_651 : i32 to index
      %get3A_653 = arith.constant 32 : index
      %get3A_654 = tpu.vector_load %arg8[%get3A_652, %get3A_653] {strides = array<i32>} : memref<832x64xf32, #tpu.memory_space<vmem>>, vector<16xf32>,
      %add3A_655 = arith.addf %add3A_607, %get3A_654 : vector<16xf32>
      %add3A_656 = arith.constant 19 : i32
      %add3A_657 = arith.addi %mul3A_197, %add3A_656 : i32
      %get3A_658 = arith.index_cast %add3A_657 : i32 to index
      %get3A_659 = arith.constant 48 : index
      %get3A_660 = tpu.vector_load %arg8[%get3A_658, %get3A_659] {strides = array<i32>} : memref<832x64xf32, #tpu.memory_space<vmem>>, vector<16xf32>,
      %add3A_661 = arith.addf %add3A_613, %get3A_660 : vector<16xf32>
      %add3A_662 = arith.constant 20 : i32
      %add3A_663 = arith.addi %mul3A_197, %add3A_662 : i32
      %get3A_664 = arith.index_cast %add3A_663 : i32 to index
      %get3A_665 = arith.constant 0 : index
      %get3A_666 = tpu.vector_load %arg8[%get3A_664, %get3A_665] {strides = array<i32>} : memref<832x64xf32, #tpu.memory_space<vmem>>, vector<16xf32>,
      %add3A_667 = arith.addf %add3A_619, %get3A_666 : vector<16xf32>
      %add3A_668 = arith.constant 20 : i32
      %add3A_669 = arith.addi %mul3A_197, %add3A_668 : i32
      %get3A_670 = arith.index_cast %add3A_669 : i32 to index
      %get3A_671 = arith.constant 16 : index
      %get3A_672 = tpu.vector_load %arg8[%get3A_670, %get3A_671] {strides = array<i32>} : memref<832x64xf32, #tpu.memory_space<vmem>>, vector<16xf32>,
      %add3A_673 = arith.addf %add3A_625, %get3A_672 : vector<16xf32>
      %add3A_674 = arith.constant 20 : i32
      %add3A_675 = arith.addi %mul3A_197, %add3A_674 : i32
      %get3A_676 = arith.index_cast %add3A_675 : i32 to index
      %get3A_677 = arith.constant 32 : index
      %get3A_678 = tpu.vector_load %arg8[%get3A_676, %get3A_677] {strides = array<i32>} : memref<832x64xf32, #tpu.memory_space<vmem>>, vector<16xf32>,
      %add3A_679 = arith.addf %add3A_631, %get3A_678 : vector<16xf32>
      %add3A_680 = arith.constant 20 : i32
      %add3A_681 = arith.addi %mul3A_197, %add3A_680 : i32
      %get3A_682 = arith.index_cast %add3A_681 : i32 to index
      %get3A_683 = arith.constant 48 : index
      %get3A_684 = tpu.vector_load %arg8[%get3A_682, %get3A_683] {strides = array<i32>} : memref<832x64xf32, #tpu.memory_space<vmem>>, vector<16xf32>,
      %add3A_685 = arith.addf %add3A_637, %get3A_684 : vector<16xf32>
      %add3A_686 = arith.constant 21 : i32
      %add3A_687 = arith.addi %mul3A_197, %add3A_686 : i32
      %get3A_688 = arith.index_cast %add3A_687 : i32 to index
      %get3A_689 = arith.constant 0 : index
      %get3A_690 = tpu.vector_load %arg8[%get3A_688, %get3A_689] {strides = array<i32>} : memref<832x64xf32, #tpu.memory_space<vmem>>, vector<16xf32>,
      %add3A_691 = arith.addf %add3A_643, %get3A_690 : vector<16xf32>
      %add3A_692 = arith.constant 21 : i32
      %add3A_693 = arith.addi %mul3A_197, %add3A_692 : i32
      %get3A_694 = arith.index_cast %add3A_693 : i32 to index
      %get3A_695 = arith.constant 16 : index
      %get3A_696 = tpu.vector_load %arg8[%get3A_694, %get3A_695] {strides = array<i32>} : memref<832x64xf32, #tpu.memory_space<vmem>>, vector<16xf32>,
      %add3A_697 = arith.addf %add3A_649, %get3A_696 : vector<16xf32>
      %add3A_698 = arith.constant 21 : i32
      %add3A_699 = arith.addi %mul3A_197, %add3A_698 : i32
      %get3A_700 = arith.index_cast %add3A_699 : i32 to index
      %get3A_701 = arith.constant 32 : index
      %get3A_702 = tpu.vector_load %arg8[%get3A_700, %get3A_701] {strides = array<i32>} : memref<832x64xf32, #tpu.memory_space<vmem>>, vector<16xf32>,
      %add3A_703 = arith.addf %add3A_655, %get3A_702 : vector<16xf32>
      %add3A_704 = arith.constant 21 : i32
      %add3A_705 = arith.addi %mul3A_197, %add3A_704 : i32
      %get3A_706 = arith.index_cast %add3A_705 : i32 to index
      %get3A_707 = arith.constant 48 : index
      %get3A_708 = tpu.vector_load %arg8[%get3A_706, %get3A_707] {strides = array<i32>} : memref<832x64xf32, #tpu.memory_space<vmem>>, vector<16xf32>,
      %add3A_709 = arith.addf %add3A_661, %get3A_708 : vector<16xf32>
      %add3A_710 = arith.constant 22 : i32
      %add3A_711 = arith.addi %mul3A_197, %add3A_710 : i32
      %get3A_712 = arith.index_cast %add3A_711 : i32 to index
      %get3A_713 = arith.constant 0 : index
      %get3A_714 = tpu.vector_load %arg8[%get3A_712, %get3A_713] {strides = array<i32>} : memref<832x64xf32, #tpu.memory_space<vmem>>, vector<16xf32>,
      %add3A_715 = arith.addf %add3A_667, %get3A_714 : vector<16xf32>
      %add3A_716 = arith.constant 22 : i32
      %add3A_717 = arith.addi %mul3A_197, %add3A_716 : i32
      %get3A_718 = arith.index_cast %add3A_717 : i32 to index
      %get3A_719 = arith.constant 16 : index
      %get3A_720 = tpu.vector_load %arg8[%get3A_718, %get3A_719] {strides = array<i32>} : memref<832x64xf32, #tpu.memory_space<vmem>>, vector<16xf32>,
      %add3A_721 = arith.addf %add3A_673, %get3A_720 : vector<16xf32>
      %add3A_722 = arith.constant 22 : i32
      %add3A_723 = arith.addi %mul3A_197, %add3A_722 : i32
      %get3A_724 = arith.index_cast %add3A_723 : i32 to index
      %get3A_725 = arith.constant 32 : index
      %get3A_726 = tpu.vector_load %arg8[%get3A_724, %get3A_725] {strides = array<i32>} : memref<832x64xf32, #tpu.memory_space<vmem>>, vector<16xf32>,
      %add3A_727 = arith.addf %add3A_679, %get3A_726 : vector<16xf32>
      %add3A_728 = arith.constant 22 : i32
      %add3A_729 = arith.addi %mul3A_197, %add3A_728 : i32
      %get3A_730 = arith.index_cast %add3A_729 : i32 to index
      %get3A_731 = arith.constant 48 : index
      %get3A_732 = tpu.vector_load %arg8[%get3A_730, %get3A_731] {strides = array<i32>} : memref<832x64xf32, #tpu.memory_space<vmem>>, vector<16xf32>,
      %add3A_733 = arith.addf %add3A_685, %get3A_732 : vector<16xf32>
      %add3A_734 = arith.constant 23 : i32
      %add3A_735 = arith.addi %mul3A_197, %add3A_734 : i32
      %get3A_736 = arith.index_cast %add3A_735 : i32 to index
      %get3A_737 = arith.constant 0 : index
      %get3A_738 = tpu.vector_load %arg8[%get3A_736, %get3A_737] {strides = array<i32>} : memref<832x64xf32, #tpu.memory_space<vmem>>, vector<16xf32>,
      %add3A_739 = arith.addf %add3A_691, %get3A_738 : vector<16xf32>
      %add3A_740 = arith.constant 23 : i32
      %add3A_741 = arith.addi %mul3A_197, %add3A_740 : i32
      %get3A_742 = arith.index_cast %add3A_741 : i32 to index
      %get3A_743 = arith.constant 16 : index
      %get3A_744 = tpu.vector_load %arg8[%get3A_742, %get3A_743] {strides = array<i32>} : memref<832x64xf32, #tpu.memory_space<vmem>>, vector<16xf32>,
      %add3A_745 = arith.addf %add3A_697, %get3A_744 : vector<16xf32>
      %add3A_746 = arith.constant 23 : i32
      %add3A_747 = arith.addi %mul3A_197, %add3A_746 : i32
      %get3A_748 = arith.index_cast %add3A_747 : i32 to index
      %get3A_749 = arith.constant 32 : index
      %get3A_750 = tpu.vector_load %arg8[%get3A_748, %get3A_749] {strides = array<i32>} : memref<832x64xf32, #tpu.memory_space<vmem>>, vector<16xf32>,
      %add3A_751 = arith.addf %add3A_703, %get3A_750 : vector<16xf32>
      %add3A_752 = arith.constant 23 : i32
      %add3A_753 = arith.addi %mul3A_197, %add3A_752 : i32
      %get3A_754 = arith.index_cast %add3A_753 : i32 to index
      %get3A_755 = arith.constant 48 : index
      %get3A_756 = tpu.vector_load %arg8[%get3A_754, %get3A_755] {strides = array<i32>} : memref<832x64xf32, #tpu.memory_space<vmem>>, vector<16xf32>,
      %add3A_757 = arith.addf %add3A_709, %get3A_756 : vector<16xf32>
      %add3A_758 = arith.constant 24 : i32
      %add3A_759 = arith.addi %mul3A_197, %add3A_758 : i32
      %get3A_760 = arith.index_cast %add3A_759 : i32 to index
      %get3A_761 = arith.constant 0 : index
      %get3A_762 = tpu.vector_load %arg8[%get3A_760, %get3A_761] {strides = array<i32>} : memref<832x64xf32, #tpu.memory_space<vmem>>, vector<16xf32>,
      %add3A_763 = arith.addf %add3A_715, %get3A_762 : vector<16xf32>
      %add3A_764 = arith.constant 24 : i32
      %add3A_765 = arith.addi %mul3A_197, %add3A_764 : i32
      %get3A_766 = arith.index_cast %add3A_765 : i32 to index
      %get3A_767 = arith.constant 16 : index
      %get3A_768 = tpu.vector_load %arg8[%get3A_766, %get3A_767] {strides = array<i32>} : memref<832x64xf32, #tpu.memory_space<vmem>>, vector<16xf32>,
      %add3A_769 = arith.addf %add3A_721, %get3A_768 : vector<16xf32>
      %add3A_770 = arith.constant 24 : i32
      %add3A_771 = arith.addi %mul3A_197, %add3A_770 : i32
      %get3A_772 = arith.index_cast %add3A_771 : i32 to index
      %get3A_773 = arith.constant 32 : index
      %get3A_774 = tpu.vector_load %arg8[%get3A_772, %get3A_773] {strides = array<i32>} : memref<832x64xf32, #tpu.memory_space<vmem>>, vector<16xf32>,
      %add3A_775 = arith.addf %add3A_727, %get3A_774 : vector<16xf32>
      %add3A_776 = arith.constant 24 : i32
      %add3A_777 = arith.addi %mul3A_197, %add3A_776 : i32
      %get3A_778 = arith.index_cast %add3A_777 : i32 to index
      %get3A_779 = arith.constant 48 : index
      %get3A_780 = tpu.vector_load %arg8[%get3A_778, %get3A_779] {strides = array<i32>} : memref<832x64xf32, #tpu.memory_space<vmem>>, vector<16xf32>,
      %add3A_781 = arith.addf %add3A_733, %get3A_780 : vector<16xf32>
      %add3A_782 = arith.constant 25 : i32
      %add3A_783 = arith.addi %mul3A_197, %add3A_782 : i32
      %get3A_784 = arith.index_cast %add3A_783 : i32 to index
      %get3A_785 = arith.constant 0 : index
      %get3A_786 = tpu.vector_load %arg8[%get3A_784, %get3A_785] {strides = array<i32>} : memref<832x64xf32, #tpu.memory_space<vmem>>, vector<16xf32>,
      %add3A_787 = arith.addf %add3A_739, %get3A_786 : vector<16xf32>
      %add3A_788 = arith.constant 25 : i32
      %add3A_789 = arith.addi %mul3A_197, %add3A_788 : i32
      %get3A_790 = arith.index_cast %add3A_789 : i32 to index
      %get3A_791 = arith.constant 16 : index
      %get3A_792 = tpu.vector_load %arg8[%get3A_790, %get3A_791] {strides = array<i32>} : memref<832x64xf32, #tpu.memory_space<vmem>>, vector<16xf32>,
      %add3A_793 = arith.addf %add3A_745, %get3A_792 : vector<16xf32>
      %add3A_794 = arith.constant 25 : i32
      %add3A_795 = arith.addi %mul3A_197, %add3A_794 : i32
      %get3A_796 = arith.index_cast %add3A_795 : i32 to index
      %get3A_797 = arith.constant 32 : index
      %get3A_798 = tpu.vector_load %arg8[%get3A_796, %get3A_797] {strides = array<i32>} : memref<832x64xf32, #tpu.memory_space<vmem>>, vector<16xf32>,
      %add3A_799 = arith.addf %add3A_751, %get3A_798 : vector<16xf32>
      %add3A_800 = arith.constant 25 : i32
      %add3A_801 = arith.addi %mul3A_197, %add3A_800 : i32
      %get3A_802 = arith.index_cast %add3A_801 : i32 to index
      %get3A_803 = arith.constant 48 : index
      %get3A_804 = tpu.vector_load %arg8[%get3A_802, %get3A_803] {strides = array<i32>} : memref<832x64xf32, #tpu.memory_space<vmem>>, vector<16xf32>,
      %add3A_805 = arith.addf %add3A_757, %get3A_804 : vector<16xf32>
      %add3A_806 = arith.addf %add3A_763, %add3A_787 : vector<16xf32>
      %add3A_807 = arith.addf %add3A_769, %add3A_793 : vector<16xf32>
      %add3A_808 = arith.addf %add3A_775, %add3A_799 : vector<16xf32>
      %add3A_809 = arith.addf %add3A_781, %add3A_805 : vector<16xf32>
      %get3A_810 = arith.index_cast %mul3A_197 : i32 to index
      %get3A_811 = tpu.vector_load %arg6[%get3A_810] {strides = array<i32>} : memref<832xi32, #tpu.memory_space<vmem>>, vector<16xi32>,
      %add3A_812 = arith.constant 26 : i32
      %add3A_813 = arith.addi %mul3A_197, %add3A_812 : i32
      %sub3A_814 = arith.constant 16 : i32
      %sub3A_815 = arith.subi %add3A_813, %sub3A_814 : i32
      %get3A_816 = arith.index_cast %sub3A_815 : i32 to index
      %get3A_817 = tpu.vector_load %arg6[%get3A_816] {strides = array<i32>} : memref<832xi32, #tpu.memory_space<vmem>>, vector<16xi32>,
      %min3A_818 = arith.constant 1 : i32
      %min3A_819 = vector.broadcast %min3A_818 : i32 to vector<16xi32>
      %min3A_820 = arith.minsi %get3A_811, %min3A_819 : vector<16xi32>
      %sub3A_821 = arith.constant 1 : i32
      %sub3A_822 = vector.broadcast %sub3A_821 : i32 to vector<16xi32>
      %sub3A_823 = arith.subi %sub3A_822, %min3A_820 : vector<16xi32>
      %min3A_824 = arith.constant 1 : i32
      %min3A_825 = vector.broadcast %min3A_824 : i32 to vector<16xi32>
      %min3A_826 = arith.minsi %get3A_817, %min3A_825 : vector<16xi32>
      %sub3A_827 = arith.constant 1 : i32
      %sub3A_828 = vector.broadcast %sub3A_827 : i32 to vector<16xi32>
      %sub3A_829 = arith.subi %sub3A_828, %min3A_826 : vector<16xi32>
      %mul3A_830 = arith.muli %sub3A_829, %min3A_23 : vector<16xi32>
      %add3A_831 = arith.addi %sub3A_823, %mul3A_830 : vector<16xi32>
      %reduce_sum3A = arith.constant true
      %reduce_sum3A_832 = vector.broadcast %reduce_sum3A : i1 to vector<16xi1>
      %reduce_sum3A_833 = tpu.scan <sum>, %add3A_831 masked %reduce_sum3A_832 : vector<16xi32>, vector<16xi1> -> vector<16xi32>
      %reduce_sum3A_834 = vector.extract %reduce_sum3A_833[15] : i32 from vector<16xi32>
      %broadcast_in_dim3A = vector.broadcast %reduce_sum3A_834 : i32 to vector<16xi32>
      %convert_element_type3A = arith.sitofp %broadcast_in_dim3A : vector<16xi32> to vector<16xf32>
      %sub3A_835 = arith.constant 2.600000e+01 : f32
      %sub3A_836 = vector.broadcast %sub3A_835 : f32 to vector<16xf32>
      %sub3A_837 = arith.subf %sub3A_836, %convert_element_type3A : vector<16xf32>
      %add3A_838 = arith.constant 9.99999993E-9 : f32
      %add3A_839 = vector.broadcast %add3A_838 : f32 to vector<16xf32>
      %add3A_840 = arith.addf %sub3A_837, %add3A_839 : vector<16xf32>
      %div3A = arith.constant 1.000000e+00 : f32
      %div3A_841 = vector.broadcast %div3A : f32 to vector<16xf32>
      %div3A_842 = arith.divf %div3A_841, %add3A_840 : vector<16xf32>
      %mul3A_843 = arith.mulf %convert_element_type3A, %get3A_5 : vector<16xf32>
      %sub3A_844 = arith.subf %add3A_806, %mul3A_843 : vector<16xf32>
      %mul3A_845 = arith.mulf %sub3A_844, %div3A_842 : vector<16xf32>
      %swap3A = arith.index_cast %scan3A_195 : i32 to index
      %swap3A_846 = arith.constant 0 : index
      %swap3A_847 = tpu.vector_load %arg10[%swap3A, %swap3A_846] {strides = array<i32>} : memref<32x64xf32, #tpu.memory_space<vmem>>, vector<16xf32>,
      tpu.vector_store %arg10[%swap3A, %swap3A_846], %mul3A_845 {strides = array<i32>} : memref<32x64xf32, #tpu.memory_space<vmem>>, vector<16xf32>,
      %mul3A_848 = arith.mulf %convert_element_type3A, %get3A_9 : vector<16xf32>
      %sub3A_849 = arith.subf %add3A_807, %mul3A_848 : vector<16xf32>
      %mul3A_850 = arith.mulf %sub3A_849, %div3A_842 : vector<16xf32>
      %swap3A_851 = arith.index_cast %scan3A_195 : i32 to index
      %swap3A_852 = arith.constant 16 : index
      %swap3A_853 = tpu.vector_load %arg10[%swap3A_851, %swap3A_852] {strides = array<i32>} : memref<32x64xf32, #tpu.memory_space<vmem>>, vector<16xf32>,
      tpu.vector_store %arg10[%swap3A_851, %swap3A_852], %mul3A_850 {strides = array<i32>} : memref<32x64xf32, #tpu.memory_space<vmem>>, vector<16xf32>,
      %mul3A_854 = arith.mulf %convert_element_type3A, %get3A_13 : vector<16xf32>
      %sub3A_855 = arith.subf %add3A_808, %mul3A_854 : vector<16xf32>
      %mul3A_856 = arith.mulf %sub3A_855, %div3A_842 : vector<16xf32>
      %swap3A_857 = arith.index_cast %scan3A_195 : i32 to index
      %swap3A_858 = arith.constant 32 : index
      %swap3A_859 = tpu.vector_load %arg10[%swap3A_857, %swap3A_858] {strides = array<i32>} : memref<32x64xf32, #tpu.memory_space<vmem>>, vector<16xf32>,
      tpu.vector_store %arg10[%swap3A_857, %swap3A_858], %mul3A_856 {strides = array<i32>} : memref<32x64xf32, #tpu.memory_space<vmem>>, vector<16xf32>,
      %mul3A_860 = arith.mulf %convert_element_type3A, %get3A_17 : vector<16xf32>
      %sub3A_861 = arith.subf %add3A_809, %mul3A_860 : vector<16xf32>
      %mul3A_862 = arith.mulf %sub3A_861, %div3A_842 : vector<16xf32>
      %swap3A_863 = arith.index_cast %scan3A_195 : i32 to index
      %swap3A_864 = arith.constant 48 : index
      %swap3A_865 = tpu.vector_load %arg10[%swap3A_863, %swap3A_864] {strides = array<i32>} : memref<32x64xf32, #tpu.memory_space<vmem>>, vector<16xf32>,
      tpu.vector_store %arg10[%swap3A_863, %swap3A_864], %mul3A_862 {strides = array<i32>} : memref<32x64xf32, #tpu.memory_space<vmem>>, vector<16xf32>,
    }
    %scan3A_192 = arith.constant 32 : i32
    %add3A_193 = arith.constant 480 : i32
    %add3A_194 = arith.addi %mul3A_2, %add3A_193 : i32
    "tpu.region"() ({
      %run_scoped3A = tpu.sem_alloc : memref<!tpu.dma_semaphore, #tpu.memory_space<semaphore_mem>>
      %dma_start3A_195 = arith.constant 0 : i32
      %dma_start3A_196 = tpu.memref_slice %arg4[%add3A_194, %dma_start3A_195] : memref<16384x64xf32, #tpu.memory_space<hbm>> -> memref<32x64xf32, #tpu.memory_space<hbm>>
      %dma_start3A_197 = arith.constant 0 : i32
      %dma_start3A_198 = tpu.memref_slice %arg4[%add3A_194, %dma_start3A_197] : memref<16384x64xf32, #tpu.memory_space<hbm>> -> memref<32x64xf32, #tpu.memory_space<hbm>>
      tpu.enqueue_dma source(%arg10 : memref<32x64xf32, #tpu.memory_space<vmem>>) target(%dma_start3A_198 : memref<32x64xf32, #tpu.memory_space<hbm>>) target_semaphore(%run_scoped3A : memref<!tpu.dma_semaphore, #tpu.memory_space<semaphore_mem>>)
      %dma_wait3A_199 = arith.constant 0 : i32
      %dma_wait3A_200 = tpu.memref_slice %arg4[%add3A_194, %dma_wait3A_199] : memref<16384x64xf32, #tpu.memory_space<hbm>> -> memref<32x64xf32, #tpu.memory_space<hbm>>
      %dma_wait3A_201 = arith.constant 0 : i32
      %dma_wait3A_202 = tpu.memref_slice %arg4[%add3A_194, %dma_wait3A_201] : memref<16384x64xf32, #tpu.memory_space<hbm>> -> memref<32x64xf32, #tpu.memory_space<hbm>>
      tpu.wait_dma2 semaphore(%run_scoped3A : memref<!tpu.dma_semaphore, #tpu.memory_space<semaphore_mem>>) src(%arg10 : memref<32x64xf32, #tpu.memory_space<vmem>>) dst(%dma_wait3A_202 : memref<32x64xf32, #tpu.memory_space<hbm>>)
      tpu.yield
    }) : () -> ()
    return
  }
}

</mosaic_0001>

<sc_bundles>
// kernel: kernel.3.cloned.1.call-start
scs
__scs_entry_jumppad:
0x0: {  	(pc) =	sbr.rel $0x88, $3  }
0x1: {  	(tag) =	ssettag $0x0;
	lr =	simm.s32 $0x1  }
0x2: {  	[smem:$0x3F9F] =	sst lr;
	_ =	strace $0xD0000000  }
0x3: {  	_ = 	snop  }
0x4: {  	_ = 	snop  }
0x5: {  	_ = 	snop  }
0x6: {  	_ = 	snop  }
0x7: {  	_ = 	snop  }
__scs_overlays_trampoline_lowered:
0x8: {  	[smem:$0x3FAE] =	sst s0  }
0x9: {  	[smem:$0x3FAF] =	sst s1  }
0xa: {  	[smem:$0x3FB0] =	sst s2  }
0xb: {  	[smem:$0x3FB1] =	sst s3  }
0xc: {  	[smem:$0x3FB2] =	sst s4  }
0xd: {  	[smem:$0x3FB3] =	sst s5  }
0xe: {  	[smem:$0x3FB4] =	sst s6  }
0xf: {  	[smem:$0x3FB5] =	sst s7  }
0x10: {  	[smem:$0x3FB6] =	sst s8  }
0x11: {  	[smem:$0x3FB7] =	sst s9;
	s0 =	simm.s32 @!p0 $0x0  }
0x12: {  	s1 =	sld [smem:$0x3F9D];
	s0 =	simm.s32 @p0 $0x1  }
0x13: {  	[smem:$0x3FB8] =	sst s0;
	s0 =	simm.s32 @!p1 $0x0  }
0x14: {  	s2 =	sld [smem:$0x3F9C];
	s0 =	simm.s32 @p1 $0x1  }
0x15: {  	[smem:$0x3FB9] =	sst s0;
	s0 =	simm.s32 @!p2 $0x0  }
0x16: {  	s3 =	sld [smem:$0x3FDB];
	s0 =	simm.s32 @p2 $0x1  }
0x17: {  	s4 =	simm.s32 $0x1BF5;
	[smem:$0x3FBB] =	sst s0  }
0x18: {  	s0 =	sld [smem:$0x3F9E];
	_ =	swait.ge [sflag:s4], $0x0  }
0x19: {  	s7 =	sld [smem:$0x3F9F]  }
0x1a: {  	s8 =	sadd.s32 $0xFFFFE003, lr  }
0x1b: {  	s9 =	sadd.s32 $0xFFFFFEF7, lr;
	s5 =	simm.s32 $0xFFFFFFFF;
	p2 =	slt.u32 s8, $0xFFFFF086  }
0x1c: {  	p1 =	slt.u32 s9, $0xF7A;
	s5 =	simm.s32 @!p2 $0x0  }
0x1d: {  	s5 =	simm.s32 @p1 $0x1;
	p0 =	seq.s32 s7, s2  }
0x1e: {  	s7 =	smul.u32 @!p0 $0xF7A, s2;
	p2 =	seq.s32 @!p0 s5, $0x0  }
0x1f: {  	s9 =	smul.u32 $0xF7A, s1;
	s8 =	simm.s32 @!p0 $0x1BF5;
	p2 =	por !p2, p0  }
0x20: {  	[sflag:s8] =	ssyncset.s32 @!p0 $0xFFFFF086;
	s6 =	sadd.s32 @!p0 s3, s7;
	s7 =	simm.s32 @!p0 $0x108  }
0x21: {  	s3 =	sadd.s32 s3, s9;
	s6 =	sadd.s32 @!p0 $0x88, s6;
	s7 =	simm.s32 @p2 $0x1082  }
0x22: {  	[simem:s7], [sflag:s8] =	dma.local @!p0 [hbm:s6], $0xF7A  }
0x23: {  	s9 =	sor.u32 $0xD0000000, s2;
	s6 =	simm.s32 $0x108;
	_ =	swait.ge @!p0 [sflag:s8], $0x0  }
0x24: {  	s3 =	sadd.s32 $0x88, s3;
	s6 =	simm.s32 @!p1 $0x1082;
	[sflag:s4] =	ssyncset.s32 $0xFFFFF086  }
0x25: {  	[simem:s6], [sflag:s4] =	dma.local [hbm:s3], $0xF7A  }
0x26: {  	[smem:$0x3F9F] =	sst s1;
	(tag) =	ssettag s2;
	_ =	strace s9  }
0x27: {  	s1 =	sld [smem:$0x3FAF]  }
0x28: {  	s2 =	sld [smem:$0x3FB0]  }
0x29: {  	s4 =	sld [smem:$0x3FB2]  }
0x2a: {  	p0 =	seq.s32 s5, $0x0;
	s5 =	sld [smem:$0x3FB3]  }
0x2b: {  	s6 =	sld [smem:$0x3FB4]  }
0x2c: {  	s7 =	sld [smem:$0x3FB5]  }
0x2d: {  	s3 =	simm.s32 $0x108;
	s8 =	sld [smem:$0x3FB6]  }
0x2e: {  	s3 =	simm.s32 @!p0 $0x1082;
	s9 =	sld [smem:$0x3FB7]  }
0x2f: {  	lr =	sadd.s32 s0, s3;
	s0 =	sld [smem:$0x3FAE]  }
0x30: {  	s3 =	sld [smem:$0x3FB1]  }
0x31: {  	[smem:$0x3FBA] =	sst s10  }
0x32: {  	s10 =	sld [smem:$0x3FB8];
	_ =	sdelay $0x3  }
0x33: {  	p0 =	seq.s32 s10, $0x1;
	s10 =	sld [smem:$0x3FBA];
	_ =	sdelay $0x3  }
0x34: {  	[smem:$0x3FBA] =	sst s10  }
0x35: {  	s10 =	sld [smem:$0x3FB9];
	_ =	sdelay $0x3  }
0x36: {  	p1 =	seq.s32 s10, $0x1;
	s10 =	sld [smem:$0x3FBA];
	_ =	sdelay $0x3  }
0x37: {  	[smem:$0x3FBA] =	sst s10  }
0x38: {  	s10 =	sld [smem:$0x3FBB]  }
0x39: {  	_ = 	snop;
	(pc) =	sbr.ind lr, $3  }
0x3a: {  	_ = 	snop  }
0x3b: {  	_ = 	snop  }
0x3c: {  	p2 =	seq.s32 s10, $0x1;
	s10 =	sld [smem:$0x3FBA]  }
0x3d: {  	_ =	shalt  }
0x3e: {  	_ =	shalt  }
0x3f: {  	_ =	shalt  }
0x40: {  	_ =	shalt  }
0x41: {  	_ =	shalt  }
0x42: {  	_ =	shalt  }
0x43: {  	_ =	shalt  }
0x44: {  	_ =	shalt  }
0x45: {  	_ =	shalt  }
0x46: {  	_ =	shalt  }
0x47: {  	_ =	shalt  }
0x48: {  	_ =	shalt  }
0x49: {  	_ =	shalt  }
0x4a: {  	_ =	shalt  }
0x4b: {  	_ =	shalt  }
0x4c: {  	_ =	shalt  }
0x4d: {  	_ =	shalt  }
0x4e: {  	_ =	shalt  }
0x4f: {  	_ =	shalt  }
0x50: {  	_ =	shalt  }
0x51: {  	_ =	shalt  }
0x52: {  	_ =	shalt  }
0x53: {  	_ =	shalt  }
0x54: {  	_ =	shalt  }
0x55: {  	_ =	shalt  }
0x56: {  	_ =	shalt  }
0x57: {  	_ =	shalt  }
0x58: {  	_ =	shalt  }
0x59: {  	_ =	shalt  }
0x5a: {  	_ =	shalt  }
0x5b: {  	_ =	shalt  }
0x5c: {  	_ =	shalt  }
0x5d: {  	_ =	shalt  }
0x5e: {  	_ =	shalt  }
0x5f: {  	_ =	shalt  }
0x60: {  	_ =	shalt  }
0x61: {  	_ =	shalt  }
0x62: {  	_ =	shalt  }
0x63: {  	_ =	shalt  }
0x64: {  	_ =	shalt  }
0x65: {  	_ =	shalt  }
0x66: {  	_ =	shalt  }
0x67: {  	_ =	shalt  }
0x68: {  	_ =	shalt  }
0x69: {  	_ =	shalt  }
0x6a: {  	_ =	shalt  }
0x6b: {  	_ =	shalt  }
0x6c: {  	_ =	shalt  }
0x6d: {  	_ =	shalt  }
0x6e: {  	_ =	shalt  }
0x6f: {  	_ =	shalt  }
0x70: {  	_ =	shalt  }
0x71: {  	_ =	shalt  }
0x72: {  	_ =	shalt  }
0x73: {  	_ =	shalt  }
0x74: {  	_ =	shalt  }
0x75: {  	_ =	shalt  }
0x76: {  	_ =	shalt  }
0x77: {  	_ =	shalt  }
0x78: {  	_ =	shalt  }
0x79: {  	_ =	shalt  }
0x7a: {  	_ =	shalt  }
0x7b: {  	_ =	shalt  }
0x7c: {  	_ =	shalt  }
0x7d: {  	_ =	shalt  }
0x7e: {  	_ =	shalt  }
0x7f: {  	_ =	shalt  }
0x80: {  	_ =	shalt  }
0x81: {  	_ =	shalt  }
0x82: {  	_ =	shalt  }
0x83: {  	_ =	shalt  }
0x84: {  	_ =	shalt  }
0x85: {  	_ =	shalt  }
0x86: {  	_ =	shalt  }
0x87: {  	_ =	shalt  }
.Lfunc_end0:
.L_simem_size_0:
called_computation_lowered:
.L_overlay_start_0:
0x88: {  	s2 =	sld [smem:$0x3FD9]  }
0x89: {  	s3 =	sld [smem:$0x3FFE];
	_ =	sdelay $0x1  }
0x8a: {  	s1 =	srdreg.scid  }
0x8b: {  	s0 =	sand.u32 $0x1, s1  }
0x8c: {  	s17 =	sshll.u32 s0, $0xA;
	s2 =	sadd.s32 s3, s2  }
0x8d: {  	s2 =	sadd.s32 s2, s17  }
0x8e: {  	[smem:$0x3FC6] =	sst s2  }
0x8f: {  	_ = 	snop  }
0x90: {  	s2 =	sld [smem:$0x3FD0];
	(tm) =	ssettm $0x1  }
0x91: {  	s18 =	sld [smem:$0x3FFB];
	_ =	sdelay $0x3  }
0x92: {  	_ =	strace s18  }
0x93: {  	s3 =	sld [smem:$0x3FFC];
	_ =	sdelay $0x3  }
0x94: {  	_ =	strace s3  }
0x95: {  	s3 =	sld [smem:$0x3FFD];
	_ =	sdelay $0x3  }
0x96: {  	_ =	strace s3  }
0x97: {  	_ =	strace $0x8FFFFFFF  }
0x98: {  	s19 =	sld [smem:$0x3FDB];
	_ =	sdelay $0x1  }
0x99: {  	s4 =	simm.s32 $_scs_section_size  }
0x9a: {  	s5 =	simm.s32 $_size__tile_overlayer_lowered;
	s6 =	simm.s32 $_tile_overlayer_lowered  }
0x9b: {  	s22 =	simm.s32 $0x1BFF;
	s21 =	sshll.u32 s6, $0x1;
	s3 =	sadd.s32 s4, s19  }
0x9c: {  	s7 =	simm.s32 $0x0;
	s20 =	sshll.u32 s5, $0x1;
	s5 =	sadd.s32 s21, s3  }
0x9d: {  	[timem:s7], [sflag:s22] =	dma.local [hbm:s5], s20  }
0x9e: {  	_ =	swait.ge [sflag:s22], s20  }
0x9f: {  	s4 =	ssub.s32 $0x0, s20;
	[sflag:s22] =	ssyncset.done $0x0  }
0xa0: {  	[sflag:s22] =	ssyncadd.s32 s4;
	_ =	sdelay $0x1  }
0xa1: {  	s23 =	simm.s32 $0x1B8B  }
0xa2: {  	_ =	swait.ge [sflag:s23], $0x1  }
0xa3: {  	[sflag:s23] =	ssyncset.done $0x0  }
0xa4: {  	s25 =	simm.s32 $0x1B8E;
	s24 =	sld [smem:$0x3FFE];
	[sflag:s23] =	ssyncadd.s32 $0xFFFFFFFF  }
0xa5: {  	s26 =	simm.s32 $execute0_lowered;
	[smem:$0x3FD2] =	sst s25  }
0xa6: {  	s5 =	sshll.u32 s26, $0x1;
	_ =	strace $0x80000046;
	[dreg:$0x1] =	wrdreg $0xFFFFFFFF  }
0xa7: {  	s28 =	simm.s32 $_size_execute0_lowered;
	s3 =	sadd.s32 s3, s5;
	[dreg:$0x0] =	wrdreg $0x0  }
0xa8: {  	s5 =	sshll.u32 s28, $0x1;
	[dreg:$0x2] =	wrdreg s3  }
0xa9: {  	[dreg:$0x3] =	wrdreg s5  }
0xaa: {  	[dreg:$0x4] =	wrdreg $0xC0  }
0xab: {  	_ =	task [dreg:s7], $0x5FFFF  }
0xac: {  	[dreg:$0x1] =	wrdreg $0xFFFFFFFF  }
0xad: {  	[dreg:$0x0] =	wrdreg $0x60  }
0xae: {  	[dreg:$0x2] =	wrdreg s24  }
0xaf: {  	[dreg:$0x3] =	wrdreg s2  }
0xb0: {  	[dreg:$0x4] =	wrdreg $0x9  }
0xb1: {  	_ =	task.clear_ibuf [dreg:s7], $0x5FFFF;
	_ =	strace $0x90000046  }
0xb2: {  	s29 =	simm.s32 $0x9;
	_ =	strace $0x80000048  }
0xb3: {  	_ =	swait.ge [sflag:s29], $0x1  }
0xb4: {  	[sflag:s29] =	ssyncadd.s32 $0xFFFFFFFF  }
0xb5: {  	_ =	strace $0x90000048  }
0xb6: {  	_ =	sfence  }
0xb7: {  	s30 =	sld [smem:$0x0];
	_ =	sdelay $0x2  }
0xb8: {  	s31 =	sshll.u32 s1, $0xD;
	s1 =	sshrl.u32 s1, $0x2  }
0xb9: {  	s3 =	sand.u32 $0x4000, s31;
	s1 =	sadd.s32 s1, s30  }
0xba: {  	s0 =	sor.u32 s3, s0;
	s1 =	sshll.u32 s1, $0x11  }
0xbb: {  	s0 =	sor.u32 s1, s0  }
0xbc: {  	s0 =	sadd.s32 $0x8F2B, s0  }
0xbd: {  	[sflag:s0] =	ssyncadd.remote.s32 $0x1  }
0xbe: {  	_ =	sfence.sel $0xFFFF  }
0xbf: {  	[dreg:$0x0] =	wrdreg $0xFFFFFFFF;
	(pc) =	sbr.abs _section_cstart, $3  }
0xc0: {  	[dreg:$0x1] =	wrdreg $0xFFFFFFFF  }
0xc1: {  	_ =	task.clear_ibuf [dreg:s7], $0x2FFFF;
	_ =	strace $0x9FFFFFFF  }
0xc2: {  	(tm) =	ssettm $0x7FFFFFFF  }
0xc3: {  	_ =	shalt  }
tec
execute0_lowered:
.L_overlay_start_1:
0x0: {  	(tag) =	ssettag $0x1  }
0x1: {  	s0 =	rddreg [dreg:$0x0]  }
0x2: {  	s8 =	rddreg [dreg:$0x1];
	s1 =	srdreg.scid  }
0x3: {  	s2 =	stileid.u32;
	s3 =	simm.s32 $0x0;
	s16 =	simm.s32 $0x4  }
0x4: {  	s17 =	simm.s32 $0x68;
	s15 =	simm.s32 $0x3;
	s18 =	simm.s32 $0x12480  }
0x5: {  	s19 =	simm.s32 $0x4E0;
	s20 =	simm.s32 $0x13E80;
	s21 =	simm.s32 $0x548  }
0x6: {  	s22 =	simm.s32 $0x15880;
	s23 =	simm.s32 $0x5B0;
	s28 =	simm.s32 $0x1  }
0x7: {  	s29 =	simm.s32 $0x1A6C0;
	s30 =	simm.s32 $0x2;
	s1 =	sand.u32 $0x1, s1  }
0x8: {  	s2 =	sshll.u32 s2, $0x1;
	[smem:$0x7FF] =	sst s3;
	s4 =	sadd.s32 $0x600, s0  }
0x9: {  	s5 =	sadd.s32 $0xF42A00, s0;
	s6 =	ssub.s32 $0x2, s1;
	s1 =	sor.u32 s1, s2  }
0xa: {  	_ =	strace $0x80000047;
	s24 =	sshrl.u32 s6, $0x1;
	s7 =	smul.u32 $0x680, s1  }
0xb: {  	s25 =	ssub.s32 s6, s24;
	s6 =	sshll.u32 s1, $0x9;
	s1 =	sshll.u32 s1, $0xC  }
0xc: {  	s24 =	simm.s32 $0x17280;
	s26 =	sadd.s32 s4, s7;
	s9 =	sadd.s32 s8, s1  }
0xd: {  	s10 =	sor.u32 $0x40, s6;
	s0 =	smax.u32 s25, $0x1;
	[dreg:$0x3] =	wrdreg s26  }
0xe: {  	s11 =	sor.u32 $0x60, s6;
	s2 =	sadd.s32 $0x68, s26;
	[dreg:$0x7] =	wrdreg s0  }
0xf: {  	s25 =	simm.s32 $0x618;
	s1 =	sadd.s32 $0xE00, s9;
	[dreg:$0x4] =	wrdreg s2  }
0x10: {  	v0 =	vimm.s32 $0xFFFFFFFF;
	vm0 =	vcmask $0x1700;
	s31 =	sadd.s32 $0xF00, s9;
	s26 =	simm.s32 $0x18C80;
	[dreg:$0x5] =	wrdreg s1  }
0x11: {  	v0 =	vsel vm0, $0x0, v0;
	[dreg:$0x6] =	wrdreg s31;
	s1 =	simm.s32 $0x340;
	s2 =	simm.s32 $0x0  }
.LBB2_1:
0x12: {  	[dreg:$0x8] =	wrdreg s2;
	s0 =	simm.s32 $0x1A680  }
0x13: {  	[tilespmem:s0], [sflag:$0x4] =	stream.linear.gather [hbm4b:s5+s3], $0x40, $0x38;
	[tilespmem:$0x1AEC0] =	vst v63  }
0x14: {  	_ =	swait.ge [sflag:s16], $0x40  }
0x15: {  	[sflag:s16] =	ssyncset.done $0x0  }
0x16: {  	[sflag:s16] =	ssyncadd.s32 $0xFFFFFFC0  }
0x17: {  	v1 =	vld [tilespmem:$0x1A680]  }
0x18: {  	v2 =	vld [tilespmem:$0x1A690]  }
0x19: {  	s7 =	rddreg [dreg:$0x3];
	v3 =	vld [tilespmem:$0x1A6A0]  }
0x1a: {  	v4 =	vld [tilespmem:$0x1A6B0];
	[tilespmem:s3], [sflag:$0x4] =	stream.linear.gather [hbm4b:s7+s3], $0x340, $0x38  }
0x1b: {  	_ =	swait.ge [sflag:s16], $0x340  }
0x1c: {  	[sflag:s16] =	ssyncset.done $0x0  }
0x1d: {  	s8 =	simm.s32 $0x680;
	[sflag:s16] =	ssyncadd.s32 $0xFFFFFCC0  }
0x1e: {  	[tilespmem:s8], [sflag:$0x1] =	stream.indirect.gather [hbm4b:s5+s17], $0x40, s3, s17, $0xb8;
	[tilespmem:$0x1AEC0] =	vst v63  }
0x1f: {  	s12 =	simm.s32 $0x2080  }
0x20: {  	[tilespmem:s12], [sflag:$0x1] =	stream.indirect.gather [hbm4b:s5+s17], $0x40, s17, s17, $0xb8;
	[tilespmem:$0x1AEC0] =	vst v63  }
0x21: {  	s13 =	simm.s32 $0xD0;
	s14 =	simm.s32 $0x3A80  }
0x22: {  	[tilespmem:s14], [sflag:$0x1] =	stream.indirect.gather [hbm4b:s5+s17], $0x40, s13, s17, $0xb8;
	[tilespmem:$0x1AEC0] =	vst v63  }
0x23: {  	s2 =	simm.s32 $0x138;
	s7 =	simm.s32 $0x5480  }
0x24: {  	[tilespmem:s7], [sflag:$0x1] =	stream.indirect.gather [hbm4b:s5+s17], $0x40, s2, s17, $0xb8;
	[tilespmem:$0x1AEC0] =	vst v63  }
0x25: {  	s8 =	simm.s32 $0x1A0;
	s12 =	simm.s32 $0x6E80  }
0x26: {  	[tilespmem:s12], [sflag:$0x1] =	stream.indirect.gather [hbm4b:s5+s17], $0x40, s8, s17, $0xb8;
	[tilespmem:$0x1AEC0] =	vst v63  }
0x27: {  	s13 =	simm.s32 $0x208;
	s14 =	simm.s32 $0x8880  }
0x28: {  	[tilespmem:s14], [sflag:$0x1] =	stream.indirect.gather [hbm4b:s5+s17], $0x40, s13, s17, $0xb8;
	[tilespmem:$0x1AEC0] =	vst v63  }
0x29: {  	s7 =	simm.s32 $0x270;
	s8 =	simm.s32 $0xA280  }
0x2a: {  	[tilespmem:s8], [sflag:$0x1] =	stream.indirect.gather [hbm4b:s5+s17], $0x40, s7, s17, $0xb8;
	[tilespmem:$0x1AEC0] =	vst v63  }
0x2b: {  	s12 =	simm.s32 $0x2D8;
	s13 =	simm.s32 $0xBC80  }
0x2c: {  	[tilespmem:s13], [sflag:$0x1] =	stream.indirect.gather [hbm4b:s5+s17], $0x40, s12, s17, $0xb8;
	[tilespmem:$0x1AEC0] =	vst v63  }
0x2d: {  	s31 =	simm.s32 $0x0;
	s14 =	rddreg [dreg:$0x4]  }
0x2e: {  	[tilespmem:s1], [sflag:$0x3] =	stream.linear.gather [hbm4b:s14+s3], $0x340, $0x38;
	[tilespmem:$0x1AEC0] =	vst v63  }
.LBB2_2:
0x2f: {  	_ =	swait.ge [sflag:s15], $0x340  }
0x30: {  	[sflag:s15] =	ssyncset.done $0x0  }
0x31: {  	s0 =	simm.s32 $0xD680;
	[sflag:s15] =	ssyncadd.s32 $0xFFFFFCC0  }
0x32: {  	[tilespmem:s0], [sflag:$0x2] =	stream.indirect.gather [hbm4b:s5+s17], $0x40, s1, s17, $0xb8;
	[tilespmem:$0x1AEC0] =	vst v63  }
0x33: {  	s7 =	simm.s32 $0x3A8;
	s2 =	simm.s32 $0xF080  }
0x34: {  	[tilespmem:s2], [sflag:$0x2] =	stream.indirect.gather [hbm4b:s5+s17], $0x40, s7, s17, $0xb8;
	[tilespmem:$0x1AEC0] =	vst v63  }
0x35: {  	s8 =	simm.s32 $0x410;
	s12 =	simm.s32 $0x10A80  }
0x36: {  	[tilespmem:s12], [sflag:$0x2] =	stream.indirect.gather [hbm4b:s5+s17], $0x40, s8, s17, $0xb8;
	[tilespmem:$0x1AEC0] =	vst v63  }
0x37: {  	s13 =	simm.s32 $0x478  }
0x38: {  	[tilespmem:s18], [sflag:$0x2] =	stream.indirect.gather [hbm4b:s5+s17], $0x40, s13, s17, $0xb8;
	[tilespmem:$0x1AEC0] =	vst v63  }
0x39: {  	_ = 	snop  }
0x3a: {  	[tilespmem:s20], [sflag:$0x2] =	stream.indirect.gather [hbm4b:s5+s17], $0x40, s19, s17, $0xb8;
	[tilespmem:$0x1AEC0] =	vst v63  }
0x3b: {  	_ = 	snop  }
0x3c: {  	[tilespmem:s22], [sflag:$0x2] =	stream.indirect.gather [hbm4b:s5+s17], $0x40, s21, s17, $0xb8;
	[tilespmem:$0x1AEC0] =	vst v63  }
0x3d: {  	_ = 	snop  }
0x3e: {  	[tilespmem:s24], [sflag:$0x2] =	stream.indirect.gather [hbm4b:s5+s17], $0x40, s23, s17, $0xb8;
	[tilespmem:$0x1AEC0] =	vst v63  }
0x3f: {  	_ = 	snop  }
0x40: {  	[tilespmem:s26], [sflag:$0x2] =	stream.indirect.gather [hbm4b:s5+s17], $0x40, s25, s17, $0xb8;
	[tilespmem:$0x1AEC0] =	vst v63  }
0x41: {  	_ =	swait.ge [sflag:s28], $0xD000  }
0x42: {  	[sflag:s28] =	ssyncset.done $0x0  }
0x43: {  	s0 =	simm.s32 $0x9C0;
	[sflag:s28] =	ssyncadd.s32 $0xFFFF3000  }
0x44: {  	v8 =	vld [tilespmem:s0+$0x300]  }
0x45: {  	v9 =	vld [tilespmem:s0+$0x310]  }
0x46: {  	v5 =	vld [tilespmem:s0+$0x330]  }
0x47: {  	v6 =	vld [tilespmem:s0+$0x320]  }
0x48: {  	v7 =	vld [tilespmem:s0+$0x260]  }
0x49: {  	v10 =	vld [tilespmem:s0+$0x220]  }
0x4a: {  	v11 =	vld [tilespmem:s0+$0x280]  }
0x4b: {  	v12 =	vld [tilespmem:s0+$0x240]  }
0x4c: {  	v13 =	vld [tilespmem:s0+$0x200]  }
0x4d: {  	v14 =	vld [tilespmem:s0+$0x1C0]  }
0x4e: {  	v15 =	vld [tilespmem:s0+$0x1A0]  }
0x4f: {  	v16 =	vld [tilespmem:s0+$0x140]  }
0x50: {  	v17 =	vld [tilespmem:s0+$0x150]  }
0x51: {  	v18 =	vld [tilespmem:s0+$0xC0]  }
0x52: {  	v20 =	vld [tilespmem:s0+$0xD0]  }
0x53: {  	v21 =	vld [tilespmem:s0+$0x2F0]  }
0x54: {  	v22 =	vld [tilespmem:s0+$0x0]  }
0x55: {  	v23 =	vld [tilespmem:s0+$0x270]  }
0x56: {  	v24 =	vld [tilespmem:s0+$0x40]  }
0x57: {  	v25 =	vld [tilespmem:s0+$0x1F0]  }
0x58: {  	v26 =	vld [tilespmem:s0+$0xFFFFFFC0]  }
0x59: {  	v27 =	vld [tilespmem:s0+$0xE0]  }
0x5a: {  	v28 =	vld [tilespmem:s0+$0x170]  }
0x5b: {  	v29 =	vld [tilespmem:s0+$0xF0]  }
0x5c: {  	v30 =	vld [tilespmem:s0+$0xA0]  }
0x5d: {  	v31 =	vld [tilespmem:s0+$0x70]  }
0x5e: {  	v32 =	vld [tilespmem:s0+$0x20]  }
0x5f: {  	v33 =	vld [tilespmem:s0+$0xFFFFFFF0]  }
0x60: {  	v34 =	vld [tilespmem:s0+$0xFFFFFFA0]  }
0x61: {  	v35 =	vld [tilespmem:s0+$0xFFFFFF70]  }
0x62: {  	v36 =	vld [tilespmem:s0+$0xFFFFFF20]  }
0x63: {  	v37 =	vld [tilespmem:s0+$0xFFFFFEF0]  }
0x64: {  	v19 =	vld [tilespmem:s0+$0x290]  }
0x65: {  	v38 =	vld [tilespmem:s0+$0xFFFFFDB0]  }
0x66: {  	v39 =	vld [tilespmem:s0+$0xFFFFFD80]  }
0x67: {  	v40 =	vld [tilespmem:s0+$0x210]  }
0x68: {  	v41 =	vld [tilespmem:s0+$0xFFFFFDF0]  }
0x69: {  	v42 =	vld [tilespmem:s0+$0x190]  }
0x6a: {  	v43 =	vld [tilespmem:s0+$0x110]  }
0x6b: {  	v44 =	vld [tilespmem:s0+$0x90]  }
0x6c: {  	v45 =	vld [tilespmem:s0+$0x10]  }
0x6d: {  	v46 =	vld [tilespmem:s0+$0xFFFFFF90]  }
0x6e: {  	v47 =	vld [tilespmem:s0+$0xFFFFFF10]  }
0x6f: {  	v48 =	vld [tilespmem:s0+$0xFFFFFE90]  }
0x70: {  	v49 =	vld [tilespmem:s0+$0xFFFFFE10]  }
0x71: {  	v50 =	vld [tilespmem:s0+$0xFFFFFD90]  }
0x72: {  	v51 =	vld [tilespmem:s0+$0xFFFFFD10]  }
0x73: {  	v52 =	vld [tilespmem:s0+$0xFFFFFEC0]  }
0x74: {  	v53 =	vld [tilespmem:s0+$0xFFFFFE60]  }
0x75: {  	v55 =	vld [tilespmem:s0+$0xFFFFFE40]  }
0x76: {  	v56 =	vld [tilespmem:s0+$0xFFFFFDE0]  }
0x77: {  	v57 =	vld [tilespmem:s0+$0xFFFFFDC0]  }
0x78: {  	v58 =	vld [tilespmem:s0+$0xFFFFFCC0]  }
0x79: {  	v59 =	vld [tilespmem:s0+$0xFFFFFD40];
	v50 =	vadd.f32 v50, v51  }
0x7a: {  	s14 =	simm.s32 $0xA;
	v60 =	vld [tilespmem:s0+$0xFFFFFCE0]  }
0x7b: {  	v61 =	vld [tilespmem:s14+$0x0];
	v49 =	vadd.f32 v49, v50  }
0x7c: {  	v63 =	vld [tilespmem:s0+$0xFFFFFCF0]  }
0x7d: {  	v50 =	vld [tilespmem:s0+$0xFFFFFDA0];
	v48 =	vadd.f32 v48, v49  }
0x7e: {  	v49 =	vld [tilespmem:s0+$0xFFFFFD60]  }
0x7f: {  	v47 =	vadd.f32 v47, v48;
	v48 =	vld [tilespmem:s0+$0xFFFFFD20]  }
0x80: {  	v62 =	vld [tilespmem:s0+$0xFFFFFD00]  }
0x81: {  	v51 =	vld [tilespmem:s0+$0xFFFFFE20];
	v58 =	vadd.f32 v59, v58  }
0x82: {  	v46 =	vadd.f32 v46, v47;
	v47 =	vld [tilespmem:s0+$0xFFFFFD70]  }
0x83: {  	v54 =	vld [tilespmem:s0+$0xFFFFFEA0];
	v57 =	vadd.f32 v57, v58;
	v49 =	vadd.f32 v49, v60  }
0x84: {  	v58 =	vld [tilespmem:s0+$0xFFFFFCD0];
	v45 =	vadd.f32 v45, v46;
	v48 =	vadd.f32 v50, v48  }
0x85: {  	v39 =	vadd.f32 v39, v62;
	v50 =	vld [tilespmem:s14+$0xFFFFFFF6];
	v49 =	vadd.f32 v56, v49  }
0x86: {  	v60 =	vld [tilespmem:s0+$0xFFFFFD50];
	v44 =	vadd.f32 v44, v45;
	v48 =	vadd.f32 v51, v48  }
0x87: {  	vm0 =	vlt.s32 v61, $0x1;
	v51 =	vadd.f32 v55, v57;
	v46 =	vadd.f32 v47, v63;
	v47 =	vld [tilespmem:s0+$0xFFFFFE70]  }
0x88: {  	v63 =	vnsel vm0, $0x1, v61;
	v57 =	vld [tilespmem:s0+$0xFFFFFE00];
	v49 =	vadd.f32 v53, v49;
	v43 =	vadd.f32 v43, v44  }
0x89: {  	v44 =	vld [tilespmem:s0+$0xFFFFFD30];
	v55 =	vsub.s32 $0x1, v63;
	v48 =	vadd.f32 v54, v48;
	v41 =	vadd.f32 v41, v46  }
0x8a: {  	v51 =	vadd.f32 v52, v51;
	v52 =	vld [tilespmem:s0+$0xFFFFFDD0];
	vm15 =	vlt.s32 v50, $0x1;
	v42 =	vadd.f32 v42, v43  }
0x8b: {  	v55 =	vand.u32 v0, v55;
	v54 =	vld [tilespmem:s0+$0xFFFFFF40];
	v50 =	vnsel vm15, $0x1, v50;
	v36 =	vadd.f32 v36, v48  }
0x8c: {  	v59 =	vld [tilespmem:s0+$0xFFFFFE30];
	v61 =	vsub.s32 v55, v50;
	v40 =	vadd.f32 v40, v42;
	v41 =	vadd.f32 v47, v41  }
0x8d: {  	v62 =	vld [tilespmem:s0+$0xFFFFFEB0];
	v39 =	vadd.f32 v57, v39;
	v55 =	vadd.f32 v60, v58;
	v63 =	vadd.s32 $0x1, v61  }
0x8e: {  	v50 =	vld [tilespmem:s0+$0xFFFFFEE0];
	v38 =	vadd.f32 v38, v44;
	v34 =	vadd.f32 v34, v36;
	(xrf0) =	vadd.scan.msk.s32 $0xffff, v63  }
0x8f: {  	v57 =	vld [tilespmem:s0+$0xFFFFFE50];
	v19 =	vadd.f32 v19, v40;
	v37 =	vadd.f32 v37, v41  }
0x90: {  	v61 =	vld [tilespmem:s0+$0xFFFFFE80];
	v60 =	vadd.f32 v52, v55;
	v40 =	vadd.f32 v54, v51  }
0x91: {  	v56 =	vld [tilespmem:s0+$0xFFFFFF60];
	v38 =	vadd.f32 v59, v38;
	v32 =	vadd.f32 v32, v34  }
0x92: {  	v63 =	vld [tilespmem:s0+$0xFFFFFED0];
	v35 =	vadd.f32 v35, v37;
	v26 =	vadd.f32 v26, v40  }
0x93: {  	v48 =	vld [tilespmem:s0+$0x60];
	v38 =	vadd.f32 v62, v38;
	v58 =	vadd.f32 v50, v49  }
0x94: {  	v59 =	vld [tilespmem:s0+$0xFFFFFFE0];
	v49 =	vadd.f32 v57, v60;
	v33 =	vadd.f32 v33, v35;
	v62, _, _ =	vpop (xrf0)  }
0x95: {  	v50 =	vld [tilespmem:s0+$0xFFFFFF00];
	v30 =	vadd.f32 v30, v32;
	v39 =	vadd.f32 v61, v39;
	v44 =	vcvt.s32.f32 v62  }
0x96: {  	v52 =	vld [tilespmem:s0+$0xFFFFFF50];
	v26 =	vadd.f32 v24, v26;
	v31 =	vadd.f32 v31, v33  }
0x97: {  	v54 =	vld [tilespmem:s0+$0xFFFFFFD0];
	v46 =	vadd.f32 v56, v58;
	v33 =	vadd.f32 v63, v49;
	v51 =	vbroadcast v44, $0xF  }
0x98: {  	v55 =	vld [tilespmem:s0+$0xFFFFFF30];
	v26 =	vadd.f32 v18, v26;
	v29 =	vadd.f32 v29, v31  }
0x99: {  	v34 =	vadd.f32 v59, v46;
	v31 =	vld [tilespmem:s0+$0xFFFFFF80];
	v53 =	vsub.f32 $2.600000000e+01, v51  }
0x9a: {  	v57 =	vld [tilespmem:s0+$0x50];
	v36 =	vadd.f32 v50, v39;
	v28 =	vadd.f32 v28, v29  }
0x9b: {  	v58 =	vld [tilespmem:s0+$0xFFFFFFB0];
	v29 =	vadd.f32 v52, v33;
	v56 =	vadd.f32 $9.999999930e-09, v53  }
0x9c: {  	v59 =	vld [tilespmem:s0+$0x120];
	v32 =	vadd.f32 v16, v26;
	v34 =	vadd.f32 v48, v34  }
0x9d: {  	v60 =	vld [tilespmem:s0+$0x80];
	v29 =	vadd.f32 v54, v29;
	v25 =	vadd.f32 v25, v28;
	(erf) = vrcp.f32 v56  }
0x9e: {  	v61 =	vld [tilespmem:s0+$0x30];
	v28 =	vadd.f32 v55, v38;
	v31 =	vadd.f32 v31, v36  }
0x9f: {  	v62 =	vld [tilespmem:s0+$0x100];
	v24 =	vadd.f32 v57, v29;
	v23 =	vadd.f32 v23, v25  }
0xa0: {  	v25 =	vadd.f32 v58, v28;
	v28 =	vld [tilespmem:s0+$0xB0];
	v22 =	vadd.f32 v22, v31  }
0xa1: {  	v63 =	vld [tilespmem:s0+$0x180];
	v27 =	vadd.f32 v27, v34;
	v33 =	vadd.f32 v59, v30  }
0xa2: {  	v20 =	vadd.f32 v20, v24;
	v24 =	vld [tilespmem:s0+$0x130];
	v22 =	vadd.f32 v60, v22  }
0xa3: {  	v21 =	vadd.f32 v21, v23;
	v25 =	vadd.f32 v61, v25;
	v23 =	vld [tilespmem:s0+$0x160]  }
0xa4: {  	v30 =	vmul.f32 v51, v4;
	v18 =	vadd.f32 v17, v20;
	v20 =	vld [tilespmem:s0+$0x1B0];
	v34 =	vadd.f32 v62, v22  }
0xa5: {  	s12 =	simm.s32 $0x1A6E0;
	v16 =	vld [tilespmem:s0+$0x1E0];
	v29 =	vmul.f32 v51, v2;
	v15 =	vadd.f32 v15, v33;
	v28 =	vadd.f32 v28, v25  }
0xa6: {  	s8 =	simm.s32 $0x1A6E0;
	s13 =	simm.s32 $0x90;
	s14 =	simm.s32 $0x9C0;
	v31 =	vmul.f32 v51, v1;
	v22 =	vmul.f32 v51, v3;
	v25 =	vld [tilespmem:s0+$0x1D0];
	v26 =	vadd.f32 v63, v34;
	v17 =	vpop (erf)  }
.LBB2_3:
0xa7: {  	p0 =	sne.s32 s13, $0xCC0;
	v24 =	vadd.f32 v24, v28;
	v14 =	vadd.f32 v14, v32;
	v28 =	vld [tilespmem:s0+$0x2C0];
	s12 =	sadd.s32 $0x40, s12;
	s14 =	sadd.s32 $0x680, s14  }
0xa8: {  	s7 =	smov.u32 s13;
	s13 =	sadd.s32 $0x68, s13;
	v23 =	vadd.f32 v23, v27;
	v13 =	vadd.f32 v13, v26;
	v26 =	vld [tilespmem:s0+$0x2A0]  }
0xa9: {  	v20 =	vadd.f32 v20, v24;
	v24 =	vld [tilespmem:s0+$0x230];
	v12 =	vadd.f32 v12, v14  }
0xaa: {  	v14 =	vadd.f32 v16, v23;
	v16 =	vld [tilespmem:s0+$0x250];
	v11 =	vadd.f32 v11, v13  }
0xab: {  	v10 =	vadd.f32 v10, v15;
	v13 =	vadd.f32 v25, v18;
	v15 =	vld [tilespmem:s0+$0x2B0]  }
0xac: {  	v9 =	vadd.f32 v9, v19;
	v18 =	vld [tilespmem:s0+$0x2E0];
	v8 =	vadd.f32 v8, v11  }
0xad: {  	v11 =	vadd.f32 v28, v12;
	v10 =	vadd.f32 v26, v10;
	v12 =	vld [tilespmem:s0+$0x2D0];
	s0 =	smov.u32 s14  }
0xae: {  	v7 =	vadd.f32 v7, v14;
	v19 =	vadd.f32 v24, v20  }
0xaf: {  	v8 =	vadd.f32 v8, v11;
	v13 =	vadd.f32 v16, v13  }
0xb0: {  	v6 =	vadd.f32 v6, v10;
	v11 =	vadd.f32 v15, v19  }
0xb1: {  	v8 =	vsub.f32 v8, v31;
	v7 =	vadd.f32 v18, v7  }
0xb2: {  	v10 =	vadd.f32 v12, v13;
	v5 =	vadd.f32 v5, v11  }
0xb3: {  	v6 =	vadd.f32 v6, v7;
	v7 =	vmul.f32 v17, v8  }
0xb4: {  	v8 =	vadd.f32 v9, v10;
	v5 =	vadd.f32 v5, v21  }
0xb5: {  	[tilespmem:s8+$0xFFFFFFE0] =	vst v7;
	v6 =	vsub.f32 v6, v22  }
0xb6: {  	v7 =	vsub.f32 v8, v29;
	v5 =	vsub.f32 v5, v30  }
0xb7: {  	v6 =	vmul.f32 v17, v6  }
0xb8: {  	v7 =	vmul.f32 v17, v7;
	v5 =	vmul.f32 v17, v5  }
0xb9: {  	[tilespmem:s8+$0x0] =	vst v6  }
0xba: {  	[tilespmem:s8+$0x10] =	vst v5  }
0xbb: {  	[tilespmem:s8+$0xFFFFFFF0] =	vst v7;
	s8 =	smov.u32 s12  }
0xbc: {  	v8 =	vld [tilespmem:s14+$0x300]  }
0xbd: {  	v9 =	vld [tilespmem:s14+$0x310]  }
0xbe: {  	v5 =	vld [tilespmem:s14+$0x330]  }
0xbf: {  	v6 =	vld [tilespmem:s14+$0x320]  }
0xc0: {  	v7 =	vld [tilespmem:s14+$0x260]  }
0xc1: {  	v10 =	vld [tilespmem:s14+$0x220]  }
0xc2: {  	v11 =	vld [tilespmem:s14+$0x280]  }
0xc3: {  	v12 =	vld [tilespmem:s14+$0x240]  }
0xc4: {  	v13 =	vld [tilespmem:s14+$0x200]  }
0xc5: {  	v14 =	vld [tilespmem:s14+$0x1C0]  }
0xc6: {  	v15 =	vld [tilespmem:s14+$0x1A0]  }
0xc7: {  	v16 =	vld [tilespmem:s14+$0x140]  }
0xc8: {  	v17 =	vld [tilespmem:s14+$0x150]  }
0xc9: {  	v18 =	vld [tilespmem:s14+$0xC0]  }
0xca: {  	v20 =	vld [tilespmem:s14+$0xD0]  }
0xcb: {  	v21 =	vld [tilespmem:s14+$0x2F0]  }
0xcc: {  	v22 =	vld [tilespmem:s14+$0x0]  }
0xcd: {  	v23 =	vld [tilespmem:s14+$0x270]  }
0xce: {  	v24 =	vld [tilespmem:s14+$0x40]  }
0xcf: {  	v25 =	vld [tilespmem:s14+$0x1F0]  }
0xd0: {  	v26 =	vld [tilespmem:s14+$0xFFFFFFC0]  }
0xd1: {  	v27 =	vld [tilespmem:s14+$0xE0]  }
0xd2: {  	v28 =	vld [tilespmem:s14+$0x170]  }
0xd3: {  	v29 =	vld [tilespmem:s14+$0xF0]  }
0xd4: {  	v30 =	vld [tilespmem:s14+$0xA0]  }
0xd5: {  	v31 =	vld [tilespmem:s14+$0x70]  }
0xd6: {  	v32 =	vld [tilespmem:s14+$0x20]  }
0xd7: {  	v33 =	vld [tilespmem:s14+$0xFFFFFFF0]  }
0xd8: {  	v34 =	vld [tilespmem:s14+$0xFFFFFFA0]  }
0xd9: {  	v35 =	vld [tilespmem:s14+$0xFFFFFF70]  }
0xda: {  	v36 =	vld [tilespmem:s14+$0xFFFFFF20]  }
0xdb: {  	v37 =	vld [tilespmem:s14+$0xFFFFFEF0]  }
0xdc: {  	v19 =	vld [tilespmem:s14+$0x290]  }
0xdd: {  	v38 =	vld [tilespmem:s14+$0xFFFFFDB0]  }
0xde: {  	v39 =	vld [tilespmem:s14+$0xFFFFFD80]  }
0xdf: {  	v40 =	vld [tilespmem:s14+$0x210]  }
0xe0: {  	v41 =	vld [tilespmem:s14+$0xFFFFFDF0]  }
0xe1: {  	v42 =	vld [tilespmem:s14+$0x190]  }
0xe2: {  	v43 =	vld [tilespmem:s14+$0x110]  }
0xe3: {  	v44 =	vld [tilespmem:s14+$0x90]  }
0xe4: {  	v45 =	vld [tilespmem:s14+$0x10]  }
0xe5: {  	v46 =	vld [tilespmem:s14+$0xFFFFFF90]  }
0xe6: {  	v47 =	vld [tilespmem:s14+$0xFFFFFF10]  }
0xe7: {  	v48 =	vld [tilespmem:s14+$0xFFFFFE90]  }
0xe8: {  	v49 =	vld [tilespmem:s14+$0xFFFFFE10]  }
0xe9: {  	v50 =	vld [tilespmem:s14+$0xFFFFFD90]  }
0xea: {  	v51 =	vld [tilespmem:s14+$0xFFFFFD10]  }
0xeb: {  	v52 =	vld [tilespmem:s14+$0xFFFFFEC0]  }
0xec: {  	v53 =	vld [tilespmem:s14+$0xFFFFFE60]  }
0xed: {  	v54 =	vld [tilespmem:s14+$0xFFFFFEA0]  }
0xee: {  	v55 =	vld [tilespmem:s14+$0xFFFFFE40]  }
0xef: {  	v50 =	vadd.f32 v50, v51;
	v51 =	vld [tilespmem:s14+$0xFFFFFDE0]  }
0xf0: {  	v56 =	vld [tilespmem:s14+$0xFFFFFE20]  }
0xf1: {  	v57 =	vld [tilespmem:s14+$0xFFFFFDC0];
	v49 =	vadd.f32 v49, v50  }
0xf2: {  	v50 =	vld [tilespmem:s14+$0xFFFFFDA0]  }
0xf3: {  	v58 =	vld [tilespmem:s14+$0xFFFFFCC0];
	v48 =	vadd.f32 v48, v49  }
0xf4: {  	v49 =	vld [tilespmem:s14+$0xFFFFFD60]  }
0xf5: {  	v59 =	vld [tilespmem:s14+$0xFFFFFD40];
	v47 =	vadd.f32 v47, v48  }
0xf6: {  	v48 =	vld [tilespmem:s14+$0xFFFFFD20]  }
0xf7: {  	v60 =	vld [tilespmem:s14+$0xFFFFFCE0];
	v46 =	vadd.f32 v46, v47  }
0xf8: {  	s2 =	sshra.s32 s7, $0x2;
	v47 =	vld [tilespmem:s14+$0xFFFFFD70]  }
0xf9: {  	v45 =	vadd.f32 v45, v46;
	v46 =	vld [tilespmem:s2+$0x0]  }
0xfa: {  	v61 =	vld [tilespmem:s14+$0xFFFFFCF0];
	v58 =	vadd.f32 v59, v58  }
0xfb: {  	v48 =	vadd.f32 v50, v48;
	v44 =	vadd.f32 v44, v45;
	v45 =	vld [tilespmem:s2+$0xFFFFFFF6]  }
0xfc: {  	v50 =	vld [tilespmem:s14+$0xFFFFFD00];
	v49 =	vadd.f32 v49, v60;
	v57 =	vadd.f32 v57, v58  }
0xfd: {  	v58 =	vld [tilespmem:s14+$0xFFFFFCD0];
	v48 =	vadd.f32 v56, v48;
	v43 =	vadd.f32 v43, v44  }
0xfe: {  	v44 =	vld [tilespmem:s14+$0xFFFFFD30];
	v49 =	vadd.f32 v51, v49;
	v51 =	vadd.f32 v55, v57;
	vm0 =	vlt.s32 v46, $0x1  }
0xff: {  	v47 =	vadd.f32 v47, v61;
	v55 =	vld [tilespmem:s14+$0xFFFFFE70];
	v48 =	vadd.f32 v54, v48;
	v46 =	vnsel vm0, $0x1, v46  }
0x100: {  	v42 =	vadd.f32 v42, v43;
	v54 =	vld [tilespmem:s14+$0xFFFFFE00];
	vm0 =	vlt.s32 v45, $0x1;
	v43 =	vsub.s32 $0x1, v46  }
0x101: {  	v49 =	vadd.f32 v53, v49;
	v46 =	vld [tilespmem:s14+$0xFFFFFE30];
	v45 =	vnsel vm0, $0x1, v45;
	v43 =	vand.u32 v0, v43  }
0x102: {  	v41 =	vadd.f32 v41, v47;
	v40 =	vadd.f32 v40, v42;
	v53 =	vld [tilespmem:s14+$0xFFFFFD50];
	v42 =	vsub.s32 v43, v45  }
0x103: {  	v39 =	vadd.f32 v39, v50;
	v38 =	vadd.f32 v38, v44;
	v43 =	vld [tilespmem:s14+$0xFFFFFEB0];
	v42 =	vadd.s32 $0x1, v42  }
0x104: {  	v44 =	vadd.f32 v52, v51;
	v41 =	vadd.f32 v55, v41;
	v45 =	vld [tilespmem:s14+$0xFFFFFEE0];
	(xrf0) =	vadd.scan.msk.s32 $0xffff, v42  }
0x105: {  	v19 =	vadd.f32 v19, v40;
	v42 =	vld [tilespmem:s14+$0xFFFFFDD0];
	v39 =	vadd.f32 v54, v39  }
0x106: {  	v38 =	vadd.f32 v46, v38;
	v37 =	vadd.f32 v37, v41;
	v40 =	vld [tilespmem:s14+$0xFFFFFF40]  }
0x107: {  	v36 =	vadd.f32 v36, v48;
	v41 =	vadd.f32 v53, v58;
	v46 =	vld [tilespmem:s14+$0xFFFFFF60]  }
0x108: {  	v47 =	vld [tilespmem:s14+$0xFFFFFE50];
	v38 =	vadd.f32 v43, v38;
	v43 =	vadd.f32 v35, v37  }
0x109: {  	v34 =	vadd.f32 v34, v36;
	v37 =	vadd.f32 v45, v49;
	v36 =	vld [tilespmem:s14+$0xFFFFFFE0]  }
0x10a: {  	v41 =	vadd.f32 v42, v41;
	v42 =	vld [tilespmem:s14+$0xFFFFFE80];
	v33 =	vadd.f32 v33, v43;
	v35, _, _ =	vpop (xrf0)  }
0x10b: {  	v32 =	vadd.f32 v32, v34;
	v43 =	vld [tilespmem:s14+$0xFFFFFED0];
	v40 =	vadd.f32 v40, v44;
	v34 =	vcvt.s32.f32 v35  }
0x10c: {  	v35 =	vadd.f32 v46, v37;
	v37 =	vld [tilespmem:s14+$0x60];
	v31 =	vadd.f32 v31, v33  }
0x10d: {  	v32 =	vadd.f32 v30, v32;
	v33 =	vadd.f32 v47, v41;
	v41 =	vld [tilespmem:s14+$0xFFFFFF00];
	v34 =	vbroadcast v34, $0xF  }
0x10e: {  	v44 =	vld [tilespmem:s14+$0xFFFFFF50];
	v35 =	vadd.f32 v36, v35;
	v36 =	vadd.f32 v29, v31  }
0x10f: {  	v39 =	vadd.f32 v42, v39;
	v42 =	vld [tilespmem:s14+$0xFFFFFF80];
	v45 =	vsub.f32 $2.600000000e+01, v34;
	v31 =	vmul.f32 v34, v1  }
0x110: {  	v29 =	vmul.f32 v34, v2;
	v30 =	vmul.f32 v34, v4;
	v33 =	vadd.f32 v43, v33;
	v43 =	vld [tilespmem:s14+$0xFFFFFFD0]  }
0x111: {  	v46 =	vld [tilespmem:s14+$0xFFFFFF30];
	v35 =	vadd.f32 v37, v35;
	v37 =	vadd.f32 $9.999999930e-09, v45  }
0x112: {  	v28 =	vadd.f32 v28, v36;
	v39 =	vadd.f32 v41, v39;
	v41 =	vld [tilespmem:s14+$0x50]  }
0x113: {  	v33 =	vadd.f32 v44, v33;
	v36 =	vld [tilespmem:s14+$0xFFFFFFB0];
	v27 =	vadd.f32 v27, v35;
	(erf) = vrcp.f32 v37  }
0x114: {  	v26 =	vadd.f32 v26, v40;
	v35 =	vadd.f32 v42, v39;
	v37 =	vld [tilespmem:s14+$0x120]  }
0x115: {  	v25 =	vadd.f32 v25, v28;
	v33 =	vadd.f32 v43, v33;
	v39 =	vld [tilespmem:s14+$0x80]  }
0x116: {  	v26 =	vadd.f32 v24, v26;
	v28 =	vadd.f32 v46, v38;
	v38 =	vld [tilespmem:s14+$0x30]  }
0x117: {  	v23 =	vadd.f32 v23, v25;
	v24 =	vadd.f32 v41, v33;
	v33 =	vld [tilespmem:s14+$0x100]  }
0x118: {  	v25 =	vadd.f32 v36, v28;
	v28 =	vadd.f32 v22, v35;
	v35 =	vld [tilespmem:s14+$0xB0]  }
0x119: {  	v21 =	vadd.f32 v21, v23;
	v22 =	vmul.f32 v34, v3;
	v36 =	vadd.f32 v37, v32;
	v37 =	vld [tilespmem:s14+$0x180]  }
.Ltmp0:
0x11a: {  	v20 =	vadd.f32 v20, v24;
	v28 =	vadd.f32 v39, v28;
	v24 =	vld [tilespmem:s14+$0x130];
	(pc) =	sbr.rel @p0 .LBB2_3-.Ltmp0, $4  }
0x11b: {  	v26 =	vadd.f32 v18, v26;
	v25 =	vadd.f32 v38, v25;
	v23 =	vld [tilespmem:s14+$0x160]  }
0x11c: {  	v18 =	vadd.f32 v17, v20;
	v33 =	vadd.f32 v33, v28;
	v20 =	vld [tilespmem:s14+$0x1B0];
	v17 =	vpop (erf)  }
0x11d: {  	v32 =	vadd.f32 v16, v26;
	v28 =	vadd.f32 v35, v25;
	v16 =	vld [tilespmem:s14+$0x1E0]  }
0x11e: {  	v15 =	vadd.f32 v15, v36;
	v26 =	vadd.f32 v37, v33;
	v25 =	vld [tilespmem:s14+$0x1D0]  }
0x11f: {  	v33 =	vld [tilespmem:s0+$0x2C0]  }
0x120: {  	v24 =	vadd.f32 v24, v28;
	v14 =	vadd.f32 v14, v32;
	v28 =	vld [tilespmem:s0+$0x2A0]  }
0x121: {  	v9 =	vadd.f32 v9, v19;
	v13 =	vadd.f32 v13, v26;
	v26 =	vld [tilespmem:s0+$0x230]  }
0x122: {  	v23 =	vadd.f32 v23, v27;
	v12 =	vadd.f32 v12, v14;
	v14 =	vld [tilespmem:s0+$0x250]  }
0x123: {  	v10 =	vadd.f32 v10, v15;
	v11 =	vadd.f32 v11, v13;
	v13 =	vld [tilespmem:s0+$0x2B0]  }
0x124: {  	v15 =	vld [tilespmem:s0+$0x2E0];
	v20 =	vadd.f32 v20, v24;
	v16 =	vadd.f32 v16, v23  }
0x125: {  	v18 =	vadd.f32 v25, v18;
	v8 =	vadd.f32 v8, v11  }
0x126: {  	v10 =	vadd.f32 v28, v10;
	v11 =	vld [tilespmem:s0+$0x2D0];
	v19 =	vadd.f32 v26, v20  }
0x127: {  	v12 =	vadd.f32 v33, v12;
	v7 =	vadd.f32 v7, v16  }
0x128: {  	v14 =	vadd.f32 v14, v18;
	v13 =	vadd.f32 v13, v19  }
0x129: {  	v6 =	vadd.f32 v6, v10;
	v7 =	vadd.f32 v15, v7  }
0x12a: {  	v8 =	vadd.f32 v8, v12;
	v5 =	vadd.f32 v5, v13  }
0x12b: {  	v6 =	vadd.f32 v6, v7;
	v10 =	vadd.f32 v11, v14  }
0x12c: {  	v7 =	vsub.f32 v8, v31;
	v5 =	vadd.f32 v5, v21  }
0x12d: {  	v6 =	vsub.f32 v6, v22;
	v8 =	vadd.f32 v9, v10  }
0x12e: {  	v7 =	vmul.f32 v17, v7;
	v5 =	vsub.f32 v5, v30  }
0x12f: {  	v6 =	vmul.f32 v17, v6;
	v8 =	vsub.f32 v8, v29  }
0x130: {  	[tilespmem:s8+$0xFFFFFFE0] =	vst v7;
	v5 =	vmul.f32 v17, v5  }
0x131: {  	[tilespmem:s8+$0x0] =	vst v6;
	v7 =	vmul.f32 v17, v8  }
0x132: {  	s2 =	sshll.u32 s31, $0x9;
	s0 =	sshll.u32 s31, $0x6;
	[tilespmem:s8+$0x10] =	vst v5  }
0x133: {  	s2 =	sadd.s32 s2, s9;
	s14 =	sadd.s32 s0, s10;
	[tilespmem:s8+$0xFFFFFFF0] =	vst v7  }
0x134: {  	[hbm4b:s2+s3] =	stream.linear.scatter [tilespmem:s29], [sflag:$0x4], $0x800, $0x38;
	[tilespmem:$0x1AEC0] =	vst v63  }
0x135: {  	s2 =	smul.u32 $0x1A, s14  }
0x136: {  	_ =	swait.ge [sflag:s16], $0x800  }
0x137: {  	[sflag:s16] =	ssyncset.done $0x0;
	s2 =	sshrl.u32 s2, $0x3  }
0x138: {  	[sflag:s16] =	ssyncadd.s32 $0xFFFFF800;
	s2 =	sadd.s32 s4, s2  }
0x139: {  	[tilespmem:s3], [sflag:$0x3] =	stream.linear.gather [hbm4b:s2+s3], $0x340, $0x38;
	[tilespmem:$0x1AEC0] =	vst v63  }
0x13a: {  	_ =	swait.ge [sflag:s15], $0x340  }
0x13b: {  	[sflag:s15] =	ssyncset.done $0x0  }
0x13c: {  	s7 =	simm.s32 $0x680;
	[sflag:s15] =	ssyncadd.s32 $0xFFFFFCC0  }
0x13d: {  	[tilespmem:s7], [sflag:$0x1] =	stream.indirect.gather [hbm4b:s5+s17], $0x40, s3, s17, $0xb8;
	[tilespmem:$0x1AEC0] =	vst v63  }
0x13e: {  	s8 =	simm.s32 $0x2080  }
0x13f: {  	[tilespmem:s8], [sflag:$0x1] =	stream.indirect.gather [hbm4b:s5+s17], $0x40, s17, s17, $0xb8;
	[tilespmem:$0x1AEC0] =	vst v63  }
0x140: {  	s12 =	simm.s32 $0xD0;
	s7 =	simm.s32 $0x3A80  }
0x141: {  	[tilespmem:s7], [sflag:$0x1] =	stream.indirect.gather [hbm4b:s5+s17], $0x40, s12, s17, $0xb8;
	[tilespmem:$0x1AEC0] =	vst v63  }
0x142: {  	s13 =	simm.s32 $0x138;
	s14 =	simm.s32 $0x5480  }
0x143: {  	[tilespmem:s14], [sflag:$0x1] =	stream.indirect.gather [hbm4b:s5+s17], $0x40, s13, s17, $0xb8;
	[tilespmem:$0x1AEC0] =	vst v63  }
0x144: {  	s8 =	simm.s32 $0x1A0;
	s12 =	simm.s32 $0x6E80  }
0x145: {  	[tilespmem:s12], [sflag:$0x1] =	stream.indirect.gather [hbm4b:s5+s17], $0x40, s8, s17, $0xb8;
	[tilespmem:$0x1AEC0] =	vst v63  }
0x146: {  	s13 =	simm.s32 $0x208;
	s14 =	simm.s32 $0x8880  }
0x147: {  	[tilespmem:s14], [sflag:$0x1] =	stream.indirect.gather [hbm4b:s5+s17], $0x40, s13, s17, $0xb8;
	[tilespmem:$0x1AEC0] =	vst v63  }
0x148: {  	s7 =	simm.s32 $0x270;
	s8 =	simm.s32 $0xA280  }
0x149: {  	[tilespmem:s8], [sflag:$0x1] =	stream.indirect.gather [hbm4b:s5+s17], $0x40, s7, s17, $0xb8;
	[tilespmem:$0x1AEC0] =	vst v63  }
0x14a: {  	s12 =	simm.s32 $0x2D8;
	s13 =	simm.s32 $0xBC80  }
0x14b: {  	[tilespmem:s13], [sflag:$0x1] =	stream.indirect.gather [hbm4b:s5+s17], $0x40, s12, s17, $0xb8;
	[tilespmem:$0x1AEC0] =	vst v63  }
0x14c: {  	_ =	swait.ge [sflag:s30], $0xD000  }
0x14d: {  	[sflag:s30] =	ssyncset.done $0x0  }
0x14e: {  	s8 =	simm.s32 $0xD9C0;
	[sflag:s30] =	ssyncadd.s32 $0xFFFF3000  }
0x14f: {  	v8 =	vld [tilespmem:s8+$0x300]  }
0x150: {  	v9 =	vld [tilespmem:s8+$0x310]  }
0x151: {  	v5 =	vld [tilespmem:s8+$0x330]  }
0x152: {  	v6 =	vld [tilespmem:s8+$0x320]  }
0x153: {  	v7 =	vld [tilespmem:s8+$0x260]  }
0x154: {  	v10 =	vld [tilespmem:s8+$0x220]  }
0x155: {  	v11 =	vld [tilespmem:s8+$0x280]  }
0x156: {  	v12 =	vld [tilespmem:s8+$0x240]  }
0x157: {  	v13 =	vld [tilespmem:s8+$0x200]  }
0x158: {  	v14 =	vld [tilespmem:s8+$0x1C0]  }
0x159: {  	v15 =	vld [tilespmem:s8+$0x1A0]  }
0x15a: {  	v16 =	vld [tilespmem:s8+$0x140]  }
0x15b: {  	v17 =	vld [tilespmem:s8+$0x150]  }
0x15c: {  	v18 =	vld [tilespmem:s8+$0xC0]  }
0x15d: {  	v20 =	vld [tilespmem:s8+$0xD0]  }
0x15e: {  	v21 =	vld [tilespmem:s8+$0x2F0]  }
0x15f: {  	v22 =	vld [tilespmem:s8+$0x0]  }
0x160: {  	v23 =	vld [tilespmem:s8+$0x270]  }
0x161: {  	v24 =	vld [tilespmem:s8+$0x40]  }
0x162: {  	v25 =	vld [tilespmem:s8+$0x1F0]  }
0x163: {  	v26 =	vld [tilespmem:s8+$0xFFFFFFC0]  }
0x164: {  	v27 =	vld [tilespmem:s8+$0xE0]  }
0x165: {  	v28 =	vld [tilespmem:s8+$0x170]  }
0x166: {  	v29 =	vld [tilespmem:s8+$0xF0]  }
0x167: {  	v30 =	vld [tilespmem:s8+$0xA0]  }
0x168: {  	v31 =	vld [tilespmem:s8+$0x70]  }
0x169: {  	v32 =	vld [tilespmem:s8+$0x20]  }
0x16a: {  	v33 =	vld [tilespmem:s8+$0xFFFFFFF0]  }
0x16b: {  	v34 =	vld [tilespmem:s8+$0xFFFFFFA0]  }
0x16c: {  	v35 =	vld [tilespmem:s8+$0xFFFFFF70]  }
0x16d: {  	v36 =	vld [tilespmem:s8+$0xFFFFFF20]  }
0x16e: {  	v37 =	vld [tilespmem:s8+$0xFFFFFEF0]  }
0x16f: {  	v19 =	vld [tilespmem:s8+$0x290]  }
0x170: {  	v38 =	vld [tilespmem:s8+$0xFFFFFDB0]  }
0x171: {  	v39 =	vld [tilespmem:s8+$0xFFFFFD80]  }
0x172: {  	v40 =	vld [tilespmem:s8+$0x210]  }
0x173: {  	v41 =	vld [tilespmem:s8+$0xFFFFFDF0]  }
0x174: {  	v42 =	vld [tilespmem:s8+$0x190]  }
0x175: {  	v43 =	vld [tilespmem:s8+$0x110]  }
0x176: {  	v44 =	vld [tilespmem:s8+$0x90]  }
0x177: {  	v45 =	vld [tilespmem:s8+$0x10]  }
0x178: {  	v46 =	vld [tilespmem:s8+$0xFFFFFF90]  }
0x179: {  	v47 =	vld [tilespmem:s8+$0xFFFFFF10]  }
0x17a: {  	v48 =	vld [tilespmem:s8+$0xFFFFFE90]  }
0x17b: {  	v49 =	vld [tilespmem:s8+$0xFFFFFE10]  }
0x17c: {  	v50 =	vld [tilespmem:s8+$0xFFFFFD90]  }
0x17d: {  	v51 =	vld [tilespmem:s8+$0xFFFFFD10]  }
0x17e: {  	v52 =	vld [tilespmem:s8+$0xFFFFFEC0]  }
0x17f: {  	v53 =	vld [tilespmem:s8+$0xFFFFFE60]  }
0x180: {  	v55 =	vld [tilespmem:s8+$0xFFFFFE40]  }
0x181: {  	v56 =	vld [tilespmem:s8+$0xFFFFFDE0]  }
0x182: {  	v57 =	vld [tilespmem:s8+$0xFFFFFDC0]  }
0x183: {  	v58 =	vld [tilespmem:s8+$0xFFFFFCC0]  }
0x184: {  	v59 =	vld [tilespmem:s8+$0xFFFFFD40];
	v50 =	vadd.f32 v50, v51  }
0x185: {  	s14 =	simm.s32 $0xA;
	v60 =	vld [tilespmem:s8+$0xFFFFFCE0]  }
0x186: {  	v61 =	vld [tilespmem:s14+$0x340];
	v49 =	vadd.f32 v49, v50  }
0x187: {  	v63 =	vld [tilespmem:s8+$0xFFFFFCF0]  }
0x188: {  	v50 =	vld [tilespmem:s8+$0xFFFFFDA0];
	v48 =	vadd.f32 v48, v49  }
0x189: {  	v49 =	vld [tilespmem:s8+$0xFFFFFD60]  }
0x18a: {  	v47 =	vadd.f32 v47, v48;
	v48 =	vld [tilespmem:s8+$0xFFFFFD20]  }
0x18b: {  	v62 =	vld [tilespmem:s8+$0xFFFFFD00]  }
0x18c: {  	v51 =	vld [tilespmem:s8+$0xFFFFFE20];
	v58 =	vadd.f32 v59, v58  }
0x18d: {  	v46 =	vadd.f32 v46, v47;
	v47 =	vld [tilespmem:s8+$0xFFFFFD70]  }
0x18e: {  	v54 =	vld [tilespmem:s8+$0xFFFFFEA0];
	v57 =	vadd.f32 v57, v58;
	v49 =	vadd.f32 v49, v60  }
0x18f: {  	v58 =	vld [tilespmem:s8+$0xFFFFFCD0];
	v45 =	vadd.f32 v45, v46;
	v48 =	vadd.f32 v50, v48  }
0x190: {  	v39 =	vadd.f32 v39, v62;
	v50 =	vld [tilespmem:s14+$0x336];
	v49 =	vadd.f32 v56, v49  }
0x191: {  	v60 =	vld [tilespmem:s8+$0xFFFFFD50];
	v44 =	vadd.f32 v44, v45;
	v48 =	vadd.f32 v51, v48  }
0x192: {  	vm0 =	vlt.s32 v61, $0x1;
	v51 =	vadd.f32 v55, v57;
	v46 =	vadd.f32 v47, v63;
	v47 =	vld [tilespmem:s8+$0xFFFFFE70]  }
0x193: {  	v63 =	vnsel vm0, $0x1, v61;
	v57 =	vld [tilespmem:s8+$0xFFFFFE00];
	v49 =	vadd.f32 v53, v49;
	v43 =	vadd.f32 v43, v44  }
0x194: {  	v44 =	vld [tilespmem:s8+$0xFFFFFD30];
	v55 =	vsub.s32 $0x1, v63;
	v48 =	vadd.f32 v54, v48;
	v41 =	vadd.f32 v41, v46  }
0x195: {  	v51 =	vadd.f32 v52, v51;
	v52 =	vld [tilespmem:s8+$0xFFFFFDD0];
	vm15 =	vlt.s32 v50, $0x1;
	v42 =	vadd.f32 v42, v43  }
0x196: {  	v55 =	vand.u32 v0, v55;
	v54 =	vld [tilespmem:s8+$0xFFFFFF40];
	v50 =	vnsel vm15, $0x1, v50;
	v36 =	vadd.f32 v36, v48  }
0x197: {  	v59 =	vld [tilespmem:s8+$0xFFFFFE30];
	v61 =	vsub.s32 v55, v50;
	v40 =	vadd.f32 v40, v42;
	v41 =	vadd.f32 v47, v41  }
0x198: {  	v62 =	vld [tilespmem:s8+$0xFFFFFEB0];
	v39 =	vadd.f32 v57, v39;
	v55 =	vadd.f32 v60, v58;
	v63 =	vadd.s32 $0x1, v61  }
0x199: {  	v50 =	vld [tilespmem:s8+$0xFFFFFEE0];
	v38 =	vadd.f32 v38, v44;
	v34 =	vadd.f32 v34, v36;
	(xrf0) =	vadd.scan.msk.s32 $0xffff, v63  }
0x19a: {  	v57 =	vld [tilespmem:s8+$0xFFFFFE50];
	v19 =	vadd.f32 v19, v40;
	v37 =	vadd.f32 v37, v41  }
0x19b: {  	v61 =	vld [tilespmem:s8+$0xFFFFFE80];
	v60 =	vadd.f32 v52, v55;
	v40 =	vadd.f32 v54, v51  }
0x19c: {  	v56 =	vld [tilespmem:s8+$0xFFFFFF60];
	v38 =	vadd.f32 v59, v38;
	v32 =	vadd.f32 v32, v34  }
0x19d: {  	v63 =	vld [tilespmem:s8+$0xFFFFFED0];
	v35 =	vadd.f32 v35, v37;
	v26 =	vadd.f32 v26, v40  }
0x19e: {  	v48 =	vld [tilespmem:s8+$0x60];
	v38 =	vadd.f32 v62, v38;
	v58 =	vadd.f32 v50, v49  }
0x19f: {  	v59 =	vld [tilespmem:s8+$0xFFFFFFE0];
	v49 =	vadd.f32 v57, v60;
	v33 =	vadd.f32 v33, v35;
	v62, _, _ =	vpop (xrf0)  }
0x1a0: {  	v50 =	vld [tilespmem:s8+$0xFFFFFF00];
	v30 =	vadd.f32 v30, v32;
	v39 =	vadd.f32 v61, v39;
	v44 =	vcvt.s32.f32 v62  }
0x1a1: {  	v52 =	vld [tilespmem:s8+$0xFFFFFF50];
	v26 =	vadd.f32 v24, v26;
	v31 =	vadd.f32 v31, v33  }
0x1a2: {  	v54 =	vld [tilespmem:s8+$0xFFFFFFD0];
	v46 =	vadd.f32 v56, v58;
	v33 =	vadd.f32 v63, v49;
	v51 =	vbroadcast v44, $0xF  }
0x1a3: {  	v55 =	vld [tilespmem:s8+$0xFFFFFF30];
	v26 =	vadd.f32 v18, v26;
	v29 =	vadd.f32 v29, v31  }
0x1a4: {  	v34 =	vadd.f32 v59, v46;
	v31 =	vld [tilespmem:s8+$0xFFFFFF80];
	v53 =	vsub.f32 $2.600000000e+01, v51  }
0x1a5: {  	v57 =	vld [tilespmem:s8+$0x50];
	v36 =	vadd.f32 v50, v39;
	v28 =	vadd.f32 v28, v29  }
0x1a6: {  	v58 =	vld [tilespmem:s8+$0xFFFFFFB0];
	v29 =	vadd.f32 v52, v33;
	v56 =	vadd.f32 $9.999999930e-09, v53  }
0x1a7: {  	v59 =	vld [tilespmem:s8+$0x120];
	v32 =	vadd.f32 v16, v26;
	v34 =	vadd.f32 v48, v34  }
0x1a8: {  	v60 =	vld [tilespmem:s8+$0x80];
	v29 =	vadd.f32 v54, v29;
	v25 =	vadd.f32 v25, v28;
	(erf) = vrcp.f32 v56  }
0x1a9: {  	v61 =	vld [tilespmem:s8+$0x30];
	v28 =	vadd.f32 v55, v38;
	v31 =	vadd.f32 v31, v36  }
0x1aa: {  	v62 =	vld [tilespmem:s8+$0x100];
	v24 =	vadd.f32 v57, v29;
	v23 =	vadd.f32 v23, v25  }
0x1ab: {  	v25 =	vadd.f32 v58, v28;
	v28 =	vld [tilespmem:s8+$0xB0];
	v22 =	vadd.f32 v22, v31  }
0x1ac: {  	v63 =	vld [tilespmem:s8+$0x180];
	v27 =	vadd.f32 v27, v34;
	v33 =	vadd.f32 v59, v30  }
0x1ad: {  	v20 =	vadd.f32 v20, v24;
	v24 =	vld [tilespmem:s8+$0x130];
	v22 =	vadd.f32 v60, v22  }
0x1ae: {  	v21 =	vadd.f32 v21, v23;
	v25 =	vadd.f32 v61, v25;
	v23 =	vld [tilespmem:s8+$0x160]  }
0x1af: {  	v30 =	vmul.f32 v51, v4;
	v18 =	vadd.f32 v17, v20;
	v20 =	vld [tilespmem:s8+$0x1B0];
	v34 =	vadd.f32 v62, v22  }
0x1b0: {  	s7 =	simm.s32 $0xD9C0;
	v16 =	vld [tilespmem:s8+$0x1E0];
	v29 =	vmul.f32 v51, v2;
	v15 =	vadd.f32 v15, v33;
	v28 =	vadd.f32 v28, v25  }
0x1b1: {  	s13 =	simm.s32 $0x1A6E0;
	s12 =	simm.s32 $0x1A6E0;
	s14 =	simm.s32 $0x90;
	v31 =	vmul.f32 v51, v1;
	v22 =	vmul.f32 v51, v3;
	v25 =	vld [tilespmem:s8+$0x1D0];
	v26 =	vadd.f32 v63, v34;
	v17 =	vpop (erf)  }
.LBB2_5:
0x1b2: {  	p0 =	sne.s32 s14, $0xCC0;
	v24 =	vadd.f32 v24, v28;
	v14 =	vadd.f32 v14, v32;
	v28 =	vld [tilespmem:s8+$0x2C0];
	s13 =	sadd.s32 $0x40, s13;
	s7 =	sadd.s32 $0x680, s7  }
0x1b3: {  	s2 =	smov.u32 s14;
	s14 =	sadd.s32 $0x68, s14;
	v23 =	vadd.f32 v23, v27;
	v13 =	vadd.f32 v13, v26;
	v26 =	vld [tilespmem:s8+$0x2A0]  }
0x1b4: {  	v20 =	vadd.f32 v20, v24;
	v24 =	vld [tilespmem:s8+$0x230];
	v12 =	vadd.f32 v12, v14  }
0x1b5: {  	v14 =	vadd.f32 v16, v23;
	v16 =	vld [tilespmem:s8+$0x250];
	v11 =	vadd.f32 v11, v13  }
0x1b6: {  	v10 =	vadd.f32 v10, v15;
	v13 =	vadd.f32 v25, v18;
	v15 =	vld [tilespmem:s8+$0x2B0]  }
0x1b7: {  	v9 =	vadd.f32 v9, v19;
	v18 =	vld [tilespmem:s8+$0x2E0];
	v8 =	vadd.f32 v8, v11  }
0x1b8: {  	v11 =	vadd.f32 v28, v12;
	v10 =	vadd.f32 v26, v10;
	v12 =	vld [tilespmem:s8+$0x2D0];
	s8 =	smov.u32 s7  }
0x1b9: {  	v7 =	vadd.f32 v7, v14;
	v19 =	vadd.f32 v24, v20  }
0x1ba: {  	v8 =	vadd.f32 v8, v11;
	v13 =	vadd.f32 v16, v13  }
0x1bb: {  	v6 =	vadd.f32 v6, v10;
	v11 =	vadd.f32 v15, v19  }
0x1bc: {  	v8 =	vsub.f32 v8, v31;
	v7 =	vadd.f32 v18, v7  }
0x1bd: {  	v10 =	vadd.f32 v12, v13;
	v5 =	vadd.f32 v5, v11  }
0x1be: {  	v6 =	vadd.f32 v6, v7;
	v7 =	vmul.f32 v17, v8  }
0x1bf: {  	v8 =	vadd.f32 v9, v10;
	v5 =	vadd.f32 v5, v21  }
0x1c0: {  	[tilespmem:s12+$0xFFFFFFE0] =	vst v7;
	v6 =	vsub.f32 v6, v22  }
0x1c1: {  	v7 =	vsub.f32 v8, v29;
	v5 =	vsub.f32 v5, v30  }
0x1c2: {  	v6 =	vmul.f32 v17, v6  }
0x1c3: {  	v7 =	vmul.f32 v17, v7;
	v5 =	vmul.f32 v17, v5  }
0x1c4: {  	[tilespmem:s12+$0x0] =	vst v6  }
0x1c5: {  	[tilespmem:s12+$0x10] =	vst v5  }
0x1c6: {  	[tilespmem:s12+$0xFFFFFFF0] =	vst v7;
	s12 =	smov.u32 s13  }
0x1c7: {  	v8 =	vld [tilespmem:s7+$0x300]  }
0x1c8: {  	v9 =	vld [tilespmem:s7+$0x310]  }
0x1c9: {  	v5 =	vld [tilespmem:s7+$0x330]  }
0x1ca: {  	v6 =	vld [tilespmem:s7+$0x320]  }
0x1cb: {  	v7 =	vld [tilespmem:s7+$0x260]  }
0x1cc: {  	v10 =	vld [tilespmem:s7+$0x220]  }
0x1cd: {  	v11 =	vld [tilespmem:s7+$0x280]  }
0x1ce: {  	v12 =	vld [tilespmem:s7+$0x240]  }
0x1cf: {  	v13 =	vld [tilespmem:s7+$0x200]  }
0x1d0: {  	v14 =	vld [tilespmem:s7+$0x1C0]  }
0x1d1: {  	v15 =	vld [tilespmem:s7+$0x1A0]  }
0x1d2: {  	v16 =	vld [tilespmem:s7+$0x140]  }
0x1d3: {  	v17 =	vld [tilespmem:s7+$0x150]  }
0x1d4: {  	v18 =	vld [tilespmem:s7+$0xC0]  }
0x1d5: {  	v20 =	vld [tilespmem:s7+$0xD0]  }
0x1d6: {  	v21 =	vld [tilespmem:s7+$0x2F0]  }
0x1d7: {  	v22 =	vld [tilespmem:s7+$0x0]  }
0x1d8: {  	v23 =	vld [tilespmem:s7+$0x270]  }
0x1d9: {  	v24 =	vld [tilespmem:s7+$0x40]  }
0x1da: {  	v25 =	vld [tilespmem:s7+$0x1F0]  }
0x1db: {  	v26 =	vld [tilespmem:s7+$0xFFFFFFC0]  }
0x1dc: {  	v27 =	vld [tilespmem:s7+$0xE0]  }
0x1dd: {  	v28 =	vld [tilespmem:s7+$0x170]  }
0x1de: {  	v29 =	vld [tilespmem:s7+$0xF0]  }
0x1df: {  	v30 =	vld [tilespmem:s7+$0xA0]  }
0x1e0: {  	v31 =	vld [tilespmem:s7+$0x70]  }
0x1e1: {  	v32 =	vld [tilespmem:s7+$0x20]  }
0x1e2: {  	v33 =	vld [tilespmem:s7+$0xFFFFFFF0]  }
0x1e3: {  	v34 =	vld [tilespmem:s7+$0xFFFFFFA0]  }
0x1e4: {  	v35 =	vld [tilespmem:s7+$0xFFFFFF70]  }
0x1e5: {  	v36 =	vld [tilespmem:s7+$0xFFFFFF20]  }
0x1e6: {  	v37 =	vld [tilespmem:s7+$0xFFFFFEF0]  }
0x1e7: {  	v19 =	vld [tilespmem:s7+$0x290]  }
0x1e8: {  	v38 =	vld [tilespmem:s7+$0xFFFFFDB0]  }
0x1e9: {  	v39 =	vld [tilespmem:s7+$0xFFFFFD80]  }
0x1ea: {  	v40 =	vld [tilespmem:s7+$0x210]  }
0x1eb: {  	v41 =	vld [tilespmem:s7+$0xFFFFFDF0]  }
0x1ec: {  	v42 =	vld [tilespmem:s7+$0x190]  }
0x1ed: {  	v43 =	vld [tilespmem:s7+$0x110]  }
0x1ee: {  	v44 =	vld [tilespmem:s7+$0x90]  }
0x1ef: {  	v45 =	vld [tilespmem:s7+$0x10]  }
0x1f0: {  	v46 =	vld [tilespmem:s7+$0xFFFFFF90]  }
0x1f1: {  	v47 =	vld [tilespmem:s7+$0xFFFFFF10]  }
0x1f2: {  	v48 =	vld [tilespmem:s7+$0xFFFFFE90]  }
0x1f3: {  	v49 =	vld [tilespmem:s7+$0xFFFFFE10]  }
0x1f4: {  	v50 =	vld [tilespmem:s7+$0xFFFFFD90]  }
0x1f5: {  	v51 =	vld [tilespmem:s7+$0xFFFFFD10]  }
0x1f6: {  	v52 =	vld [tilespmem:s7+$0xFFFFFEC0]  }
0x1f7: {  	v53 =	vld [tilespmem:s7+$0xFFFFFE60]  }
0x1f8: {  	v54 =	vld [tilespmem:s7+$0xFFFFFEA0]  }
0x1f9: {  	v55 =	vld [tilespmem:s7+$0xFFFFFE40]  }
0x1fa: {  	v50 =	vadd.f32 v50, v51;
	v51 =	vld [tilespmem:s7+$0xFFFFFDE0]  }
0x1fb: {  	v56 =	vld [tilespmem:s7+$0xFFFFFE20]  }
0x1fc: {  	v57 =	vld [tilespmem:s7+$0xFFFFFDC0];
	v49 =	vadd.f32 v49, v50  }
0x1fd: {  	v50 =	vld [tilespmem:s7+$0xFFFFFDA0]  }
0x1fe: {  	v58 =	vld [tilespmem:s7+$0xFFFFFCC0];
	v48 =	vadd.f32 v48, v49  }
0x1ff: {  	v49 =	vld [tilespmem:s7+$0xFFFFFD60]  }
0x200: {  	v59 =	vld [tilespmem:s7+$0xFFFFFD40];
	v47 =	vadd.f32 v47, v48  }
0x201: {  	v48 =	vld [tilespmem:s7+$0xFFFFFD20]  }
0x202: {  	v60 =	vld [tilespmem:s7+$0xFFFFFCE0];
	v46 =	vadd.f32 v46, v47  }
0x203: {  	s2 =	sshra.s32 s2, $0x2;
	v47 =	vld [tilespmem:s7+$0xFFFFFD70]  }
0x204: {  	v45 =	vadd.f32 v45, v46;
	v46 =	vld [tilespmem:s2+$0x340]  }
0x205: {  	v61 =	vld [tilespmem:s7+$0xFFFFFCF0];
	v58 =	vadd.f32 v59, v58  }
0x206: {  	v48 =	vadd.f32 v50, v48;
	v44 =	vadd.f32 v44, v45;
	v45 =	vld [tilespmem:s2+$0x336]  }
0x207: {  	v50 =	vld [tilespmem:s7+$0xFFFFFD00];
	v49 =	vadd.f32 v49, v60;
	v57 =	vadd.f32 v57, v58  }
0x208: {  	v58 =	vld [tilespmem:s7+$0xFFFFFCD0];
	v48 =	vadd.f32 v56, v48;
	v43 =	vadd.f32 v43, v44  }
0x209: {  	v44 =	vld [tilespmem:s7+$0xFFFFFD30];
	v49 =	vadd.f32 v51, v49;
	v51 =	vadd.f32 v55, v57;
	vm0 =	vlt.s32 v46, $0x1  }
0x20a: {  	v47 =	vadd.f32 v47, v61;
	v55 =	vld [tilespmem:s7+$0xFFFFFE70];
	v48 =	vadd.f32 v54, v48;
	v46 =	vnsel vm0, $0x1, v46  }
0x20b: {  	v42 =	vadd.f32 v42, v43;
	v54 =	vld [tilespmem:s7+$0xFFFFFE00];
	vm0 =	vlt.s32 v45, $0x1;
	v43 =	vsub.s32 $0x1, v46  }
0x20c: {  	v49 =	vadd.f32 v53, v49;
	v46 =	vld [tilespmem:s7+$0xFFFFFE30];
	v45 =	vnsel vm0, $0x1, v45;
	v43 =	vand.u32 v0, v43  }
0x20d: {  	v41 =	vadd.f32 v41, v47;
	v40 =	vadd.f32 v40, v42;
	v53 =	vld [tilespmem:s7+$0xFFFFFD50];
	v42 =	vsub.s32 v43, v45  }
0x20e: {  	v39 =	vadd.f32 v39, v50;
	v38 =	vadd.f32 v38, v44;
	v43 =	vld [tilespmem:s7+$0xFFFFFEB0];
	v42 =	vadd.s32 $0x1, v42  }
0x20f: {  	v44 =	vadd.f32 v52, v51;
	v41 =	vadd.f32 v55, v41;
	v45 =	vld [tilespmem:s7+$0xFFFFFEE0];
	(xrf0) =	vadd.scan.msk.s32 $0xffff, v42  }
0x210: {  	v19 =	vadd.f32 v19, v40;
	v42 =	vld [tilespmem:s7+$0xFFFFFDD0];
	v39 =	vadd.f32 v54, v39  }
0x211: {  	v38 =	vadd.f32 v46, v38;
	v37 =	vadd.f32 v37, v41;
	v40 =	vld [tilespmem:s7+$0xFFFFFF40]  }
0x212: {  	v36 =	vadd.f32 v36, v48;
	v41 =	vadd.f32 v53, v58;
	v46 =	vld [tilespmem:s7+$0xFFFFFF60]  }
0x213: {  	v47 =	vld [tilespmem:s7+$0xFFFFFE50];
	v38 =	vadd.f32 v43, v38;
	v43 =	vadd.f32 v35, v37  }
0x214: {  	v34 =	vadd.f32 v34, v36;
	v37 =	vadd.f32 v45, v49;
	v36 =	vld [tilespmem:s7+$0xFFFFFFE0]  }
0x215: {  	v41 =	vadd.f32 v42, v41;
	v42 =	vld [tilespmem:s7+$0xFFFFFE80];
	v33 =	vadd.f32 v33, v43;
	v35, _, _ =	vpop (xrf0)  }
0x216: {  	v32 =	vadd.f32 v32, v34;
	v43 =	vld [tilespmem:s7+$0xFFFFFED0];
	v40 =	vadd.f32 v40, v44;
	v34 =	vcvt.s32.f32 v35  }
0x217: {  	v35 =	vadd.f32 v46, v37;
	v37 =	vld [tilespmem:s7+$0x60];
	v31 =	vadd.f32 v31, v33  }
0x218: {  	v32 =	vadd.f32 v30, v32;
	v33 =	vadd.f32 v47, v41;
	v41 =	vld [tilespmem:s7+$0xFFFFFF00];
	v34 =	vbroadcast v34, $0xF  }
0x219: {  	v44 =	vld [tilespmem:s7+$0xFFFFFF50];
	v35 =	vadd.f32 v36, v35;
	v36 =	vadd.f32 v29, v31  }
0x21a: {  	v39 =	vadd.f32 v42, v39;
	v42 =	vld [tilespmem:s7+$0xFFFFFF80];
	v45 =	vsub.f32 $2.600000000e+01, v34;
	v31 =	vmul.f32 v34, v1  }
0x21b: {  	v29 =	vmul.f32 v34, v2;
	v30 =	vmul.f32 v34, v4;
	v33 =	vadd.f32 v43, v33;
	v43 =	vld [tilespmem:s7+$0xFFFFFFD0]  }
0x21c: {  	v46 =	vld [tilespmem:s7+$0xFFFFFF30];
	v35 =	vadd.f32 v37, v35;
	v37 =	vadd.f32 $9.999999930e-09, v45  }
0x21d: {  	v28 =	vadd.f32 v28, v36;
	v39 =	vadd.f32 v41, v39;
	v41 =	vld [tilespmem:s7+$0x50]  }
0x21e: {  	v33 =	vadd.f32 v44, v33;
	v36 =	vld [tilespmem:s7+$0xFFFFFFB0];
	v27 =	vadd.f32 v27, v35;
	(erf) = vrcp.f32 v37  }
0x21f: {  	v26 =	vadd.f32 v26, v40;
	v35 =	vadd.f32 v42, v39;
	v37 =	vld [tilespmem:s7+$0x120]  }
0x220: {  	v25 =	vadd.f32 v25, v28;
	v33 =	vadd.f32 v43, v33;
	v39 =	vld [tilespmem:s7+$0x80]  }
0x221: {  	v26 =	vadd.f32 v24, v26;
	v28 =	vadd.f32 v46, v38;
	v38 =	vld [tilespmem:s7+$0x30]  }
0x222: {  	v23 =	vadd.f32 v23, v25;
	v24 =	vadd.f32 v41, v33;
	v33 =	vld [tilespmem:s7+$0x100]  }
0x223: {  	v25 =	vadd.f32 v36, v28;
	v28 =	vadd.f32 v22, v35;
	v35 =	vld [tilespmem:s7+$0xB0]  }
0x224: {  	v21 =	vadd.f32 v21, v23;
	v22 =	vmul.f32 v34, v3;
	v36 =	vadd.f32 v37, v32;
	v37 =	vld [tilespmem:s7+$0x180]  }
.Ltmp1:
0x225: {  	v20 =	vadd.f32 v20, v24;
	v28 =	vadd.f32 v39, v28;
	v24 =	vld [tilespmem:s7+$0x130];
	(pc) =	sbr.rel @p0 .LBB2_5-.Ltmp1, $4  }
0x226: {  	v26 =	vadd.f32 v18, v26;
	v25 =	vadd.f32 v38, v25;
	v23 =	vld [tilespmem:s7+$0x160]  }
0x227: {  	v18 =	vadd.f32 v17, v20;
	v33 =	vadd.f32 v33, v28;
	v20 =	vld [tilespmem:s7+$0x1B0];
	v17 =	vpop (erf)  }
0x228: {  	v32 =	vadd.f32 v16, v26;
	v28 =	vadd.f32 v35, v25;
	v16 =	vld [tilespmem:s7+$0x1E0]  }
0x229: {  	v15 =	vadd.f32 v15, v36;
	v26 =	vadd.f32 v37, v33;
	v25 =	vld [tilespmem:s7+$0x1D0]  }
0x22a: {  	v33 =	vld [tilespmem:s8+$0x2C0]  }
0x22b: {  	v24 =	vadd.f32 v24, v28;
	v14 =	vadd.f32 v14, v32;
	v55 =	vld [tilespmem:s8+$0x2A0]  }
0x22c: {  	v56 =	vld [tilespmem:s8+$0x230];
	v9 =	vadd.f32 v9, v19;
	v13 =	vadd.f32 v13, v26  }
0x22d: {  	v57 =	vld [tilespmem:s8+$0x250];
	v23 =	vadd.f32 v23, v27;
	v10 =	vadd.f32 v10, v15  }
0x22e: {  	v58 =	vld [tilespmem:s8+$0x2B0];
	v20 =	vadd.f32 v20, v24;
	v11 =	vadd.f32 v11, v13  }
0x22f: {  	v59 =	vld [tilespmem:s8+$0x2E0];
	v12 =	vadd.f32 v12, v14;
	v16 =	vadd.f32 v16, v23  }
0x230: {  	v60 =	vld [tilespmem:s8+$0x2D0];
	v18 =	vadd.f32 v25, v18;
	v8 =	vadd.f32 v8, v11  }
0x231: {  	v10 =	vadd.f32 v55, v10;
	v61 =	vadd.f32 v56, v20  }
0x232: {  	v12 =	vadd.f32 v33, v12;
	v7 =	vadd.f32 v7, v16  }
0x233: {  	v14 =	vadd.f32 v57, v18;
	v13 =	vadd.f32 v58, v61  }
0x234: {  	v6 =	vadd.f32 v6, v10;
	v7 =	vadd.f32 v59, v7  }
0x235: {  	v8 =	vadd.f32 v8, v12;
	v62 =	vadd.f32 v60, v14  }
0x236: {  	v5 =	vadd.f32 v5, v13;
	v6 =	vadd.f32 v6, v7  }
0x237: {  	v7 =	vsub.f32 v8, v31;
	v63 =	vadd.f32 v9, v62  }
0x238: {  	v5 =	vadd.f32 v5, v21;
	v6 =	vsub.f32 v6, v22  }
0x239: {  	v7 =	vmul.f32 v17, v7;
	v8 =	vsub.f32 v63, v29  }
0x23a: {  	s2 =	sadd.s32 s0, s6;
	v5 =	vsub.f32 v5, v30;
	v6 =	vmul.f32 v17, v6  }
0x23b: {  	s2 =	sshll.u32 s2, $0x3;
	[tilespmem:s12+$0xFFFFFFE0] =	vst v7;
	v7 =	vmul.f32 v17, v8  }
0x23c: {  	s7 =	rddreg [dreg:$0x1];
	s2 =	sadd.s32 $0x100, s2;
	v5 =	vmul.f32 v17, v5;
	[tilespmem:s12+$0x0] =	vst v6  }
0x23d: {  	s14 =	sadd.s32 s0, s11;
	s31 =	sadd.s32 $0x1, s31;
	s2 =	sand.u32 $0x1FFFFF00, s2;
	[tilespmem:s12+$0xFFFFFFF0] =	vst v7  }
0x23e: {  	s0 =	smul.u32 $0x1A, s14;
	p0 =	sne.s32 s31, $0x7;
	s2 =	sadd.s32 s7, s2;
	[tilespmem:s12+$0x10] =	vst v5  }
0x23f: {  	[hbm4b:s2+s3] =	stream.linear.scatter [tilespmem:s29], [sflag:$0x4], $0x800, $0x38;
	[tilespmem:$0x1AEC0] =	vst v63  }
.Ltmp2:
0x240: {  	_ = 	snop;
	(pc) =	sbr.rel @p0 .LBB2_2-.Ltmp2, $4  }
0x241: {  	_ =	swait.ge [sflag:s16], $0x800  }
0x242: {  	s0 =	sshrl.u32 s0, $0x3;
	[sflag:s16] =	ssyncset.done $0x0  }
0x243: {  	s0 =	sadd.s32 s4, s0;
	[sflag:s16] =	ssyncadd.s32 $0xFFFFF800  }
0x244: {  	[tilespmem:s1], [sflag:$0x3] =	stream.linear.gather [hbm4b:s0+s3], $0x340, $0x38;
	[tilespmem:$0x1AEC0] =	vst v63  }
0x245: {  	_ =	swait.ge [sflag:s15], $0x340  }
0x246: {  	[sflag:s15] =	ssyncset.done $0x0  }
0x247: {  	s0 =	simm.s32 $0xD680;
	[sflag:s15] =	ssyncadd.s32 $0xFFFFFCC0  }
0x248: {  	[tilespmem:s0], [sflag:$0x2] =	stream.indirect.gather [hbm4b:s5+s17], $0x40, s1, s17, $0xb8;
	[tilespmem:$0x1AEC0] =	vst v63  }
0x249: {  	s8 =	simm.s32 $0x3A8;
	s2 =	simm.s32 $0xF080  }
0x24a: {  	[tilespmem:s2], [sflag:$0x2] =	stream.indirect.gather [hbm4b:s5+s17], $0x40, s8, s17, $0xb8;
	[tilespmem:$0x1AEC0] =	vst v63  }
0x24b: {  	s12 =	simm.s32 $0x410;
	s13 =	simm.s32 $0x10A80  }
0x24c: {  	[tilespmem:s13], [sflag:$0x2] =	stream.indirect.gather [hbm4b:s5+s17], $0x40, s12, s17, $0xb8;
	[tilespmem:$0x1AEC0] =	vst v63  }
0x24d: {  	s14 =	simm.s32 $0x478  }
0x24e: {  	[tilespmem:s18], [sflag:$0x2] =	stream.indirect.gather [hbm4b:s5+s17], $0x40, s14, s17, $0xb8;
	[tilespmem:$0x1AEC0] =	vst v63  }
0x24f: {  	_ = 	snop  }
0x250: {  	[tilespmem:s20], [sflag:$0x2] =	stream.indirect.gather [hbm4b:s5+s17], $0x40, s19, s17, $0xb8;
	[tilespmem:$0x1AEC0] =	vst v63  }
0x251: {  	_ = 	snop  }
0x252: {  	[tilespmem:s22], [sflag:$0x2] =	stream.indirect.gather [hbm4b:s5+s17], $0x40, s21, s17, $0xb8;
	[tilespmem:$0x1AEC0] =	vst v63  }
0x253: {  	_ = 	snop  }
0x254: {  	[tilespmem:s24], [sflag:$0x2] =	stream.indirect.gather [hbm4b:s5+s17], $0x40, s23, s17, $0xb8;
	[tilespmem:$0x1AEC0] =	vst v63  }
0x255: {  	_ = 	snop  }
0x256: {  	[tilespmem:s26], [sflag:$0x2] =	stream.indirect.gather [hbm4b:s5+s17], $0x40, s25, s17, $0xb8;
	[tilespmem:$0x1AEC0] =	vst v63  }
0x257: {  	_ =	swait.ge [sflag:s28], $0xD000  }
0x258: {  	[sflag:s28] =	ssyncset.done $0x0  }
0x259: {  	s0 =	simm.s32 $0x9C0;
	[sflag:s28] =	ssyncadd.s32 $0xFFFF3000  }
0x25a: {  	v8 =	vld [tilespmem:s0+$0x300]  }
0x25b: {  	v9 =	vld [tilespmem:s0+$0x310]  }
0x25c: {  	v5 =	vld [tilespmem:s0+$0x330]  }
0x25d: {  	v6 =	vld [tilespmem:s0+$0x320]  }
0x25e: {  	v7 =	vld [tilespmem:s0+$0x260]  }
0x25f: {  	v10 =	vld [tilespmem:s0+$0x220]  }
0x260: {  	v11 =	vld [tilespmem:s0+$0x280]  }
0x261: {  	v12 =	vld [tilespmem:s0+$0x240]  }
0x262: {  	v13 =	vld [tilespmem:s0+$0x200]  }
0x263: {  	v14 =	vld [tilespmem:s0+$0x1C0]  }
0x264: {  	v15 =	vld [tilespmem:s0+$0x1A0]  }
0x265: {  	v16 =	vld [tilespmem:s0+$0x140]  }
0x266: {  	v17 =	vld [tilespmem:s0+$0x150]  }
0x267: {  	v18 =	vld [tilespmem:s0+$0xC0]  }
0x268: {  	v20 =	vld [tilespmem:s0+$0xD0]  }
0x269: {  	v21 =	vld [tilespmem:s0+$0x2F0]  }
0x26a: {  	v22 =	vld [tilespmem:s0+$0x0]  }
0x26b: {  	v23 =	vld [tilespmem:s0+$0x270]  }
0x26c: {  	v24 =	vld [tilespmem:s0+$0x40]  }
0x26d: {  	v25 =	vld [tilespmem:s0+$0x1F0]  }
0x26e: {  	v26 =	vld [tilespmem:s0+$0xFFFFFFC0]  }
0x26f: {  	v27 =	vld [tilespmem:s0+$0xE0]  }
0x270: {  	v28 =	vld [tilespmem:s0+$0x170]  }
0x271: {  	v29 =	vld [tilespmem:s0+$0xF0]  }
0x272: {  	v30 =	vld [tilespmem:s0+$0xA0]  }
0x273: {  	v31 =	vld [tilespmem:s0+$0x70]  }
0x274: {  	v32 =	vld [tilespmem:s0+$0x20]  }
0x275: {  	v33 =	vld [tilespmem:s0+$0xFFFFFFF0]  }
0x276: {  	v34 =	vld [tilespmem:s0+$0xFFFFFFA0]  }
0x277: {  	v35 =	vld [tilespmem:s0+$0xFFFFFF70]  }
0x278: {  	v36 =	vld [tilespmem:s0+$0xFFFFFF20]  }
0x279: {  	v37 =	vld [tilespmem:s0+$0xFFFFFEF0]  }
0x27a: {  	v19 =	vld [tilespmem:s0+$0x290]  }
0x27b: {  	v38 =	vld [tilespmem:s0+$0xFFFFFDB0]  }
0x27c: {  	v39 =	vld [tilespmem:s0+$0xFFFFFD80]  }
0x27d: {  	v40 =	vld [tilespmem:s0+$0x210]  }
0x27e: {  	v41 =	vld [tilespmem:s0+$0xFFFFFDF0]  }
0x27f: {  	v42 =	vld [tilespmem:s0+$0x190]  }
0x280: {  	v43 =	vld [tilespmem:s0+$0x110]  }
0x281: {  	v44 =	vld [tilespmem:s0+$0x90]  }
0x282: {  	v45 =	vld [tilespmem:s0+$0x10]  }
0x283: {  	v46 =	vld [tilespmem:s0+$0xFFFFFF90]  }
0x284: {  	v47 =	vld [tilespmem:s0+$0xFFFFFF10]  }
0x285: {  	v48 =	vld [tilespmem:s0+$0xFFFFFE90]  }
0x286: {  	v49 =	vld [tilespmem:s0+$0xFFFFFE10]  }
0x287: {  	v50 =	vld [tilespmem:s0+$0xFFFFFD90]  }
0x288: {  	v51 =	vld [tilespmem:s0+$0xFFFFFD10]  }
0x289: {  	v52 =	vld [tilespmem:s0+$0xFFFFFEC0]  }
0x28a: {  	v53 =	vld [tilespmem:s0+$0xFFFFFE60]  }
0x28b: {  	v55 =	vld [tilespmem:s0+$0xFFFFFE40]  }
0x28c: {  	v56 =	vld [tilespmem:s0+$0xFFFFFDE0]  }
0x28d: {  	v57 =	vld [tilespmem:s0+$0xFFFFFDC0]  }
0x28e: {  	v58 =	vld [tilespmem:s0+$0xFFFFFCC0]  }
0x28f: {  	v59 =	vld [tilespmem:s0+$0xFFFFFD40];
	v50 =	vadd.f32 v50, v51  }
0x290: {  	s31 =	simm.s32 $0xA;
	v60 =	vld [tilespmem:s0+$0xFFFFFCE0]  }
0x291: {  	v61 =	vld [tilespmem:s31+$0x0];
	v49 =	vadd.f32 v49, v50  }
0x292: {  	v63 =	vld [tilespmem:s0+$0xFFFFFCF0]  }
0x293: {  	v50 =	vld [tilespmem:s0+$0xFFFFFDA0];
	v48 =	vadd.f32 v48, v49  }
0x294: {  	v49 =	vld [tilespmem:s0+$0xFFFFFD60]  }
0x295: {  	v47 =	vadd.f32 v47, v48;
	v48 =	vld [tilespmem:s0+$0xFFFFFD20]  }
0x296: {  	v62 =	vld [tilespmem:s0+$0xFFFFFD00]  }
0x297: {  	v51 =	vld [tilespmem:s0+$0xFFFFFE20];
	v58 =	vadd.f32 v59, v58  }
0x298: {  	v46 =	vadd.f32 v46, v47;
	v47 =	vld [tilespmem:s0+$0xFFFFFD70]  }
0x299: {  	v54 =	vld [tilespmem:s0+$0xFFFFFEA0];
	v57 =	vadd.f32 v57, v58;
	v49 =	vadd.f32 v49, v60  }
0x29a: {  	v58 =	vld [tilespmem:s0+$0xFFFFFCD0];
	v45 =	vadd.f32 v45, v46;
	v48 =	vadd.f32 v50, v48  }
0x29b: {  	v39 =	vadd.f32 v39, v62;
	v50 =	vld [tilespmem:s31+$0xFFFFFFF6];
	v49 =	vadd.f32 v56, v49  }
0x29c: {  	v60 =	vld [tilespmem:s0+$0xFFFFFD50];
	v44 =	vadd.f32 v44, v45;
	v48 =	vadd.f32 v51, v48  }
0x29d: {  	vm0 =	vlt.s32 v61, $0x1;
	v51 =	vadd.f32 v55, v57;
	v46 =	vadd.f32 v47, v63;
	v47 =	vld [tilespmem:s0+$0xFFFFFE70]  }
0x29e: {  	v63 =	vnsel vm0, $0x1, v61;
	v57 =	vld [tilespmem:s0+$0xFFFFFE00];
	v49 =	vadd.f32 v53, v49;
	v43 =	vadd.f32 v43, v44  }
0x29f: {  	v44 =	vld [tilespmem:s0+$0xFFFFFD30];
	v55 =	vsub.s32 $0x1, v63;
	v48 =	vadd.f32 v54, v48;
	v41 =	vadd.f32 v41, v46  }
0x2a0: {  	v51 =	vadd.f32 v52, v51;
	v52 =	vld [tilespmem:s0+$0xFFFFFDD0];
	vm15 =	vlt.s32 v50, $0x1;
	v42 =	vadd.f32 v42, v43  }
0x2a1: {  	v55 =	vand.u32 v0, v55;
	v54 =	vld [tilespmem:s0+$0xFFFFFF40];
	v50 =	vnsel vm15, $0x1, v50;
	v36 =	vadd.f32 v36, v48  }
0x2a2: {  	v59 =	vld [tilespmem:s0+$0xFFFFFE30];
	v61 =	vsub.s32 v55, v50;
	v40 =	vadd.f32 v40, v42;
	v41 =	vadd.f32 v47, v41  }
0x2a3: {  	v62 =	vld [tilespmem:s0+$0xFFFFFEB0];
	v39 =	vadd.f32 v57, v39;
	v55 =	vadd.f32 v60, v58;
	v63 =	vadd.s32 $0x1, v61  }
0x2a4: {  	v50 =	vld [tilespmem:s0+$0xFFFFFEE0];
	v38 =	vadd.f32 v38, v44;
	v34 =	vadd.f32 v34, v36;
	(xrf0) =	vadd.scan.msk.s32 $0xffff, v63  }
0x2a5: {  	v57 =	vld [tilespmem:s0+$0xFFFFFE50];
	v19 =	vadd.f32 v19, v40;
	v37 =	vadd.f32 v37, v41  }
0x2a6: {  	v61 =	vld [tilespmem:s0+$0xFFFFFE80];
	v60 =	vadd.f32 v52, v55;
	v40 =	vadd.f32 v54, v51  }
0x2a7: {  	v56 =	vld [tilespmem:s0+$0xFFFFFF60];
	v38 =	vadd.f32 v59, v38;
	v32 =	vadd.f32 v32, v34  }
0x2a8: {  	v63 =	vld [tilespmem:s0+$0xFFFFFED0];
	v35 =	vadd.f32 v35, v37;
	v26 =	vadd.f32 v26, v40  }
0x2a9: {  	v48 =	vld [tilespmem:s0+$0x60];
	v38 =	vadd.f32 v62, v38;
	v58 =	vadd.f32 v50, v49  }
0x2aa: {  	v59 =	vld [tilespmem:s0+$0xFFFFFFE0];
	v49 =	vadd.f32 v57, v60;
	v33 =	vadd.f32 v33, v35;
	v62, _, _ =	vpop (xrf0)  }
0x2ab: {  	v50 =	vld [tilespmem:s0+$0xFFFFFF00];
	v30 =	vadd.f32 v30, v32;
	v39 =	vadd.f32 v61, v39;
	v44 =	vcvt.s32.f32 v62  }
0x2ac: {  	v52 =	vld [tilespmem:s0+$0xFFFFFF50];
	v26 =	vadd.f32 v24, v26;
	v31 =	vadd.f32 v31, v33  }
0x2ad: {  	v54 =	vld [tilespmem:s0+$0xFFFFFFD0];
	v46 =	vadd.f32 v56, v58;
	v33 =	vadd.f32 v63, v49;
	v51 =	vbroadcast v44, $0xF  }
0x2ae: {  	v55 =	vld [tilespmem:s0+$0xFFFFFF30];
	v26 =	vadd.f32 v18, v26;
	v29 =	vadd.f32 v29, v31  }
0x2af: {  	v34 =	vadd.f32 v59, v46;
	v31 =	vld [tilespmem:s0+$0xFFFFFF80];
	v53 =	vsub.f32 $2.600000000e+01, v51  }
0x2b0: {  	v57 =	vld [tilespmem:s0+$0x50];
	v36 =	vadd.f32 v50, v39;
	v28 =	vadd.f32 v28, v29  }
0x2b1: {  	v58 =	vld [tilespmem:s0+$0xFFFFFFB0];
	v29 =	vadd.f32 v52, v33;
	v56 =	vadd.f32 $9.999999930e-09, v53  }
0x2b2: {  	v59 =	vld [tilespmem:s0+$0x120];
	v32 =	vadd.f32 v16, v26;
	v34 =	vadd.f32 v48, v34  }
0x2b3: {  	v60 =	vld [tilespmem:s0+$0x80];
	v29 =	vadd.f32 v54, v29;
	v25 =	vadd.f32 v25, v28;
	(erf) = vrcp.f32 v56  }
0x2b4: {  	v61 =	vld [tilespmem:s0+$0x30];
	v28 =	vadd.f32 v55, v38;
	v31 =	vadd.f32 v31, v36  }
0x2b5: {  	v62 =	vld [tilespmem:s0+$0x100];
	v24 =	vadd.f32 v57, v29;
	v23 =	vadd.f32 v23, v25  }
0x2b6: {  	v25 =	vadd.f32 v58, v28;
	v28 =	vld [tilespmem:s0+$0xB0];
	v22 =	vadd.f32 v22, v31  }
0x2b7: {  	v63 =	vld [tilespmem:s0+$0x180];
	v27 =	vadd.f32 v27, v34;
	v33 =	vadd.f32 v59, v30  }
0x2b8: {  	v20 =	vadd.f32 v20, v24;
	v24 =	vld [tilespmem:s0+$0x130];
	v22 =	vadd.f32 v60, v22  }
0x2b9: {  	v21 =	vadd.f32 v21, v23;
	v25 =	vadd.f32 v61, v25;
	v23 =	vld [tilespmem:s0+$0x160]  }
0x2ba: {  	v30 =	vmul.f32 v51, v4;
	v18 =	vadd.f32 v17, v20;
	v20 =	vld [tilespmem:s0+$0x1B0];
	v34 =	vadd.f32 v62, v22  }
0x2bb: {  	s7 =	simm.s32 $0x9C0;
	v16 =	vld [tilespmem:s0+$0x1E0];
	v29 =	vmul.f32 v51, v2;
	v15 =	vadd.f32 v15, v33;
	v28 =	vadd.f32 v28, v25  }
0x2bc: {  	s8 =	simm.s32 $0x1A6E0;
	s12 =	simm.s32 $0x1A6E0;
	s13 =	simm.s32 $0x90;
	v31 =	vmul.f32 v51, v1;
	v22 =	vmul.f32 v51, v3;
	v25 =	vld [tilespmem:s0+$0x1D0];
	v26 =	vadd.f32 v63, v34;
	v17 =	vpop (erf)  }
.LBB2_8:
0x2bd: {  	p0 =	sne.s32 s13, $0xCC0;
	v24 =	vadd.f32 v24, v28;
	v14 =	vadd.f32 v14, v32;
	v28 =	vld [tilespmem:s0+$0x2C0];
	s12 =	sadd.s32 $0x40, s12;
	s7 =	sadd.s32 $0x680, s7  }
0x2be: {  	s2 =	smov.u32 s13;
	s13 =	sadd.s32 $0x68, s13;
	v23 =	vadd.f32 v23, v27;
	v13 =	vadd.f32 v13, v26;
	v26 =	vld [tilespmem:s0+$0x2A0]  }
0x2bf: {  	v20 =	vadd.f32 v20, v24;
	v24 =	vld [tilespmem:s0+$0x230];
	v12 =	vadd.f32 v12, v14  }
0x2c0: {  	v14 =	vadd.f32 v16, v23;
	v16 =	vld [tilespmem:s0+$0x250];
	v11 =	vadd.f32 v11, v13  }
0x2c1: {  	v10 =	vadd.f32 v10, v15;
	v13 =	vadd.f32 v25, v18;
	v15 =	vld [tilespmem:s0+$0x2B0]  }
0x2c2: {  	v9 =	vadd.f32 v9, v19;
	v18 =	vld [tilespmem:s0+$0x2E0];
	v8 =	vadd.f32 v8, v11  }
0x2c3: {  	v11 =	vadd.f32 v28, v12;
	v10 =	vadd.f32 v26, v10;
	v12 =	vld [tilespmem:s0+$0x2D0];
	s0 =	smov.u32 s7  }
0x2c4: {  	v7 =	vadd.f32 v7, v14;
	v19 =	vadd.f32 v24, v20  }
0x2c5: {  	v8 =	vadd.f32 v8, v11;
	v13 =	vadd.f32 v16, v13  }
0x2c6: {  	v6 =	vadd.f32 v6, v10;
	v11 =	vadd.f32 v15, v19  }
0x2c7: {  	v8 =	vsub.f32 v8, v31;
	v7 =	vadd.f32 v18, v7  }
0x2c8: {  	v10 =	vadd.f32 v12, v13;
	v5 =	vadd.f32 v5, v11  }
0x2c9: {  	v6 =	vadd.f32 v6, v7;
	v7 =	vmul.f32 v17, v8  }
0x2ca: {  	v8 =	vadd.f32 v9, v10;
	v5 =	vadd.f32 v5, v21  }
0x2cb: {  	[tilespmem:s8+$0xFFFFFFE0] =	vst v7;
	v6 =	vsub.f32 v6, v22  }
0x2cc: {  	v7 =	vsub.f32 v8, v29;
	v5 =	vsub.f32 v5, v30  }
0x2cd: {  	v6 =	vmul.f32 v17, v6  }
0x2ce: {  	v7 =	vmul.f32 v17, v7;
	v5 =	vmul.f32 v17, v5  }
0x2cf: {  	[tilespmem:s8+$0x0] =	vst v6  }
0x2d0: {  	[tilespmem:s8+$0x10] =	vst v5  }
0x2d1: {  	[tilespmem:s8+$0xFFFFFFF0] =	vst v7;
	s8 =	smov.u32 s12  }
0x2d2: {  	v8 =	vld [tilespmem:s7+$0x300]  }
0x2d3: {  	v9 =	vld [tilespmem:s7+$0x310]  }
0x2d4: {  	v5 =	vld [tilespmem:s7+$0x330]  }
0x2d5: {  	v6 =	vld [tilespmem:s7+$0x320]  }
0x2d6: {  	v7 =	vld [tilespmem:s7+$0x260]  }
0x2d7: {  	v10 =	vld [tilespmem:s7+$0x220]  }
0x2d8: {  	v11 =	vld [tilespmem:s7+$0x280]  }
0x2d9: {  	v12 =	vld [tilespmem:s7+$0x240]  }
0x2da: {  	v13 =	vld [tilespmem:s7+$0x200]  }
0x2db: {  	v14 =	vld [tilespmem:s7+$0x1C0]  }
0x2dc: {  	v15 =	vld [tilespmem:s7+$0x1A0]  }
0x2dd: {  	v16 =	vld [tilespmem:s7+$0x140]  }
0x2de: {  	v17 =	vld [tilespmem:s7+$0x150]  }
0x2df: {  	v18 =	vld [tilespmem:s7+$0xC0]  }
0x2e0: {  	v20 =	vld [tilespmem:s7+$0xD0]  }
0x2e1: {  	v21 =	vld [tilespmem:s7+$0x2F0]  }
0x2e2: {  	v22 =	vld [tilespmem:s7+$0x0]  }
0x2e3: {  	v23 =	vld [tilespmem:s7+$0x270]  }
0x2e4: {  	v24 =	vld [tilespmem:s7+$0x40]  }
0x2e5: {  	v25 =	vld [tilespmem:s7+$0x1F0]  }
0x2e6: {  	v26 =	vld [tilespmem:s7+$0xFFFFFFC0]  }
0x2e7: {  	v27 =	vld [tilespmem:s7+$0xE0]  }
0x2e8: {  	v28 =	vld [tilespmem:s7+$0x170]  }
0x2e9: {  	v29 =	vld [tilespmem:s7+$0xF0]  }
0x2ea: {  	v30 =	vld [tilespmem:s7+$0xA0]  }
0x2eb: {  	v31 =	vld [tilespmem:s7+$0x70]  }
0x2ec: {  	v32 =	vld [tilespmem:s7+$0x20]  }
0x2ed: {  	v33 =	vld [tilespmem:s7+$0xFFFFFFF0]  }
0x2ee: {  	v34 =	vld [tilespmem:s7+$0xFFFFFFA0]  }
0x2ef: {  	v35 =	vld [tilespmem:s7+$0xFFFFFF70]  }
0x2f0: {  	v36 =	vld [tilespmem:s7+$0xFFFFFF20]  }
0x2f1: {  	v37 =	vld [tilespmem:s7+$0xFFFFFEF0]  }
0x2f2: {  	v19 =	vld [tilespmem:s7+$0x290]  }
0x2f3: {  	v38 =	vld [tilespmem:s7+$0xFFFFFDB0]  }
0x2f4: {  	v39 =	vld [tilespmem:s7+$0xFFFFFD80]  }
0x2f5: {  	v40 =	vld [tilespmem:s7+$0x210]  }
0x2f6: {  	v41 =	vld [tilespmem:s7+$0xFFFFFDF0]  }
0x2f7: {  	v42 =	vld [tilespmem:s7+$0x190]  }
0x2f8: {  	v43 =	vld [tilespmem:s7+$0x110]  }
0x2f9: {  	v44 =	vld [tilespmem:s7+$0x90]  }
0x2fa: {  	v45 =	vld [tilespmem:s7+$0x10]  }
0x2fb: {  	v46 =	vld [tilespmem:s7+$0xFFFFFF90]  }
0x2fc: {  	v47 =	vld [tilespmem:s7+$0xFFFFFF10]  }
0x2fd: {  	v48 =	vld [tilespmem:s7+$0xFFFFFE90]  }
0x2fe: {  	v49 =	vld [tilespmem:s7+$0xFFFFFE10]  }
0x2ff: {  	v50 =	vld [tilespmem:s7+$0xFFFFFD90]  }
0x300: {  	v51 =	vld [tilespmem:s7+$0xFFFFFD10]  }
0x301: {  	v52 =	vld [tilespmem:s7+$0xFFFFFEC0]  }
0x302: {  	v53 =	vld [tilespmem:s7+$0xFFFFFE60]  }
0x303: {  	v54 =	vld [tilespmem:s7+$0xFFFFFEA0]  }
0x304: {  	v55 =	vld [tilespmem:s7+$0xFFFFFE40]  }
0x305: {  	v50 =	vadd.f32 v50, v51;
	v51 =	vld [tilespmem:s7+$0xFFFFFDE0]  }
0x306: {  	v56 =	vld [tilespmem:s7+$0xFFFFFE20]  }
0x307: {  	v57 =	vld [tilespmem:s7+$0xFFFFFDC0];
	v49 =	vadd.f32 v49, v50  }
0x308: {  	v50 =	vld [tilespmem:s7+$0xFFFFFDA0]  }
0x309: {  	v58 =	vld [tilespmem:s7+$0xFFFFFCC0];
	v48 =	vadd.f32 v48, v49  }
0x30a: {  	v49 =	vld [tilespmem:s7+$0xFFFFFD60]  }
0x30b: {  	v59 =	vld [tilespmem:s7+$0xFFFFFD40];
	v47 =	vadd.f32 v47, v48  }
0x30c: {  	v48 =	vld [tilespmem:s7+$0xFFFFFD20]  }
0x30d: {  	v60 =	vld [tilespmem:s7+$0xFFFFFCE0];
	v46 =	vadd.f32 v46, v47  }
0x30e: {  	s2 =	sshra.s32 s2, $0x2;
	v47 =	vld [tilespmem:s7+$0xFFFFFD70]  }
0x30f: {  	v45 =	vadd.f32 v45, v46;
	v46 =	vld [tilespmem:s2+$0x0]  }
0x310: {  	v61 =	vld [tilespmem:s7+$0xFFFFFCF0];
	v58 =	vadd.f32 v59, v58  }
0x311: {  	v48 =	vadd.f32 v50, v48;
	v44 =	vadd.f32 v44, v45;
	v45 =	vld [tilespmem:s2+$0xFFFFFFF6]  }
0x312: {  	v50 =	vld [tilespmem:s7+$0xFFFFFD00];
	v49 =	vadd.f32 v49, v60;
	v57 =	vadd.f32 v57, v58  }
0x313: {  	v58 =	vld [tilespmem:s7+$0xFFFFFCD0];
	v48 =	vadd.f32 v56, v48;
	v43 =	vadd.f32 v43, v44  }
0x314: {  	v44 =	vld [tilespmem:s7+$0xFFFFFD30];
	v49 =	vadd.f32 v51, v49;
	v51 =	vadd.f32 v55, v57;
	vm0 =	vlt.s32 v46, $0x1  }
0x315: {  	v47 =	vadd.f32 v47, v61;
	v55 =	vld [tilespmem:s7+$0xFFFFFE70];
	v48 =	vadd.f32 v54, v48;
	v46 =	vnsel vm0, $0x1, v46  }
0x316: {  	v42 =	vadd.f32 v42, v43;
	v54 =	vld [tilespmem:s7+$0xFFFFFE00];
	vm0 =	vlt.s32 v45, $0x1;
	v43 =	vsub.s32 $0x1, v46  }
0x317: {  	v49 =	vadd.f32 v53, v49;
	v46 =	vld [tilespmem:s7+$0xFFFFFE30];
	v45 =	vnsel vm0, $0x1, v45;
	v43 =	vand.u32 v0, v43  }
0x318: {  	v41 =	vadd.f32 v41, v47;
	v40 =	vadd.f32 v40, v42;
	v53 =	vld [tilespmem:s7+$0xFFFFFD50];
	v42 =	vsub.s32 v43, v45  }
0x319: {  	v39 =	vadd.f32 v39, v50;
	v38 =	vadd.f32 v38, v44;
	v43 =	vld [tilespmem:s7+$0xFFFFFEB0];
	v42 =	vadd.s32 $0x1, v42  }
0x31a: {  	v44 =	vadd.f32 v52, v51;
	v41 =	vadd.f32 v55, v41;
	v45 =	vld [tilespmem:s7+$0xFFFFFEE0];
	(xrf0) =	vadd.scan.msk.s32 $0xffff, v42  }
0x31b: {  	v19 =	vadd.f32 v19, v40;
	v42 =	vld [tilespmem:s7+$0xFFFFFDD0];
	v39 =	vadd.f32 v54, v39  }
0x31c: {  	v38 =	vadd.f32 v46, v38;
	v37 =	vadd.f32 v37, v41;
	v40 =	vld [tilespmem:s7+$0xFFFFFF40]  }
0x31d: {  	v36 =	vadd.f32 v36, v48;
	v41 =	vadd.f32 v53, v58;
	v46 =	vld [tilespmem:s7+$0xFFFFFF60]  }
0x31e: {  	v47 =	vld [tilespmem:s7+$0xFFFFFE50];
	v38 =	vadd.f32 v43, v38;
	v43 =	vadd.f32 v35, v37  }
0x31f: {  	v34 =	vadd.f32 v34, v36;
	v37 =	vadd.f32 v45, v49;
	v36 =	vld [tilespmem:s7+$0xFFFFFFE0]  }
0x320: {  	v41 =	vadd.f32 v42, v41;
	v42 =	vld [tilespmem:s7+$0xFFFFFE80];
	v33 =	vadd.f32 v33, v43;
	v35, _, _ =	vpop (xrf0)  }
0x321: {  	v32 =	vadd.f32 v32, v34;
	v43 =	vld [tilespmem:s7+$0xFFFFFED0];
	v40 =	vadd.f32 v40, v44;
	v34 =	vcvt.s32.f32 v35  }
0x322: {  	v35 =	vadd.f32 v46, v37;
	v37 =	vld [tilespmem:s7+$0x60];
	v31 =	vadd.f32 v31, v33  }
0x323: {  	v32 =	vadd.f32 v30, v32;
	v33 =	vadd.f32 v47, v41;
	v41 =	vld [tilespmem:s7+$0xFFFFFF00];
	v34 =	vbroadcast v34, $0xF  }
0x324: {  	v44 =	vld [tilespmem:s7+$0xFFFFFF50];
	v35 =	vadd.f32 v36, v35;
	v36 =	vadd.f32 v29, v31  }
0x325: {  	v39 =	vadd.f32 v42, v39;
	v42 =	vld [tilespmem:s7+$0xFFFFFF80];
	v45 =	vsub.f32 $2.600000000e+01, v34;
	v31 =	vmul.f32 v34, v1  }
0x326: {  	v29 =	vmul.f32 v34, v2;
	v30 =	vmul.f32 v34, v4;
	v33 =	vadd.f32 v43, v33;
	v43 =	vld [tilespmem:s7+$0xFFFFFFD0]  }
0x327: {  	v46 =	vld [tilespmem:s7+$0xFFFFFF30];
	v35 =	vadd.f32 v37, v35;
	v37 =	vadd.f32 $9.999999930e-09, v45  }
0x328: {  	v28 =	vadd.f32 v28, v36;
	v39 =	vadd.f32 v41, v39;
	v41 =	vld [tilespmem:s7+$0x50]  }
0x329: {  	v33 =	vadd.f32 v44, v33;
	v36 =	vld [tilespmem:s7+$0xFFFFFFB0];
	v27 =	vadd.f32 v27, v35;
	(erf) = vrcp.f32 v37  }
0x32a: {  	v26 =	vadd.f32 v26, v40;
	v35 =	vadd.f32 v42, v39;
	v37 =	vld [tilespmem:s7+$0x120]  }
0x32b: {  	v25 =	vadd.f32 v25, v28;
	v33 =	vadd.f32 v43, v33;
	v39 =	vld [tilespmem:s7+$0x80]  }
0x32c: {  	v26 =	vadd.f32 v24, v26;
	v28 =	vadd.f32 v46, v38;
	v38 =	vld [tilespmem:s7+$0x30]  }
0x32d: {  	v23 =	vadd.f32 v23, v25;
	v24 =	vadd.f32 v41, v33;
	v33 =	vld [tilespmem:s7+$0x100]  }
0x32e: {  	v25 =	vadd.f32 v36, v28;
	v28 =	vadd.f32 v22, v35;
	v35 =	vld [tilespmem:s7+$0xB0]  }
0x32f: {  	v21 =	vadd.f32 v21, v23;
	v22 =	vmul.f32 v34, v3;
	v36 =	vadd.f32 v37, v32;
	v37 =	vld [tilespmem:s7+$0x180]  }
.Ltmp3:
0x330: {  	v20 =	vadd.f32 v20, v24;
	v28 =	vadd.f32 v39, v28;
	v24 =	vld [tilespmem:s7+$0x130];
	(pc) =	sbr.rel @p0 .LBB2_8-.Ltmp3, $4  }
0x331: {  	v26 =	vadd.f32 v18, v26;
	v25 =	vadd.f32 v38, v25;
	v23 =	vld [tilespmem:s7+$0x160]  }
0x332: {  	v18 =	vadd.f32 v17, v20;
	v33 =	vadd.f32 v33, v28;
	v20 =	vld [tilespmem:s7+$0x1B0];
	v17 =	vpop (erf)  }
0x333: {  	v32 =	vadd.f32 v16, v26;
	v28 =	vadd.f32 v35, v25;
	v16 =	vld [tilespmem:s7+$0x1E0]  }
0x334: {  	v15 =	vadd.f32 v15, v36;
	v26 =	vadd.f32 v37, v33;
	v25 =	vld [tilespmem:s7+$0x1D0]  }
0x335: {  	v33 =	vld [tilespmem:s0+$0x2C0]  }
0x336: {  	v24 =	vadd.f32 v24, v28;
	v14 =	vadd.f32 v14, v32;
	v28 =	vld [tilespmem:s0+$0x2A0]  }
0x337: {  	v9 =	vadd.f32 v9, v19;
	v13 =	vadd.f32 v13, v26;
	v26 =	vld [tilespmem:s0+$0x230]  }
0x338: {  	v23 =	vadd.f32 v23, v27;
	v12 =	vadd.f32 v12, v14;
	v14 =	vld [tilespmem:s0+$0x250]  }
0x339: {  	v10 =	vadd.f32 v10, v15;
	v11 =	vadd.f32 v11, v13;
	v13 =	vld [tilespmem:s0+$0x2B0]  }
0x33a: {  	v15 =	vld [tilespmem:s0+$0x2E0];
	v20 =	vadd.f32 v20, v24;
	v16 =	vadd.f32 v16, v23  }
0x33b: {  	v18 =	vadd.f32 v25, v18;
	v8 =	vadd.f32 v8, v11  }
0x33c: {  	v10 =	vadd.f32 v28, v10;
	v11 =	vld [tilespmem:s0+$0x2D0];
	v19 =	vadd.f32 v26, v20  }
0x33d: {  	v12 =	vadd.f32 v33, v12;
	v7 =	vadd.f32 v7, v16  }
0x33e: {  	v14 =	vadd.f32 v14, v18;
	v13 =	vadd.f32 v13, v19  }
0x33f: {  	v6 =	vadd.f32 v6, v10;
	v7 =	vadd.f32 v15, v7  }
0x340: {  	v8 =	vadd.f32 v8, v12;
	v5 =	vadd.f32 v5, v13  }
0x341: {  	v6 =	vadd.f32 v6, v7;
	v10 =	vadd.f32 v11, v14  }
0x342: {  	v7 =	vsub.f32 v8, v31;
	v5 =	vadd.f32 v5, v21  }
0x343: {  	v6 =	vsub.f32 v6, v22;
	v8 =	vadd.f32 v9, v10  }
0x344: {  	v7 =	vmul.f32 v17, v7;
	v5 =	vsub.f32 v5, v30  }
0x345: {  	v6 =	vmul.f32 v17, v6;
	v8 =	vsub.f32 v8, v29  }
0x346: {  	[tilespmem:s8+$0xFFFFFFE0] =	vst v7;
	v5 =	vmul.f32 v17, v5  }
0x347: {  	[tilespmem:s8+$0x0] =	vst v6;
	v7 =	vmul.f32 v17, v8  }
0x348: {  	[tilespmem:s8+$0x10] =	vst v5  }
0x349: {  	s31 =	rddreg [dreg:$0x5];
	[tilespmem:s8+$0xFFFFFFF0] =	vst v7  }
0x34a: {  	[hbm4b:s31+s3] =	stream.linear.scatter [tilespmem:s29], [sflag:$0x4], $0x800, $0x38;
	[tilespmem:$0x1AEC0] =	vst v63  }
0x34b: {  	_ =	swait.ge [sflag:s16], $0x800  }
0x34c: {  	[sflag:s16] =	ssyncset.done $0x0  }
0x34d: {  	[sflag:s16] =	ssyncadd.s32 $0xFFFFF800  }
0x34e: {  	_ =	swait.ge [sflag:s30], $0xD000  }
0x34f: {  	[sflag:s30] =	ssyncset.done $0x0  }
0x350: {  	s0 =	simm.s32 $0xD9C0;
	[sflag:s30] =	ssyncadd.s32 $0xFFFF3000  }
0x351: {  	v8 =	vld [tilespmem:s0+$0x300]  }
0x352: {  	v9 =	vld [tilespmem:s0+$0x310]  }
0x353: {  	v5 =	vld [tilespmem:s0+$0x330]  }
0x354: {  	v6 =	vld [tilespmem:s0+$0x320]  }
0x355: {  	v7 =	vld [tilespmem:s0+$0x260]  }
0x356: {  	v10 =	vld [tilespmem:s0+$0x220]  }
0x357: {  	v11 =	vld [tilespmem:s0+$0x280]  }
0x358: {  	v12 =	vld [tilespmem:s0+$0x240]  }
0x359: {  	v13 =	vld [tilespmem:s0+$0x200]  }
0x35a: {  	v14 =	vld [tilespmem:s0+$0x1C0]  }
0x35b: {  	v15 =	vld [tilespmem:s0+$0x1A0]  }
0x35c: {  	v16 =	vld [tilespmem:s0+$0x140]  }
0x35d: {  	v17 =	vld [tilespmem:s0+$0x150]  }
0x35e: {  	v18 =	vld [tilespmem:s0+$0xC0]  }
0x35f: {  	v20 =	vld [tilespmem:s0+$0xD0]  }
0x360: {  	v21 =	vld [tilespmem:s0+$0x2F0]  }
0x361: {  	v22 =	vld [tilespmem:s0+$0x0]  }
0x362: {  	v23 =	vld [tilespmem:s0+$0x270]  }
0x363: {  	v24 =	vld [tilespmem:s0+$0x40]  }
0x364: {  	v25 =	vld [tilespmem:s0+$0x1F0]  }
0x365: {  	v26 =	vld [tilespmem:s0+$0xFFFFFFC0]  }
0x366: {  	v27 =	vld [tilespmem:s0+$0xE0]  }
0x367: {  	v28 =	vld [tilespmem:s0+$0x170]  }
0x368: {  	v29 =	vld [tilespmem:s0+$0xF0]  }
0x369: {  	v30 =	vld [tilespmem:s0+$0xA0]  }
0x36a: {  	v31 =	vld [tilespmem:s0+$0x70]  }
0x36b: {  	v32 =	vld [tilespmem:s0+$0x20]  }
0x36c: {  	v33 =	vld [tilespmem:s0+$0xFFFFFFF0]  }
0x36d: {  	v34 =	vld [tilespmem:s0+$0xFFFFFFA0]  }
0x36e: {  	v35 =	vld [tilespmem:s0+$0xFFFFFF70]  }
0x36f: {  	v36 =	vld [tilespmem:s0+$0xFFFFFF20]  }
0x370: {  	v37 =	vld [tilespmem:s0+$0xFFFFFEF0]  }
0x371: {  	v19 =	vld [tilespmem:s0+$0x290]  }
0x372: {  	v38 =	vld [tilespmem:s0+$0xFFFFFDB0]  }
0x373: {  	v39 =	vld [tilespmem:s0+$0xFFFFFD80]  }
0x374: {  	v40 =	vld [tilespmem:s0+$0x210]  }
0x375: {  	v41 =	vld [tilespmem:s0+$0xFFFFFDF0]  }
0x376: {  	v42 =	vld [tilespmem:s0+$0x190]  }
0x377: {  	v43 =	vld [tilespmem:s0+$0x110]  }
0x378: {  	v44 =	vld [tilespmem:s0+$0x90]  }
0x379: {  	v45 =	vld [tilespmem:s0+$0x10]  }
0x37a: {  	v46 =	vld [tilespmem:s0+$0xFFFFFF90]  }
0x37b: {  	v47 =	vld [tilespmem:s0+$0xFFFFFF10]  }
0x37c: {  	v48 =	vld [tilespmem:s0+$0xFFFFFE90]  }
0x37d: {  	v49 =	vld [tilespmem:s0+$0xFFFFFE10]  }
0x37e: {  	v50 =	vld [tilespmem:s0+$0xFFFFFD90]  }
0x37f: {  	v51 =	vld [tilespmem:s0+$0xFFFFFD10]  }
0x380: {  	v52 =	vld [tilespmem:s0+$0xFFFFFEC0]  }
0x381: {  	v53 =	vld [tilespmem:s0+$0xFFFFFE60]  }
0x382: {  	v55 =	vld [tilespmem:s0+$0xFFFFFE40]  }
0x383: {  	v56 =	vld [tilespmem:s0+$0xFFFFFDE0]  }
0x384: {  	v57 =	vld [tilespmem:s0+$0xFFFFFDC0]  }
0x385: {  	v58 =	vld [tilespmem:s0+$0xFFFFFCC0]  }
0x386: {  	v59 =	vld [tilespmem:s0+$0xFFFFFD40];
	v50 =	vadd.f32 v50, v51  }
0x387: {  	s2 =	simm.s32 $0xA;
	v60 =	vld [tilespmem:s0+$0xFFFFFCE0]  }
0x388: {  	v61 =	vld [tilespmem:s2+$0x340];
	v49 =	vadd.f32 v49, v50  }
0x389: {  	v63 =	vld [tilespmem:s0+$0xFFFFFCF0]  }
0x38a: {  	v50 =	vld [tilespmem:s0+$0xFFFFFDA0];
	v48 =	vadd.f32 v48, v49  }
0x38b: {  	v49 =	vld [tilespmem:s0+$0xFFFFFD60]  }
0x38c: {  	v47 =	vadd.f32 v47, v48;
	v48 =	vld [tilespmem:s0+$0xFFFFFD20]  }
0x38d: {  	v62 =	vld [tilespmem:s0+$0xFFFFFD00]  }
0x38e: {  	v51 =	vld [tilespmem:s0+$0xFFFFFE20];
	v58 =	vadd.f32 v59, v58  }
0x38f: {  	v46 =	vadd.f32 v46, v47;
	v47 =	vld [tilespmem:s0+$0xFFFFFD70]  }
0x390: {  	v54 =	vld [tilespmem:s0+$0xFFFFFEA0];
	v57 =	vadd.f32 v57, v58;
	v49 =	vadd.f32 v49, v60  }
0x391: {  	v58 =	vld [tilespmem:s0+$0xFFFFFCD0];
	v45 =	vadd.f32 v45, v46;
	v48 =	vadd.f32 v50, v48  }
0x392: {  	v39 =	vadd.f32 v39, v62;
	v50 =	vld [tilespmem:s2+$0x336];
	v49 =	vadd.f32 v56, v49  }
0x393: {  	v60 =	vld [tilespmem:s0+$0xFFFFFD50];
	v44 =	vadd.f32 v44, v45;
	v48 =	vadd.f32 v51, v48  }
0x394: {  	vm0 =	vlt.s32 v61, $0x1;
	v51 =	vadd.f32 v55, v57;
	v46 =	vadd.f32 v47, v63;
	v47 =	vld [tilespmem:s0+$0xFFFFFE70]  }
0x395: {  	v63 =	vnsel vm0, $0x1, v61;
	v57 =	vld [tilespmem:s0+$0xFFFFFE00];
	v49 =	vadd.f32 v53, v49;
	v43 =	vadd.f32 v43, v44  }
0x396: {  	v44 =	vld [tilespmem:s0+$0xFFFFFD30];
	v55 =	vsub.s32 $0x1, v63;
	v48 =	vadd.f32 v54, v48;
	v41 =	vadd.f32 v41, v46  }
0x397: {  	v51 =	vadd.f32 v52, v51;
	v52 =	vld [tilespmem:s0+$0xFFFFFDD0];
	vm15 =	vlt.s32 v50, $0x1;
	v42 =	vadd.f32 v42, v43  }
0x398: {  	v55 =	vand.u32 v0, v55;
	v54 =	vld [tilespmem:s0+$0xFFFFFF40];
	v50 =	vnsel vm15, $0x1, v50;
	v36 =	vadd.f32 v36, v48  }
0x399: {  	v59 =	vld [tilespmem:s0+$0xFFFFFE30];
	v61 =	vsub.s32 v55, v50;
	v40 =	vadd.f32 v40, v42;
	v41 =	vadd.f32 v47, v41  }
0x39a: {  	v62 =	vld [tilespmem:s0+$0xFFFFFEB0];
	v39 =	vadd.f32 v57, v39;
	v55 =	vadd.f32 v60, v58;
	v63 =	vadd.s32 $0x1, v61  }
0x39b: {  	v50 =	vld [tilespmem:s0+$0xFFFFFEE0];
	v38 =	vadd.f32 v38, v44;
	v34 =	vadd.f32 v34, v36;
	(xrf0) =	vadd.scan.msk.s32 $0xffff, v63  }
0x39c: {  	v57 =	vld [tilespmem:s0+$0xFFFFFE50];
	v19 =	vadd.f32 v19, v40;
	v37 =	vadd.f32 v37, v41  }
0x39d: {  	v61 =	vld [tilespmem:s0+$0xFFFFFE80];
	v60 =	vadd.f32 v52, v55;
	v40 =	vadd.f32 v54, v51  }
0x39e: {  	v56 =	vld [tilespmem:s0+$0xFFFFFF60];
	v38 =	vadd.f32 v59, v38;
	v32 =	vadd.f32 v32, v34  }
0x39f: {  	v63 =	vld [tilespmem:s0+$0xFFFFFED0];
	v35 =	vadd.f32 v35, v37;
	v26 =	vadd.f32 v26, v40  }
0x3a0: {  	v48 =	vld [tilespmem:s0+$0x60];
	v38 =	vadd.f32 v62, v38;
	v58 =	vadd.f32 v50, v49  }
0x3a1: {  	v59 =	vld [tilespmem:s0+$0xFFFFFFE0];
	v49 =	vadd.f32 v57, v60;
	v33 =	vadd.f32 v33, v35;
	v62, _, _ =	vpop (xrf0)  }
0x3a2: {  	v50 =	vld [tilespmem:s0+$0xFFFFFF00];
	v30 =	vadd.f32 v30, v32;
	v39 =	vadd.f32 v61, v39;
	v44 =	vcvt.s32.f32 v62  }
0x3a3: {  	v52 =	vld [tilespmem:s0+$0xFFFFFF50];
	v26 =	vadd.f32 v24, v26;
	v31 =	vadd.f32 v31, v33  }
0x3a4: {  	v54 =	vld [tilespmem:s0+$0xFFFFFFD0];
	v46 =	vadd.f32 v56, v58;
	v33 =	vadd.f32 v63, v49;
	v51 =	vbroadcast v44, $0xF  }
0x3a5: {  	v55 =	vld [tilespmem:s0+$0xFFFFFF30];
	v26 =	vadd.f32 v18, v26;
	v29 =	vadd.f32 v29, v31  }
0x3a6: {  	v34 =	vadd.f32 v59, v46;
	v31 =	vld [tilespmem:s0+$0xFFFFFF80];
	v53 =	vsub.f32 $2.600000000e+01, v51  }
0x3a7: {  	v57 =	vld [tilespmem:s0+$0x50];
	v36 =	vadd.f32 v50, v39;
	v28 =	vadd.f32 v28, v29  }
0x3a8: {  	v58 =	vld [tilespmem:s0+$0xFFFFFFB0];
	v29 =	vadd.f32 v52, v33;
	v56 =	vadd.f32 $9.999999930e-09, v53  }
0x3a9: {  	v59 =	vld [tilespmem:s0+$0x120];
	v32 =	vadd.f32 v16, v26;
	v34 =	vadd.f32 v48, v34  }
0x3aa: {  	v60 =	vld [tilespmem:s0+$0x80];
	v29 =	vadd.f32 v54, v29;
	v25 =	vadd.f32 v25, v28;
	(erf) = vrcp.f32 v56  }
0x3ab: {  	v61 =	vld [tilespmem:s0+$0x30];
	v28 =	vadd.f32 v55, v38;
	v31 =	vadd.f32 v31, v36  }
0x3ac: {  	v62 =	vld [tilespmem:s0+$0x100];
	v24 =	vadd.f32 v57, v29;
	v23 =	vadd.f32 v23, v25  }
0x3ad: {  	v25 =	vadd.f32 v58, v28;
	v28 =	vld [tilespmem:s0+$0xB0];
	v22 =	vadd.f32 v22, v31  }
0x3ae: {  	v63 =	vld [tilespmem:s0+$0x180];
	v27 =	vadd.f32 v27, v34;
	v33 =	vadd.f32 v59, v30  }
0x3af: {  	v20 =	vadd.f32 v20, v24;
	v24 =	vld [tilespmem:s0+$0x130];
	v22 =	vadd.f32 v60, v22  }
0x3b0: {  	v21 =	vadd.f32 v21, v23;
	v25 =	vadd.f32 v61, v25;
	v23 =	vld [tilespmem:s0+$0x160]  }
0x3b1: {  	v30 =	vmul.f32 v51, v4;
	v18 =	vadd.f32 v17, v20;
	v20 =	vld [tilespmem:s0+$0x1B0];
	v34 =	vadd.f32 v62, v22  }
0x3b2: {  	s12 =	simm.s32 $0x1A6E0;
	v16 =	vld [tilespmem:s0+$0x1E0];
	v29 =	vmul.f32 v51, v2;
	v15 =	vadd.f32 v15, v33;
	v28 =	vadd.f32 v28, v25  }
0x3b3: {  	s13 =	simm.s32 $0x90;
	s7 =	simm.s32 $0xD9C0;
	s8 =	simm.s32 $0x1A6E0;
	v31 =	vmul.f32 v51, v1;
	v22 =	vmul.f32 v51, v3;
	v25 =	vld [tilespmem:s0+$0x1D0];
	v26 =	vadd.f32 v63, v34;
	v17 =	vpop (erf)  }
.LBB2_10:
0x3b4: {  	p0 =	sne.s32 s13, $0xCC0;
	v24 =	vadd.f32 v24, v28;
	v14 =	vadd.f32 v14, v32;
	v28 =	vld [tilespmem:s0+$0x2C0];
	s12 =	sadd.s32 $0x40, s12;
	s7 =	sadd.s32 $0x680, s7  }
0x3b5: {  	s2 =	smov.u32 s13;
	s13 =	sadd.s32 $0x68, s13;
	v23 =	vadd.f32 v23, v27;
	v13 =	vadd.f32 v13, v26;
	v26 =	vld [tilespmem:s0+$0x2A0]  }
0x3b6: {  	v20 =	vadd.f32 v20, v24;
	v24 =	vld [tilespmem:s0+$0x230];
	v12 =	vadd.f32 v12, v14  }
0x3b7: {  	v14 =	vadd.f32 v16, v23;
	v16 =	vld [tilespmem:s0+$0x250];
	v11 =	vadd.f32 v11, v13  }
0x3b8: {  	v10 =	vadd.f32 v10, v15;
	v13 =	vadd.f32 v25, v18;
	v15 =	vld [tilespmem:s0+$0x2B0]  }
0x3b9: {  	v9 =	vadd.f32 v9, v19;
	v18 =	vld [tilespmem:s0+$0x2E0];
	v8 =	vadd.f32 v8, v11  }
0x3ba: {  	v11 =	vadd.f32 v28, v12;
	v10 =	vadd.f32 v26, v10;
	v12 =	vld [tilespmem:s0+$0x2D0];
	s0 =	smov.u32 s7  }
0x3bb: {  	v7 =	vadd.f32 v7, v14;
	v19 =	vadd.f32 v24, v20  }
0x3bc: {  	v8 =	vadd.f32 v8, v11;
	v13 =	vadd.f32 v16, v13  }
0x3bd: {  	v6 =	vadd.f32 v6, v10;
	v11 =	vadd.f32 v15, v19  }
0x3be: {  	v8 =	vsub.f32 v8, v31;
	v7 =	vadd.f32 v18, v7  }
0x3bf: {  	v10 =	vadd.f32 v12, v13;
	v5 =	vadd.f32 v5, v11  }
0x3c0: {  	v6 =	vadd.f32 v6, v7;
	v7 =	vmul.f32 v17, v8  }
0x3c1: {  	v8 =	vadd.f32 v9, v10;
	v5 =	vadd.f32 v5, v21  }
0x3c2: {  	[tilespmem:s8+$0xFFFFFFE0] =	vst v7;
	v6 =	vsub.f32 v6, v22  }
0x3c3: {  	v7 =	vsub.f32 v8, v29;
	v5 =	vsub.f32 v5, v30  }
0x3c4: {  	v6 =	vmul.f32 v17, v6  }
0x3c5: {  	v7 =	vmul.f32 v17, v7;
	v5 =	vmul.f32 v17, v5  }
0x3c6: {  	[tilespmem:s8+$0x0] =	vst v6  }
0x3c7: {  	[tilespmem:s8+$0x10] =	vst v5  }
0x3c8: {  	[tilespmem:s8+$0xFFFFFFF0] =	vst v7;
	s8 =	smov.u32 s12  }
0x3c9: {  	v8 =	vld [tilespmem:s7+$0x300]  }
0x3ca: {  	v9 =	vld [tilespmem:s7+$0x310]  }
0x3cb: {  	v5 =	vld [tilespmem:s7+$0x330]  }
0x3cc: {  	v6 =	vld [tilespmem:s7+$0x320]  }
0x3cd: {  	v7 =	vld [tilespmem:s7+$0x260]  }
0x3ce: {  	v10 =	vld [tilespmem:s7+$0x220]  }
0x3cf: {  	v11 =	vld [tilespmem:s7+$0x280]  }
0x3d0: {  	v12 =	vld [tilespmem:s7+$0x240]  }
0x3d1: {  	v13 =	vld [tilespmem:s7+$0x200]  }
0x3d2: {  	v14 =	vld [tilespmem:s7+$0x1C0]  }
0x3d3: {  	v15 =	vld [tilespmem:s7+$0x1A0]  }
0x3d4: {  	v16 =	vld [tilespmem:s7+$0x140]  }
0x3d5: {  	v17 =	vld [tilespmem:s7+$0x150]  }
0x3d6: {  	v18 =	vld [tilespmem:s7+$0xC0]  }
0x3d7: {  	v20 =	vld [tilespmem:s7+$0xD0]  }
0x3d8: {  	v21 =	vld [tilespmem:s7+$0x2F0]  }
0x3d9: {  	v22 =	vld [tilespmem:s7+$0x0]  }
0x3da: {  	v23 =	vld [tilespmem:s7+$0x270]  }
0x3db: {  	v24 =	vld [tilespmem:s7+$0x40]  }
0x3dc: {  	v25 =	vld [tilespmem:s7+$0x1F0]  }
0x3dd: {  	v26 =	vld [tilespmem:s7+$0xFFFFFFC0]  }
0x3de: {  	v27 =	vld [tilespmem:s7+$0xE0]  }
0x3df: {  	v28 =	vld [tilespmem:s7+$0x170]  }
0x3e0: {  	v29 =	vld [tilespmem:s7+$0xF0]  }
0x3e1: {  	v30 =	vld [tilespmem:s7+$0xA0]  }
0x3e2: {  	v31 =	vld [tilespmem:s7+$0x70]  }
0x3e3: {  	v32 =	vld [tilespmem:s7+$0x20]  }
0x3e4: {  	v33 =	vld [tilespmem:s7+$0xFFFFFFF0]  }
0x3e5: {  	v34 =	vld [tilespmem:s7+$0xFFFFFFA0]  }
0x3e6: {  	v35 =	vld [tilespmem:s7+$0xFFFFFF70]  }
0x3e7: {  	v36 =	vld [tilespmem:s7+$0xFFFFFF20]  }
0x3e8: {  	v37 =	vld [tilespmem:s7+$0xFFFFFEF0]  }
0x3e9: {  	v19 =	vld [tilespmem:s7+$0x290]  }
0x3ea: {  	v38 =	vld [tilespmem:s7+$0xFFFFFDB0]  }
0x3eb: {  	v39 =	vld [tilespmem:s7+$0xFFFFFD80]  }
0x3ec: {  	v40 =	vld [tilespmem:s7+$0x210]  }
0x3ed: {  	v41 =	vld [tilespmem:s7+$0xFFFFFDF0]  }
0x3ee: {  	v42 =	vld [tilespmem:s7+$0x190]  }
0x3ef: {  	v43 =	vld [tilespmem:s7+$0x110]  }
0x3f0: {  	v44 =	vld [tilespmem:s7+$0x90]  }
0x3f1: {  	v45 =	vld [tilespmem:s7+$0x10]  }
0x3f2: {  	v46 =	vld [tilespmem:s7+$0xFFFFFF90]  }
0x3f3: {  	v47 =	vld [tilespmem:s7+$0xFFFFFF10]  }
0x3f4: {  	v48 =	vld [tilespmem:s7+$0xFFFFFE90]  }
0x3f5: {  	v49 =	vld [tilespmem:s7+$0xFFFFFE10]  }
0x3f6: {  	v50 =	vld [tilespmem:s7+$0xFFFFFD90]  }
0x3f7: {  	v51 =	vld [tilespmem:s7+$0xFFFFFD10]  }
0x3f8: {  	v52 =	vld [tilespmem:s7+$0xFFFFFEC0]  }
0x3f9: {  	v53 =	vld [tilespmem:s7+$0xFFFFFE60]  }
0x3fa: {  	v54 =	vld [tilespmem:s7+$0xFFFFFEA0]  }
0x3fb: {  	v55 =	vld [tilespmem:s7+$0xFFFFFE40]  }
0x3fc: {  	v50 =	vadd.f32 v50, v51;
	v51 =	vld [tilespmem:s7+$0xFFFFFDE0]  }
0x3fd: {  	v56 =	vld [tilespmem:s7+$0xFFFFFE20]  }
0x3fe: {  	v57 =	vld [tilespmem:s7+$0xFFFFFDC0];
	v49 =	vadd.f32 v49, v50  }
0x3ff: {  	v50 =	vld [tilespmem:s7+$0xFFFFFDA0]  }
0x400: {  	v58 =	vld [tilespmem:s7+$0xFFFFFCC0];
	v48 =	vadd.f32 v48, v49  }
0x401: {  	v49 =	vld [tilespmem:s7+$0xFFFFFD60]  }
0x402: {  	v59 =	vld [tilespmem:s7+$0xFFFFFD40];
	v47 =	vadd.f32 v47, v48  }
0x403: {  	v48 =	vld [tilespmem:s7+$0xFFFFFD20]  }
0x404: {  	v60 =	vld [tilespmem:s7+$0xFFFFFCE0];
	v46 =	vadd.f32 v46, v47  }
0x405: {  	s2 =	sshra.s32 s2, $0x2;
	v47 =	vld [tilespmem:s7+$0xFFFFFD70]  }
0x406: {  	v45 =	vadd.f32 v45, v46;
	v46 =	vld [tilespmem:s2+$0x340]  }
0x407: {  	v61 =	vld [tilespmem:s7+$0xFFFFFCF0];
	v58 =	vadd.f32 v59, v58  }
0x408: {  	v48 =	vadd.f32 v50, v48;
	v44 =	vadd.f32 v44, v45;
	v45 =	vld [tilespmem:s2+$0x336]  }
0x409: {  	v50 =	vld [tilespmem:s7+$0xFFFFFD00];
	v49 =	vadd.f32 v49, v60;
	v57 =	vadd.f32 v57, v58  }
0x40a: {  	v58 =	vld [tilespmem:s7+$0xFFFFFCD0];
	v48 =	vadd.f32 v56, v48;
	v43 =	vadd.f32 v43, v44  }
0x40b: {  	v44 =	vld [tilespmem:s7+$0xFFFFFD30];
	v49 =	vadd.f32 v51, v49;
	v51 =	vadd.f32 v55, v57;
	vm0 =	vlt.s32 v46, $0x1  }
0x40c: {  	v47 =	vadd.f32 v47, v61;
	v55 =	vld [tilespmem:s7+$0xFFFFFE70];
	v48 =	vadd.f32 v54, v48;
	v46 =	vnsel vm0, $0x1, v46  }
0x40d: {  	v42 =	vadd.f32 v42, v43;
	v54 =	vld [tilespmem:s7+$0xFFFFFE00];
	vm0 =	vlt.s32 v45, $0x1;
	v43 =	vsub.s32 $0x1, v46  }
0x40e: {  	v49 =	vadd.f32 v53, v49;
	v46 =	vld [tilespmem:s7+$0xFFFFFE30];
	v45 =	vnsel vm0, $0x1, v45;
	v43 =	vand.u32 v0, v43  }
0x40f: {  	v41 =	vadd.f32 v41, v47;
	v40 =	vadd.f32 v40, v42;
	v53 =	vld [tilespmem:s7+$0xFFFFFD50];
	v42 =	vsub.s32 v43, v45  }
0x410: {  	v39 =	vadd.f32 v39, v50;
	v38 =	vadd.f32 v38, v44;
	v43 =	vld [tilespmem:s7+$0xFFFFFEB0];
	v42 =	vadd.s32 $0x1, v42  }
0x411: {  	v44 =	vadd.f32 v52, v51;
	v41 =	vadd.f32 v55, v41;
	v45 =	vld [tilespmem:s7+$0xFFFFFEE0];
	(xrf0) =	vadd.scan.msk.s32 $0xffff, v42  }
0x412: {  	v19 =	vadd.f32 v19, v40;
	v42 =	vld [tilespmem:s7+$0xFFFFFDD0];
	v39 =	vadd.f32 v54, v39  }
0x413: {  	v38 =	vadd.f32 v46, v38;
	v37 =	vadd.f32 v37, v41;
	v40 =	vld [tilespmem:s7+$0xFFFFFF40]  }
0x414: {  	v36 =	vadd.f32 v36, v48;
	v41 =	vadd.f32 v53, v58;
	v46 =	vld [tilespmem:s7+$0xFFFFFF60]  }
0x415: {  	v47 =	vld [tilespmem:s7+$0xFFFFFE50];
	v38 =	vadd.f32 v43, v38;
	v43 =	vadd.f32 v35, v37  }
0x416: {  	v34 =	vadd.f32 v34, v36;
	v37 =	vadd.f32 v45, v49;
	v36 =	vld [tilespmem:s7+$0xFFFFFFE0]  }
0x417: {  	v41 =	vadd.f32 v42, v41;
	v42 =	vld [tilespmem:s7+$0xFFFFFE80];
	v33 =	vadd.f32 v33, v43;
	v35, _, _ =	vpop (xrf0)  }
0x418: {  	v32 =	vadd.f32 v32, v34;
	v43 =	vld [tilespmem:s7+$0xFFFFFED0];
	v40 =	vadd.f32 v40, v44;
	v34 =	vcvt.s32.f32 v35  }
0x419: {  	v35 =	vadd.f32 v46, v37;
	v37 =	vld [tilespmem:s7+$0x60];
	v31 =	vadd.f32 v31, v33  }
0x41a: {  	v32 =	vadd.f32 v30, v32;
	v33 =	vadd.f32 v47, v41;
	v41 =	vld [tilespmem:s7+$0xFFFFFF00];
	v34 =	vbroadcast v34, $0xF  }
0x41b: {  	v44 =	vld [tilespmem:s7+$0xFFFFFF50];
	v35 =	vadd.f32 v36, v35;
	v36 =	vadd.f32 v29, v31  }
0x41c: {  	v39 =	vadd.f32 v42, v39;
	v42 =	vld [tilespmem:s7+$0xFFFFFF80];
	v45 =	vsub.f32 $2.600000000e+01, v34;
	v31 =	vmul.f32 v34, v1  }
0x41d: {  	v29 =	vmul.f32 v34, v2;
	v30 =	vmul.f32 v34, v4;
	v33 =	vadd.f32 v43, v33;
	v43 =	vld [tilespmem:s7+$0xFFFFFFD0]  }
0x41e: {  	v46 =	vld [tilespmem:s7+$0xFFFFFF30];
	v35 =	vadd.f32 v37, v35;
	v37 =	vadd.f32 $9.999999930e-09, v45  }
0x41f: {  	v28 =	vadd.f32 v28, v36;
	v39 =	vadd.f32 v41, v39;
	v41 =	vld [tilespmem:s7+$0x50]  }
0x420: {  	v33 =	vadd.f32 v44, v33;
	v36 =	vld [tilespmem:s7+$0xFFFFFFB0];
	v27 =	vadd.f32 v27, v35;
	(erf) = vrcp.f32 v37  }
0x421: {  	v26 =	vadd.f32 v26, v40;
	v35 =	vadd.f32 v42, v39;
	v37 =	vld [tilespmem:s7+$0x120]  }
0x422: {  	v25 =	vadd.f32 v25, v28;
	v33 =	vadd.f32 v43, v33;
	v39 =	vld [tilespmem:s7+$0x80]  }
0x423: {  	v26 =	vadd.f32 v24, v26;
	v28 =	vadd.f32 v46, v38;
	v38 =	vld [tilespmem:s7+$0x30]  }
0x424: {  	v23 =	vadd.f32 v23, v25;
	v24 =	vadd.f32 v41, v33;
	v33 =	vld [tilespmem:s7+$0x100]  }
0x425: {  	v25 =	vadd.f32 v36, v28;
	v28 =	vadd.f32 v22, v35;
	v35 =	vld [tilespmem:s7+$0xB0]  }
0x426: {  	v21 =	vadd.f32 v21, v23;
	v22 =	vmul.f32 v34, v3;
	v36 =	vadd.f32 v37, v32;
	v37 =	vld [tilespmem:s7+$0x180]  }
.Ltmp4:
0x427: {  	v20 =	vadd.f32 v20, v24;
	v28 =	vadd.f32 v39, v28;
	v24 =	vld [tilespmem:s7+$0x130];
	(pc) =	sbr.rel @p0 .LBB2_10-.Ltmp4, $4  }
0x428: {  	v26 =	vadd.f32 v18, v26;
	v25 =	vadd.f32 v38, v25;
	v23 =	vld [tilespmem:s7+$0x160]  }
0x429: {  	v18 =	vadd.f32 v17, v20;
	v33 =	vadd.f32 v33, v28;
	v20 =	vld [tilespmem:s7+$0x1B0];
	v17 =	vpop (erf)  }
0x42a: {  	v32 =	vadd.f32 v16, v26;
	v28 =	vadd.f32 v35, v25;
	v16 =	vld [tilespmem:s7+$0x1E0]  }
0x42b: {  	v15 =	vadd.f32 v15, v36;
	v26 =	vadd.f32 v37, v33;
	v25 =	vld [tilespmem:s7+$0x1D0]  }
0x42c: {  	v1 =	vld [tilespmem:s0+$0x2C0]  }
0x42d: {  	v2 =	vadd.f32 v24, v28;
	v3 =	vadd.f32 v14, v32;
	v4 =	vld [tilespmem:s0+$0x2A0]  }
0x42e: {  	v55 =	vld [tilespmem:s0+$0x230];
	v9 =	vadd.f32 v9, v19;
	v13 =	vadd.f32 v13, v26  }
0x42f: {  	v56 =	vld [tilespmem:s0+$0x250];
	v54 =	vadd.f32 v23, v27;
	v10 =	vadd.f32 v10, v15  }
0x430: {  	v57 =	vld [tilespmem:s0+$0x2B0];
	v2 =	vadd.f32 v20, v2;
	v11 =	vadd.f32 v11, v13  }
0x431: {  	v59 =	vld [tilespmem:s0+$0x2E0];
	v3 =	vadd.f32 v12, v3;
	v14 =	vadd.f32 v16, v54  }
0x432: {  	v58 =	vadd.f32 v25, v18;
	v8 =	vadd.f32 v8, v11  }
0x433: {  	v60 =	vld [tilespmem:s0+$0x2D0];
	v4 =	vadd.f32 v4, v10;
	v2 =	vadd.f32 v55, v2  }
0x434: {  	v1 =	vadd.f32 v1, v3;
	v3 =	vadd.f32 v7, v14  }
0x435: {  	v61 =	vadd.f32 v56, v58;
	v2 =	vadd.f32 v57, v2  }
0x436: {  	v4 =	vadd.f32 v6, v4;
	v3 =	vadd.f32 v59, v3  }
0x437: {  	v1 =	vadd.f32 v8, v1;
	v2 =	vadd.f32 v5, v2  }
0x438: {  	v62 =	vadd.f32 v60, v61;
	v3 =	vadd.f32 v4, v3  }
0x439: {  	v1 =	vsub.f32 v1, v31;
	v2 =	vadd.f32 v2, v21  }
0x43a: {  	v63 =	vadd.f32 v9, v62;
	v3 =	vsub.f32 v3, v22  }
0x43b: {  	v1 =	vmul.f32 v17, v1;
	v2 =	vsub.f32 v2, v30  }
0x43c: {  	v4 =	vsub.f32 v63, v29;
	v3 =	vmul.f32 v17, v3  }
0x43d: {  	[tilespmem:s8+$0xFFFFFFE0] =	vst v1;
	v1 =	vmul.f32 v17, v2  }
0x43e: {  	v2 =	vmul.f32 v17, v4;
	[tilespmem:s8+$0x0] =	vst v3  }
0x43f: {  	[tilespmem:s8+$0x10] =	vst v1  }
0x440: {  	s14 =	rddreg [dreg:$0x6];
	[tilespmem:s8+$0xFFFFFFF0] =	vst v2  }
0x441: {  	[hbm4b:s14+s3] =	stream.linear.scatter [tilespmem:s29], [sflag:$0x4], $0x800, $0x38;
	[tilespmem:$0x1AEC0] =	vst v63  }
0x442: {  	_ =	swait.ge [sflag:s16], $0x800  }
0x443: {  	s2 =	rddreg [dreg:$0x8]  }
0x444: {  	s31 =	rddreg [dreg:$0x7];
	s2 =	sadd.s32 $0x1, s2  }
0x445: {  	p0 =	sne.s32 s2, s31  }
.Ltmp5:
0x446: {  	_ = 	snop;
	(pc) =	sbr.rel @p0 .LBB2_1-.Ltmp5, $3  }
0x447: {  	_ =	sdelay $0x1  }
0x448: {  	[sflag:s16] =	ssyncset.done $0x0  }
0x449: {  	[sflag:s16] =	ssyncadd.s32 $0xFFFFF800  }
0x44a: {  	_ =	sfence.sel $0x180000  }
0x44b: {  	[bflag:$0x0] =	sbarrier.arrive $0xFFFF  }
0x44c: {  	_ =	strace $0x90000047  }
0x44d: {  	s0 =	stileid.u32;
	[bflag:$0x2] =	sbarrier.arrive $0xFFFF  }
0x44e: {  	p0 =	sne.s32 s0, $0x0;
	s0 =	rddreg [dreg:$0x2]  }
0x44f: {  	s0 =	sadd.s32 @!p0 $0x100000, s0  }
0x450: {  	[sflag:s0] =	ssyncadd.tile.s32 @!p0 $0x1;
	_ =	shalt  }
.Lfunc_end2:
_tile_overlayer_lowered:
.L_overlay_start_2:
0x451: {  	(tag) =	ssettag $0x2  }
0x452: {  	s0 =	rddreg [dreg:$0x0];
	s2 =	stileid.u32  }
0x453: {  	s1 =	rddreg [dreg:$0x1];
	p0 =	sne.s32 s2, $0x0  }
0x454: {  	s3 =	rddreg [dreg:$0x2];
	[bflag:$0x3] =	sbarrier.arrive $0xFFFF;
	s2 =	simm.s32 @!p0 $0x1C04  }
0x455: {  	[timem:s3], [sflag:s2] =	dma.local @!p0 [hbm:s0], s1  }
0x456: {  	s0 =	simm.s32 @!p0 $0x4  }
0x457: {  	_ =	swait.ge @!p0 [sflag:s0], s1  }
0x458: {  	s1 =	ssub.s32 @!p0 $0x0, s1;
	[sflag:s0] =	ssyncset.done @!p0 $0x0  }
0x459: {  	[sflag:s0] =	ssyncadd.s32 @!p0 s1  }
0x45a: {  	[bflag:$0x3] =	sbarrier.arrive $0xFFFF  }
0x45b: {  	_ =	shalt  }

</sc_bundles>
